<compile_context>
chip_gen: v7x
topology: tpu7x:2x2x1
jax: 0.10.2.dev20260603
libtpu: 0.0.44.dev20260713+nightly
codegen_flags: <defaults>
</compile_context>

<pallas_src>
import functools

import jax
import jax.numpy as jnp
from jax import lax
from jax.experimental import pallas as pl
from jax.experimental.pallas import tpu as pltpu
from jax.experimental.pallas import tpu_sc as plsc

_NC = 2
_NS = 16
_NW = _NC * _NS
_CHUNK = 128
_TE = 2048


def _msg_body(eat_ref, xst_ref, w1t_ref, b1_ref, w2pt_ref, b2p_ref, o_ref,
              *, d, e, te):
    h1 = jnp.dot(w1t_ref[...], eat_ref[...],
                 preferred_element_type=jnp.float32) + b1_ref[...]
    hid = 0.5 * h1 * (1.0 + lax.erf(h1 * 0.7071067811865476))
    q = jnp.dot(w2pt_ref[...], hid.astype(jnp.bfloat16),
                preferred_element_type=jnp.float32) + b2p_ref[...]
    q3 = q.reshape(d, d, te)
    xs3 = xst_ref[...].reshape(d, 1, te)
    msg = jnp.sum(q3 * xs3, axis=0)
    col = pl.program_id(0) * te + lax.broadcasted_iota(jnp.int32, (d, te), 1)
    o_ref[...] = jnp.where(col < e, msg, 0.0)


def _gru_body(xt_ref, aggt_ref, wiht_ref, bih_ref, whht_ref, bhh_ref,
              o_ref, *, d):
    xt = xt_ref[...]
    aggt = aggt_ref[0]
    gi = jnp.dot(wiht_ref[...], aggt,
                 preferred_element_type=jnp.float32) + bih_ref[...]
    gh = jnp.dot(whht_ref[...], xt,
                 preferred_element_type=jnp.float32) + bhh_ref[...]
    r = jax.nn.sigmoid(gi[:d] + gh[:d])
    z = jax.nn.sigmoid(gi[d:2 * d] + gh[d:2 * d])
    hn = gh[2 * d:]
    n = jnp.tanh(gi[2 * d:] + r * hn)
    o_ref[...] = (1.0 - z) * n + z * xt


def _make_gather(n, d, e_pad):
    per_w = e_pad // _NW
    n_ch = per_w // _CHUNK
    mesh = plsc.VectorSubcoreMesh(core_axis_name="c", subcore_axis_name="s")

    @functools.partial(
        pl.kernel, mesh=mesh,
        out_type=jax.ShapeDtypeStruct((e_pad, d), jnp.float32),
        compiler_params=pltpu.CompilerParams(use_tc_tiling_on_sc=False),
        scratch_types=[
            pltpu.VMEM((n_ch, _CHUNK), jnp.int32),
            pltpu.VMEM((per_w, d), jnp.float32),
            pltpu.SemaphoreType.DMA,
            pltpu.SemaphoreType.DMA,
        ],
    )
    def gather_k(x_hbm, idx_hbm, out_hbm, idx_v, rows_v, sem, sem_out):
        w = lax.axis_index("c") * _NS + lax.axis_index("s")
        pltpu.sync_copy(idx_hbm.at[w], idx_v)
        cps = [
            pltpu.async_copy(x_hbm.at[idx_v.at[ch]],
                             rows_v.at[pl.ds(ch * _CHUNK, _CHUNK)], sem)
            for ch in range(n_ch)
        ]
        outs = []
        grp = 5 * _CHUNK
        for g in range(n_ch // 5):
            for ch in range(5 * g, 5 * g + 5):
                cps[ch].wait()
            outs.append(pltpu.async_copy(
                rows_v.at[pl.ds(g * grp, grp)],
                out_hbm.at[pl.ds(w * per_w + g * grp, grp)], sem_out))
        for cp in outs:
            cp.wait()

    return gather_k


def _make_scatter(n_acc, d, e_pad):
    per_w = e_pad // _NS
    n_st = 10
    stage = per_w // n_st
    n_ch = stage // _CHUNK
    rows_per_tile = n_acc // _NS
    mesh = plsc.VectorSubcoreMesh(core_axis_name="c", subcore_axis_name="s")

    @functools.partial(
        pl.kernel, mesh=mesh,
        out_type=jax.ShapeDtypeStruct((_NC, n_acc, d), jnp.float32),
        compiler_params=pltpu.CompilerParams(use_tc_tiling_on_sc=False),
        scratch_types=[
            pltpu.VMEM((2, stage, d), jnp.float32),
            pltpu.VMEM((n_st * n_ch, _CHUNK), jnp.int32),
            pltpu.VMEM_SHARED((n_acc, d), jnp.float32),
            pltpu.SemaphoreType.DMA,
            pltpu.SemaphoreType.DMA,
        ],
    )
    def scatter_k(msg_hbm, idx_hbm, zeros_hbm, out_hbm, upd_v, idx_v, agg_sh,
                  sem, sem_in):
        c = lax.axis_index("c")
        s = lax.axis_index("s")
        pltpu.sync_copy(zeros_hbm,
                        agg_sh.at[pl.ds(s * rows_per_tile, rows_per_tile)])
        pltpu.sync_copy(idx_hbm.at[c, s], idx_v)
        plsc.subcore_barrier()
        loads = [pltpu.async_copy(msg_hbm.at[pl.ds(s * per_w, stage)],
                                  upd_v.at[0], sem_in)]
        for st in range(n_st):
            if st + 1 < n_st:
                loads.append(pltpu.async_copy(
                    msg_hbm.at[pl.ds(s * per_w + (st + 1) * stage, stage)],
                    upd_v.at[(st + 1) % 2], sem_in))
            loads[st].wait()
            cps = [
                pltpu.async_copy(upd_v.at[st % 2, pl.ds(ch * _CHUNK, _CHUNK)],
                                 agg_sh.at[idx_v.at[st * n_ch + ch]], sem,
                                 add=True)
                for ch in range(n_ch)
            ]
            for cp in cps:
                cp.wait()
        plsc.subcore_barrier()
        pltpu.sync_copy(
            agg_sh.at[pl.ds(s * rows_per_tile, rows_per_tile)],
            out_hbm.at[c, pl.ds(s * rows_per_tile, rows_per_tile)])

    return scatter_k


def kernel(x, edge_index, edge_attr, W1, b1, W2, b2, W_ih, b_ih, W_hh, b_hh):
    n, d = x.shape
    e = edge_index.shape[1]
    ed = edge_attr.shape[1]
    h = W1.shape[1]

    quant = _NW * _CHUNK
    e_pad = ((e + quant - 1) // quant) * quant
    pad = e_pad - e
    n_ch = e_pad // _NW // _CHUNK

    src = edge_index[0]
    dst = edge_index[1]
    fill = (jnp.arange(pad, dtype=jnp.int32) * 61) % n
    src_p = jnp.concatenate([src, fill]).reshape(_NW, n_ch, _CHUNK)
    dst_p = jnp.concatenate([dst, fill])

    tn = 4096
    split = ((n + _NC * tn - 1) // (_NC * tn)) * tn
    n_acc = ((split + _CHUNK + 15) // 16) * 16
    dump = split + (jnp.arange(e_pad, dtype=jnp.int32) % _CHUNK)
    idx_sc = []
    for c in range(_NC):
        local = dst_p - c * split
        valid = (local >= 0) & (dst_p < min(n, (c + 1) * split))
        idx_sc.append(jnp.where(valid, local, dump))
    idx_sc = jnp.stack(idx_sc).reshape(_NC, _NS, e_pad // _NS // _CHUNK,
                                       _CHUNK)

    ea_t = jnp.pad(edge_attr, ((0, pad), (0, 0))).T
    w2pt = W2.reshape(h, d, d).transpose(2, 1, 0).reshape(d * d, h)
    b2p = b2.reshape(d, d).T.reshape(d * d, 1)

    x_src = _make_gather(n, d, e_pad)(x, src_p)
    xs_t = x_src.T

    grid = e_pad // _TE
    msg_t = pl.pallas_call(
        functools.partial(_msg_body, d=d, e=e, te=_TE),
        grid=(grid,),
        in_specs=[
            pl.BlockSpec((ed, _TE), lambda i: (0, i)),
            pl.BlockSpec((d, _TE), lambda i: (0, i)),
            pl.BlockSpec((h, ed), lambda i: (0, 0)),
            pl.BlockSpec((h, 1), lambda i: (0, 0)),
            pl.BlockSpec((d * d, h), lambda i: (0, 0)),
            pl.BlockSpec((d * d, 1), lambda i: (0, 0)),
        ],
        out_specs=pl.BlockSpec((d, _TE), lambda i: (0, i)),
        out_shape=jax.ShapeDtypeStruct((d, e_pad), jnp.float32),
    )(ea_t, xs_t, W1.T, b1.reshape(h, 1), w2pt.astype(jnp.bfloat16), b2p)
    messages = msg_t.T

    zeros = jnp.zeros((n_acc // _NS, d), jnp.float32)
    agg = _make_scatter(n_acc, d, e_pad)(messages, idx_sc, zeros)

    hb = split // tn
    agg_t = jnp.transpose(agg, (0, 2, 1))
    out_t = pl.pallas_call(
        functools.partial(_gru_body, d=d),
        grid=((n + tn - 1) // tn,),
        in_specs=[
            pl.BlockSpec((d, tn), lambda i: (0, i)),
            pl.BlockSpec((1, d, tn), lambda i: (i // hb, 0, i % hb)),
            pl.BlockSpec((3 * d, d), lambda i: (0, 0)),
            pl.BlockSpec((3 * d, 1), lambda i: (0, 0)),
            pl.BlockSpec((3 * d, d), lambda i: (0, 0)),
            pl.BlockSpec((3 * d, 1), lambda i: (0, 0)),
        ],
        out_specs=pl.BlockSpec((d, tn), lambda i: (0, i)),
        out_shape=jax.ShapeDtypeStruct((d, n), jnp.float32),
    )(x.T, agg_t, W_ih.T, b_ih.reshape(3 * d, 1),
      W_hh.T, b_hh.reshape(3 * d, 1))
    return out_t.T

# --- scband reference (transcript-rebuilt; emitter-appended) ---
"""Pipeline reference for scband-gnnproperty-predictor-43774306680929 (READ-ONLY COPY).

The authoritative reference and input builder live on the scoring server;
editing this copy changes nothing except your own understanding.
"""

import jax, jax.numpy as jnp
import numpy as np

N, E, D, ED, H = 50000, 100000, 32, 14, 128

def setup_inputs(seed: int = 0) -> dict:
    key = jax.random.key(seed)
    ks = jax.random.split(key, 12)
    x = jax.random.normal(ks[0], (N, D), dtype=jnp.float32)
    edge_index = jax.random.randint(ks[1], (2, E), 0, N, dtype=jnp.int32)
    edge_attr = jax.random.uniform(ks[2], (E, ED), dtype=jnp.float32)
    W1 = jax.random.normal(ks[3], (ED, H), dtype=jnp.float32) * (1.0 / np.sqrt(ED))
    b1 = jnp.zeros((H,), dtype=jnp.float32)
    W2 = jax.random.normal(ks[4], (H, D * D), dtype=jnp.float32) * (1.0 / np.sqrt(H))
    b2 = jnp.zeros((D * D,), dtype=jnp.float32)
    W_ih = jax.random.normal(ks[5], (D, 3 * D), dtype=jnp.float32) * (1.0 / np.sqrt(D))
    b_ih = jnp.zeros((3 * D,), dtype=jnp.float32)
    W_hh = jax.random.normal(ks[6], (D, 3 * D), dtype=jnp.float32) * (1.0 / np.sqrt(D))
    b_hh = jnp.zeros((3 * D,), dtype=jnp.float32)
    return {"x": x, "edge_index": edge_index, "edge_attr": edge_attr,
            "W1": W1, "b1": b1, "W2": W2, "b2": b2,
            "W_ih": W_ih, "b_ih": b_ih, "W_hh": W_hh, "b_hh": b_hh}

def reference(x, edge_index, edge_attr, W1, b1, W2, b2, W_ih, b_ih, W_hh, b_hh):
    src = edge_index[0]
    dst = edge_index[1]
    d = x.shape[1]
    # edge_nn: Linear -> GELU(exact) -> Linear, producing per-edge d x d weight matrices
    hid = jax.nn.gelu(edge_attr @ W1 + b1, approximate=False)
    edge_weights = (hid @ W2 + b2).reshape(-1, d, d)
    # messages m_ij = W_e(e_ij) @ h_src  (bmm with gathered node feats)
    x_src = jnp.take(x, src, axis=0)
    messages = jnp.einsum('eij,ej->ei', edge_weights, x_src)
    # scatter-add aggregation over destination nodes
    agg = jnp.zeros_like(x).at[dst].add(messages)
    # GRUCell(input=agg, hidden=x), PyTorch gate layout [r, z, n]
    gi = agg @ W_ih + b_ih
    gh = x @ W_hh + b_hh
    i_r, i_z, i_n = jnp.split(gi, 3, axis=1)
    h_r, h_z, h_n = jnp.split(gh, 3, axis=1)
    r = jax.nn.sigmoid(i_r + h_r)
    z = jax.nn.sigmoid(i_z + h_z)
    n = jnp.tanh(i_n + r * h_n)
    return (1.0 - z) * n + z * x

if __name__ == "__main__":
    import jax
    _d = setup_inputs()
    print(jax.jit(kernel)(*tuple(_d.values())))

</pallas_src>

<mosaic_0001>
#map = affine_map<(d0, d1) -> (0, 0)>
#map1 = affine_map<(d0, d1) -> (0, 0, 0)>
module attributes {stable_mosaic.version = 14 : i64} {
  func.func @gather_k(%arg0: i32, %arg1: i32, %arg2: memref<50000x32xf32, #tpu.memory_space<hbm>>, %arg3: memref<32x25x128xi32, #tpu.memory_space<hbm>>, %arg4: memref<102400x32xf32, #tpu.memory_space<hbm>>, %arg5: memref<25x128xi32, #tpu.memory_space<vmem>>, %arg6: memref<3200x32xf32, #tpu.memory_space<vmem>>, %arg7: memref<!tpu.dma_semaphore, #tpu.memory_space<semaphore_mem>>, %arg8: memref<!tpu.dma_semaphore, #tpu.memory_space<semaphore_mem>>) attributes {dimension_semantics = [#tpu.dimension_semantics<core_parallel>, #tpu.dimension_semantics<subcore_parallel>], iteration_bounds = array<i64: 2, 16>, scalar_prefetch = 0 : i64, scratch_operands = 4 : i64, tpu.core_type = #tpu.core_type<sc_vector_subcore>, window_params = [{transform_indices = #map}, {transform_indices = #map1}, {transform_indices = #map}]} {
    %mul3A = arith.constant 16 : i32
    %mul3A_0 = arith.muli %arg0, %mul3A : i32
    %add3A = arith.addi %mul3A_0, %arg1 : i32
    "tpu.region"() ({
      %run_scoped3A = tpu.sem_alloc : memref<!tpu.dma_semaphore, #tpu.memory_space<semaphore_mem>>
      %dma_start3A_619 = arith.constant 0 : i32
      %dma_start3A_620 = arith.constant 0 : i32
      %dma_start3A_621 = tpu.memref_slice %arg3[%add3A, %dma_start3A_619, %dma_start3A_620] : memref<32x25x128xi32, #tpu.memory_space<hbm>> -> memref<1x25x128xi32, #tpu.memory_space<hbm>>
      %dma_start3A_622 = tpu.memref_squeeze %dma_start3A_621 : memref<1x25x128xi32, #tpu.memory_space<hbm>> -> memref<25x128xi32, #tpu.memory_space<hbm>>
      %dma_start3A_623 = arith.constant 0 : i32
      %dma_start3A_624 = arith.constant 0 : i32
      %dma_start3A_625 = tpu.memref_slice %arg3[%add3A, %dma_start3A_623, %dma_start3A_624] : memref<32x25x128xi32, #tpu.memory_space<hbm>> -> memref<1x25x128xi32, #tpu.memory_space<hbm>>
      %dma_start3A_626 = tpu.memref_squeeze %dma_start3A_625 : memref<1x25x128xi32, #tpu.memory_space<hbm>> -> memref<25x128xi32, #tpu.memory_space<hbm>>
      tpu.enqueue_dma source(%dma_start3A_626 : memref<25x128xi32, #tpu.memory_space<hbm>>) target(%arg5 : memref<25x128xi32, #tpu.memory_space<vmem>>) target_semaphore(%run_scoped3A : memref<!tpu.dma_semaphore, #tpu.memory_space<semaphore_mem>>)
      %dma_wait3A_627 = arith.constant 0 : i32
      %dma_wait3A_628 = arith.constant 0 : i32
      %dma_wait3A_629 = tpu.memref_slice %arg3[%add3A, %dma_wait3A_627, %dma_wait3A_628] : memref<32x25x128xi32, #tpu.memory_space<hbm>> -> memref<1x25x128xi32, #tpu.memory_space<hbm>>
      %dma_wait3A_630 = tpu.memref_squeeze %dma_wait3A_629 : memref<1x25x128xi32, #tpu.memory_space<hbm>> -> memref<25x128xi32, #tpu.memory_space<hbm>>
      %dma_wait3A_631 = arith.constant 0 : i32
      %dma_wait3A_632 = arith.constant 0 : i32
      %dma_wait3A_633 = tpu.memref_slice %arg3[%add3A, %dma_wait3A_631, %dma_wait3A_632] : memref<32x25x128xi32, #tpu.memory_space<hbm>> -> memref<1x25x128xi32, #tpu.memory_space<hbm>>
      %dma_wait3A_634 = tpu.memref_squeeze %dma_wait3A_633 : memref<1x25x128xi32, #tpu.memory_space<hbm>> -> memref<25x128xi32, #tpu.memory_space<hbm>>
      tpu.wait_dma2 semaphore(%run_scoped3A : memref<!tpu.dma_semaphore, #tpu.memory_space<semaphore_mem>>) src(%dma_wait3A_634 : memref<25x128xi32, #tpu.memory_space<hbm>>) dst(%arg5 : memref<25x128xi32, #tpu.memory_space<vmem>>)
      tpu.yield
    }) : () -> ()
    %dma_start3A = arith.constant 0 : i32
    %dma_start3A_1 = arith.constant 0 : i32
    %dma_start3A_2 = arith.constant 0 : i32
    %dma_start3A_3 = tpu.memref_slice %arg6[%dma_start3A_1, %dma_start3A_2] : memref<3200x32xf32, #tpu.memory_space<vmem>> -> memref<128x32xf32, #tpu.memory_space<vmem>>
    %dma_start3A_4 = arith.constant 0 : i32
    %dma_start3A_5 = tpu.memref_slice %arg5[%dma_start3A, %dma_start3A_4] : memref<25x128xi32, #tpu.memory_space<vmem>> -> memref<1x128xi32, #tpu.memory_space<vmem>>
    %dma_start3A_6 = tpu.memref_squeeze %dma_start3A_5 : memref<1x128xi32, #tpu.memory_space<vmem>> -> memref<128xi32, #tpu.memory_space<vmem>>
    %dma_start3A_7 = arith.constant 0 : i32
    %dma_start3A_8 = arith.constant 0 : i32
    %dma_start3A_9 = tpu.memref_slice %arg2[%dma_start3A_7, %dma_start3A_8] : memref<50000x32xf32, #tpu.memory_space<hbm>> -> memref<50000x32xf32, #tpu.memory_space<hbm>>
    tpu.enqueue_indirect_dma source(%dma_start3A_9 : memref<50000x32xf32, #tpu.memory_space<hbm>>) target(%dma_start3A_3 : memref<128x32xf32, #tpu.memory_space<vmem>>) offsets(%dma_start3A_6 : memref<128xi32, #tpu.memory_space<vmem>>) semaphore(%arg7 : memref<!tpu.dma_semaphore, #tpu.memory_space<semaphore_mem>>)
    %dma_start3A_10 = arith.constant 1 : i32
    %dma_start3A_11 = arith.constant 128 : i32
    %dma_start3A_12 = arith.constant 0 : i32
    %dma_start3A_13 = tpu.memref_slice %arg6[%dma_start3A_11, %dma_start3A_12] : memref<3200x32xf32, #tpu.memory_space<vmem>> -> memref<128x32xf32, #tpu.memory_space<vmem>>
    %dma_start3A_14 = arith.constant 0 : i32
    %dma_start3A_15 = tpu.memref_slice %arg5[%dma_start3A_10, %dma_start3A_14] : memref<25x128xi32, #tpu.memory_space<vmem>> -> memref<1x128xi32, #tpu.memory_space<vmem>>
    %dma_start3A_16 = tpu.memref_squeeze %dma_start3A_15 : memref<1x128xi32, #tpu.memory_space<vmem>> -> memref<128xi32, #tpu.memory_space<vmem>>
    %dma_start3A_17 = arith.constant 0 : i32
    %dma_start3A_18 = arith.constant 0 : i32
    %dma_start3A_19 = tpu.memref_slice %arg2[%dma_start3A_17, %dma_start3A_18] : memref<50000x32xf32, #tpu.memory_space<hbm>> -> memref<50000x32xf32, #tpu.memory_space<hbm>>
    tpu.enqueue_indirect_dma source(%dma_start3A_19 : memref<50000x32xf32, #tpu.memory_space<hbm>>) target(%dma_start3A_13 : memref<128x32xf32, #tpu.memory_space<vmem>>) offsets(%dma_start3A_16 : memref<128xi32, #tpu.memory_space<vmem>>) semaphore(%arg7 : memref<!tpu.dma_semaphore, #tpu.memory_space<semaphore_mem>>)
    %dma_start3A_20 = arith.constant 2 : i32
    %dma_start3A_21 = arith.constant 256 : i32
    %dma_start3A_22 = arith.constant 0 : i32
    %dma_start3A_23 = tpu.memref_slice %arg6[%dma_start3A_21, %dma_start3A_22] : memref<3200x32xf32, #tpu.memory_space<vmem>> -> memref<128x32xf32, #tpu.memory_space<vmem>>
    %dma_start3A_24 = arith.constant 0 : i32
    %dma_start3A_25 = tpu.memref_slice %arg5[%dma_start3A_20, %dma_start3A_24] : memref<25x128xi32, #tpu.memory_space<vmem>> -> memref<1x128xi32, #tpu.memory_space<vmem>>
    %dma_start3A_26 = tpu.memref_squeeze %dma_start3A_25 : memref<1x128xi32, #tpu.memory_space<vmem>> -> memref<128xi32, #tpu.memory_space<vmem>>
    %dma_start3A_27 = arith.constant 0 : i32
    %dma_start3A_28 = arith.constant 0 : i32
    %dma_start3A_29 = tpu.memref_slice %arg2[%dma_start3A_27, %dma_start3A_28] : memref<50000x32xf32, #tpu.memory_space<hbm>> -> memref<50000x32xf32, #tpu.memory_space<hbm>>
    tpu.enqueue_indirect_dma source(%dma_start3A_29 : memref<50000x32xf32, #tpu.memory_space<hbm>>) target(%dma_start3A_23 : memref<128x32xf32, #tpu.memory_space<vmem>>) offsets(%dma_start3A_26 : memref<128xi32, #tpu.memory_space<vmem>>) semaphore(%arg7 : memref<!tpu.dma_semaphore, #tpu.memory_space<semaphore_mem>>)
    %dma_start3A_30 = arith.constant 3 : i32
    %dma_start3A_31 = arith.constant 384 : i32
    %dma_start3A_32 = arith.constant 0 : i32
    %dma_start3A_33 = tpu.memref_slice %arg6[%dma_start3A_31, %dma_start3A_32] : memref<3200x32xf32, #tpu.memory_space<vmem>> -> memref<128x32xf32, #tpu.memory_space<vmem>>
    %dma_start3A_34 = arith.constant 0 : i32
    %dma_start3A_35 = tpu.memref_slice %arg5[%dma_start3A_30, %dma_start3A_34] : memref<25x128xi32, #tpu.memory_space<vmem>> -> memref<1x128xi32, #tpu.memory_space<vmem>>
    %dma_start3A_36 = tpu.memref_squeeze %dma_start3A_35 : memref<1x128xi32, #tpu.memory_space<vmem>> -> memref<128xi32, #tpu.memory_space<vmem>>
    %dma_start3A_37 = arith.constant 0 : i32
    %dma_start3A_38 = arith.constant 0 : i32
    %dma_start3A_39 = tpu.memref_slice %arg2[%dma_start3A_37, %dma_start3A_38] : memref<50000x32xf32, #tpu.memory_space<hbm>> -> memref<50000x32xf32, #tpu.memory_space<hbm>>
    tpu.enqueue_indirect_dma source(%dma_start3A_39 : memref<50000x32xf32, #tpu.memory_space<hbm>>) target(%dma_start3A_33 : memref<128x32xf32, #tpu.memory_space<vmem>>) offsets(%dma_start3A_36 : memref<128xi32, #tpu.memory_space<vmem>>) semaphore(%arg7 : memref<!tpu.dma_semaphore, #tpu.memory_space<semaphore_mem>>)
    %dma_start3A_40 = arith.constant 4 : i32
    %dma_start3A_41 = arith.constant 512 : i32
    %dma_start3A_42 = arith.constant 0 : i32
    %dma_start3A_43 = tpu.memref_slice %arg6[%dma_start3A_41, %dma_start3A_42] : memref<3200x32xf32, #tpu.memory_space<vmem>> -> memref<128x32xf32, #tpu.memory_space<vmem>>
    %dma_start3A_44 = arith.constant 0 : i32
    %dma_start3A_45 = tpu.memref_slice %arg5[%dma_start3A_40, %dma_start3A_44] : memref<25x128xi32, #tpu.memory_space<vmem>> -> memref<1x128xi32, #tpu.memory_space<vmem>>
    %dma_start3A_46 = tpu.memref_squeeze %dma_start3A_45 : memref<1x128xi32, #tpu.memory_space<vmem>> -> memref<128xi32, #tpu.memory_space<vmem>>
    %dma_start3A_47 = arith.constant 0 : i32
    %dma_start3A_48 = arith.constant 0 : i32
    %dma_start3A_49 = tpu.memref_slice %arg2[%dma_start3A_47, %dma_start3A_48] : memref<50000x32xf32, #tpu.memory_space<hbm>> -> memref<50000x32xf32, #tpu.memory_space<hbm>>
    tpu.enqueue_indirect_dma source(%dma_start3A_49 : memref<50000x32xf32, #tpu.memory_space<hbm>>) target(%dma_start3A_43 : memref<128x32xf32, #tpu.memory_space<vmem>>) offsets(%dma_start3A_46 : memref<128xi32, #tpu.memory_space<vmem>>) semaphore(%arg7 : memref<!tpu.dma_semaphore, #tpu.memory_space<semaphore_mem>>)
    %dma_start3A_50 = arith.constant 5 : i32
    %dma_start3A_51 = arith.constant 640 : i32
    %dma_start3A_52 = arith.constant 0 : i32
    %dma_start3A_53 = tpu.memref_slice %arg6[%dma_start3A_51, %dma_start3A_52] : memref<3200x32xf32, #tpu.memory_space<vmem>> -> memref<128x32xf32, #tpu.memory_space<vmem>>
    %dma_start3A_54 = arith.constant 0 : i32
    %dma_start3A_55 = tpu.memref_slice %arg5[%dma_start3A_50, %dma_start3A_54] : memref<25x128xi32, #tpu.memory_space<vmem>> -> memref<1x128xi32, #tpu.memory_space<vmem>>
    %dma_start3A_56 = tpu.memref_squeeze %dma_start3A_55 : memref<1x128xi32, #tpu.memory_space<vmem>> -> memref<128xi32, #tpu.memory_space<vmem>>
    %dma_start3A_57 = arith.constant 0 : i32
    %dma_start3A_58 = arith.constant 0 : i32
    %dma_start3A_59 = tpu.memref_slice %arg2[%dma_start3A_57, %dma_start3A_58] : memref<50000x32xf32, #tpu.memory_space<hbm>> -> memref<50000x32xf32, #tpu.memory_space<hbm>>
    tpu.enqueue_indirect_dma source(%dma_start3A_59 : memref<50000x32xf32, #tpu.memory_space<hbm>>) target(%dma_start3A_53 : memref<128x32xf32, #tpu.memory_space<vmem>>) offsets(%dma_start3A_56 : memref<128xi32, #tpu.memory_space<vmem>>) semaphore(%arg7 : memref<!tpu.dma_semaphore, #tpu.memory_space<semaphore_mem>>)
    %dma_start3A_60 = arith.constant 6 : i32
    %dma_start3A_61 = arith.constant 768 : i32
    %dma_start3A_62 = arith.constant 0 : i32
    %dma_start3A_63 = tpu.memref_slice %arg6[%dma_start3A_61, %dma_start3A_62] : memref<3200x32xf32, #tpu.memory_space<vmem>> -> memref<128x32xf32, #tpu.memory_space<vmem>>
    %dma_start3A_64 = arith.constant 0 : i32
    %dma_start3A_65 = tpu.memref_slice %arg5[%dma_start3A_60, %dma_start3A_64] : memref<25x128xi32, #tpu.memory_space<vmem>> -> memref<1x128xi32, #tpu.memory_space<vmem>>
    %dma_start3A_66 = tpu.memref_squeeze %dma_start3A_65 : memref<1x128xi32, #tpu.memory_space<vmem>> -> memref<128xi32, #tpu.memory_space<vmem>>
    %dma_start3A_67 = arith.constant 0 : i32
    %dma_start3A_68 = arith.constant 0 : i32
    %dma_start3A_69 = tpu.memref_slice %arg2[%dma_start3A_67, %dma_start3A_68] : memref<50000x32xf32, #tpu.memory_space<hbm>> -> memref<50000x32xf32, #tpu.memory_space<hbm>>
    tpu.enqueue_indirect_dma source(%dma_start3A_69 : memref<50000x32xf32, #tpu.memory_space<hbm>>) target(%dma_start3A_63 : memref<128x32xf32, #tpu.memory_space<vmem>>) offsets(%dma_start3A_66 : memref<128xi32, #tpu.memory_space<vmem>>) semaphore(%arg7 : memref<!tpu.dma_semaphore, #tpu.memory_space<semaphore_mem>>)
    %dma_start3A_70 = arith.constant 7 : i32
    %dma_start3A_71 = arith.constant 896 : i32
    %dma_start3A_72 = arith.constant 0 : i32
    %dma_start3A_73 = tpu.memref_slice %arg6[%dma_start3A_71, %dma_start3A_72] : memref<3200x32xf32, #tpu.memory_space<vmem>> -> memref<128x32xf32, #tpu.memory_space<vmem>>
    %dma_start3A_74 = arith.constant 0 : i32
    %dma_start3A_75 = tpu.memref_slice %arg5[%dma_start3A_70, %dma_start3A_74] : memref<25x128xi32, #tpu.memory_space<vmem>> -> memref<1x128xi32, #tpu.memory_space<vmem>>
    %dma_start3A_76 = tpu.memref_squeeze %dma_start3A_75 : memref<1x128xi32, #tpu.memory_space<vmem>> -> memref<128xi32, #tpu.memory_space<vmem>>
    %dma_start3A_77 = arith.constant 0 : i32
    %dma_start3A_78 = arith.constant 0 : i32
    %dma_start3A_79 = tpu.memref_slice %arg2[%dma_start3A_77, %dma_start3A_78] : memref<50000x32xf32, #tpu.memory_space<hbm>> -> memref<50000x32xf32, #tpu.memory_space<hbm>>
    tpu.enqueue_indirect_dma source(%dma_start3A_79 : memref<50000x32xf32, #tpu.memory_space<hbm>>) target(%dma_start3A_73 : memref<128x32xf32, #tpu.memory_space<vmem>>) offsets(%dma_start3A_76 : memref<128xi32, #tpu.memory_space<vmem>>) semaphore(%arg7 : memref<!tpu.dma_semaphore, #tpu.memory_space<semaphore_mem>>)
    %dma_start3A_80 = arith.constant 8 : i32
    %dma_start3A_81 = arith.constant 1024 : i32
    %dma_start3A_82 = arith.constant 0 : i32
    %dma_start3A_83 = tpu.memref_slice %arg6[%dma_start3A_81, %dma_start3A_82] : memref<3200x32xf32, #tpu.memory_space<vmem>> -> memref<128x32xf32, #tpu.memory_space<vmem>>
    %dma_start3A_84 = arith.constant 0 : i32
    %dma_start3A_85 = tpu.memref_slice %arg5[%dma_start3A_80, %dma_start3A_84] : memref<25x128xi32, #tpu.memory_space<vmem>> -> memref<1x128xi32, #tpu.memory_space<vmem>>
    %dma_start3A_86 = tpu.memref_squeeze %dma_start3A_85 : memref<1x128xi32, #tpu.memory_space<vmem>> -> memref<128xi32, #tpu.memory_space<vmem>>
    %dma_start3A_87 = arith.constant 0 : i32
    %dma_start3A_88 = arith.constant 0 : i32
    %dma_start3A_89 = tpu.memref_slice %arg2[%dma_start3A_87, %dma_start3A_88] : memref<50000x32xf32, #tpu.memory_space<hbm>> -> memref<50000x32xf32, #tpu.memory_space<hbm>>
    tpu.enqueue_indirect_dma source(%dma_start3A_89 : memref<50000x32xf32, #tpu.memory_space<hbm>>) target(%dma_start3A_83 : memref<128x32xf32, #tpu.memory_space<vmem>>) offsets(%dma_start3A_86 : memref<128xi32, #tpu.memory_space<vmem>>) semaphore(%arg7 : memref<!tpu.dma_semaphore, #tpu.memory_space<semaphore_mem>>)
    %dma_start3A_90 = arith.constant 9 : i32
    %dma_start3A_91 = arith.constant 1152 : i32
    %dma_start3A_92 = arith.constant 0 : i32
    %dma_start3A_93 = tpu.memref_slice %arg6[%dma_start3A_91, %dma_start3A_92] : memref<3200x32xf32, #tpu.memory_space<vmem>> -> memref<128x32xf32, #tpu.memory_space<vmem>>
    %dma_start3A_94 = arith.constant 0 : i32
    %dma_start3A_95 = tpu.memref_slice %arg5[%dma_start3A_90, %dma_start3A_94] : memref<25x128xi32, #tpu.memory_space<vmem>> -> memref<1x128xi32, #tpu.memory_space<vmem>>
    %dma_start3A_96 = tpu.memref_squeeze %dma_start3A_95 : memref<1x128xi32, #tpu.memory_space<vmem>> -> memref<128xi32, #tpu.memory_space<vmem>>
    %dma_start3A_97 = arith.constant 0 : i32
    %dma_start3A_98 = arith.constant 0 : i32
    %dma_start3A_99 = tpu.memref_slice %arg2[%dma_start3A_97, %dma_start3A_98] : memref<50000x32xf32, #tpu.memory_space<hbm>> -> memref<50000x32xf32, #tpu.memory_space<hbm>>
    tpu.enqueue_indirect_dma source(%dma_start3A_99 : memref<50000x32xf32, #tpu.memory_space<hbm>>) target(%dma_start3A_93 : memref<128x32xf32, #tpu.memory_space<vmem>>) offsets(%dma_start3A_96 : memref<128xi32, #tpu.memory_space<vmem>>) semaphore(%arg7 : memref<!tpu.dma_semaphore, #tpu.memory_space<semaphore_mem>>)
    %dma_start3A_100 = arith.constant 10 : i32
    %dma_start3A_101 = arith.constant 1280 : i32
    %dma_start3A_102 = arith.constant 0 : i32
    %dma_start3A_103 = tpu.memref_slice %arg6[%dma_start3A_101, %dma_start3A_102] : memref<3200x32xf32, #tpu.memory_space<vmem>> -> memref<128x32xf32, #tpu.memory_space<vmem>>
    %dma_start3A_104 = arith.constant 0 : i32
    %dma_start3A_105 = tpu.memref_slice %arg5[%dma_start3A_100, %dma_start3A_104] : memref<25x128xi32, #tpu.memory_space<vmem>> -> memref<1x128xi32, #tpu.memory_space<vmem>>
    %dma_start3A_106 = tpu.memref_squeeze %dma_start3A_105 : memref<1x128xi32, #tpu.memory_space<vmem>> -> memref<128xi32, #tpu.memory_space<vmem>>
    %dma_start3A_107 = arith.constant 0 : i32
    %dma_start3A_108 = arith.constant 0 : i32
    %dma_start3A_109 = tpu.memref_slice %arg2[%dma_start3A_107, %dma_start3A_108] : memref<50000x32xf32, #tpu.memory_space<hbm>> -> memref<50000x32xf32, #tpu.memory_space<hbm>>
    tpu.enqueue_indirect_dma source(%dma_start3A_109 : memref<50000x32xf32, #tpu.memory_space<hbm>>) target(%dma_start3A_103 : memref<128x32xf32, #tpu.memory_space<vmem>>) offsets(%dma_start3A_106 : memref<128xi32, #tpu.memory_space<vmem>>) semaphore(%arg7 : memref<!tpu.dma_semaphore, #tpu.memory_space<semaphore_mem>>)
    %dma_start3A_110 = arith.constant 11 : i32
    %dma_start3A_111 = arith.constant 1408 : i32
    %dma_start3A_112 = arith.constant 0 : i32
    %dma_start3A_113 = tpu.memref_slice %arg6[%dma_start3A_111, %dma_start3A_112] : memref<3200x32xf32, #tpu.memory_space<vmem>> -> memref<128x32xf32, #tpu.memory_space<vmem>>
    %dma_start3A_114 = arith.constant 0 : i32
    %dma_start3A_115 = tpu.memref_slice %arg5[%dma_start3A_110, %dma_start3A_114] : memref<25x128xi32, #tpu.memory_space<vmem>> -> memref<1x128xi32, #tpu.memory_space<vmem>>
    %dma_start3A_116 = tpu.memref_squeeze %dma_start3A_115 : memref<1x128xi32, #tpu.memory_space<vmem>> -> memref<128xi32, #tpu.memory_space<vmem>>
    %dma_start3A_117 = arith.constant 0 : i32
    %dma_start3A_118 = arith.constant 0 : i32
    %dma_start3A_119 = tpu.memref_slice %arg2[%dma_start3A_117, %dma_start3A_118] : memref<50000x32xf32, #tpu.memory_space<hbm>> -> memref<50000x32xf32, #tpu.memory_space<hbm>>
    tpu.enqueue_indirect_dma source(%dma_start3A_119 : memref<50000x32xf32, #tpu.memory_space<hbm>>) target(%dma_start3A_113 : memref<128x32xf32, #tpu.memory_space<vmem>>) offsets(%dma_start3A_116 : memref<128xi32, #tpu.memory_space<vmem>>) semaphore(%arg7 : memref<!tpu.dma_semaphore, #tpu.memory_space<semaphore_mem>>)
    %dma_start3A_120 = arith.constant 12 : i32
    %dma_start3A_121 = arith.constant 1536 : i32
    %dma_start3A_122 = arith.constant 0 : i32
    %dma_start3A_123 = tpu.memref_slice %arg6[%dma_start3A_121, %dma_start3A_122] : memref<3200x32xf32, #tpu.memory_space<vmem>> -> memref<128x32xf32, #tpu.memory_space<vmem>>
    %dma_start3A_124 = arith.constant 0 : i32
    %dma_start3A_125 = tpu.memref_slice %arg5[%dma_start3A_120, %dma_start3A_124] : memref<25x128xi32, #tpu.memory_space<vmem>> -> memref<1x128xi32, #tpu.memory_space<vmem>>
    %dma_start3A_126 = tpu.memref_squeeze %dma_start3A_125 : memref<1x128xi32, #tpu.memory_space<vmem>> -> memref<128xi32, #tpu.memory_space<vmem>>
    %dma_start3A_127 = arith.constant 0 : i32
    %dma_start3A_128 = arith.constant 0 : i32
    %dma_start3A_129 = tpu.memref_slice %arg2[%dma_start3A_127, %dma_start3A_128] : memref<50000x32xf32, #tpu.memory_space<hbm>> -> memref<50000x32xf32, #tpu.memory_space<hbm>>
    tpu.enqueue_indirect_dma source(%dma_start3A_129 : memref<50000x32xf32, #tpu.memory_space<hbm>>) target(%dma_start3A_123 : memref<128x32xf32, #tpu.memory_space<vmem>>) offsets(%dma_start3A_126 : memref<128xi32, #tpu.memory_space<vmem>>) semaphore(%arg7 : memref<!tpu.dma_semaphore, #tpu.memory_space<semaphore_mem>>)
    %dma_start3A_130 = arith.constant 13 : i32
    %dma_start3A_131 = arith.constant 1664 : i32
    %dma_start3A_132 = arith.constant 0 : i32
    %dma_start3A_133 = tpu.memref_slice %arg6[%dma_start3A_131, %dma_start3A_132] : memref<3200x32xf32, #tpu.memory_space<vmem>> -> memref<128x32xf32, #tpu.memory_space<vmem>>
    %dma_start3A_134 = arith.constant 0 : i32
    %dma_start3A_135 = tpu.memref_slice %arg5[%dma_start3A_130, %dma_start3A_134] : memref<25x128xi32, #tpu.memory_space<vmem>> -> memref<1x128xi32, #tpu.memory_space<vmem>>
    %dma_start3A_136 = tpu.memref_squeeze %dma_start3A_135 : memref<1x128xi32, #tpu.memory_space<vmem>> -> memref<128xi32, #tpu.memory_space<vmem>>
    %dma_start3A_137 = arith.constant 0 : i32
    %dma_start3A_138 = arith.constant 0 : i32
    %dma_start3A_139 = tpu.memref_slice %arg2[%dma_start3A_137, %dma_start3A_138] : memref<50000x32xf32, #tpu.memory_space<hbm>> -> memref<50000x32xf32, #tpu.memory_space<hbm>>
    tpu.enqueue_indirect_dma source(%dma_start3A_139 : memref<50000x32xf32, #tpu.memory_space<hbm>>) target(%dma_start3A_133 : memref<128x32xf32, #tpu.memory_space<vmem>>) offsets(%dma_start3A_136 : memref<128xi32, #tpu.memory_space<vmem>>) semaphore(%arg7 : memref<!tpu.dma_semaphore, #tpu.memory_space<semaphore_mem>>)
    %dma_start3A_140 = arith.constant 14 : i32
    %dma_start3A_141 = arith.constant 1792 : i32
    %dma_start3A_142 = arith.constant 0 : i32
    %dma_start3A_143 = tpu.memref_slice %arg6[%dma_start3A_141, %dma_start3A_142] : memref<3200x32xf32, #tpu.memory_space<vmem>> -> memref<128x32xf32, #tpu.memory_space<vmem>>
    %dma_start3A_144 = arith.constant 0 : i32
    %dma_start3A_145 = tpu.memref_slice %arg5[%dma_start3A_140, %dma_start3A_144] : memref<25x128xi32, #tpu.memory_space<vmem>> -> memref<1x128xi32, #tpu.memory_space<vmem>>
    %dma_start3A_146 = tpu.memref_squeeze %dma_start3A_145 : memref<1x128xi32, #tpu.memory_space<vmem>> -> memref<128xi32, #tpu.memory_space<vmem>>
    %dma_start3A_147 = arith.constant 0 : i32
    %dma_start3A_148 = arith.constant 0 : i32
    %dma_start3A_149 = tpu.memref_slice %arg2[%dma_start3A_147, %dma_start3A_148] : memref<50000x32xf32, #tpu.memory_space<hbm>> -> memref<50000x32xf32, #tpu.memory_space<hbm>>
    tpu.enqueue_indirect_dma source(%dma_start3A_149 : memref<50000x32xf32, #tpu.memory_space<hbm>>) target(%dma_start3A_143 : memref<128x32xf32, #tpu.memory_space<vmem>>) offsets(%dma_start3A_146 : memref<128xi32, #tpu.memory_space<vmem>>) semaphore(%arg7 : memref<!tpu.dma_semaphore, #tpu.memory_space<semaphore_mem>>)
    %dma_start3A_150 = arith.constant 15 : i32
    %dma_start3A_151 = arith.constant 1920 : i32
    %dma_start3A_152 = arith.constant 0 : i32
    %dma_start3A_153 = tpu.memref_slice %arg6[%dma_start3A_151, %dma_start3A_152] : memref<3200x32xf32, #tpu.memory_space<vmem>> -> memref<128x32xf32, #tpu.memory_space<vmem>>
    %dma_start3A_154 = arith.constant 0 : i32
    %dma_start3A_155 = tpu.memref_slice %arg5[%dma_start3A_150, %dma_start3A_154] : memref<25x128xi32, #tpu.memory_space<vmem>> -> memref<1x128xi32, #tpu.memory_space<vmem>>
    %dma_start3A_156 = tpu.memref_squeeze %dma_start3A_155 : memref<1x128xi32, #tpu.memory_space<vmem>> -> memref<128xi32, #tpu.memory_space<vmem>>
    %dma_start3A_157 = arith.constant 0 : i32
    %dma_start3A_158 = arith.constant 0 : i32
    %dma_start3A_159 = tpu.memref_slice %arg2[%dma_start3A_157, %dma_start3A_158] : memref<50000x32xf32, #tpu.memory_space<hbm>> -> memref<50000x32xf32, #tpu.memory_space<hbm>>
    tpu.enqueue_indirect_dma source(%dma_start3A_159 : memref<50000x32xf32, #tpu.memory_space<hbm>>) target(%dma_start3A_153 : memref<128x32xf32, #tpu.memory_space<vmem>>) offsets(%dma_start3A_156 : memref<128xi32, #tpu.memory_space<vmem>>) semaphore(%arg7 : memref<!tpu.dma_semaphore, #tpu.memory_space<semaphore_mem>>)
    %dma_start3A_160 = arith.constant 16 : i32
    %dma_start3A_161 = arith.constant 2048 : i32
    %dma_start3A_162 = arith.constant 0 : i32
    %dma_start3A_163 = tpu.memref_slice %arg6[%dma_start3A_161, %dma_start3A_162] : memref<3200x32xf32, #tpu.memory_space<vmem>> -> memref<128x32xf32, #tpu.memory_space<vmem>>
    %dma_start3A_164 = arith.constant 0 : i32
    %dma_start3A_165 = tpu.memref_slice %arg5[%dma_start3A_160, %dma_start3A_164] : memref<25x128xi32, #tpu.memory_space<vmem>> -> memref<1x128xi32, #tpu.memory_space<vmem>>
    %dma_start3A_166 = tpu.memref_squeeze %dma_start3A_165 : memref<1x128xi32, #tpu.memory_space<vmem>> -> memref<128xi32, #tpu.memory_space<vmem>>
    %dma_start3A_167 = arith.constant 0 : i32
    %dma_start3A_168 = arith.constant 0 : i32
    %dma_start3A_169 = tpu.memref_slice %arg2[%dma_start3A_167, %dma_start3A_168] : memref<50000x32xf32, #tpu.memory_space<hbm>> -> memref<50000x32xf32, #tpu.memory_space<hbm>>
    tpu.enqueue_indirect_dma source(%dma_start3A_169 : memref<50000x32xf32, #tpu.memory_space<hbm>>) target(%dma_start3A_163 : memref<128x32xf32, #tpu.memory_space<vmem>>) offsets(%dma_start3A_166 : memref<128xi32, #tpu.memory_space<vmem>>) semaphore(%arg7 : memref<!tpu.dma_semaphore, #tpu.memory_space<semaphore_mem>>)
    %dma_start3A_170 = arith.constant 17 : i32
    %dma_start3A_171 = arith.constant 2176 : i32
    %dma_start3A_172 = arith.constant 0 : i32
    %dma_start3A_173 = tpu.memref_slice %arg6[%dma_start3A_171, %dma_start3A_172] : memref<3200x32xf32, #tpu.memory_space<vmem>> -> memref<128x32xf32, #tpu.memory_space<vmem>>
    %dma_start3A_174 = arith.constant 0 : i32
    %dma_start3A_175 = tpu.memref_slice %arg5[%dma_start3A_170, %dma_start3A_174] : memref<25x128xi32, #tpu.memory_space<vmem>> -> memref<1x128xi32, #tpu.memory_space<vmem>>
    %dma_start3A_176 = tpu.memref_squeeze %dma_start3A_175 : memref<1x128xi32, #tpu.memory_space<vmem>> -> memref<128xi32, #tpu.memory_space<vmem>>
    %dma_start3A_177 = arith.constant 0 : i32
    %dma_start3A_178 = arith.constant 0 : i32
    %dma_start3A_179 = tpu.memref_slice %arg2[%dma_start3A_177, %dma_start3A_178] : memref<50000x32xf32, #tpu.memory_space<hbm>> -> memref<50000x32xf32, #tpu.memory_space<hbm>>
    tpu.enqueue_indirect_dma source(%dma_start3A_179 : memref<50000x32xf32, #tpu.memory_space<hbm>>) target(%dma_start3A_173 : memref<128x32xf32, #tpu.memory_space<vmem>>) offsets(%dma_start3A_176 : memref<128xi32, #tpu.memory_space<vmem>>) semaphore(%arg7 : memref<!tpu.dma_semaphore, #tpu.memory_space<semaphore_mem>>)
    %dma_start3A_180 = arith.constant 18 : i32
    %dma_start3A_181 = arith.constant 2304 : i32
    %dma_start3A_182 = arith.constant 0 : i32
    %dma_start3A_183 = tpu.memref_slice %arg6[%dma_start3A_181, %dma_start3A_182] : memref<3200x32xf32, #tpu.memory_space<vmem>> -> memref<128x32xf32, #tpu.memory_space<vmem>>
    %dma_start3A_184 = arith.constant 0 : i32
    %dma_start3A_185 = tpu.memref_slice %arg5[%dma_start3A_180, %dma_start3A_184] : memref<25x128xi32, #tpu.memory_space<vmem>> -> memref<1x128xi32, #tpu.memory_space<vmem>>
    %dma_start3A_186 = tpu.memref_squeeze %dma_start3A_185 : memref<1x128xi32, #tpu.memory_space<vmem>> -> memref<128xi32, #tpu.memory_space<vmem>>
    %dma_start3A_187 = arith.constant 0 : i32
    %dma_start3A_188 = arith.constant 0 : i32
    %dma_start3A_189 = tpu.memref_slice %arg2[%dma_start3A_187, %dma_start3A_188] : memref<50000x32xf32, #tpu.memory_space<hbm>> -> memref<50000x32xf32, #tpu.memory_space<hbm>>
    tpu.enqueue_indirect_dma source(%dma_start3A_189 : memref<50000x32xf32, #tpu.memory_space<hbm>>) target(%dma_start3A_183 : memref<128x32xf32, #tpu.memory_space<vmem>>) offsets(%dma_start3A_186 : memref<128xi32, #tpu.memory_space<vmem>>) semaphore(%arg7 : memref<!tpu.dma_semaphore, #tpu.memory_space<semaphore_mem>>)
    %dma_start3A_190 = arith.constant 19 : i32
    %dma_start3A_191 = arith.constant 2432 : i32
    %dma_start3A_192 = arith.constant 0 : i32
    %dma_start3A_193 = tpu.memref_slice %arg6[%dma_start3A_191, %dma_start3A_192] : memref<3200x32xf32, #tpu.memory_space<vmem>> -> memref<128x32xf32, #tpu.memory_space<vmem>>
    %dma_start3A_194 = arith.constant 0 : i32
    %dma_start3A_195 = tpu.memref_slice %arg5[%dma_start3A_190, %dma_start3A_194] : memref<25x128xi32, #tpu.memory_space<vmem>> -> memref<1x128xi32, #tpu.memory_space<vmem>>
    %dma_start3A_196 = tpu.memref_squeeze %dma_start3A_195 : memref<1x128xi32, #tpu.memory_space<vmem>> -> memref<128xi32, #tpu.memory_space<vmem>>
    %dma_start3A_197 = arith.constant 0 : i32
    %dma_start3A_198 = arith.constant 0 : i32
    %dma_start3A_199 = tpu.memref_slice %arg2[%dma_start3A_197, %dma_start3A_198] : memref<50000x32xf32, #tpu.memory_space<hbm>> -> memref<50000x32xf32, #tpu.memory_space<hbm>>
    tpu.enqueue_indirect_dma source(%dma_start3A_199 : memref<50000x32xf32, #tpu.memory_space<hbm>>) target(%dma_start3A_193 : memref<128x32xf32, #tpu.memory_space<vmem>>) offsets(%dma_start3A_196 : memref<128xi32, #tpu.memory_space<vmem>>) semaphore(%arg7 : memref<!tpu.dma_semaphore, #tpu.memory_space<semaphore_mem>>)
    %dma_start3A_200 = arith.constant 20 : i32
    %dma_start3A_201 = arith.constant 2560 : i32
    %dma_start3A_202 = arith.constant 0 : i32
    %dma_start3A_203 = tpu.memref_slice %arg6[%dma_start3A_201, %dma_start3A_202] : memref<3200x32xf32, #tpu.memory_space<vmem>> -> memref<128x32xf32, #tpu.memory_space<vmem>>
    %dma_start3A_204 = arith.constant 0 : i32
    %dma_start3A_205 = tpu.memref_slice %arg5[%dma_start3A_200, %dma_start3A_204] : memref<25x128xi32, #tpu.memory_space<vmem>> -> memref<1x128xi32, #tpu.memory_space<vmem>>
    %dma_start3A_206 = tpu.memref_squeeze %dma_start3A_205 : memref<1x128xi32, #tpu.memory_space<vmem>> -> memref<128xi32, #tpu.memory_space<vmem>>
    %dma_start3A_207 = arith.constant 0 : i32
    %dma_start3A_208 = arith.constant 0 : i32
    %dma_start3A_209 = tpu.memref_slice %arg2[%dma_start3A_207, %dma_start3A_208] : memref<50000x32xf32, #tpu.memory_space<hbm>> -> memref<50000x32xf32, #tpu.memory_space<hbm>>
    tpu.enqueue_indirect_dma source(%dma_start3A_209 : memref<50000x32xf32, #tpu.memory_space<hbm>>) target(%dma_start3A_203 : memref<128x32xf32, #tpu.memory_space<vmem>>) offsets(%dma_start3A_206 : memref<128xi32, #tpu.memory_space<vmem>>) semaphore(%arg7 : memref<!tpu.dma_semaphore, #tpu.memory_space<semaphore_mem>>)
    %dma_start3A_210 = arith.constant 21 : i32
    %dma_start3A_211 = arith.constant 2688 : i32
    %dma_start3A_212 = arith.constant 0 : i32
    %dma_start3A_213 = tpu.memref_slice %arg6[%dma_start3A_211, %dma_start3A_212] : memref<3200x32xf32, #tpu.memory_space<vmem>> -> memref<128x32xf32, #tpu.memory_space<vmem>>
    %dma_start3A_214 = arith.constant 0 : i32
    %dma_start3A_215 = tpu.memref_slice %arg5[%dma_start3A_210, %dma_start3A_214] : memref<25x128xi32, #tpu.memory_space<vmem>> -> memref<1x128xi32, #tpu.memory_space<vmem>>
    %dma_start3A_216 = tpu.memref_squeeze %dma_start3A_215 : memref<1x128xi32, #tpu.memory_space<vmem>> -> memref<128xi32, #tpu.memory_space<vmem>>
    %dma_start3A_217 = arith.constant 0 : i32
    %dma_start3A_218 = arith.constant 0 : i32
    %dma_start3A_219 = tpu.memref_slice %arg2[%dma_start3A_217, %dma_start3A_218] : memref<50000x32xf32, #tpu.memory_space<hbm>> -> memref<50000x32xf32, #tpu.memory_space<hbm>>
    tpu.enqueue_indirect_dma source(%dma_start3A_219 : memref<50000x32xf32, #tpu.memory_space<hbm>>) target(%dma_start3A_213 : memref<128x32xf32, #tpu.memory_space<vmem>>) offsets(%dma_start3A_216 : memref<128xi32, #tpu.memory_space<vmem>>) semaphore(%arg7 : memref<!tpu.dma_semaphore, #tpu.memory_space<semaphore_mem>>)
    %dma_start3A_220 = arith.constant 22 : i32
    %dma_start3A_221 = arith.constant 2816 : i32
    %dma_start3A_222 = arith.constant 0 : i32
    %dma_start3A_223 = tpu.memref_slice %arg6[%dma_start3A_221, %dma_start3A_222] : memref<3200x32xf32, #tpu.memory_space<vmem>> -> memref<128x32xf32, #tpu.memory_space<vmem>>
    %dma_start3A_224 = arith.constant 0 : i32
    %dma_start3A_225 = tpu.memref_slice %arg5[%dma_start3A_220, %dma_start3A_224] : memref<25x128xi32, #tpu.memory_space<vmem>> -> memref<1x128xi32, #tpu.memory_space<vmem>>
    %dma_start3A_226 = tpu.memref_squeeze %dma_start3A_225 : memref<1x128xi32, #tpu.memory_space<vmem>> -> memref<128xi32, #tpu.memory_space<vmem>>
    %dma_start3A_227 = arith.constant 0 : i32
    %dma_start3A_228 = arith.constant 0 : i32
    %dma_start3A_229 = tpu.memref_slice %arg2[%dma_start3A_227, %dma_start3A_228] : memref<50000x32xf32, #tpu.memory_space<hbm>> -> memref<50000x32xf32, #tpu.memory_space<hbm>>
    tpu.enqueue_indirect_dma source(%dma_start3A_229 : memref<50000x32xf32, #tpu.memory_space<hbm>>) target(%dma_start3A_223 : memref<128x32xf32, #tpu.memory_space<vmem>>) offsets(%dma_start3A_226 : memref<128xi32, #tpu.memory_space<vmem>>) semaphore(%arg7 : memref<!tpu.dma_semaphore, #tpu.memory_space<semaphore_mem>>)
    %dma_start3A_230 = arith.constant 23 : i32
    %dma_start3A_231 = arith.constant 2944 : i32
    %dma_start3A_232 = arith.constant 0 : i32
    %dma_start3A_233 = tpu.memref_slice %arg6[%dma_start3A_231, %dma_start3A_232] : memref<3200x32xf32, #tpu.memory_space<vmem>> -> memref<128x32xf32, #tpu.memory_space<vmem>>
    %dma_start3A_234 = arith.constant 0 : i32
    %dma_start3A_235 = tpu.memref_slice %arg5[%dma_start3A_230, %dma_start3A_234] : memref<25x128xi32, #tpu.memory_space<vmem>> -> memref<1x128xi32, #tpu.memory_space<vmem>>
    %dma_start3A_236 = tpu.memref_squeeze %dma_start3A_235 : memref<1x128xi32, #tpu.memory_space<vmem>> -> memref<128xi32, #tpu.memory_space<vmem>>
    %dma_start3A_237 = arith.constant 0 : i32
    %dma_start3A_238 = arith.constant 0 : i32
    %dma_start3A_239 = tpu.memref_slice %arg2[%dma_start3A_237, %dma_start3A_238] : memref<50000x32xf32, #tpu.memory_space<hbm>> -> memref<50000x32xf32, #tpu.memory_space<hbm>>
    tpu.enqueue_indirect_dma source(%dma_start3A_239 : memref<50000x32xf32, #tpu.memory_space<hbm>>) target(%dma_start3A_233 : memref<128x32xf32, #tpu.memory_space<vmem>>) offsets(%dma_start3A_236 : memref<128xi32, #tpu.memory_space<vmem>>) semaphore(%arg7 : memref<!tpu.dma_semaphore, #tpu.memory_space<semaphore_mem>>)
    %dma_start3A_240 = arith.constant 24 : i32
    %dma_start3A_241 = arith.constant 3072 : i32
    %dma_start3A_242 = arith.constant 0 : i32
    %dma_start3A_243 = tpu.memref_slice %arg6[%dma_start3A_241, %dma_start3A_242] : memref<3200x32xf32, #tpu.memory_space<vmem>> -> memref<128x32xf32, #tpu.memory_space<vmem>>
    %dma_start3A_244 = arith.constant 0 : i32
    %dma_start3A_245 = tpu.memref_slice %arg5[%dma_start3A_240, %dma_start3A_244] : memref<25x128xi32, #tpu.memory_space<vmem>> -> memref<1x128xi32, #tpu.memory_space<vmem>>
    %dma_start3A_246 = tpu.memref_squeeze %dma_start3A_245 : memref<1x128xi32, #tpu.memory_space<vmem>> -> memref<128xi32, #tpu.memory_space<vmem>>
    %dma_start3A_247 = arith.constant 0 : i32
    %dma_start3A_248 = arith.constant 0 : i32
    %dma_start3A_249 = tpu.memref_slice %arg2[%dma_start3A_247, %dma_start3A_248] : memref<50000x32xf32, #tpu.memory_space<hbm>> -> memref<50000x32xf32, #tpu.memory_space<hbm>>
    tpu.enqueue_indirect_dma source(%dma_start3A_249 : memref<50000x32xf32, #tpu.memory_space<hbm>>) target(%dma_start3A_243 : memref<128x32xf32, #tpu.memory_space<vmem>>) offsets(%dma_start3A_246 : memref<128xi32, #tpu.memory_space<vmem>>) semaphore(%arg7 : memref<!tpu.dma_semaphore, #tpu.memory_space<semaphore_mem>>)
    %dma_wait3A = arith.constant 0 : i32
    %dma_wait3A_250 = arith.constant 0 : i32
    %dma_wait3A_251 = arith.constant 0 : i32
    %dma_wait3A_252 = tpu.memref_slice %arg6[%dma_wait3A_250, %dma_wait3A_251] : memref<3200x32xf32, #tpu.memory_space<vmem>> -> memref<128x32xf32, #tpu.memory_space<vmem>>
    %dma_wait3A_253 = arith.constant 0 : i32
    %dma_wait3A_254 = tpu.memref_slice %arg5[%dma_wait3A, %dma_wait3A_253] : memref<25x128xi32, #tpu.memory_space<vmem>> -> memref<1x128xi32, #tpu.memory_space<vmem>>
    %dma_wait3A_255 = tpu.memref_squeeze %dma_wait3A_254 : memref<1x128xi32, #tpu.memory_space<vmem>> -> memref<128xi32, #tpu.memory_space<vmem>>
    %dma_wait3A_256 = arith.constant 0 : i32
    %dma_wait3A_257 = arith.constant 0 : i32
    %dma_wait3A_258 = tpu.memref_slice %arg2[%dma_wait3A_256, %dma_wait3A_257] : memref<50000x32xf32, #tpu.memory_space<hbm>> -> memref<50000x32xf32, #tpu.memory_space<hbm>>
    tpu.wait_indirect_dma semaphore(%arg7 : memref<!tpu.dma_semaphore, #tpu.memory_space<semaphore_mem>>) src(%dma_wait3A_258 : memref<50000x32xf32, #tpu.memory_space<hbm>>) dst(%dma_wait3A_252 : memref<128x32xf32, #tpu.memory_space<vmem>>)
    %dma_wait3A_259 = arith.constant 1 : i32
    %dma_wait3A_260 = arith.constant 128 : i32
    %dma_wait3A_261 = arith.constant 0 : i32
    %dma_wait3A_262 = tpu.memref_slice %arg6[%dma_wait3A_260, %dma_wait3A_261] : memref<3200x32xf32, #tpu.memory_space<vmem>> -> memref<128x32xf32, #tpu.memory_space<vmem>>
    %dma_wait3A_263 = arith.constant 0 : i32
    %dma_wait3A_264 = tpu.memref_slice %arg5[%dma_wait3A_259, %dma_wait3A_263] : memref<25x128xi32, #tpu.memory_space<vmem>> -> memref<1x128xi32, #tpu.memory_space<vmem>>
    %dma_wait3A_265 = tpu.memref_squeeze %dma_wait3A_264 : memref<1x128xi32, #tpu.memory_space<vmem>> -> memref<128xi32, #tpu.memory_space<vmem>>
    %dma_wait3A_266 = arith.constant 0 : i32
    %dma_wait3A_267 = arith.constant 0 : i32
    %dma_wait3A_268 = tpu.memref_slice %arg2[%dma_wait3A_266, %dma_wait3A_267] : memref<50000x32xf32, #tpu.memory_space<hbm>> -> memref<50000x32xf32, #tpu.memory_space<hbm>>
    tpu.wait_indirect_dma semaphore(%arg7 : memref<!tpu.dma_semaphore, #tpu.memory_space<semaphore_mem>>) src(%dma_wait3A_268 : memref<50000x32xf32, #tpu.memory_space<hbm>>) dst(%dma_wait3A_262 : memref<128x32xf32, #tpu.memory_space<vmem>>)
    %dma_wait3A_269 = arith.constant 2 : i32
    %dma_wait3A_270 = arith.constant 256 : i32
    %dma_wait3A_271 = arith.constant 0 : i32
    %dma_wait3A_272 = tpu.memref_slice %arg6[%dma_wait3A_270, %dma_wait3A_271] : memref<3200x32xf32, #tpu.memory_space<vmem>> -> memref<128x32xf32, #tpu.memory_space<vmem>>
    %dma_wait3A_273 = arith.constant 0 : i32
    %dma_wait3A_274 = tpu.memref_slice %arg5[%dma_wait3A_269, %dma_wait3A_273] : memref<25x128xi32, #tpu.memory_space<vmem>> -> memref<1x128xi32, #tpu.memory_space<vmem>>
    %dma_wait3A_275 = tpu.memref_squeeze %dma_wait3A_274 : memref<1x128xi32, #tpu.memory_space<vmem>> -> memref<128xi32, #tpu.memory_space<vmem>>
    %dma_wait3A_276 = arith.constant 0 : i32
    %dma_wait3A_277 = arith.constant 0 : i32
    %dma_wait3A_278 = tpu.memref_slice %arg2[%dma_wait3A_276, %dma_wait3A_277] : memref<50000x32xf32, #tpu.memory_space<hbm>> -> memref<50000x32xf32, #tpu.memory_space<hbm>>
    tpu.wait_indirect_dma semaphore(%arg7 : memref<!tpu.dma_semaphore, #tpu.memory_space<semaphore_mem>>) src(%dma_wait3A_278 : memref<50000x32xf32, #tpu.memory_space<hbm>>) dst(%dma_wait3A_272 : memref<128x32xf32, #tpu.memory_space<vmem>>)
    %dma_wait3A_279 = arith.constant 3 : i32
    %dma_wait3A_280 = arith.constant 384 : i32
    %dma_wait3A_281 = arith.constant 0 : i32
    %dma_wait3A_282 = tpu.memref_slice %arg6[%dma_wait3A_280, %dma_wait3A_281] : memref<3200x32xf32, #tpu.memory_space<vmem>> -> memref<128x32xf32, #tpu.memory_space<vmem>>
    %dma_wait3A_283 = arith.constant 0 : i32
    %dma_wait3A_284 = tpu.memref_slice %arg5[%dma_wait3A_279, %dma_wait3A_283] : memref<25x128xi32, #tpu.memory_space<vmem>> -> memref<1x128xi32, #tpu.memory_space<vmem>>
    %dma_wait3A_285 = tpu.memref_squeeze %dma_wait3A_284 : memref<1x128xi32, #tpu.memory_space<vmem>> -> memref<128xi32, #tpu.memory_space<vmem>>
    %dma_wait3A_286 = arith.constant 0 : i32
    %dma_wait3A_287 = arith.constant 0 : i32
    %dma_wait3A_288 = tpu.memref_slice %arg2[%dma_wait3A_286, %dma_wait3A_287] : memref<50000x32xf32, #tpu.memory_space<hbm>> -> memref<50000x32xf32, #tpu.memory_space<hbm>>
    tpu.wait_indirect_dma semaphore(%arg7 : memref<!tpu.dma_semaphore, #tpu.memory_space<semaphore_mem>>) src(%dma_wait3A_288 : memref<50000x32xf32, #tpu.memory_space<hbm>>) dst(%dma_wait3A_282 : memref<128x32xf32, #tpu.memory_space<vmem>>)
    %dma_wait3A_289 = arith.constant 4 : i32
    %dma_wait3A_290 = arith.constant 512 : i32
    %dma_wait3A_291 = arith.constant 0 : i32
    %dma_wait3A_292 = tpu.memref_slice %arg6[%dma_wait3A_290, %dma_wait3A_291] : memref<3200x32xf32, #tpu.memory_space<vmem>> -> memref<128x32xf32, #tpu.memory_space<vmem>>
    %dma_wait3A_293 = arith.constant 0 : i32
    %dma_wait3A_294 = tpu.memref_slice %arg5[%dma_wait3A_289, %dma_wait3A_293] : memref<25x128xi32, #tpu.memory_space<vmem>> -> memref<1x128xi32, #tpu.memory_space<vmem>>
    %dma_wait3A_295 = tpu.memref_squeeze %dma_wait3A_294 : memref<1x128xi32, #tpu.memory_space<vmem>> -> memref<128xi32, #tpu.memory_space<vmem>>
    %dma_wait3A_296 = arith.constant 0 : i32
    %dma_wait3A_297 = arith.constant 0 : i32
    %dma_wait3A_298 = tpu.memref_slice %arg2[%dma_wait3A_296, %dma_wait3A_297] : memref<50000x32xf32, #tpu.memory_space<hbm>> -> memref<50000x32xf32, #tpu.memory_space<hbm>>
    tpu.wait_indirect_dma semaphore(%arg7 : memref<!tpu.dma_semaphore, #tpu.memory_space<semaphore_mem>>) src(%dma_wait3A_298 : memref<50000x32xf32, #tpu.memory_space<hbm>>) dst(%dma_wait3A_292 : memref<128x32xf32, #tpu.memory_space<vmem>>)
    %mul3A_299 = arith.constant 3200 : i32
    %mul3A_300 = arith.muli %add3A, %mul3A_299 : i32
    %add3A_301 = arith.constant 0 : i32
    %add3A_302 = arith.addi %mul3A_300, %add3A_301 : i32
    %dma_start3A_303 = arith.constant 0 : i32
    %dma_start3A_304 = arith.constant 0 : i32
    %dma_start3A_305 = tpu.memref_slice %arg6[%dma_start3A_303, %dma_start3A_304] : memref<3200x32xf32, #tpu.memory_space<vmem>> -> memref<640x32xf32, #tpu.memory_space<vmem>>
    %dma_start3A_306 = arith.constant 0 : i32
    %dma_start3A_307 = tpu.memref_slice %arg4[%add3A_302, %dma_start3A_306] : memref<102400x32xf32, #tpu.memory_space<hbm>> -> memref<640x32xf32, #tpu.memory_space<hbm>>
    %dma_start3A_308 = arith.constant 0 : i32
    %dma_start3A_309 = tpu.memref_slice %arg4[%add3A_302, %dma_start3A_308] : memref<102400x32xf32, #tpu.memory_space<hbm>> -> memref<640x32xf32, #tpu.memory_space<hbm>>
    %dma_start3A_310 = arith.constant 0 : i32
    %dma_start3A_311 = arith.constant 0 : i32
    %dma_start3A_312 = tpu.memref_slice %arg6[%dma_start3A_310, %dma_start3A_311] : memref<3200x32xf32, #tpu.memory_space<vmem>> -> memref<640x32xf32, #tpu.memory_space<vmem>>
    tpu.enqueue_dma source(%dma_start3A_312 : memref<640x32xf32, #tpu.memory_space<vmem>>) target(%dma_start3A_309 : memref<640x32xf32, #tpu.memory_space<hbm>>) target_semaphore(%arg8 : memref<!tpu.dma_semaphore, #tpu.memory_space<semaphore_mem>>)
    %dma_wait3A_313 = arith.constant 5 : i32
    %dma_wait3A_314 = arith.constant 640 : i32
    %dma_wait3A_315 = arith.constant 0 : i32
    %dma_wait3A_316 = tpu.memref_slice %arg6[%dma_wait3A_314, %dma_wait3A_315] : memref<3200x32xf32, #tpu.memory_space<vmem>> -> memref<128x32xf32, #tpu.memory_space<vmem>>
    %dma_wait3A_317 = arith.constant 0 : i32
    %dma_wait3A_318 = tpu.memref_slice %arg5[%dma_wait3A_313, %dma_wait3A_317] : memref<25x128xi32, #tpu.memory_space<vmem>> -> memref<1x128xi32, #tpu.memory_space<vmem>>
    %dma_wait3A_319 = tpu.memref_squeeze %dma_wait3A_318 : memref<1x128xi32, #tpu.memory_space<vmem>> -> memref<128xi32, #tpu.memory_space<vmem>>
    %dma_wait3A_320 = arith.constant 0 : i32
    %dma_wait3A_321 = arith.constant 0 : i32
    %dma_wait3A_322 = tpu.memref_slice %arg2[%dma_wait3A_320, %dma_wait3A_321] : memref<50000x32xf32, #tpu.memory_space<hbm>> -> memref<50000x32xf32, #tpu.memory_space<hbm>>
    tpu.wait_indirect_dma semaphore(%arg7 : memref<!tpu.dma_semaphore, #tpu.memory_space<semaphore_mem>>) src(%dma_wait3A_322 : memref<50000x32xf32, #tpu.memory_space<hbm>>) dst(%dma_wait3A_316 : memref<128x32xf32, #tpu.memory_space<vmem>>)
    %dma_wait3A_323 = arith.constant 6 : i32
    %dma_wait3A_324 = arith.constant 768 : i32
    %dma_wait3A_325 = arith.constant 0 : i32
    %dma_wait3A_326 = tpu.memref_slice %arg6[%dma_wait3A_324, %dma_wait3A_325] : memref<3200x32xf32, #tpu.memory_space<vmem>> -> memref<128x32xf32, #tpu.memory_space<vmem>>
    %dma_wait3A_327 = arith.constant 0 : i32
    %dma_wait3A_328 = tpu.memref_slice %arg5[%dma_wait3A_323, %dma_wait3A_327] : memref<25x128xi32, #tpu.memory_space<vmem>> -> memref<1x128xi32, #tpu.memory_space<vmem>>
    %dma_wait3A_329 = tpu.memref_squeeze %dma_wait3A_328 : memref<1x128xi32, #tpu.memory_space<vmem>> -> memref<128xi32, #tpu.memory_space<vmem>>
    %dma_wait3A_330 = arith.constant 0 : i32
    %dma_wait3A_331 = arith.constant 0 : i32
    %dma_wait3A_332 = tpu.memref_slice %arg2[%dma_wait3A_330, %dma_wait3A_331] : memref<50000x32xf32, #tpu.memory_space<hbm>> -> memref<50000x32xf32, #tpu.memory_space<hbm>>
    tpu.wait_indirect_dma semaphore(%arg7 : memref<!tpu.dma_semaphore, #tpu.memory_space<semaphore_mem>>) src(%dma_wait3A_332 : memref<50000x32xf32, #tpu.memory_space<hbm>>) dst(%dma_wait3A_326 : memref<128x32xf32, #tpu.memory_space<vmem>>)
    %dma_wait3A_333 = arith.constant 7 : i32
    %dma_wait3A_334 = arith.constant 896 : i32
    %dma_wait3A_335 = arith.constant 0 : i32
    %dma_wait3A_336 = tpu.memref_slice %arg6[%dma_wait3A_334, %dma_wait3A_335] : memref<3200x32xf32, #tpu.memory_space<vmem>> -> memref<128x32xf32, #tpu.memory_space<vmem>>
    %dma_wait3A_337 = arith.constant 0 : i32
    %dma_wait3A_338 = tpu.memref_slice %arg5[%dma_wait3A_333, %dma_wait3A_337] : memref<25x128xi32, #tpu.memory_space<vmem>> -> memref<1x128xi32, #tpu.memory_space<vmem>>
    %dma_wait3A_339 = tpu.memref_squeeze %dma_wait3A_338 : memref<1x128xi32, #tpu.memory_space<vmem>> -> memref<128xi32, #tpu.memory_space<vmem>>
    %dma_wait3A_340 = arith.constant 0 : i32
    %dma_wait3A_341 = arith.constant 0 : i32
    %dma_wait3A_342 = tpu.memref_slice %arg2[%dma_wait3A_340, %dma_wait3A_341] : memref<50000x32xf32, #tpu.memory_space<hbm>> -> memref<50000x32xf32, #tpu.memory_space<hbm>>
    tpu.wait_indirect_dma semaphore(%arg7 : memref<!tpu.dma_semaphore, #tpu.memory_space<semaphore_mem>>) src(%dma_wait3A_342 : memref<50000x32xf32, #tpu.memory_space<hbm>>) dst(%dma_wait3A_336 : memref<128x32xf32, #tpu.memory_space<vmem>>)
    %dma_wait3A_343 = arith.constant 8 : i32
    %dma_wait3A_344 = arith.constant 1024 : i32
    %dma_wait3A_345 = arith.constant 0 : i32
    %dma_wait3A_346 = tpu.memref_slice %arg6[%dma_wait3A_344, %dma_wait3A_345] : memref<3200x32xf32, #tpu.memory_space<vmem>> -> memref<128x32xf32, #tpu.memory_space<vmem>>
    %dma_wait3A_347 = arith.constant 0 : i32
    %dma_wait3A_348 = tpu.memref_slice %arg5[%dma_wait3A_343, %dma_wait3A_347] : memref<25x128xi32, #tpu.memory_space<vmem>> -> memref<1x128xi32, #tpu.memory_space<vmem>>
    %dma_wait3A_349 = tpu.memref_squeeze %dma_wait3A_348 : memref<1x128xi32, #tpu.memory_space<vmem>> -> memref<128xi32, #tpu.memory_space<vmem>>
    %dma_wait3A_350 = arith.constant 0 : i32
    %dma_wait3A_351 = arith.constant 0 : i32
    %dma_wait3A_352 = tpu.memref_slice %arg2[%dma_wait3A_350, %dma_wait3A_351] : memref<50000x32xf32, #tpu.memory_space<hbm>> -> memref<50000x32xf32, #tpu.memory_space<hbm>>
    tpu.wait_indirect_dma semaphore(%arg7 : memref<!tpu.dma_semaphore, #tpu.memory_space<semaphore_mem>>) src(%dma_wait3A_352 : memref<50000x32xf32, #tpu.memory_space<hbm>>) dst(%dma_wait3A_346 : memref<128x32xf32, #tpu.memory_space<vmem>>)
    %dma_wait3A_353 = arith.constant 9 : i32
    %dma_wait3A_354 = arith.constant 1152 : i32
    %dma_wait3A_355 = arith.constant 0 : i32
    %dma_wait3A_356 = tpu.memref_slice %arg6[%dma_wait3A_354, %dma_wait3A_355] : memref<3200x32xf32, #tpu.memory_space<vmem>> -> memref<128x32xf32, #tpu.memory_space<vmem>>
    %dma_wait3A_357 = arith.constant 0 : i32
    %dma_wait3A_358 = tpu.memref_slice %arg5[%dma_wait3A_353, %dma_wait3A_357] : memref<25x128xi32, #tpu.memory_space<vmem>> -> memref<1x128xi32, #tpu.memory_space<vmem>>
    %dma_wait3A_359 = tpu.memref_squeeze %dma_wait3A_358 : memref<1x128xi32, #tpu.memory_space<vmem>> -> memref<128xi32, #tpu.memory_space<vmem>>
    %dma_wait3A_360 = arith.constant 0 : i32
    %dma_wait3A_361 = arith.constant 0 : i32
    %dma_wait3A_362 = tpu.memref_slice %arg2[%dma_wait3A_360, %dma_wait3A_361] : memref<50000x32xf32, #tpu.memory_space<hbm>> -> memref<50000x32xf32, #tpu.memory_space<hbm>>
    tpu.wait_indirect_dma semaphore(%arg7 : memref<!tpu.dma_semaphore, #tpu.memory_space<semaphore_mem>>) src(%dma_wait3A_362 : memref<50000x32xf32, #tpu.memory_space<hbm>>) dst(%dma_wait3A_356 : memref<128x32xf32, #tpu.memory_space<vmem>>)
    %mul3A_363 = arith.constant 3200 : i32
    %mul3A_364 = arith.muli %add3A, %mul3A_363 : i32
    %add3A_365 = arith.constant 640 : i32
    %add3A_366 = arith.addi %mul3A_364, %add3A_365 : i32
    %dma_start3A_367 = arith.constant 640 : i32
    %dma_start3A_368 = arith.constant 0 : i32
    %dma_start3A_369 = tpu.memref_slice %arg6[%dma_start3A_367, %dma_start3A_368] : memref<3200x32xf32, #tpu.memory_space<vmem>> -> memref<640x32xf32, #tpu.memory_space<vmem>>
    %dma_start3A_370 = arith.constant 0 : i32
    %dma_start3A_371 = tpu.memref_slice %arg4[%add3A_366, %dma_start3A_370] : memref<102400x32xf32, #tpu.memory_space<hbm>> -> memref<640x32xf32, #tpu.memory_space<hbm>>
    %dma_start3A_372 = arith.constant 0 : i32
    %dma_start3A_373 = tpu.memref_slice %arg4[%add3A_366, %dma_start3A_372] : memref<102400x32xf32, #tpu.memory_space<hbm>> -> memref<640x32xf32, #tpu.memory_space<hbm>>
    %dma_start3A_374 = arith.constant 640 : i32
    %dma_start3A_375 = arith.constant 0 : i32
    %dma_start3A_376 = tpu.memref_slice %arg6[%dma_start3A_374, %dma_start3A_375] : memref<3200x32xf32, #tpu.memory_space<vmem>> -> memref<640x32xf32, #tpu.memory_space<vmem>>
    tpu.enqueue_dma source(%dma_start3A_376 : memref<640x32xf32, #tpu.memory_space<vmem>>) target(%dma_start3A_373 : memref<640x32xf32, #tpu.memory_space<hbm>>) target_semaphore(%arg8 : memref<!tpu.dma_semaphore, #tpu.memory_space<semaphore_mem>>)
    %dma_wait3A_377 = arith.constant 10 : i32
    %dma_wait3A_378 = arith.constant 1280 : i32
    %dma_wait3A_379 = arith.constant 0 : i32
    %dma_wait3A_380 = tpu.memref_slice %arg6[%dma_wait3A_378, %dma_wait3A_379] : memref<3200x32xf32, #tpu.memory_space<vmem>> -> memref<128x32xf32, #tpu.memory_space<vmem>>
    %dma_wait3A_381 = arith.constant 0 : i32
    %dma_wait3A_382 = tpu.memref_slice %arg5[%dma_wait3A_377, %dma_wait3A_381] : memref<25x128xi32, #tpu.memory_space<vmem>> -> memref<1x128xi32, #tpu.memory_space<vmem>>
    %dma_wait3A_383 = tpu.memref_squeeze %dma_wait3A_382 : memref<1x128xi32, #tpu.memory_space<vmem>> -> memref<128xi32, #tpu.memory_space<vmem>>
    %dma_wait3A_384 = arith.constant 0 : i32
    %dma_wait3A_385 = arith.constant 0 : i32
    %dma_wait3A_386 = tpu.memref_slice %arg2[%dma_wait3A_384, %dma_wait3A_385] : memref<50000x32xf32, #tpu.memory_space<hbm>> -> memref<50000x32xf32, #tpu.memory_space<hbm>>
    tpu.wait_indirect_dma semaphore(%arg7 : memref<!tpu.dma_semaphore, #tpu.memory_space<semaphore_mem>>) src(%dma_wait3A_386 : memref<50000x32xf32, #tpu.memory_space<hbm>>) dst(%dma_wait3A_380 : memref<128x32xf32, #tpu.memory_space<vmem>>)
    %dma_wait3A_387 = arith.constant 11 : i32
    %dma_wait3A_388 = arith.constant 1408 : i32
    %dma_wait3A_389 = arith.constant 0 : i32
    %dma_wait3A_390 = tpu.memref_slice %arg6[%dma_wait3A_388, %dma_wait3A_389] : memref<3200x32xf32, #tpu.memory_space<vmem>> -> memref<128x32xf32, #tpu.memory_space<vmem>>
    %dma_wait3A_391 = arith.constant 0 : i32
    %dma_wait3A_392 = tpu.memref_slice %arg5[%dma_wait3A_387, %dma_wait3A_391] : memref<25x128xi32, #tpu.memory_space<vmem>> -> memref<1x128xi32, #tpu.memory_space<vmem>>
    %dma_wait3A_393 = tpu.memref_squeeze %dma_wait3A_392 : memref<1x128xi32, #tpu.memory_space<vmem>> -> memref<128xi32, #tpu.memory_space<vmem>>
    %dma_wait3A_394 = arith.constant 0 : i32
    %dma_wait3A_395 = arith.constant 0 : i32
    %dma_wait3A_396 = tpu.memref_slice %arg2[%dma_wait3A_394, %dma_wait3A_395] : memref<50000x32xf32, #tpu.memory_space<hbm>> -> memref<50000x32xf32, #tpu.memory_space<hbm>>
    tpu.wait_indirect_dma semaphore(%arg7 : memref<!tpu.dma_semaphore, #tpu.memory_space<semaphore_mem>>) src(%dma_wait3A_396 : memref<50000x32xf32, #tpu.memory_space<hbm>>) dst(%dma_wait3A_390 : memref<128x32xf32, #tpu.memory_space<vmem>>)
    %dma_wait3A_397 = arith.constant 12 : i32
    %dma_wait3A_398 = arith.constant 1536 : i32
    %dma_wait3A_399 = arith.constant 0 : i32
    %dma_wait3A_400 = tpu.memref_slice %arg6[%dma_wait3A_398, %dma_wait3A_399] : memref<3200x32xf32, #tpu.memory_space<vmem>> -> memref<128x32xf32, #tpu.memory_space<vmem>>
    %dma_wait3A_401 = arith.constant 0 : i32
    %dma_wait3A_402 = tpu.memref_slice %arg5[%dma_wait3A_397, %dma_wait3A_401] : memref<25x128xi32, #tpu.memory_space<vmem>> -> memref<1x128xi32, #tpu.memory_space<vmem>>
    %dma_wait3A_403 = tpu.memref_squeeze %dma_wait3A_402 : memref<1x128xi32, #tpu.memory_space<vmem>> -> memref<128xi32, #tpu.memory_space<vmem>>
    %dma_wait3A_404 = arith.constant 0 : i32
    %dma_wait3A_405 = arith.constant 0 : i32
    %dma_wait3A_406 = tpu.memref_slice %arg2[%dma_wait3A_404, %dma_wait3A_405] : memref<50000x32xf32, #tpu.memory_space<hbm>> -> memref<50000x32xf32, #tpu.memory_space<hbm>>
    tpu.wait_indirect_dma semaphore(%arg7 : memref<!tpu.dma_semaphore, #tpu.memory_space<semaphore_mem>>) src(%dma_wait3A_406 : memref<50000x32xf32, #tpu.memory_space<hbm>>) dst(%dma_wait3A_400 : memref<128x32xf32, #tpu.memory_space<vmem>>)
    %dma_wait3A_407 = arith.constant 13 : i32
    %dma_wait3A_408 = arith.constant 1664 : i32
    %dma_wait3A_409 = arith.constant 0 : i32
    %dma_wait3A_410 = tpu.memref_slice %arg6[%dma_wait3A_408, %dma_wait3A_409] : memref<3200x32xf32, #tpu.memory_space<vmem>> -> memref<128x32xf32, #tpu.memory_space<vmem>>
    %dma_wait3A_411 = arith.constant 0 : i32
    %dma_wait3A_412 = tpu.memref_slice %arg5[%dma_wait3A_407, %dma_wait3A_411] : memref<25x128xi32, #tpu.memory_space<vmem>> -> memref<1x128xi32, #tpu.memory_space<vmem>>
    %dma_wait3A_413 = tpu.memref_squeeze %dma_wait3A_412 : memref<1x128xi32, #tpu.memory_space<vmem>> -> memref<128xi32, #tpu.memory_space<vmem>>
    %dma_wait3A_414 = arith.constant 0 : i32
    %dma_wait3A_415 = arith.constant 0 : i32
    %dma_wait3A_416 = tpu.memref_slice %arg2[%dma_wait3A_414, %dma_wait3A_415] : memref<50000x32xf32, #tpu.memory_space<hbm>> -> memref<50000x32xf32, #tpu.memory_space<hbm>>
    tpu.wait_indirect_dma semaphore(%arg7 : memref<!tpu.dma_semaphore, #tpu.memory_space<semaphore_mem>>) src(%dma_wait3A_416 : memref<50000x32xf32, #tpu.memory_space<hbm>>) dst(%dma_wait3A_410 : memref<128x32xf32, #tpu.memory_space<vmem>>)
    %dma_wait3A_417 = arith.constant 14 : i32
    %dma_wait3A_418 = arith.constant 1792 : i32
    %dma_wait3A_419 = arith.constant 0 : i32
    %dma_wait3A_420 = tpu.memref_slice %arg6[%dma_wait3A_418, %dma_wait3A_419] : memref<3200x32xf32, #tpu.memory_space<vmem>> -> memref<128x32xf32, #tpu.memory_space<vmem>>
    %dma_wait3A_421 = arith.constant 0 : i32
    %dma_wait3A_422 = tpu.memref_slice %arg5[%dma_wait3A_417, %dma_wait3A_421] : memref<25x128xi32, #tpu.memory_space<vmem>> -> memref<1x128xi32, #tpu.memory_space<vmem>>
    %dma_wait3A_423 = tpu.memref_squeeze %dma_wait3A_422 : memref<1x128xi32, #tpu.memory_space<vmem>> -> memref<128xi32, #tpu.memory_space<vmem>>
    %dma_wait3A_424 = arith.constant 0 : i32
    %dma_wait3A_425 = arith.constant 0 : i32
    %dma_wait3A_426 = tpu.memref_slice %arg2[%dma_wait3A_424, %dma_wait3A_425] : memref<50000x32xf32, #tpu.memory_space<hbm>> -> memref<50000x32xf32, #tpu.memory_space<hbm>>
    tpu.wait_indirect_dma semaphore(%arg7 : memref<!tpu.dma_semaphore, #tpu.memory_space<semaphore_mem>>) src(%dma_wait3A_426 : memref<50000x32xf32, #tpu.memory_space<hbm>>) dst(%dma_wait3A_420 : memref<128x32xf32, #tpu.memory_space<vmem>>)
    %mul3A_427 = arith.constant 3200 : i32
    %mul3A_428 = arith.muli %add3A, %mul3A_427 : i32
    %add3A_429 = arith.constant 1280 : i32
    %add3A_430 = arith.addi %mul3A_428, %add3A_429 : i32
    %dma_start3A_431 = arith.constant 1280 : i32
    %dma_start3A_432 = arith.constant 0 : i32
    %dma_start3A_433 = tpu.memref_slice %arg6[%dma_start3A_431, %dma_start3A_432] : memref<3200x32xf32, #tpu.memory_space<vmem>> -> memref<640x32xf32, #tpu.memory_space<vmem>>
    %dma_start3A_434 = arith.constant 0 : i32
    %dma_start3A_435 = tpu.memref_slice %arg4[%add3A_430, %dma_start3A_434] : memref<102400x32xf32, #tpu.memory_space<hbm>> -> memref<640x32xf32, #tpu.memory_space<hbm>>
    %dma_start3A_436 = arith.constant 0 : i32
    %dma_start3A_437 = tpu.memref_slice %arg4[%add3A_430, %dma_start3A_436] : memref<102400x32xf32, #tpu.memory_space<hbm>> -> memref<640x32xf32, #tpu.memory_space<hbm>>
    %dma_start3A_438 = arith.constant 1280 : i32
    %dma_start3A_439 = arith.constant 0 : i32
    %dma_start3A_440 = tpu.memref_slice %arg6[%dma_start3A_438, %dma_start3A_439] : memref<3200x32xf32, #tpu.memory_space<vmem>> -> memref<640x32xf32, #tpu.memory_space<vmem>>
    tpu.enqueue_dma source(%dma_start3A_440 : memref<640x32xf32, #tpu.memory_space<vmem>>) target(%dma_start3A_437 : memref<640x32xf32, #tpu.memory_space<hbm>>) target_semaphore(%arg8 : memref<!tpu.dma_semaphore, #tpu.memory_space<semaphore_mem>>)
    %dma_wait3A_441 = arith.constant 15 : i32
    %dma_wait3A_442 = arith.constant 1920 : i32
    %dma_wait3A_443 = arith.constant 0 : i32
    %dma_wait3A_444 = tpu.memref_slice %arg6[%dma_wait3A_442, %dma_wait3A_443] : memref<3200x32xf32, #tpu.memory_space<vmem>> -> memref<128x32xf32, #tpu.memory_space<vmem>>
    %dma_wait3A_445 = arith.constant 0 : i32
    %dma_wait3A_446 = tpu.memref_slice %arg5[%dma_wait3A_441, %dma_wait3A_445] : memref<25x128xi32, #tpu.memory_space<vmem>> -> memref<1x128xi32, #tpu.memory_space<vmem>>
    %dma_wait3A_447 = tpu.memref_squeeze %dma_wait3A_446 : memref<1x128xi32, #tpu.memory_space<vmem>> -> memref<128xi32, #tpu.memory_space<vmem>>
    %dma_wait3A_448 = arith.constant 0 : i32
    %dma_wait3A_449 = arith.constant 0 : i32
    %dma_wait3A_450 = tpu.memref_slice %arg2[%dma_wait3A_448, %dma_wait3A_449] : memref<50000x32xf32, #tpu.memory_space<hbm>> -> memref<50000x32xf32, #tpu.memory_space<hbm>>
    tpu.wait_indirect_dma semaphore(%arg7 : memref<!tpu.dma_semaphore, #tpu.memory_space<semaphore_mem>>) src(%dma_wait3A_450 : memref<50000x32xf32, #tpu.memory_space<hbm>>) dst(%dma_wait3A_444 : memref<128x32xf32, #tpu.memory_space<vmem>>)
    %dma_wait3A_451 = arith.constant 16 : i32
    %dma_wait3A_452 = arith.constant 2048 : i32
    %dma_wait3A_453 = arith.constant 0 : i32
    %dma_wait3A_454 = tpu.memref_slice %arg6[%dma_wait3A_452, %dma_wait3A_453] : memref<3200x32xf32, #tpu.memory_space<vmem>> -> memref<128x32xf32, #tpu.memory_space<vmem>>
    %dma_wait3A_455 = arith.constant 0 : i32
    %dma_wait3A_456 = tpu.memref_slice %arg5[%dma_wait3A_451, %dma_wait3A_455] : memref<25x128xi32, #tpu.memory_space<vmem>> -> memref<1x128xi32, #tpu.memory_space<vmem>>
    %dma_wait3A_457 = tpu.memref_squeeze %dma_wait3A_456 : memref<1x128xi32, #tpu.memory_space<vmem>> -> memref<128xi32, #tpu.memory_space<vmem>>
    %dma_wait3A_458 = arith.constant 0 : i32
    %dma_wait3A_459 = arith.constant 0 : i32
    %dma_wait3A_460 = tpu.memref_slice %arg2[%dma_wait3A_458, %dma_wait3A_459] : memref<50000x32xf32, #tpu.memory_space<hbm>> -> memref<50000x32xf32, #tpu.memory_space<hbm>>
    tpu.wait_indirect_dma semaphore(%arg7 : memref<!tpu.dma_semaphore, #tpu.memory_space<semaphore_mem>>) src(%dma_wait3A_460 : memref<50000x32xf32, #tpu.memory_space<hbm>>) dst(%dma_wait3A_454 : memref<128x32xf32, #tpu.memory_space<vmem>>)
    %dma_wait3A_461 = arith.constant 17 : i32
    %dma_wait3A_462 = arith.constant 2176 : i32
    %dma_wait3A_463 = arith.constant 0 : i32
    %dma_wait3A_464 = tpu.memref_slice %arg6[%dma_wait3A_462, %dma_wait3A_463] : memref<3200x32xf32, #tpu.memory_space<vmem>> -> memref<128x32xf32, #tpu.memory_space<vmem>>
    %dma_wait3A_465 = arith.constant 0 : i32
    %dma_wait3A_466 = tpu.memref_slice %arg5[%dma_wait3A_461, %dma_wait3A_465] : memref<25x128xi32, #tpu.memory_space<vmem>> -> memref<1x128xi32, #tpu.memory_space<vmem>>
    %dma_wait3A_467 = tpu.memref_squeeze %dma_wait3A_466 : memref<1x128xi32, #tpu.memory_space<vmem>> -> memref<128xi32, #tpu.memory_space<vmem>>
    %dma_wait3A_468 = arith.constant 0 : i32
    %dma_wait3A_469 = arith.constant 0 : i32
    %dma_wait3A_470 = tpu.memref_slice %arg2[%dma_wait3A_468, %dma_wait3A_469] : memref<50000x32xf32, #tpu.memory_space<hbm>> -> memref<50000x32xf32, #tpu.memory_space<hbm>>
    tpu.wait_indirect_dma semaphore(%arg7 : memref<!tpu.dma_semaphore, #tpu.memory_space<semaphore_mem>>) src(%dma_wait3A_470 : memref<50000x32xf32, #tpu.memory_space<hbm>>) dst(%dma_wait3A_464 : memref<128x32xf32, #tpu.memory_space<vmem>>)
    %dma_wait3A_471 = arith.constant 18 : i32
    %dma_wait3A_472 = arith.constant 2304 : i32
    %dma_wait3A_473 = arith.constant 0 : i32
    %dma_wait3A_474 = tpu.memref_slice %arg6[%dma_wait3A_472, %dma_wait3A_473] : memref<3200x32xf32, #tpu.memory_space<vmem>> -> memref<128x32xf32, #tpu.memory_space<vmem>>
    %dma_wait3A_475 = arith.constant 0 : i32
    %dma_wait3A_476 = tpu.memref_slice %arg5[%dma_wait3A_471, %dma_wait3A_475] : memref<25x128xi32, #tpu.memory_space<vmem>> -> memref<1x128xi32, #tpu.memory_space<vmem>>
    %dma_wait3A_477 = tpu.memref_squeeze %dma_wait3A_476 : memref<1x128xi32, #tpu.memory_space<vmem>> -> memref<128xi32, #tpu.memory_space<vmem>>
    %dma_wait3A_478 = arith.constant 0 : i32
    %dma_wait3A_479 = arith.constant 0 : i32
    %dma_wait3A_480 = tpu.memref_slice %arg2[%dma_wait3A_478, %dma_wait3A_479] : memref<50000x32xf32, #tpu.memory_space<hbm>> -> memref<50000x32xf32, #tpu.memory_space<hbm>>
    tpu.wait_indirect_dma semaphore(%arg7 : memref<!tpu.dma_semaphore, #tpu.memory_space<semaphore_mem>>) src(%dma_wait3A_480 : memref<50000x32xf32, #tpu.memory_space<hbm>>) dst(%dma_wait3A_474 : memref<128x32xf32, #tpu.memory_space<vmem>>)
    %dma_wait3A_481 = arith.constant 19 : i32
    %dma_wait3A_482 = arith.constant 2432 : i32
    %dma_wait3A_483 = arith.constant 0 : i32
    %dma_wait3A_484 = tpu.memref_slice %arg6[%dma_wait3A_482, %dma_wait3A_483] : memref<3200x32xf32, #tpu.memory_space<vmem>> -> memref<128x32xf32, #tpu.memory_space<vmem>>
    %dma_wait3A_485 = arith.constant 0 : i32
    %dma_wait3A_486 = tpu.memref_slice %arg5[%dma_wait3A_481, %dma_wait3A_485] : memref<25x128xi32, #tpu.memory_space<vmem>> -> memref<1x128xi32, #tpu.memory_space<vmem>>
    %dma_wait3A_487 = tpu.memref_squeeze %dma_wait3A_486 : memref<1x128xi32, #tpu.memory_space<vmem>> -> memref<128xi32, #tpu.memory_space<vmem>>
    %dma_wait3A_488 = arith.constant 0 : i32
    %dma_wait3A_489 = arith.constant 0 : i32
    %dma_wait3A_490 = tpu.memref_slice %arg2[%dma_wait3A_488, %dma_wait3A_489] : memref<50000x32xf32, #tpu.memory_space<hbm>> -> memref<50000x32xf32, #tpu.memory_space<hbm>>
    tpu.wait_indirect_dma semaphore(%arg7 : memref<!tpu.dma_semaphore, #tpu.memory_space<semaphore_mem>>) src(%dma_wait3A_490 : memref<50000x32xf32, #tpu.memory_space<hbm>>) dst(%dma_wait3A_484 : memref<128x32xf32, #tpu.memory_space<vmem>>)
    %mul3A_491 = arith.constant 3200 : i32
    %mul3A_492 = arith.muli %add3A, %mul3A_491 : i32
    %add3A_493 = arith.constant 1920 : i32
    %add3A_494 = arith.addi %mul3A_492, %add3A_493 : i32
    %dma_start3A_495 = arith.constant 1920 : i32
    %dma_start3A_496 = arith.constant 0 : i32
    %dma_start3A_497 = tpu.memref_slice %arg6[%dma_start3A_495, %dma_start3A_496] : memref<3200x32xf32, #tpu.memory_space<vmem>> -> memref<640x32xf32, #tpu.memory_space<vmem>>
    %dma_start3A_498 = arith.constant 0 : i32
    %dma_start3A_499 = tpu.memref_slice %arg4[%add3A_494, %dma_start3A_498] : memref<102400x32xf32, #tpu.memory_space<hbm>> -> memref<640x32xf32, #tpu.memory_space<hbm>>
    %dma_start3A_500 = arith.constant 0 : i32
    %dma_start3A_501 = tpu.memref_slice %arg4[%add3A_494, %dma_start3A_500] : memref<102400x32xf32, #tpu.memory_space<hbm>> -> memref<640x32xf32, #tpu.memory_space<hbm>>
    %dma_start3A_502 = arith.constant 1920 : i32
    %dma_start3A_503 = arith.constant 0 : i32
    %dma_start3A_504 = tpu.memref_slice %arg6[%dma_start3A_502, %dma_start3A_503] : memref<3200x32xf32, #tpu.memory_space<vmem>> -> memref<640x32xf32, #tpu.memory_space<vmem>>
    tpu.enqueue_dma source(%dma_start3A_504 : memref<640x32xf32, #tpu.memory_space<vmem>>) target(%dma_start3A_501 : memref<640x32xf32, #tpu.memory_space<hbm>>) target_semaphore(%arg8 : memref<!tpu.dma_semaphore, #tpu.memory_space<semaphore_mem>>)
    %dma_wait3A_505 = arith.constant 20 : i32
    %dma_wait3A_506 = arith.constant 2560 : i32
    %dma_wait3A_507 = arith.constant 0 : i32
    %dma_wait3A_508 = tpu.memref_slice %arg6[%dma_wait3A_506, %dma_wait3A_507] : memref<3200x32xf32, #tpu.memory_space<vmem>> -> memref<128x32xf32, #tpu.memory_space<vmem>>
    %dma_wait3A_509 = arith.constant 0 : i32
    %dma_wait3A_510 = tpu.memref_slice %arg5[%dma_wait3A_505, %dma_wait3A_509] : memref<25x128xi32, #tpu.memory_space<vmem>> -> memref<1x128xi32, #tpu.memory_space<vmem>>
    %dma_wait3A_511 = tpu.memref_squeeze %dma_wait3A_510 : memref<1x128xi32, #tpu.memory_space<vmem>> -> memref<128xi32, #tpu.memory_space<vmem>>
    %dma_wait3A_512 = arith.constant 0 : i32
    %dma_wait3A_513 = arith.constant 0 : i32
    %dma_wait3A_514 = tpu.memref_slice %arg2[%dma_wait3A_512, %dma_wait3A_513] : memref<50000x32xf32, #tpu.memory_space<hbm>> -> memref<50000x32xf32, #tpu.memory_space<hbm>>
    tpu.wait_indirect_dma semaphore(%arg7 : memref<!tpu.dma_semaphore, #tpu.memory_space<semaphore_mem>>) src(%dma_wait3A_514 : memref<50000x32xf32, #tpu.memory_space<hbm>>) dst(%dma_wait3A_508 : memref<128x32xf32, #tpu.memory_space<vmem>>)
    %dma_wait3A_515 = arith.constant 21 : i32
    %dma_wait3A_516 = arith.constant 2688 : i32
    %dma_wait3A_517 = arith.constant 0 : i32
    %dma_wait3A_518 = tpu.memref_slice %arg6[%dma_wait3A_516, %dma_wait3A_517] : memref<3200x32xf32, #tpu.memory_space<vmem>> -> memref<128x32xf32, #tpu.memory_space<vmem>>
    %dma_wait3A_519 = arith.constant 0 : i32
    %dma_wait3A_520 = tpu.memref_slice %arg5[%dma_wait3A_515, %dma_wait3A_519] : memref<25x128xi32, #tpu.memory_space<vmem>> -> memref<1x128xi32, #tpu.memory_space<vmem>>
    %dma_wait3A_521 = tpu.memref_squeeze %dma_wait3A_520 : memref<1x128xi32, #tpu.memory_space<vmem>> -> memref<128xi32, #tpu.memory_space<vmem>>
    %dma_wait3A_522 = arith.constant 0 : i32
    %dma_wait3A_523 = arith.constant 0 : i32
    %dma_wait3A_524 = tpu.memref_slice %arg2[%dma_wait3A_522, %dma_wait3A_523] : memref<50000x32xf32, #tpu.memory_space<hbm>> -> memref<50000x32xf32, #tpu.memory_space<hbm>>
    tpu.wait_indirect_dma semaphore(%arg7 : memref<!tpu.dma_semaphore, #tpu.memory_space<semaphore_mem>>) src(%dma_wait3A_524 : memref<50000x32xf32, #tpu.memory_space<hbm>>) dst(%dma_wait3A_518 : memref<128x32xf32, #tpu.memory_space<vmem>>)
    %dma_wait3A_525 = arith.constant 22 : i32
    %dma_wait3A_526 = arith.constant 2816 : i32
    %dma_wait3A_527 = arith.constant 0 : i32
    %dma_wait3A_528 = tpu.memref_slice %arg6[%dma_wait3A_526, %dma_wait3A_527] : memref<3200x32xf32, #tpu.memory_space<vmem>> -> memref<128x32xf32, #tpu.memory_space<vmem>>
    %dma_wait3A_529 = arith.constant 0 : i32
    %dma_wait3A_530 = tpu.memref_slice %arg5[%dma_wait3A_525, %dma_wait3A_529] : memref<25x128xi32, #tpu.memory_space<vmem>> -> memref<1x128xi32, #tpu.memory_space<vmem>>
    %dma_wait3A_531 = tpu.memref_squeeze %dma_wait3A_530 : memref<1x128xi32, #tpu.memory_space<vmem>> -> memref<128xi32, #tpu.memory_space<vmem>>
    %dma_wait3A_532 = arith.constant 0 : i32
    %dma_wait3A_533 = arith.constant 0 : i32
    %dma_wait3A_534 = tpu.memref_slice %arg2[%dma_wait3A_532, %dma_wait3A_533] : memref<50000x32xf32, #tpu.memory_space<hbm>> -> memref<50000x32xf32, #tpu.memory_space<hbm>>
    tpu.wait_indirect_dma semaphore(%arg7 : memref<!tpu.dma_semaphore, #tpu.memory_space<semaphore_mem>>) src(%dma_wait3A_534 : memref<50000x32xf32, #tpu.memory_space<hbm>>) dst(%dma_wait3A_528 : memref<128x32xf32, #tpu.memory_space<vmem>>)
    %dma_wait3A_535 = arith.constant 23 : i32
    %dma_wait3A_536 = arith.constant 2944 : i32
    %dma_wait3A_537 = arith.constant 0 : i32
    %dma_wait3A_538 = tpu.memref_slice %arg6[%dma_wait3A_536, %dma_wait3A_537] : memref<3200x32xf32, #tpu.memory_space<vmem>> -> memref<128x32xf32, #tpu.memory_space<vmem>>
    %dma_wait3A_539 = arith.constant 0 : i32
    %dma_wait3A_540 = tpu.memref_slice %arg5[%dma_wait3A_535, %dma_wait3A_539] : memref<25x128xi32, #tpu.memory_space<vmem>> -> memref<1x128xi32, #tpu.memory_space<vmem>>
    %dma_wait3A_541 = tpu.memref_squeeze %dma_wait3A_540 : memref<1x128xi32, #tpu.memory_space<vmem>> -> memref<128xi32, #tpu.memory_space<vmem>>
    %dma_wait3A_542 = arith.constant 0 : i32
    %dma_wait3A_543 = arith.constant 0 : i32
    %dma_wait3A_544 = tpu.memref_slice %arg2[%dma_wait3A_542, %dma_wait3A_543] : memref<50000x32xf32, #tpu.memory_space<hbm>> -> memref<50000x32xf32, #tpu.memory_space<hbm>>
    tpu.wait_indirect_dma semaphore(%arg7 : memref<!tpu.dma_semaphore, #tpu.memory_space<semaphore_mem>>) src(%dma_wait3A_544 : memref<50000x32xf32, #tpu.memory_space<hbm>>) dst(%dma_wait3A_538 : memref<128x32xf32, #tpu.memory_space<vmem>>)
    %dma_wait3A_545 = arith.constant 24 : i32
    %dma_wait3A_546 = arith.constant 3072 : i32
    %dma_wait3A_547 = arith.constant 0 : i32
    %dma_wait3A_548 = tpu.memref_slice %arg6[%dma_wait3A_546, %dma_wait3A_547] : memref<3200x32xf32, #tpu.memory_space<vmem>> -> memref<128x32xf32, #tpu.memory_space<vmem>>
    %dma_wait3A_549 = arith.constant 0 : i32
    %dma_wait3A_550 = tpu.memref_slice %arg5[%dma_wait3A_545, %dma_wait3A_549] : memref<25x128xi32, #tpu.memory_space<vmem>> -> memref<1x128xi32, #tpu.memory_space<vmem>>
    %dma_wait3A_551 = tpu.memref_squeeze %dma_wait3A_550 : memref<1x128xi32, #tpu.memory_space<vmem>> -> memref<128xi32, #tpu.memory_space<vmem>>
    %dma_wait3A_552 = arith.constant 0 : i32
    %dma_wait3A_553 = arith.constant 0 : i32
    %dma_wait3A_554 = tpu.memref_slice %arg2[%dma_wait3A_552, %dma_wait3A_553] : memref<50000x32xf32, #tpu.memory_space<hbm>> -> memref<50000x32xf32, #tpu.memory_space<hbm>>
    tpu.wait_indirect_dma semaphore(%arg7 : memref<!tpu.dma_semaphore, #tpu.memory_space<semaphore_mem>>) src(%dma_wait3A_554 : memref<50000x32xf32, #tpu.memory_space<hbm>>) dst(%dma_wait3A_548 : memref<128x32xf32, #tpu.memory_space<vmem>>)
    %mul3A_555 = arith.constant 3200 : i32
    %mul3A_556 = arith.muli %add3A, %mul3A_555 : i32
    %add3A_557 = arith.constant 2560 : i32
    %add3A_558 = arith.addi %mul3A_556, %add3A_557 : i32
    %dma_start3A_559 = arith.constant 2560 : i32
    %dma_start3A_560 = arith.constant 0 : i32
    %dma_start3A_561 = tpu.memref_slice %arg6[%dma_start3A_559, %dma_start3A_560] : memref<3200x32xf32, #tpu.memory_space<vmem>> -> memref<640x32xf32, #tpu.memory_space<vmem>>
    %dma_start3A_562 = arith.constant 0 : i32
    %dma_start3A_563 = tpu.memref_slice %arg4[%add3A_558, %dma_start3A_562] : memref<102400x32xf32, #tpu.memory_space<hbm>> -> memref<640x32xf32, #tpu.memory_space<hbm>>
    %dma_start3A_564 = arith.constant 0 : i32
    %dma_start3A_565 = tpu.memref_slice %arg4[%add3A_558, %dma_start3A_564] : memref<102400x32xf32, #tpu.memory_space<hbm>> -> memref<640x32xf32, #tpu.memory_space<hbm>>
    %dma_start3A_566 = arith.constant 2560 : i32
    %dma_start3A_567 = arith.constant 0 : i32
    %dma_start3A_568 = tpu.memref_slice %arg6[%dma_start3A_566, %dma_start3A_567] : memref<3200x32xf32, #tpu.memory_space<vmem>> -> memref<640x32xf32, #tpu.memory_space<vmem>>
    tpu.enqueue_dma source(%dma_start3A_568 : memref<640x32xf32, #tpu.memory_space<vmem>>) target(%dma_start3A_565 : memref<640x32xf32, #tpu.memory_space<hbm>>) target_semaphore(%arg8 : memref<!tpu.dma_semaphore, #tpu.memory_space<semaphore_mem>>)
    %dma_wait3A_569 = arith.constant 0 : i32
    %dma_wait3A_570 = arith.constant 0 : i32
    %dma_wait3A_571 = tpu.memref_slice %arg6[%dma_wait3A_569, %dma_wait3A_570] : memref<3200x32xf32, #tpu.memory_space<vmem>> -> memref<640x32xf32, #tpu.memory_space<vmem>>
    %dma_wait3A_572 = arith.constant 0 : i32
    %dma_wait3A_573 = tpu.memref_slice %arg4[%add3A_302, %dma_wait3A_572] : memref<102400x32xf32, #tpu.memory_space<hbm>> -> memref<640x32xf32, #tpu.memory_space<hbm>>
    %dma_wait3A_574 = arith.constant 0 : i32
    %dma_wait3A_575 = tpu.memref_slice %arg4[%add3A_302, %dma_wait3A_574] : memref<102400x32xf32, #tpu.memory_space<hbm>> -> memref<640x32xf32, #tpu.memory_space<hbm>>
    %dma_wait3A_576 = arith.constant 0 : i32
    %dma_wait3A_577 = arith.constant 0 : i32
    %dma_wait3A_578 = tpu.memref_slice %arg6[%dma_wait3A_576, %dma_wait3A_577] : memref<3200x32xf32, #tpu.memory_space<vmem>> -> memref<640x32xf32, #tpu.memory_space<vmem>>
    tpu.wait_dma2 semaphore(%arg8 : memref<!tpu.dma_semaphore, #tpu.memory_space<semaphore_mem>>) src(%dma_wait3A_578 : memref<640x32xf32, #tpu.memory_space<vmem>>) dst(%dma_wait3A_575 : memref<640x32xf32, #tpu.memory_space<hbm>>)
    %dma_wait3A_579 = arith.constant 640 : i32
    %dma_wait3A_580 = arith.constant 0 : i32
    %dma_wait3A_581 = tpu.memref_slice %arg6[%dma_wait3A_579, %dma_wait3A_580] : memref<3200x32xf32, #tpu.memory_space<vmem>> -> memref<640x32xf32, #tpu.memory_space<vmem>>
    %dma_wait3A_582 = arith.constant 0 : i32
    %dma_wait3A_583 = tpu.memref_slice %arg4[%add3A_366, %dma_wait3A_582] : memref<102400x32xf32, #tpu.memory_space<hbm>> -> memref<640x32xf32, #tpu.memory_space<hbm>>
    %dma_wait3A_584 = arith.constant 0 : i32
    %dma_wait3A_585 = tpu.memref_slice %arg4[%add3A_366, %dma_wait3A_584] : memref<102400x32xf32, #tpu.memory_space<hbm>> -> memref<640x32xf32, #tpu.memory_space<hbm>>
    %dma_wait3A_586 = arith.constant 640 : i32
    %dma_wait3A_587 = arith.constant 0 : i32
    %dma_wait3A_588 = tpu.memref_slice %arg6[%dma_wait3A_586, %dma_wait3A_587] : memref<3200x32xf32, #tpu.memory_space<vmem>> -> memref<640x32xf32, #tpu.memory_space<vmem>>
    tpu.wait_dma2 semaphore(%arg8 : memref<!tpu.dma_semaphore, #tpu.memory_space<semaphore_mem>>) src(%dma_wait3A_588 : memref<640x32xf32, #tpu.memory_space<vmem>>) dst(%dma_wait3A_585 : memref<640x32xf32, #tpu.memory_space<hbm>>)
    %dma_wait3A_589 = arith.constant 1280 : i32
    %dma_wait3A_590 = arith.constant 0 : i32
    %dma_wait3A_591 = tpu.memref_slice %arg6[%dma_wait3A_589, %dma_wait3A_590] : memref<3200x32xf32, #tpu.memory_space<vmem>> -> memref<640x32xf32, #tpu.memory_space<vmem>>
    %dma_wait3A_592 = arith.constant 0 : i32
    %dma_wait3A_593 = tpu.memref_slice %arg4[%add3A_430, %dma_wait3A_592] : memref<102400x32xf32, #tpu.memory_space<hbm>> -> memref<640x32xf32, #tpu.memory_space<hbm>>
    %dma_wait3A_594 = arith.constant 0 : i32
    %dma_wait3A_595 = tpu.memref_slice %arg4[%add3A_430, %dma_wait3A_594] : memref<102400x32xf32, #tpu.memory_space<hbm>> -> memref<640x32xf32, #tpu.memory_space<hbm>>
    %dma_wait3A_596 = arith.constant 1280 : i32
    %dma_wait3A_597 = arith.constant 0 : i32
    %dma_wait3A_598 = tpu.memref_slice %arg6[%dma_wait3A_596, %dma_wait3A_597] : memref<3200x32xf32, #tpu.memory_space<vmem>> -> memref<640x32xf32, #tpu.memory_space<vmem>>
    tpu.wait_dma2 semaphore(%arg8 : memref<!tpu.dma_semaphore, #tpu.memory_space<semaphore_mem>>) src(%dma_wait3A_598 : memref<640x32xf32, #tpu.memory_space<vmem>>) dst(%dma_wait3A_595 : memref<640x32xf32, #tpu.memory_space<hbm>>)
    %dma_wait3A_599 = arith.constant 1920 : i32
    %dma_wait3A_600 = arith.constant 0 : i32
    %dma_wait3A_601 = tpu.memref_slice %arg6[%dma_wait3A_599, %dma_wait3A_600] : memref<3200x32xf32, #tpu.memory_space<vmem>> -> memref<640x32xf32, #tpu.memory_space<vmem>>
    %dma_wait3A_602 = arith.constant 0 : i32
    %dma_wait3A_603 = tpu.memref_slice %arg4[%add3A_494, %dma_wait3A_602] : memref<102400x32xf32, #tpu.memory_space<hbm>> -> memref<640x32xf32, #tpu.memory_space<hbm>>
    %dma_wait3A_604 = arith.constant 0 : i32
    %dma_wait3A_605 = tpu.memref_slice %arg4[%add3A_494, %dma_wait3A_604] : memref<102400x32xf32, #tpu.memory_space<hbm>> -> memref<640x32xf32, #tpu.memory_space<hbm>>
    %dma_wait3A_606 = arith.constant 1920 : i32
    %dma_wait3A_607 = arith.constant 0 : i32
    %dma_wait3A_608 = tpu.memref_slice %arg6[%dma_wait3A_606, %dma_wait3A_607] : memref<3200x32xf32, #tpu.memory_space<vmem>> -> memref<640x32xf32, #tpu.memory_space<vmem>>
    tpu.wait_dma2 semaphore(%arg8 : memref<!tpu.dma_semaphore, #tpu.memory_space<semaphore_mem>>) src(%dma_wait3A_608 : memref<640x32xf32, #tpu.memory_space<vmem>>) dst(%dma_wait3A_605 : memref<640x32xf32, #tpu.memory_space<hbm>>)
    %dma_wait3A_609 = arith.constant 2560 : i32
    %dma_wait3A_610 = arith.constant 0 : i32
    %dma_wait3A_611 = tpu.memref_slice %arg6[%dma_wait3A_609, %dma_wait3A_610] : memref<3200x32xf32, #tpu.memory_space<vmem>> -> memref<640x32xf32, #tpu.memory_space<vmem>>
    %dma_wait3A_612 = arith.constant 0 : i32
    %dma_wait3A_613 = tpu.memref_slice %arg4[%add3A_558, %dma_wait3A_612] : memref<102400x32xf32, #tpu.memory_space<hbm>> -> memref<640x32xf32, #tpu.memory_space<hbm>>
    %dma_wait3A_614 = arith.constant 0 : i32
    %dma_wait3A_615 = tpu.memref_slice %arg4[%add3A_558, %dma_wait3A_614] : memref<102400x32xf32, #tpu.memory_space<hbm>> -> memref<640x32xf32, #tpu.memory_space<hbm>>
    %dma_wait3A_616 = arith.constant 2560 : i32
    %dma_wait3A_617 = arith.constant 0 : i32
    %dma_wait3A_618 = tpu.memref_slice %arg6[%dma_wait3A_616, %dma_wait3A_617] : memref<3200x32xf32, #tpu.memory_space<vmem>> -> memref<640x32xf32, #tpu.memory_space<vmem>>
    tpu.wait_dma2 semaphore(%arg8 : memref<!tpu.dma_semaphore, #tpu.memory_space<semaphore_mem>>) src(%dma_wait3A_618 : memref<640x32xf32, #tpu.memory_space<vmem>>) dst(%dma_wait3A_615 : memref<640x32xf32, #tpu.memory_space<hbm>>)
    return
  }
}

#map = affine_map<(d0, d1) -> (0, 0)>
#map1 = affine_map<(d0, d1) -> (0, 0, 0, 0)>
#map2 = affine_map<(d0, d1) -> (0, 0, 0)>
module attributes {stable_mosaic.version = 14 : i64} {
  func.func @scatter_k(%arg0: i32, %arg1: i32, %arg2: memref<102400x32xf32, #tpu.memory_space<hbm>>, %arg3: memref<2x16x50x128xi32, #tpu.memory_space<hbm>>, %arg4: memref<1800x32xf32, #tpu.memory_space<hbm>>, %arg5: memref<2x28800x32xf32, #tpu.memory_space<hbm>>, %arg6: memref<2x640x32xf32, #tpu.memory_space<vmem>>, %arg7: memref<50x128xi32, #tpu.memory_space<vmem>>, %arg8: memref<28800x32xf32, #tpu.memory_space<vmem_shared>>, %arg9: memref<!tpu.dma_semaphore, #tpu.memory_space<semaphore_mem>>, %arg10: memref<!tpu.dma_semaphore, #tpu.memory_space<semaphore_mem>>) attributes {dimension_semantics = [#tpu.dimension_semantics<core_parallel>, #tpu.dimension_semantics<subcore_parallel>], iteration_bounds = array<i64: 2, 16>, scalar_prefetch = 0 : i64, scratch_operands = 5 : i64, tpu.core_type = #tpu.core_type<sc_vector_subcore>, window_params = [{transform_indices = #map}, {transform_indices = #map1}, {transform_indices = #map}, {transform_indices = #map2}]} {
    %mul3A = arith.constant 1800 : i32
    %mul3A_0 = arith.muli %arg1, %mul3A : i32
    "tpu.region"() ({
      %run_scoped3A = tpu.sem_alloc : memref<!tpu.dma_semaphore, #tpu.memory_space<semaphore_mem>>
      %dma_start3A_1501 = arith.constant 0 : i32
      %dma_start3A_1502 = tpu.memref_slice %arg8[%mul3A_0, %dma_start3A_1501] : memref<28800x32xf32, #tpu.memory_space<vmem_shared>> -> memref<1800x32xf32, #tpu.memory_space<vmem_shared>>
      tpu.enqueue_dma source(%arg4 : memref<1800x32xf32, #tpu.memory_space<hbm>>) target(%dma_start3A_1502 : memref<1800x32xf32, #tpu.memory_space<vmem_shared>>) target_semaphore(%run_scoped3A : memref<!tpu.dma_semaphore, #tpu.memory_space<semaphore_mem>>)
      %dma_wait3A_1503 = arith.constant 0 : i32
      %dma_wait3A_1504 = tpu.memref_slice %arg8[%mul3A_0, %dma_wait3A_1503] : memref<28800x32xf32, #tpu.memory_space<vmem_shared>> -> memref<1800x32xf32, #tpu.memory_space<vmem_shared>>
      tpu.wait_dma2 semaphore(%run_scoped3A : memref<!tpu.dma_semaphore, #tpu.memory_space<semaphore_mem>>) src(%arg4 : memref<1800x32xf32, #tpu.memory_space<hbm>>) dst(%dma_wait3A_1504 : memref<1800x32xf32, #tpu.memory_space<vmem_shared>>)
      tpu.yield
    }) : () -> ()
    "tpu.region"() ({
      %run_scoped3A = tpu.sem_alloc : memref<!tpu.dma_semaphore, #tpu.memory_space<semaphore_mem>>
      %dma_start3A_1501 = arith.constant 0 : i32
      %dma_start3A_1502 = arith.constant 0 : i32
      %dma_start3A_1503 = tpu.memref_slice %arg3[%arg0, %arg1, %dma_start3A_1501, %dma_start3A_1502] : memref<2x16x50x128xi32, #tpu.memory_space<hbm>> -> memref<1x1x50x128xi32, #tpu.memory_space<hbm>>
      %dma_start3A_1504 = tpu.memref_squeeze %dma_start3A_1503 : memref<1x1x50x128xi32, #tpu.memory_space<hbm>> -> memref<50x128xi32, #tpu.memory_space<hbm>>
      %dma_start3A_1505 = arith.constant 0 : i32
      %dma_start3A_1506 = arith.constant 0 : i32
      %dma_start3A_1507 = tpu.memref_slice %arg3[%arg0, %arg1, %dma_start3A_1505, %dma_start3A_1506] : memref<2x16x50x128xi32, #tpu.memory_space<hbm>> -> memref<1x1x50x128xi32, #tpu.memory_space<hbm>>
      %dma_start3A_1508 = tpu.memref_squeeze %dma_start3A_1507 : memref<1x1x50x128xi32, #tpu.memory_space<hbm>> -> memref<50x128xi32, #tpu.memory_space<hbm>>
      tpu.enqueue_dma source(%dma_start3A_1508 : memref<50x128xi32, #tpu.memory_space<hbm>>) target(%arg7 : memref<50x128xi32, #tpu.memory_space<vmem>>) target_semaphore(%run_scoped3A : memref<!tpu.dma_semaphore, #tpu.memory_space<semaphore_mem>>)
      %dma_wait3A_1509 = arith.constant 0 : i32
      %dma_wait3A_1510 = arith.constant 0 : i32
      %dma_wait3A_1511 = tpu.memref_slice %arg3[%arg0, %arg1, %dma_wait3A_1509, %dma_wait3A_1510] : memref<2x16x50x128xi32, #tpu.memory_space<hbm>> -> memref<1x1x50x128xi32, #tpu.memory_space<hbm>>
      %dma_wait3A_1512 = tpu.memref_squeeze %dma_wait3A_1511 : memref<1x1x50x128xi32, #tpu.memory_space<hbm>> -> memref<50x128xi32, #tpu.memory_space<hbm>>
      %dma_wait3A_1513 = arith.constant 0 : i32
      %dma_wait3A_1514 = arith.constant 0 : i32
      %dma_wait3A_1515 = tpu.memref_slice %arg3[%arg0, %arg1, %dma_wait3A_1513, %dma_wait3A_1514] : memref<2x16x50x128xi32, #tpu.memory_space<hbm>> -> memref<1x1x50x128xi32, #tpu.memory_space<hbm>>
      %dma_wait3A_1516 = tpu.memref_squeeze %dma_wait3A_1515 : memref<1x1x50x128xi32, #tpu.memory_space<hbm>> -> memref<50x128xi32, #tpu.memory_space<hbm>>
      tpu.wait_dma2 semaphore(%run_scoped3A : memref<!tpu.dma_semaphore, #tpu.memory_space<semaphore_mem>>) src(%dma_wait3A_1516 : memref<50x128xi32, #tpu.memory_space<hbm>>) dst(%arg7 : memref<50x128xi32, #tpu.memory_space<vmem>>)
      tpu.yield
    }) : () -> ()
    %barrier3A = arith.constant 0 : index
    tpu.barrier barrier_id(%barrier3A)
    %mul3A_1 = arith.constant 6400 : i32
    %mul3A_2 = arith.muli %arg1, %mul3A_1 : i32
    %dma_start3A = arith.constant 0 : i32
    %dma_start3A_3 = arith.constant 0 : i32
    %dma_start3A_4 = arith.constant 0 : i32
    %dma_start3A_5 = tpu.memref_slice %arg6[%dma_start3A, %dma_start3A_3, %dma_start3A_4] : memref<2x640x32xf32, #tpu.memory_space<vmem>> -> memref<1x640x32xf32, #tpu.memory_space<vmem>>
    %dma_start3A_6 = tpu.memref_squeeze %dma_start3A_5 : memref<1x640x32xf32, #tpu.memory_space<vmem>> -> memref<640x32xf32, #tpu.memory_space<vmem>>
    %dma_start3A_7 = arith.constant 0 : i32
    %dma_start3A_8 = tpu.memref_slice %arg2[%mul3A_2, %dma_start3A_7] : memref<102400x32xf32, #tpu.memory_space<hbm>> -> memref<640x32xf32, #tpu.memory_space<hbm>>
    %dma_start3A_9 = arith.constant 0 : i32
    %dma_start3A_10 = arith.constant 0 : i32
    %dma_start3A_11 = tpu.memref_slice %arg6[%dma_start3A, %dma_start3A_9, %dma_start3A_10] : memref<2x640x32xf32, #tpu.memory_space<vmem>> -> memref<1x640x32xf32, #tpu.memory_space<vmem>>
    %dma_start3A_12 = tpu.memref_squeeze %dma_start3A_11 : memref<1x640x32xf32, #tpu.memory_space<vmem>> -> memref<640x32xf32, #tpu.memory_space<vmem>>
    %dma_start3A_13 = arith.constant 0 : i32
    %dma_start3A_14 = tpu.memref_slice %arg2[%mul3A_2, %dma_start3A_13] : memref<102400x32xf32, #tpu.memory_space<hbm>> -> memref<640x32xf32, #tpu.memory_space<hbm>>
    tpu.enqueue_dma source(%dma_start3A_14 : memref<640x32xf32, #tpu.memory_space<hbm>>) target(%dma_start3A_12 : memref<640x32xf32, #tpu.memory_space<vmem>>) target_semaphore(%arg10 : memref<!tpu.dma_semaphore, #tpu.memory_space<semaphore_mem>>)
    %mul3A_15 = arith.constant 6400 : i32
    %mul3A_16 = arith.muli %arg1, %mul3A_15 : i32
    %add3A = arith.constant 640 : i32
    %add3A_17 = arith.addi %mul3A_16, %add3A : i32
    %dma_start3A_18 = arith.constant 1 : i32
    %dma_start3A_19 = arith.constant 0 : i32
    %dma_start3A_20 = arith.constant 0 : i32
    %dma_start3A_21 = tpu.memref_slice %arg6[%dma_start3A_18, %dma_start3A_19, %dma_start3A_20] : memref<2x640x32xf32, #tpu.memory_space<vmem>> -> memref<1x640x32xf32, #tpu.memory_space<vmem>>
    %dma_start3A_22 = tpu.memref_squeeze %dma_start3A_21 : memref<1x640x32xf32, #tpu.memory_space<vmem>> -> memref<640x32xf32, #tpu.memory_space<vmem>>
    %dma_start3A_23 = arith.constant 0 : i32
    %dma_start3A_24 = tpu.memref_slice %arg2[%add3A_17, %dma_start3A_23] : memref<102400x32xf32, #tpu.memory_space<hbm>> -> memref<640x32xf32, #tpu.memory_space<hbm>>
    %dma_start3A_25 = arith.constant 0 : i32
    %dma_start3A_26 = arith.constant 0 : i32
    %dma_start3A_27 = tpu.memref_slice %arg6[%dma_start3A_18, %dma_start3A_25, %dma_start3A_26] : memref<2x640x32xf32, #tpu.memory_space<vmem>> -> memref<1x640x32xf32, #tpu.memory_space<vmem>>
    %dma_start3A_28 = tpu.memref_squeeze %dma_start3A_27 : memref<1x640x32xf32, #tpu.memory_space<vmem>> -> memref<640x32xf32, #tpu.memory_space<vmem>>
    %dma_start3A_29 = arith.constant 0 : i32
    %dma_start3A_30 = tpu.memref_slice %arg2[%add3A_17, %dma_start3A_29] : memref<102400x32xf32, #tpu.memory_space<hbm>> -> memref<640x32xf32, #tpu.memory_space<hbm>>
    tpu.enqueue_dma source(%dma_start3A_30 : memref<640x32xf32, #tpu.memory_space<hbm>>) target(%dma_start3A_28 : memref<640x32xf32, #tpu.memory_space<vmem>>) target_semaphore(%arg10 : memref<!tpu.dma_semaphore, #tpu.memory_space<semaphore_mem>>)
    %dma_wait3A = arith.constant 0 : i32
    %dma_wait3A_31 = arith.constant 0 : i32
    %dma_wait3A_32 = arith.constant 0 : i32
    %dma_wait3A_33 = tpu.memref_slice %arg6[%dma_wait3A, %dma_wait3A_31, %dma_wait3A_32] : memref<2x640x32xf32, #tpu.memory_space<vmem>> -> memref<1x640x32xf32, #tpu.memory_space<vmem>>
    %dma_wait3A_34 = tpu.memref_squeeze %dma_wait3A_33 : memref<1x640x32xf32, #tpu.memory_space<vmem>> -> memref<640x32xf32, #tpu.memory_space<vmem>>
    %dma_wait3A_35 = arith.constant 0 : i32
    %dma_wait3A_36 = tpu.memref_slice %arg2[%mul3A_2, %dma_wait3A_35] : memref<102400x32xf32, #tpu.memory_space<hbm>> -> memref<640x32xf32, #tpu.memory_space<hbm>>
    %dma_wait3A_37 = arith.constant 0 : i32
    %dma_wait3A_38 = arith.constant 0 : i32
    %dma_wait3A_39 = tpu.memref_slice %arg6[%dma_wait3A, %dma_wait3A_37, %dma_wait3A_38] : memref<2x640x32xf32, #tpu.memory_space<vmem>> -> memref<1x640x32xf32, #tpu.memory_space<vmem>>
    %dma_wait3A_40 = tpu.memref_squeeze %dma_wait3A_39 : memref<1x640x32xf32, #tpu.memory_space<vmem>> -> memref<640x32xf32, #tpu.memory_space<vmem>>
    %dma_wait3A_41 = arith.constant 0 : i32
    %dma_wait3A_42 = tpu.memref_slice %arg2[%mul3A_2, %dma_wait3A_41] : memref<102400x32xf32, #tpu.memory_space<hbm>> -> memref<640x32xf32, #tpu.memory_space<hbm>>
    tpu.wait_dma2 semaphore(%arg10 : memref<!tpu.dma_semaphore, #tpu.memory_space<semaphore_mem>>) src(%dma_wait3A_42 : memref<640x32xf32, #tpu.memory_space<hbm>>) dst(%dma_wait3A_40 : memref<640x32xf32, #tpu.memory_space<vmem>>)
    %dma_start3A_43 = arith.constant 0 : i32
    %dma_start3A_44 = arith.constant 0 : i32
    %dma_start3A_45 = arith.constant 0 : i32
    %dma_start3A_46 = arith.constant 0 : i32
    %dma_start3A_47 = tpu.memref_slice %arg6[%dma_start3A_43, %dma_start3A_45, %dma_start3A_46] : memref<2x640x32xf32, #tpu.memory_space<vmem>> -> memref<1x128x32xf32, #tpu.memory_space<vmem>>
    %dma_start3A_48 = tpu.memref_squeeze %dma_start3A_47 : memref<1x128x32xf32, #tpu.memory_space<vmem>> -> memref<128x32xf32, #tpu.memory_space<vmem>>
    %dma_start3A_49 = arith.constant 0 : i32
    %dma_start3A_50 = tpu.memref_slice %arg7[%dma_start3A_44, %dma_start3A_49] : memref<50x128xi32, #tpu.memory_space<vmem>> -> memref<1x128xi32, #tpu.memory_space<vmem>>
    %dma_start3A_51 = tpu.memref_squeeze %dma_start3A_50 : memref<1x128xi32, #tpu.memory_space<vmem>> -> memref<128xi32, #tpu.memory_space<vmem>>
    %dma_start3A_52 = arith.constant 0 : i32
    %dma_start3A_53 = arith.constant 0 : i32
    %dma_start3A_54 = tpu.memref_slice %arg8[%dma_start3A_52, %dma_start3A_53] : memref<28800x32xf32, #tpu.memory_space<vmem_shared>> -> memref<28800x32xf32, #tpu.memory_space<vmem_shared>>
    tpu.enqueue_indirect_dma source(%dma_start3A_48 : memref<128x32xf32, #tpu.memory_space<vmem>>) target(%dma_start3A_54 : memref<28800x32xf32, #tpu.memory_space<vmem_shared>>) offsets(%dma_start3A_51 : memref<128xi32, #tpu.memory_space<vmem>>) semaphore(%arg9 : memref<!tpu.dma_semaphore, #tpu.memory_space<semaphore_mem>>) {add = true}
    %dma_start3A_55 = arith.constant 0 : i32
    %dma_start3A_56 = arith.constant 1 : i32
    %dma_start3A_57 = arith.constant 128 : i32
    %dma_start3A_58 = arith.constant 0 : i32
    %dma_start3A_59 = tpu.memref_slice %arg6[%dma_start3A_55, %dma_start3A_57, %dma_start3A_58] : memref<2x640x32xf32, #tpu.memory_space<vmem>> -> memref<1x128x32xf32, #tpu.memory_space<vmem>>
    %dma_start3A_60 = tpu.memref_squeeze %dma_start3A_59 : memref<1x128x32xf32, #tpu.memory_space<vmem>> -> memref<128x32xf32, #tpu.memory_space<vmem>>
    %dma_start3A_61 = arith.constant 0 : i32
    %dma_start3A_62 = tpu.memref_slice %arg7[%dma_start3A_56, %dma_start3A_61] : memref<50x128xi32, #tpu.memory_space<vmem>> -> memref<1x128xi32, #tpu.memory_space<vmem>>
    %dma_start3A_63 = tpu.memref_squeeze %dma_start3A_62 : memref<1x128xi32, #tpu.memory_space<vmem>> -> memref<128xi32, #tpu.memory_space<vmem>>
    %dma_start3A_64 = arith.constant 0 : i32
    %dma_start3A_65 = arith.constant 0 : i32
    %dma_start3A_66 = tpu.memref_slice %arg8[%dma_start3A_64, %dma_start3A_65] : memref<28800x32xf32, #tpu.memory_space<vmem_shared>> -> memref<28800x32xf32, #tpu.memory_space<vmem_shared>>
    tpu.enqueue_indirect_dma source(%dma_start3A_60 : memref<128x32xf32, #tpu.memory_space<vmem>>) target(%dma_start3A_66 : memref<28800x32xf32, #tpu.memory_space<vmem_shared>>) offsets(%dma_start3A_63 : memref<128xi32, #tpu.memory_space<vmem>>) semaphore(%arg9 : memref<!tpu.dma_semaphore, #tpu.memory_space<semaphore_mem>>) {add = true}
    %dma_start3A_67 = arith.constant 0 : i32
    %dma_start3A_68 = arith.constant 2 : i32
    %dma_start3A_69 = arith.constant 256 : i32
    %dma_start3A_70 = arith.constant 0 : i32
    %dma_start3A_71 = tpu.memref_slice %arg6[%dma_start3A_67, %dma_start3A_69, %dma_start3A_70] : memref<2x640x32xf32, #tpu.memory_space<vmem>> -> memref<1x128x32xf32, #tpu.memory_space<vmem>>
    %dma_start3A_72 = tpu.memref_squeeze %dma_start3A_71 : memref<1x128x32xf32, #tpu.memory_space<vmem>> -> memref<128x32xf32, #tpu.memory_space<vmem>>
    %dma_start3A_73 = arith.constant 0 : i32
    %dma_start3A_74 = tpu.memref_slice %arg7[%dma_start3A_68, %dma_start3A_73] : memref<50x128xi32, #tpu.memory_space<vmem>> -> memref<1x128xi32, #tpu.memory_space<vmem>>
    %dma_start3A_75 = tpu.memref_squeeze %dma_start3A_74 : memref<1x128xi32, #tpu.memory_space<vmem>> -> memref<128xi32, #tpu.memory_space<vmem>>
    %dma_start3A_76 = arith.constant 0 : i32
    %dma_start3A_77 = arith.constant 0 : i32
    %dma_start3A_78 = tpu.memref_slice %arg8[%dma_start3A_76, %dma_start3A_77] : memref<28800x32xf32, #tpu.memory_space<vmem_shared>> -> memref<28800x32xf32, #tpu.memory_space<vmem_shared>>
    tpu.enqueue_indirect_dma source(%dma_start3A_72 : memref<128x32xf32, #tpu.memory_space<vmem>>) target(%dma_start3A_78 : memref<28800x32xf32, #tpu.memory_space<vmem_shared>>) offsets(%dma_start3A_75 : memref<128xi32, #tpu.memory_space<vmem>>) semaphore(%arg9 : memref<!tpu.dma_semaphore, #tpu.memory_space<semaphore_mem>>) {add = true}
    %dma_start3A_79 = arith.constant 0 : i32
    %dma_start3A_80 = arith.constant 3 : i32
    %dma_start3A_81 = arith.constant 384 : i32
    %dma_start3A_82 = arith.constant 0 : i32
    %dma_start3A_83 = tpu.memref_slice %arg6[%dma_start3A_79, %dma_start3A_81, %dma_start3A_82] : memref<2x640x32xf32, #tpu.memory_space<vmem>> -> memref<1x128x32xf32, #tpu.memory_space<vmem>>
    %dma_start3A_84 = tpu.memref_squeeze %dma_start3A_83 : memref<1x128x32xf32, #tpu.memory_space<vmem>> -> memref<128x32xf32, #tpu.memory_space<vmem>>
    %dma_start3A_85 = arith.constant 0 : i32
    %dma_start3A_86 = tpu.memref_slice %arg7[%dma_start3A_80, %dma_start3A_85] : memref<50x128xi32, #tpu.memory_space<vmem>> -> memref<1x128xi32, #tpu.memory_space<vmem>>
    %dma_start3A_87 = tpu.memref_squeeze %dma_start3A_86 : memref<1x128xi32, #tpu.memory_space<vmem>> -> memref<128xi32, #tpu.memory_space<vmem>>
    %dma_start3A_88 = arith.constant 0 : i32
    %dma_start3A_89 = arith.constant 0 : i32
    %dma_start3A_90 = tpu.memref_slice %arg8[%dma_start3A_88, %dma_start3A_89] : memref<28800x32xf32, #tpu.memory_space<vmem_shared>> -> memref<28800x32xf32, #tpu.memory_space<vmem_shared>>
    tpu.enqueue_indirect_dma source(%dma_start3A_84 : memref<128x32xf32, #tpu.memory_space<vmem>>) target(%dma_start3A_90 : memref<28800x32xf32, #tpu.memory_space<vmem_shared>>) offsets(%dma_start3A_87 : memref<128xi32, #tpu.memory_space<vmem>>) semaphore(%arg9 : memref<!tpu.dma_semaphore, #tpu.memory_space<semaphore_mem>>) {add = true}
    %dma_start3A_91 = arith.constant 0 : i32
    %dma_start3A_92 = arith.constant 4 : i32
    %dma_start3A_93 = arith.constant 512 : i32
    %dma_start3A_94 = arith.constant 0 : i32
    %dma_start3A_95 = tpu.memref_slice %arg6[%dma_start3A_91, %dma_start3A_93, %dma_start3A_94] : memref<2x640x32xf32, #tpu.memory_space<vmem>> -> memref<1x128x32xf32, #tpu.memory_space<vmem>>
    %dma_start3A_96 = tpu.memref_squeeze %dma_start3A_95 : memref<1x128x32xf32, #tpu.memory_space<vmem>> -> memref<128x32xf32, #tpu.memory_space<vmem>>
    %dma_start3A_97 = arith.constant 0 : i32
    %dma_start3A_98 = tpu.memref_slice %arg7[%dma_start3A_92, %dma_start3A_97] : memref<50x128xi32, #tpu.memory_space<vmem>> -> memref<1x128xi32, #tpu.memory_space<vmem>>
    %dma_start3A_99 = tpu.memref_squeeze %dma_start3A_98 : memref<1x128xi32, #tpu.memory_space<vmem>> -> memref<128xi32, #tpu.memory_space<vmem>>
    %dma_start3A_100 = arith.constant 0 : i32
    %dma_start3A_101 = arith.constant 0 : i32
    %dma_start3A_102 = tpu.memref_slice %arg8[%dma_start3A_100, %dma_start3A_101] : memref<28800x32xf32, #tpu.memory_space<vmem_shared>> -> memref<28800x32xf32, #tpu.memory_space<vmem_shared>>
    tpu.enqueue_indirect_dma source(%dma_start3A_96 : memref<128x32xf32, #tpu.memory_space<vmem>>) target(%dma_start3A_102 : memref<28800x32xf32, #tpu.memory_space<vmem_shared>>) offsets(%dma_start3A_99 : memref<128xi32, #tpu.memory_space<vmem>>) semaphore(%arg9 : memref<!tpu.dma_semaphore, #tpu.memory_space<semaphore_mem>>) {add = true}
    %dma_wait3A_103 = arith.constant 0 : i32
    %dma_wait3A_104 = arith.constant 0 : i32
    %dma_wait3A_105 = arith.constant 0 : i32
    %dma_wait3A_106 = arith.constant 0 : i32
    %dma_wait3A_107 = tpu.memref_slice %arg6[%dma_wait3A_103, %dma_wait3A_105, %dma_wait3A_106] : memref<2x640x32xf32, #tpu.memory_space<vmem>> -> memref<1x128x32xf32, #tpu.memory_space<vmem>>
    %dma_wait3A_108 = tpu.memref_squeeze %dma_wait3A_107 : memref<1x128x32xf32, #tpu.memory_space<vmem>> -> memref<128x32xf32, #tpu.memory_space<vmem>>
    %dma_wait3A_109 = arith.constant 0 : i32
    %dma_wait3A_110 = tpu.memref_slice %arg7[%dma_wait3A_104, %dma_wait3A_109] : memref<50x128xi32, #tpu.memory_space<vmem>> -> memref<1x128xi32, #tpu.memory_space<vmem>>
    %dma_wait3A_111 = tpu.memref_squeeze %dma_wait3A_110 : memref<1x128xi32, #tpu.memory_space<vmem>> -> memref<128xi32, #tpu.memory_space<vmem>>
    %dma_wait3A_112 = arith.constant 0 : i32
    %dma_wait3A_113 = arith.constant 0 : i32
    %dma_wait3A_114 = tpu.memref_slice %arg8[%dma_wait3A_112, %dma_wait3A_113] : memref<28800x32xf32, #tpu.memory_space<vmem_shared>> -> memref<28800x32xf32, #tpu.memory_space<vmem_shared>>
    tpu.wait_indirect_dma semaphore(%arg9 : memref<!tpu.dma_semaphore, #tpu.memory_space<semaphore_mem>>) src(%dma_wait3A_108 : memref<128x32xf32, #tpu.memory_space<vmem>>) dst(%dma_wait3A_114 : memref<28800x32xf32, #tpu.memory_space<vmem_shared>>)
    %dma_wait3A_115 = arith.constant 0 : i32
    %dma_wait3A_116 = arith.constant 1 : i32
    %dma_wait3A_117 = arith.constant 128 : i32
    %dma_wait3A_118 = arith.constant 0 : i32
    %dma_wait3A_119 = tpu.memref_slice %arg6[%dma_wait3A_115, %dma_wait3A_117, %dma_wait3A_118] : memref<2x640x32xf32, #tpu.memory_space<vmem>> -> memref<1x128x32xf32, #tpu.memory_space<vmem>>
    %dma_wait3A_120 = tpu.memref_squeeze %dma_wait3A_119 : memref<1x128x32xf32, #tpu.memory_space<vmem>> -> memref<128x32xf32, #tpu.memory_space<vmem>>
    %dma_wait3A_121 = arith.constant 0 : i32
    %dma_wait3A_122 = tpu.memref_slice %arg7[%dma_wait3A_116, %dma_wait3A_121] : memref<50x128xi32, #tpu.memory_space<vmem>> -> memref<1x128xi32, #tpu.memory_space<vmem>>
    %dma_wait3A_123 = tpu.memref_squeeze %dma_wait3A_122 : memref<1x128xi32, #tpu.memory_space<vmem>> -> memref<128xi32, #tpu.memory_space<vmem>>
    %dma_wait3A_124 = arith.constant 0 : i32
    %dma_wait3A_125 = arith.constant 0 : i32
    %dma_wait3A_126 = tpu.memref_slice %arg8[%dma_wait3A_124, %dma_wait3A_125] : memref<28800x32xf32, #tpu.memory_space<vmem_shared>> -> memref<28800x32xf32, #tpu.memory_space<vmem_shared>>
    tpu.wait_indirect_dma semaphore(%arg9 : memref<!tpu.dma_semaphore, #tpu.memory_space<semaphore_mem>>) src(%dma_wait3A_120 : memref<128x32xf32, #tpu.memory_space<vmem>>) dst(%dma_wait3A_126 : memref<28800x32xf32, #tpu.memory_space<vmem_shared>>)
    %dma_wait3A_127 = arith.constant 0 : i32
    %dma_wait3A_128 = arith.constant 2 : i32
    %dma_wait3A_129 = arith.constant 256 : i32
    %dma_wait3A_130 = arith.constant 0 : i32
    %dma_wait3A_131 = tpu.memref_slice %arg6[%dma_wait3A_127, %dma_wait3A_129, %dma_wait3A_130] : memref<2x640x32xf32, #tpu.memory_space<vmem>> -> memref<1x128x32xf32, #tpu.memory_space<vmem>>
    %dma_wait3A_132 = tpu.memref_squeeze %dma_wait3A_131 : memref<1x128x32xf32, #tpu.memory_space<vmem>> -> memref<128x32xf32, #tpu.memory_space<vmem>>
    %dma_wait3A_133 = arith.constant 0 : i32
    %dma_wait3A_134 = tpu.memref_slice %arg7[%dma_wait3A_128, %dma_wait3A_133] : memref<50x128xi32, #tpu.memory_space<vmem>> -> memref<1x128xi32, #tpu.memory_space<vmem>>
    %dma_wait3A_135 = tpu.memref_squeeze %dma_wait3A_134 : memref<1x128xi32, #tpu.memory_space<vmem>> -> memref<128xi32, #tpu.memory_space<vmem>>
    %dma_wait3A_136 = arith.constant 0 : i32
    %dma_wait3A_137 = arith.constant 0 : i32
    %dma_wait3A_138 = tpu.memref_slice %arg8[%dma_wait3A_136, %dma_wait3A_137] : memref<28800x32xf32, #tpu.memory_space<vmem_shared>> -> memref<28800x32xf32, #tpu.memory_space<vmem_shared>>
    tpu.wait_indirect_dma semaphore(%arg9 : memref<!tpu.dma_semaphore, #tpu.memory_space<semaphore_mem>>) src(%dma_wait3A_132 : memref<128x32xf32, #tpu.memory_space<vmem>>) dst(%dma_wait3A_138 : memref<28800x32xf32, #tpu.memory_space<vmem_shared>>)
    %dma_wait3A_139 = arith.constant 0 : i32
    %dma_wait3A_140 = arith.constant 3 : i32
    %dma_wait3A_141 = arith.constant 384 : i32
    %dma_wait3A_142 = arith.constant 0 : i32
    %dma_wait3A_143 = tpu.memref_slice %arg6[%dma_wait3A_139, %dma_wait3A_141, %dma_wait3A_142] : memref<2x640x32xf32, #tpu.memory_space<vmem>> -> memref<1x128x32xf32, #tpu.memory_space<vmem>>
    %dma_wait3A_144 = tpu.memref_squeeze %dma_wait3A_143 : memref<1x128x32xf32, #tpu.memory_space<vmem>> -> memref<128x32xf32, #tpu.memory_space<vmem>>
    %dma_wait3A_145 = arith.constant 0 : i32
    %dma_wait3A_146 = tpu.memref_slice %arg7[%dma_wait3A_140, %dma_wait3A_145] : memref<50x128xi32, #tpu.memory_space<vmem>> -> memref<1x128xi32, #tpu.memory_space<vmem>>
    %dma_wait3A_147 = tpu.memref_squeeze %dma_wait3A_146 : memref<1x128xi32, #tpu.memory_space<vmem>> -> memref<128xi32, #tpu.memory_space<vmem>>
    %dma_wait3A_148 = arith.constant 0 : i32
    %dma_wait3A_149 = arith.constant 0 : i32
    %dma_wait3A_150 = tpu.memref_slice %arg8[%dma_wait3A_148, %dma_wait3A_149] : memref<28800x32xf32, #tpu.memory_space<vmem_shared>> -> memref<28800x32xf32, #tpu.memory_space<vmem_shared>>
    tpu.wait_indirect_dma semaphore(%arg9 : memref<!tpu.dma_semaphore, #tpu.memory_space<semaphore_mem>>) src(%dma_wait3A_144 : memref<128x32xf32, #tpu.memory_space<vmem>>) dst(%dma_wait3A_150 : memref<28800x32xf32, #tpu.memory_space<vmem_shared>>)
    %dma_wait3A_151 = arith.constant 0 : i32
    %dma_wait3A_152 = arith.constant 4 : i32
    %dma_wait3A_153 = arith.constant 512 : i32
    %dma_wait3A_154 = arith.constant 0 : i32
    %dma_wait3A_155 = tpu.memref_slice %arg6[%dma_wait3A_151, %dma_wait3A_153, %dma_wait3A_154] : memref<2x640x32xf32, #tpu.memory_space<vmem>> -> memref<1x128x32xf32, #tpu.memory_space<vmem>>
    %dma_wait3A_156 = tpu.memref_squeeze %dma_wait3A_155 : memref<1x128x32xf32, #tpu.memory_space<vmem>> -> memref<128x32xf32, #tpu.memory_space<vmem>>
    %dma_wait3A_157 = arith.constant 0 : i32
    %dma_wait3A_158 = tpu.memref_slice %arg7[%dma_wait3A_152, %dma_wait3A_157] : memref<50x128xi32, #tpu.memory_space<vmem>> -> memref<1x128xi32, #tpu.memory_space<vmem>>
    %dma_wait3A_159 = tpu.memref_squeeze %dma_wait3A_158 : memref<1x128xi32, #tpu.memory_space<vmem>> -> memref<128xi32, #tpu.memory_space<vmem>>
    %dma_wait3A_160 = arith.constant 0 : i32
    %dma_wait3A_161 = arith.constant 0 : i32
    %dma_wait3A_162 = tpu.memref_slice %arg8[%dma_wait3A_160, %dma_wait3A_161] : memref<28800x32xf32, #tpu.memory_space<vmem_shared>> -> memref<28800x32xf32, #tpu.memory_space<vmem_shared>>
    tpu.wait_indirect_dma semaphore(%arg9 : memref<!tpu.dma_semaphore, #tpu.memory_space<semaphore_mem>>) src(%dma_wait3A_156 : memref<128x32xf32, #tpu.memory_space<vmem>>) dst(%dma_wait3A_162 : memref<28800x32xf32, #tpu.memory_space<vmem_shared>>)
    %mul3A_163 = arith.constant 6400 : i32
    %mul3A_164 = arith.muli %arg1, %mul3A_163 : i32
    %add3A_165 = arith.constant 1280 : i32
    %add3A_166 = arith.addi %mul3A_164, %add3A_165 : i32
    %dma_start3A_167 = arith.constant 0 : i32
    %dma_start3A_168 = arith.constant 0 : i32
    %dma_start3A_169 = arith.constant 0 : i32
    %dma_start3A_170 = tpu.memref_slice %arg6[%dma_start3A_167, %dma_start3A_168, %dma_start3A_169] : memref<2x640x32xf32, #tpu.memory_space<vmem>> -> memref<1x640x32xf32, #tpu.memory_space<vmem>>
    %dma_start3A_171 = tpu.memref_squeeze %dma_start3A_170 : memref<1x640x32xf32, #tpu.memory_space<vmem>> -> memref<640x32xf32, #tpu.memory_space<vmem>>
    %dma_start3A_172 = arith.constant 0 : i32
    %dma_start3A_173 = tpu.memref_slice %arg2[%add3A_166, %dma_start3A_172] : memref<102400x32xf32, #tpu.memory_space<hbm>> -> memref<640x32xf32, #tpu.memory_space<hbm>>
    %dma_start3A_174 = arith.constant 0 : i32
    %dma_start3A_175 = arith.constant 0 : i32
    %dma_start3A_176 = tpu.memref_slice %arg6[%dma_start3A_167, %dma_start3A_174, %dma_start3A_175] : memref<2x640x32xf32, #tpu.memory_space<vmem>> -> memref<1x640x32xf32, #tpu.memory_space<vmem>>
    %dma_start3A_177 = tpu.memref_squeeze %dma_start3A_176 : memref<1x640x32xf32, #tpu.memory_space<vmem>> -> memref<640x32xf32, #tpu.memory_space<vmem>>
    %dma_start3A_178 = arith.constant 0 : i32
    %dma_start3A_179 = tpu.memref_slice %arg2[%add3A_166, %dma_start3A_178] : memref<102400x32xf32, #tpu.memory_space<hbm>> -> memref<640x32xf32, #tpu.memory_space<hbm>>
    tpu.enqueue_dma source(%dma_start3A_179 : memref<640x32xf32, #tpu.memory_space<hbm>>) target(%dma_start3A_177 : memref<640x32xf32, #tpu.memory_space<vmem>>) target_semaphore(%arg10 : memref<!tpu.dma_semaphore, #tpu.memory_space<semaphore_mem>>)
    %dma_wait3A_180 = arith.constant 1 : i32
    %dma_wait3A_181 = arith.constant 0 : i32
    %dma_wait3A_182 = arith.constant 0 : i32
    %dma_wait3A_183 = tpu.memref_slice %arg6[%dma_wait3A_180, %dma_wait3A_181, %dma_wait3A_182] : memref<2x640x32xf32, #tpu.memory_space<vmem>> -> memref<1x640x32xf32, #tpu.memory_space<vmem>>
    %dma_wait3A_184 = tpu.memref_squeeze %dma_wait3A_183 : memref<1x640x32xf32, #tpu.memory_space<vmem>> -> memref<640x32xf32, #tpu.memory_space<vmem>>
    %dma_wait3A_185 = arith.constant 0 : i32
    %dma_wait3A_186 = tpu.memref_slice %arg2[%add3A_17, %dma_wait3A_185] : memref<102400x32xf32, #tpu.memory_space<hbm>> -> memref<640x32xf32, #tpu.memory_space<hbm>>
    %dma_wait3A_187 = arith.constant 0 : i32
    %dma_wait3A_188 = arith.constant 0 : i32
    %dma_wait3A_189 = tpu.memref_slice %arg6[%dma_wait3A_180, %dma_wait3A_187, %dma_wait3A_188] : memref<2x640x32xf32, #tpu.memory_space<vmem>> -> memref<1x640x32xf32, #tpu.memory_space<vmem>>
    %dma_wait3A_190 = tpu.memref_squeeze %dma_wait3A_189 : memref<1x640x32xf32, #tpu.memory_space<vmem>> -> memref<640x32xf32, #tpu.memory_space<vmem>>
    %dma_wait3A_191 = arith.constant 0 : i32
    %dma_wait3A_192 = tpu.memref_slice %arg2[%add3A_17, %dma_wait3A_191] : memref<102400x32xf32, #tpu.memory_space<hbm>> -> memref<640x32xf32, #tpu.memory_space<hbm>>
    tpu.wait_dma2 semaphore(%arg10 : memref<!tpu.dma_semaphore, #tpu.memory_space<semaphore_mem>>) src(%dma_wait3A_192 : memref<640x32xf32, #tpu.memory_space<hbm>>) dst(%dma_wait3A_190 : memref<640x32xf32, #tpu.memory_space<vmem>>)
    %dma_start3A_193 = arith.constant 1 : i32
    %dma_start3A_194 = arith.constant 5 : i32
    %dma_start3A_195 = arith.constant 0 : i32
    %dma_start3A_196 = arith.constant 0 : i32
    %dma_start3A_197 = tpu.memref_slice %arg6[%dma_start3A_193, %dma_start3A_195, %dma_start3A_196] : memref<2x640x32xf32, #tpu.memory_space<vmem>> -> memref<1x128x32xf32, #tpu.memory_space<vmem>>
    %dma_start3A_198 = tpu.memref_squeeze %dma_start3A_197 : memref<1x128x32xf32, #tpu.memory_space<vmem>> -> memref<128x32xf32, #tpu.memory_space<vmem>>
    %dma_start3A_199 = arith.constant 0 : i32
    %dma_start3A_200 = tpu.memref_slice %arg7[%dma_start3A_194, %dma_start3A_199] : memref<50x128xi32, #tpu.memory_space<vmem>> -> memref<1x128xi32, #tpu.memory_space<vmem>>
    %dma_start3A_201 = tpu.memref_squeeze %dma_start3A_200 : memref<1x128xi32, #tpu.memory_space<vmem>> -> memref<128xi32, #tpu.memory_space<vmem>>
    %dma_start3A_202 = arith.constant 0 : i32
    %dma_start3A_203 = arith.constant 0 : i32
    %dma_start3A_204 = tpu.memref_slice %arg8[%dma_start3A_202, %dma_start3A_203] : memref<28800x32xf32, #tpu.memory_space<vmem_shared>> -> memref<28800x32xf32, #tpu.memory_space<vmem_shared>>
    tpu.enqueue_indirect_dma source(%dma_start3A_198 : memref<128x32xf32, #tpu.memory_space<vmem>>) target(%dma_start3A_204 : memref<28800x32xf32, #tpu.memory_space<vmem_shared>>) offsets(%dma_start3A_201 : memref<128xi32, #tpu.memory_space<vmem>>) semaphore(%arg9 : memref<!tpu.dma_semaphore, #tpu.memory_space<semaphore_mem>>) {add = true}
    %dma_start3A_205 = arith.constant 1 : i32
    %dma_start3A_206 = arith.constant 6 : i32
    %dma_start3A_207 = arith.constant 128 : i32
    %dma_start3A_208 = arith.constant 0 : i32
    %dma_start3A_209 = tpu.memref_slice %arg6[%dma_start3A_205, %dma_start3A_207, %dma_start3A_208] : memref<2x640x32xf32, #tpu.memory_space<vmem>> -> memref<1x128x32xf32, #tpu.memory_space<vmem>>
    %dma_start3A_210 = tpu.memref_squeeze %dma_start3A_209 : memref<1x128x32xf32, #tpu.memory_space<vmem>> -> memref<128x32xf32, #tpu.memory_space<vmem>>
    %dma_start3A_211 = arith.constant 0 : i32
    %dma_start3A_212 = tpu.memref_slice %arg7[%dma_start3A_206, %dma_start3A_211] : memref<50x128xi32, #tpu.memory_space<vmem>> -> memref<1x128xi32, #tpu.memory_space<vmem>>
    %dma_start3A_213 = tpu.memref_squeeze %dma_start3A_212 : memref<1x128xi32, #tpu.memory_space<vmem>> -> memref<128xi32, #tpu.memory_space<vmem>>
    %dma_start3A_214 = arith.constant 0 : i32
    %dma_start3A_215 = arith.constant 0 : i32
    %dma_start3A_216 = tpu.memref_slice %arg8[%dma_start3A_214, %dma_start3A_215] : memref<28800x32xf32, #tpu.memory_space<vmem_shared>> -> memref<28800x32xf32, #tpu.memory_space<vmem_shared>>
    tpu.enqueue_indirect_dma source(%dma_start3A_210 : memref<128x32xf32, #tpu.memory_space<vmem>>) target(%dma_start3A_216 : memref<28800x32xf32, #tpu.memory_space<vmem_shared>>) offsets(%dma_start3A_213 : memref<128xi32, #tpu.memory_space<vmem>>) semaphore(%arg9 : memref<!tpu.dma_semaphore, #tpu.memory_space<semaphore_mem>>) {add = true}
    %dma_start3A_217 = arith.constant 1 : i32
    %dma_start3A_218 = arith.constant 7 : i32
    %dma_start3A_219 = arith.constant 256 : i32
    %dma_start3A_220 = arith.constant 0 : i32
    %dma_start3A_221 = tpu.memref_slice %arg6[%dma_start3A_217, %dma_start3A_219, %dma_start3A_220] : memref<2x640x32xf32, #tpu.memory_space<vmem>> -> memref<1x128x32xf32, #tpu.memory_space<vmem>>
    %dma_start3A_222 = tpu.memref_squeeze %dma_start3A_221 : memref<1x128x32xf32, #tpu.memory_space<vmem>> -> memref<128x32xf32, #tpu.memory_space<vmem>>
    %dma_start3A_223 = arith.constant 0 : i32
    %dma_start3A_224 = tpu.memref_slice %arg7[%dma_start3A_218, %dma_start3A_223] : memref<50x128xi32, #tpu.memory_space<vmem>> -> memref<1x128xi32, #tpu.memory_space<vmem>>
    %dma_start3A_225 = tpu.memref_squeeze %dma_start3A_224 : memref<1x128xi32, #tpu.memory_space<vmem>> -> memref<128xi32, #tpu.memory_space<vmem>>
    %dma_start3A_226 = arith.constant 0 : i32
    %dma_start3A_227 = arith.constant 0 : i32
    %dma_start3A_228 = tpu.memref_slice %arg8[%dma_start3A_226, %dma_start3A_227] : memref<28800x32xf32, #tpu.memory_space<vmem_shared>> -> memref<28800x32xf32, #tpu.memory_space<vmem_shared>>
    tpu.enqueue_indirect_dma source(%dma_start3A_222 : memref<128x32xf32, #tpu.memory_space<vmem>>) target(%dma_start3A_228 : memref<28800x32xf32, #tpu.memory_space<vmem_shared>>) offsets(%dma_start3A_225 : memref<128xi32, #tpu.memory_space<vmem>>) semaphore(%arg9 : memref<!tpu.dma_semaphore, #tpu.memory_space<semaphore_mem>>) {add = true}
    %dma_start3A_229 = arith.constant 1 : i32
    %dma_start3A_230 = arith.constant 8 : i32
    %dma_start3A_231 = arith.constant 384 : i32
    %dma_start3A_232 = arith.constant 0 : i32
    %dma_start3A_233 = tpu.memref_slice %arg6[%dma_start3A_229, %dma_start3A_231, %dma_start3A_232] : memref<2x640x32xf32, #tpu.memory_space<vmem>> -> memref<1x128x32xf32, #tpu.memory_space<vmem>>
    %dma_start3A_234 = tpu.memref_squeeze %dma_start3A_233 : memref<1x128x32xf32, #tpu.memory_space<vmem>> -> memref<128x32xf32, #tpu.memory_space<vmem>>
    %dma_start3A_235 = arith.constant 0 : i32
    %dma_start3A_236 = tpu.memref_slice %arg7[%dma_start3A_230, %dma_start3A_235] : memref<50x128xi32, #tpu.memory_space<vmem>> -> memref<1x128xi32, #tpu.memory_space<vmem>>
    %dma_start3A_237 = tpu.memref_squeeze %dma_start3A_236 : memref<1x128xi32, #tpu.memory_space<vmem>> -> memref<128xi32, #tpu.memory_space<vmem>>
    %dma_start3A_238 = arith.constant 0 : i32
    %dma_start3A_239 = arith.constant 0 : i32
    %dma_start3A_240 = tpu.memref_slice %arg8[%dma_start3A_238, %dma_start3A_239] : memref<28800x32xf32, #tpu.memory_space<vmem_shared>> -> memref<28800x32xf32, #tpu.memory_space<vmem_shared>>
    tpu.enqueue_indirect_dma source(%dma_start3A_234 : memref<128x32xf32, #tpu.memory_space<vmem>>) target(%dma_start3A_240 : memref<28800x32xf32, #tpu.memory_space<vmem_shared>>) offsets(%dma_start3A_237 : memref<128xi32, #tpu.memory_space<vmem>>) semaphore(%arg9 : memref<!tpu.dma_semaphore, #tpu.memory_space<semaphore_mem>>) {add = true}
    %dma_start3A_241 = arith.constant 1 : i32
    %dma_start3A_242 = arith.constant 9 : i32
    %dma_start3A_243 = arith.constant 512 : i32
    %dma_start3A_244 = arith.constant 0 : i32
    %dma_start3A_245 = tpu.memref_slice %arg6[%dma_start3A_241, %dma_start3A_243, %dma_start3A_244] : memref<2x640x32xf32, #tpu.memory_space<vmem>> -> memref<1x128x32xf32, #tpu.memory_space<vmem>>
    %dma_start3A_246 = tpu.memref_squeeze %dma_start3A_245 : memref<1x128x32xf32, #tpu.memory_space<vmem>> -> memref<128x32xf32, #tpu.memory_space<vmem>>
    %dma_start3A_247 = arith.constant 0 : i32
    %dma_start3A_248 = tpu.memref_slice %arg7[%dma_start3A_242, %dma_start3A_247] : memref<50x128xi32, #tpu.memory_space<vmem>> -> memref<1x128xi32, #tpu.memory_space<vmem>>
    %dma_start3A_249 = tpu.memref_squeeze %dma_start3A_248 : memref<1x128xi32, #tpu.memory_space<vmem>> -> memref<128xi32, #tpu.memory_space<vmem>>
    %dma_start3A_250 = arith.constant 0 : i32
    %dma_start3A_251 = arith.constant 0 : i32
    %dma_start3A_252 = tpu.memref_slice %arg8[%dma_start3A_250, %dma_start3A_251] : memref<28800x32xf32, #tpu.memory_space<vmem_shared>> -> memref<28800x32xf32, #tpu.memory_space<vmem_shared>>
    tpu.enqueue_indirect_dma source(%dma_start3A_246 : memref<128x32xf32, #tpu.memory_space<vmem>>) target(%dma_start3A_252 : memref<28800x32xf32, #tpu.memory_space<vmem_shared>>) offsets(%dma_start3A_249 : memref<128xi32, #tpu.memory_space<vmem>>) semaphore(%arg9 : memref<!tpu.dma_semaphore, #tpu.memory_space<semaphore_mem>>) {add = true}
    %dma_wait3A_253 = arith.constant 1 : i32
    %dma_wait3A_254 = arith.constant 5 : i32
    %dma_wait3A_255 = arith.constant 0 : i32
    %dma_wait3A_256 = arith.constant 0 : i32
    %dma_wait3A_257 = tpu.memref_slice %arg6[%dma_wait3A_253, %dma_wait3A_255, %dma_wait3A_256] : memref<2x640x32xf32, #tpu.memory_space<vmem>> -> memref<1x128x32xf32, #tpu.memory_space<vmem>>
    %dma_wait3A_258 = tpu.memref_squeeze %dma_wait3A_257 : memref<1x128x32xf32, #tpu.memory_space<vmem>> -> memref<128x32xf32, #tpu.memory_space<vmem>>
    %dma_wait3A_259 = arith.constant 0 : i32
    %dma_wait3A_260 = tpu.memref_slice %arg7[%dma_wait3A_254, %dma_wait3A_259] : memref<50x128xi32, #tpu.memory_space<vmem>> -> memref<1x128xi32, #tpu.memory_space<vmem>>
    %dma_wait3A_261 = tpu.memref_squeeze %dma_wait3A_260 : memref<1x128xi32, #tpu.memory_space<vmem>> -> memref<128xi32, #tpu.memory_space<vmem>>
    %dma_wait3A_262 = arith.constant 0 : i32
    %dma_wait3A_263 = arith.constant 0 : i32
    %dma_wait3A_264 = tpu.memref_slice %arg8[%dma_wait3A_262, %dma_wait3A_263] : memref<28800x32xf32, #tpu.memory_space<vmem_shared>> -> memref<28800x32xf32, #tpu.memory_space<vmem_shared>>
    tpu.wait_indirect_dma semaphore(%arg9 : memref<!tpu.dma_semaphore, #tpu.memory_space<semaphore_mem>>) src(%dma_wait3A_258 : memref<128x32xf32, #tpu.memory_space<vmem>>) dst(%dma_wait3A_264 : memref<28800x32xf32, #tpu.memory_space<vmem_shared>>)
    %dma_wait3A_265 = arith.constant 1 : i32
    %dma_wait3A_266 = arith.constant 6 : i32
    %dma_wait3A_267 = arith.constant 128 : i32
    %dma_wait3A_268 = arith.constant 0 : i32
    %dma_wait3A_269 = tpu.memref_slice %arg6[%dma_wait3A_265, %dma_wait3A_267, %dma_wait3A_268] : memref<2x640x32xf32, #tpu.memory_space<vmem>> -> memref<1x128x32xf32, #tpu.memory_space<vmem>>
    %dma_wait3A_270 = tpu.memref_squeeze %dma_wait3A_269 : memref<1x128x32xf32, #tpu.memory_space<vmem>> -> memref<128x32xf32, #tpu.memory_space<vmem>>
    %dma_wait3A_271 = arith.constant 0 : i32
    %dma_wait3A_272 = tpu.memref_slice %arg7[%dma_wait3A_266, %dma_wait3A_271] : memref<50x128xi32, #tpu.memory_space<vmem>> -> memref<1x128xi32, #tpu.memory_space<vmem>>
    %dma_wait3A_273 = tpu.memref_squeeze %dma_wait3A_272 : memref<1x128xi32, #tpu.memory_space<vmem>> -> memref<128xi32, #tpu.memory_space<vmem>>
    %dma_wait3A_274 = arith.constant 0 : i32
    %dma_wait3A_275 = arith.constant 0 : i32
    %dma_wait3A_276 = tpu.memref_slice %arg8[%dma_wait3A_274, %dma_wait3A_275] : memref<28800x32xf32, #tpu.memory_space<vmem_shared>> -> memref<28800x32xf32, #tpu.memory_space<vmem_shared>>
    tpu.wait_indirect_dma semaphore(%arg9 : memref<!tpu.dma_semaphore, #tpu.memory_space<semaphore_mem>>) src(%dma_wait3A_270 : memref<128x32xf32, #tpu.memory_space<vmem>>) dst(%dma_wait3A_276 : memref<28800x32xf32, #tpu.memory_space<vmem_shared>>)
    %dma_wait3A_277 = arith.constant 1 : i32
    %dma_wait3A_278 = arith.constant 7 : i32
    %dma_wait3A_279 = arith.constant 256 : i32
    %dma_wait3A_280 = arith.constant 0 : i32
    %dma_wait3A_281 = tpu.memref_slice %arg6[%dma_wait3A_277, %dma_wait3A_279, %dma_wait3A_280] : memref<2x640x32xf32, #tpu.memory_space<vmem>> -> memref<1x128x32xf32, #tpu.memory_space<vmem>>
    %dma_wait3A_282 = tpu.memref_squeeze %dma_wait3A_281 : memref<1x128x32xf32, #tpu.memory_space<vmem>> -> memref<128x32xf32, #tpu.memory_space<vmem>>
    %dma_wait3A_283 = arith.constant 0 : i32
    %dma_wait3A_284 = tpu.memref_slice %arg7[%dma_wait3A_278, %dma_wait3A_283] : memref<50x128xi32, #tpu.memory_space<vmem>> -> memref<1x128xi32, #tpu.memory_space<vmem>>
    %dma_wait3A_285 = tpu.memref_squeeze %dma_wait3A_284 : memref<1x128xi32, #tpu.memory_space<vmem>> -> memref<128xi32, #tpu.memory_space<vmem>>
    %dma_wait3A_286 = arith.constant 0 : i32
    %dma_wait3A_287 = arith.constant 0 : i32
    %dma_wait3A_288 = tpu.memref_slice %arg8[%dma_wait3A_286, %dma_wait3A_287] : memref<28800x32xf32, #tpu.memory_space<vmem_shared>> -> memref<28800x32xf32, #tpu.memory_space<vmem_shared>>
    tpu.wait_indirect_dma semaphore(%arg9 : memref<!tpu.dma_semaphore, #tpu.memory_space<semaphore_mem>>) src(%dma_wait3A_282 : memref<128x32xf32, #tpu.memory_space<vmem>>) dst(%dma_wait3A_288 : memref<28800x32xf32, #tpu.memory_space<vmem_shared>>)
    %dma_wait3A_289 = arith.constant 1 : i32
    %dma_wait3A_290 = arith.constant 8 : i32
    %dma_wait3A_291 = arith.constant 384 : i32
    %dma_wait3A_292 = arith.constant 0 : i32
    %dma_wait3A_293 = tpu.memref_slice %arg6[%dma_wait3A_289, %dma_wait3A_291, %dma_wait3A_292] : memref<2x640x32xf32, #tpu.memory_space<vmem>> -> memref<1x128x32xf32, #tpu.memory_space<vmem>>
    %dma_wait3A_294 = tpu.memref_squeeze %dma_wait3A_293 : memref<1x128x32xf32, #tpu.memory_space<vmem>> -> memref<128x32xf32, #tpu.memory_space<vmem>>
    %dma_wait3A_295 = arith.constant 0 : i32
    %dma_wait3A_296 = tpu.memref_slice %arg7[%dma_wait3A_290, %dma_wait3A_295] : memref<50x128xi32, #tpu.memory_space<vmem>> -> memref<1x128xi32, #tpu.memory_space<vmem>>
    %dma_wait3A_297 = tpu.memref_squeeze %dma_wait3A_296 : memref<1x128xi32, #tpu.memory_space<vmem>> -> memref<128xi32, #tpu.memory_space<vmem>>
    %dma_wait3A_298 = arith.constant 0 : i32
    %dma_wait3A_299 = arith.constant 0 : i32
    %dma_wait3A_300 = tpu.memref_slice %arg8[%dma_wait3A_298, %dma_wait3A_299] : memref<28800x32xf32, #tpu.memory_space<vmem_shared>> -> memref<28800x32xf32, #tpu.memory_space<vmem_shared>>
    tpu.wait_indirect_dma semaphore(%arg9 : memref<!tpu.dma_semaphore, #tpu.memory_space<semaphore_mem>>) src(%dma_wait3A_294 : memref<128x32xf32, #tpu.memory_space<vmem>>) dst(%dma_wait3A_300 : memref<28800x32xf32, #tpu.memory_space<vmem_shared>>)
    %dma_wait3A_301 = arith.constant 1 : i32
    %dma_wait3A_302 = arith.constant 9 : i32
    %dma_wait3A_303 = arith.constant 512 : i32
    %dma_wait3A_304 = arith.constant 0 : i32
    %dma_wait3A_305 = tpu.memref_slice %arg6[%dma_wait3A_301, %dma_wait3A_303, %dma_wait3A_304] : memref<2x640x32xf32, #tpu.memory_space<vmem>> -> memref<1x128x32xf32, #tpu.memory_space<vmem>>
    %dma_wait3A_306 = tpu.memref_squeeze %dma_wait3A_305 : memref<1x128x32xf32, #tpu.memory_space<vmem>> -> memref<128x32xf32, #tpu.memory_space<vmem>>
    %dma_wait3A_307 = arith.constant 0 : i32
    %dma_wait3A_308 = tpu.memref_slice %arg7[%dma_wait3A_302, %dma_wait3A_307] : memref<50x128xi32, #tpu.memory_space<vmem>> -> memref<1x128xi32, #tpu.memory_space<vmem>>
    %dma_wait3A_309 = tpu.memref_squeeze %dma_wait3A_308 : memref<1x128xi32, #tpu.memory_space<vmem>> -> memref<128xi32, #tpu.memory_space<vmem>>
    %dma_wait3A_310 = arith.constant 0 : i32
    %dma_wait3A_311 = arith.constant 0 : i32
    %dma_wait3A_312 = tpu.memref_slice %arg8[%dma_wait3A_310, %dma_wait3A_311] : memref<28800x32xf32, #tpu.memory_space<vmem_shared>> -> memref<28800x32xf32, #tpu.memory_space<vmem_shared>>
    tpu.wait_indirect_dma semaphore(%arg9 : memref<!tpu.dma_semaphore, #tpu.memory_space<semaphore_mem>>) src(%dma_wait3A_306 : memref<128x32xf32, #tpu.memory_space<vmem>>) dst(%dma_wait3A_312 : memref<28800x32xf32, #tpu.memory_space<vmem_shared>>)
    %mul3A_313 = arith.constant 6400 : i32
    %mul3A_314 = arith.muli %arg1, %mul3A_313 : i32
    %add3A_315 = arith.constant 1920 : i32
    %add3A_316 = arith.addi %mul3A_314, %add3A_315 : i32
    %dma_start3A_317 = arith.constant 1 : i32
    %dma_start3A_318 = arith.constant 0 : i32
    %dma_start3A_319 = arith.constant 0 : i32
    %dma_start3A_320 = tpu.memref_slice %arg6[%dma_start3A_317, %dma_start3A_318, %dma_start3A_319] : memref<2x640x32xf32, #tpu.memory_space<vmem>> -> memref<1x640x32xf32, #tpu.memory_space<vmem>>
    %dma_start3A_321 = tpu.memref_squeeze %dma_start3A_320 : memref<1x640x32xf32, #tpu.memory_space<vmem>> -> memref<640x32xf32, #tpu.memory_space<vmem>>
    %dma_start3A_322 = arith.constant 0 : i32
    %dma_start3A_323 = tpu.memref_slice %arg2[%add3A_316, %dma_start3A_322] : memref<102400x32xf32, #tpu.memory_space<hbm>> -> memref<640x32xf32, #tpu.memory_space<hbm>>
    %dma_start3A_324 = arith.constant 0 : i32
    %dma_start3A_325 = arith.constant 0 : i32
    %dma_start3A_326 = tpu.memref_slice %arg6[%dma_start3A_317, %dma_start3A_324, %dma_start3A_325] : memref<2x640x32xf32, #tpu.memory_space<vmem>> -> memref<1x640x32xf32, #tpu.memory_space<vmem>>
    %dma_start3A_327 = tpu.memref_squeeze %dma_start3A_326 : memref<1x640x32xf32, #tpu.memory_space<vmem>> -> memref<640x32xf32, #tpu.memory_space<vmem>>
    %dma_start3A_328 = arith.constant 0 : i32
    %dma_start3A_329 = tpu.memref_slice %arg2[%add3A_316, %dma_start3A_328] : memref<102400x32xf32, #tpu.memory_space<hbm>> -> memref<640x32xf32, #tpu.memory_space<hbm>>
    tpu.enqueue_dma source(%dma_start3A_329 : memref<640x32xf32, #tpu.memory_space<hbm>>) target(%dma_start3A_327 : memref<640x32xf32, #tpu.memory_space<vmem>>) target_semaphore(%arg10 : memref<!tpu.dma_semaphore, #tpu.memory_space<semaphore_mem>>)
    %dma_wait3A_330 = arith.constant 0 : i32
    %dma_wait3A_331 = arith.constant 0 : i32
    %dma_wait3A_332 = arith.constant 0 : i32
    %dma_wait3A_333 = tpu.memref_slice %arg6[%dma_wait3A_330, %dma_wait3A_331, %dma_wait3A_332] : memref<2x640x32xf32, #tpu.memory_space<vmem>> -> memref<1x640x32xf32, #tpu.memory_space<vmem>>
    %dma_wait3A_334 = tpu.memref_squeeze %dma_wait3A_333 : memref<1x640x32xf32, #tpu.memory_space<vmem>> -> memref<640x32xf32, #tpu.memory_space<vmem>>
    %dma_wait3A_335 = arith.constant 0 : i32
    %dma_wait3A_336 = tpu.memref_slice %arg2[%add3A_166, %dma_wait3A_335] : memref<102400x32xf32, #tpu.memory_space<hbm>> -> memref<640x32xf32, #tpu.memory_space<hbm>>
    %dma_wait3A_337 = arith.constant 0 : i32
    %dma_wait3A_338 = arith.constant 0 : i32
    %dma_wait3A_339 = tpu.memref_slice %arg6[%dma_wait3A_330, %dma_wait3A_337, %dma_wait3A_338] : memref<2x640x32xf32, #tpu.memory_space<vmem>> -> memref<1x640x32xf32, #tpu.memory_space<vmem>>
    %dma_wait3A_340 = tpu.memref_squeeze %dma_wait3A_339 : memref<1x640x32xf32, #tpu.memory_space<vmem>> -> memref<640x32xf32, #tpu.memory_space<vmem>>
    %dma_wait3A_341 = arith.constant 0 : i32
    %dma_wait3A_342 = tpu.memref_slice %arg2[%add3A_166, %dma_wait3A_341] : memref<102400x32xf32, #tpu.memory_space<hbm>> -> memref<640x32xf32, #tpu.memory_space<hbm>>
    tpu.wait_dma2 semaphore(%arg10 : memref<!tpu.dma_semaphore, #tpu.memory_space<semaphore_mem>>) src(%dma_wait3A_342 : memref<640x32xf32, #tpu.memory_space<hbm>>) dst(%dma_wait3A_340 : memref<640x32xf32, #tpu.memory_space<vmem>>)
    %dma_start3A_343 = arith.constant 0 : i32
    %dma_start3A_344 = arith.constant 10 : i32
    %dma_start3A_345 = arith.constant 0 : i32
    %dma_start3A_346 = arith.constant 0 : i32
    %dma_start3A_347 = tpu.memref_slice %arg6[%dma_start3A_343, %dma_start3A_345, %dma_start3A_346] : memref<2x640x32xf32, #tpu.memory_space<vmem>> -> memref<1x128x32xf32, #tpu.memory_space<vmem>>
    %dma_start3A_348 = tpu.memref_squeeze %dma_start3A_347 : memref<1x128x32xf32, #tpu.memory_space<vmem>> -> memref<128x32xf32, #tpu.memory_space<vmem>>
    %dma_start3A_349 = arith.constant 0 : i32
    %dma_start3A_350 = tpu.memref_slice %arg7[%dma_start3A_344, %dma_start3A_349] : memref<50x128xi32, #tpu.memory_space<vmem>> -> memref<1x128xi32, #tpu.memory_space<vmem>>
    %dma_start3A_351 = tpu.memref_squeeze %dma_start3A_350 : memref<1x128xi32, #tpu.memory_space<vmem>> -> memref<128xi32, #tpu.memory_space<vmem>>
    %dma_start3A_352 = arith.constant 0 : i32
    %dma_start3A_353 = arith.constant 0 : i32
    %dma_start3A_354 = tpu.memref_slice %arg8[%dma_start3A_352, %dma_start3A_353] : memref<28800x32xf32, #tpu.memory_space<vmem_shared>> -> memref<28800x32xf32, #tpu.memory_space<vmem_shared>>
    tpu.enqueue_indirect_dma source(%dma_start3A_348 : memref<128x32xf32, #tpu.memory_space<vmem>>) target(%dma_start3A_354 : memref<28800x32xf32, #tpu.memory_space<vmem_shared>>) offsets(%dma_start3A_351 : memref<128xi32, #tpu.memory_space<vmem>>) semaphore(%arg9 : memref<!tpu.dma_semaphore, #tpu.memory_space<semaphore_mem>>) {add = true}
    %dma_start3A_355 = arith.constant 0 : i32
    %dma_start3A_356 = arith.constant 11 : i32
    %dma_start3A_357 = arith.constant 128 : i32
    %dma_start3A_358 = arith.constant 0 : i32
    %dma_start3A_359 = tpu.memref_slice %arg6[%dma_start3A_355, %dma_start3A_357, %dma_start3A_358] : memref<2x640x32xf32, #tpu.memory_space<vmem>> -> memref<1x128x32xf32, #tpu.memory_space<vmem>>
    %dma_start3A_360 = tpu.memref_squeeze %dma_start3A_359 : memref<1x128x32xf32, #tpu.memory_space<vmem>> -> memref<128x32xf32, #tpu.memory_space<vmem>>
    %dma_start3A_361 = arith.constant 0 : i32
    %dma_start3A_362 = tpu.memref_slice %arg7[%dma_start3A_356, %dma_start3A_361] : memref<50x128xi32, #tpu.memory_space<vmem>> -> memref<1x128xi32, #tpu.memory_space<vmem>>
    %dma_start3A_363 = tpu.memref_squeeze %dma_start3A_362 : memref<1x128xi32, #tpu.memory_space<vmem>> -> memref<128xi32, #tpu.memory_space<vmem>>
    %dma_start3A_364 = arith.constant 0 : i32
    %dma_start3A_365 = arith.constant 0 : i32
    %dma_start3A_366 = tpu.memref_slice %arg8[%dma_start3A_364, %dma_start3A_365] : memref<28800x32xf32, #tpu.memory_space<vmem_shared>> -> memref<28800x32xf32, #tpu.memory_space<vmem_shared>>
    tpu.enqueue_indirect_dma source(%dma_start3A_360 : memref<128x32xf32, #tpu.memory_space<vmem>>) target(%dma_start3A_366 : memref<28800x32xf32, #tpu.memory_space<vmem_shared>>) offsets(%dma_start3A_363 : memref<128xi32, #tpu.memory_space<vmem>>) semaphore(%arg9 : memref<!tpu.dma_semaphore, #tpu.memory_space<semaphore_mem>>) {add = true}
    %dma_start3A_367 = arith.constant 0 : i32
    %dma_start3A_368 = arith.constant 12 : i32
    %dma_start3A_369 = arith.constant 256 : i32
    %dma_start3A_370 = arith.constant 0 : i32
    %dma_start3A_371 = tpu.memref_slice %arg6[%dma_start3A_367, %dma_start3A_369, %dma_start3A_370] : memref<2x640x32xf32, #tpu.memory_space<vmem>> -> memref<1x128x32xf32, #tpu.memory_space<vmem>>
    %dma_start3A_372 = tpu.memref_squeeze %dma_start3A_371 : memref<1x128x32xf32, #tpu.memory_space<vmem>> -> memref<128x32xf32, #tpu.memory_space<vmem>>
    %dma_start3A_373 = arith.constant 0 : i32
    %dma_start3A_374 = tpu.memref_slice %arg7[%dma_start3A_368, %dma_start3A_373] : memref<50x128xi32, #tpu.memory_space<vmem>> -> memref<1x128xi32, #tpu.memory_space<vmem>>
    %dma_start3A_375 = tpu.memref_squeeze %dma_start3A_374 : memref<1x128xi32, #tpu.memory_space<vmem>> -> memref<128xi32, #tpu.memory_space<vmem>>
    %dma_start3A_376 = arith.constant 0 : i32
    %dma_start3A_377 = arith.constant 0 : i32
    %dma_start3A_378 = tpu.memref_slice %arg8[%dma_start3A_376, %dma_start3A_377] : memref<28800x32xf32, #tpu.memory_space<vmem_shared>> -> memref<28800x32xf32, #tpu.memory_space<vmem_shared>>
    tpu.enqueue_indirect_dma source(%dma_start3A_372 : memref<128x32xf32, #tpu.memory_space<vmem>>) target(%dma_start3A_378 : memref<28800x32xf32, #tpu.memory_space<vmem_shared>>) offsets(%dma_start3A_375 : memref<128xi32, #tpu.memory_space<vmem>>) semaphore(%arg9 : memref<!tpu.dma_semaphore, #tpu.memory_space<semaphore_mem>>) {add = true}
    %dma_start3A_379 = arith.constant 0 : i32
    %dma_start3A_380 = arith.constant 13 : i32
    %dma_start3A_381 = arith.constant 384 : i32
    %dma_start3A_382 = arith.constant 0 : i32
    %dma_start3A_383 = tpu.memref_slice %arg6[%dma_start3A_379, %dma_start3A_381, %dma_start3A_382] : memref<2x640x32xf32, #tpu.memory_space<vmem>> -> memref<1x128x32xf32, #tpu.memory_space<vmem>>
    %dma_start3A_384 = tpu.memref_squeeze %dma_start3A_383 : memref<1x128x32xf32, #tpu.memory_space<vmem>> -> memref<128x32xf32, #tpu.memory_space<vmem>>
    %dma_start3A_385 = arith.constant 0 : i32
    %dma_start3A_386 = tpu.memref_slice %arg7[%dma_start3A_380, %dma_start3A_385] : memref<50x128xi32, #tpu.memory_space<vmem>> -> memref<1x128xi32, #tpu.memory_space<vmem>>
    %dma_start3A_387 = tpu.memref_squeeze %dma_start3A_386 : memref<1x128xi32, #tpu.memory_space<vmem>> -> memref<128xi32, #tpu.memory_space<vmem>>
    %dma_start3A_388 = arith.constant 0 : i32
    %dma_start3A_389 = arith.constant 0 : i32
    %dma_start3A_390 = tpu.memref_slice %arg8[%dma_start3A_388, %dma_start3A_389] : memref<28800x32xf32, #tpu.memory_space<vmem_shared>> -> memref<28800x32xf32, #tpu.memory_space<vmem_shared>>
    tpu.enqueue_indirect_dma source(%dma_start3A_384 : memref<128x32xf32, #tpu.memory_space<vmem>>) target(%dma_start3A_390 : memref<28800x32xf32, #tpu.memory_space<vmem_shared>>) offsets(%dma_start3A_387 : memref<128xi32, #tpu.memory_space<vmem>>) semaphore(%arg9 : memref<!tpu.dma_semaphore, #tpu.memory_space<semaphore_mem>>) {add = true}
    %dma_start3A_391 = arith.constant 0 : i32
    %dma_start3A_392 = arith.constant 14 : i32
    %dma_start3A_393 = arith.constant 512 : i32
    %dma_start3A_394 = arith.constant 0 : i32
    %dma_start3A_395 = tpu.memref_slice %arg6[%dma_start3A_391, %dma_start3A_393, %dma_start3A_394] : memref<2x640x32xf32, #tpu.memory_space<vmem>> -> memref<1x128x32xf32, #tpu.memory_space<vmem>>
    %dma_start3A_396 = tpu.memref_squeeze %dma_start3A_395 : memref<1x128x32xf32, #tpu.memory_space<vmem>> -> memref<128x32xf32, #tpu.memory_space<vmem>>
    %dma_start3A_397 = arith.constant 0 : i32
    %dma_start3A_398 = tpu.memref_slice %arg7[%dma_start3A_392, %dma_start3A_397] : memref<50x128xi32, #tpu.memory_space<vmem>> -> memref<1x128xi32, #tpu.memory_space<vmem>>
    %dma_start3A_399 = tpu.memref_squeeze %dma_start3A_398 : memref<1x128xi32, #tpu.memory_space<vmem>> -> memref<128xi32, #tpu.memory_space<vmem>>
    %dma_start3A_400 = arith.constant 0 : i32
    %dma_start3A_401 = arith.constant 0 : i32
    %dma_start3A_402 = tpu.memref_slice %arg8[%dma_start3A_400, %dma_start3A_401] : memref<28800x32xf32, #tpu.memory_space<vmem_shared>> -> memref<28800x32xf32, #tpu.memory_space<vmem_shared>>
    tpu.enqueue_indirect_dma source(%dma_start3A_396 : memref<128x32xf32, #tpu.memory_space<vmem>>) target(%dma_start3A_402 : memref<28800x32xf32, #tpu.memory_space<vmem_shared>>) offsets(%dma_start3A_399 : memref<128xi32, #tpu.memory_space<vmem>>) semaphore(%arg9 : memref<!tpu.dma_semaphore, #tpu.memory_space<semaphore_mem>>) {add = true}
    %dma_wait3A_403 = arith.constant 0 : i32
    %dma_wait3A_404 = arith.constant 10 : i32
    %dma_wait3A_405 = arith.constant 0 : i32
    %dma_wait3A_406 = arith.constant 0 : i32
    %dma_wait3A_407 = tpu.memref_slice %arg6[%dma_wait3A_403, %dma_wait3A_405, %dma_wait3A_406] : memref<2x640x32xf32, #tpu.memory_space<vmem>> -> memref<1x128x32xf32, #tpu.memory_space<vmem>>
    %dma_wait3A_408 = tpu.memref_squeeze %dma_wait3A_407 : memref<1x128x32xf32, #tpu.memory_space<vmem>> -> memref<128x32xf32, #tpu.memory_space<vmem>>
    %dma_wait3A_409 = arith.constant 0 : i32
    %dma_wait3A_410 = tpu.memref_slice %arg7[%dma_wait3A_404, %dma_wait3A_409] : memref<50x128xi32, #tpu.memory_space<vmem>> -> memref<1x128xi32, #tpu.memory_space<vmem>>
    %dma_wait3A_411 = tpu.memref_squeeze %dma_wait3A_410 : memref<1x128xi32, #tpu.memory_space<vmem>> -> memref<128xi32, #tpu.memory_space<vmem>>
    %dma_wait3A_412 = arith.constant 0 : i32
    %dma_wait3A_413 = arith.constant 0 : i32
    %dma_wait3A_414 = tpu.memref_slice %arg8[%dma_wait3A_412, %dma_wait3A_413] : memref<28800x32xf32, #tpu.memory_space<vmem_shared>> -> memref<28800x32xf32, #tpu.memory_space<vmem_shared>>
    tpu.wait_indirect_dma semaphore(%arg9 : memref<!tpu.dma_semaphore, #tpu.memory_space<semaphore_mem>>) src(%dma_wait3A_408 : memref<128x32xf32, #tpu.memory_space<vmem>>) dst(%dma_wait3A_414 : memref<28800x32xf32, #tpu.memory_space<vmem_shared>>)
    %dma_wait3A_415 = arith.constant 0 : i32
    %dma_wait3A_416 = arith.constant 11 : i32
    %dma_wait3A_417 = arith.constant 128 : i32
    %dma_wait3A_418 = arith.constant 0 : i32
    %dma_wait3A_419 = tpu.memref_slice %arg6[%dma_wait3A_415, %dma_wait3A_417, %dma_wait3A_418] : memref<2x640x32xf32, #tpu.memory_space<vmem>> -> memref<1x128x32xf32, #tpu.memory_space<vmem>>
    %dma_wait3A_420 = tpu.memref_squeeze %dma_wait3A_419 : memref<1x128x32xf32, #tpu.memory_space<vmem>> -> memref<128x32xf32, #tpu.memory_space<vmem>>
    %dma_wait3A_421 = arith.constant 0 : i32
    %dma_wait3A_422 = tpu.memref_slice %arg7[%dma_wait3A_416, %dma_wait3A_421] : memref<50x128xi32, #tpu.memory_space<vmem>> -> memref<1x128xi32, #tpu.memory_space<vmem>>
    %dma_wait3A_423 = tpu.memref_squeeze %dma_wait3A_422 : memref<1x128xi32, #tpu.memory_space<vmem>> -> memref<128xi32, #tpu.memory_space<vmem>>
    %dma_wait3A_424 = arith.constant 0 : i32
    %dma_wait3A_425 = arith.constant 0 : i32
    %dma_wait3A_426 = tpu.memref_slice %arg8[%dma_wait3A_424, %dma_wait3A_425] : memref<28800x32xf32, #tpu.memory_space<vmem_shared>> -> memref<28800x32xf32, #tpu.memory_space<vmem_shared>>
    tpu.wait_indirect_dma semaphore(%arg9 : memref<!tpu.dma_semaphore, #tpu.memory_space<semaphore_mem>>) src(%dma_wait3A_420 : memref<128x32xf32, #tpu.memory_space<vmem>>) dst(%dma_wait3A_426 : memref<28800x32xf32, #tpu.memory_space<vmem_shared>>)
    %dma_wait3A_427 = arith.constant 0 : i32
    %dma_wait3A_428 = arith.constant 12 : i32
    %dma_wait3A_429 = arith.constant 256 : i32
    %dma_wait3A_430 = arith.constant 0 : i32
    %dma_wait3A_431 = tpu.memref_slice %arg6[%dma_wait3A_427, %dma_wait3A_429, %dma_wait3A_430] : memref<2x640x32xf32, #tpu.memory_space<vmem>> -> memref<1x128x32xf32, #tpu.memory_space<vmem>>
    %dma_wait3A_432 = tpu.memref_squeeze %dma_wait3A_431 : memref<1x128x32xf32, #tpu.memory_space<vmem>> -> memref<128x32xf32, #tpu.memory_space<vmem>>
    %dma_wait3A_433 = arith.constant 0 : i32
    %dma_wait3A_434 = tpu.memref_slice %arg7[%dma_wait3A_428, %dma_wait3A_433] : memref<50x128xi32, #tpu.memory_space<vmem>> -> memref<1x128xi32, #tpu.memory_space<vmem>>
    %dma_wait3A_435 = tpu.memref_squeeze %dma_wait3A_434 : memref<1x128xi32, #tpu.memory_space<vmem>> -> memref<128xi32, #tpu.memory_space<vmem>>
    %dma_wait3A_436 = arith.constant 0 : i32
    %dma_wait3A_437 = arith.constant 0 : i32
    %dma_wait3A_438 = tpu.memref_slice %arg8[%dma_wait3A_436, %dma_wait3A_437] : memref<28800x32xf32, #tpu.memory_space<vmem_shared>> -> memref<28800x32xf32, #tpu.memory_space<vmem_shared>>
    tpu.wait_indirect_dma semaphore(%arg9 : memref<!tpu.dma_semaphore, #tpu.memory_space<semaphore_mem>>) src(%dma_wait3A_432 : memref<128x32xf32, #tpu.memory_space<vmem>>) dst(%dma_wait3A_438 : memref<28800x32xf32, #tpu.memory_space<vmem_shared>>)
    %dma_wait3A_439 = arith.constant 0 : i32
    %dma_wait3A_440 = arith.constant 13 : i32
    %dma_wait3A_441 = arith.constant 384 : i32
    %dma_wait3A_442 = arith.constant 0 : i32
    %dma_wait3A_443 = tpu.memref_slice %arg6[%dma_wait3A_439, %dma_wait3A_441, %dma_wait3A_442] : memref<2x640x32xf32, #tpu.memory_space<vmem>> -> memref<1x128x32xf32, #tpu.memory_space<vmem>>
    %dma_wait3A_444 = tpu.memref_squeeze %dma_wait3A_443 : memref<1x128x32xf32, #tpu.memory_space<vmem>> -> memref<128x32xf32, #tpu.memory_space<vmem>>
    %dma_wait3A_445 = arith.constant 0 : i32
    %dma_wait3A_446 = tpu.memref_slice %arg7[%dma_wait3A_440, %dma_wait3A_445] : memref<50x128xi32, #tpu.memory_space<vmem>> -> memref<1x128xi32, #tpu.memory_space<vmem>>
    %dma_wait3A_447 = tpu.memref_squeeze %dma_wait3A_446 : memref<1x128xi32, #tpu.memory_space<vmem>> -> memref<128xi32, #tpu.memory_space<vmem>>
    %dma_wait3A_448 = arith.constant 0 : i32
    %dma_wait3A_449 = arith.constant 0 : i32
    %dma_wait3A_450 = tpu.memref_slice %arg8[%dma_wait3A_448, %dma_wait3A_449] : memref<28800x32xf32, #tpu.memory_space<vmem_shared>> -> memref<28800x32xf32, #tpu.memory_space<vmem_shared>>
    tpu.wait_indirect_dma semaphore(%arg9 : memref<!tpu.dma_semaphore, #tpu.memory_space<semaphore_mem>>) src(%dma_wait3A_444 : memref<128x32xf32, #tpu.memory_space<vmem>>) dst(%dma_wait3A_450 : memref<28800x32xf32, #tpu.memory_space<vmem_shared>>)
    %dma_wait3A_451 = arith.constant 0 : i32
    %dma_wait3A_452 = arith.constant 14 : i32
    %dma_wait3A_453 = arith.constant 512 : i32
    %dma_wait3A_454 = arith.constant 0 : i32
    %dma_wait3A_455 = tpu.memref_slice %arg6[%dma_wait3A_451, %dma_wait3A_453, %dma_wait3A_454] : memref<2x640x32xf32, #tpu.memory_space<vmem>> -> memref<1x128x32xf32, #tpu.memory_space<vmem>>
    %dma_wait3A_456 = tpu.memref_squeeze %dma_wait3A_455 : memref<1x128x32xf32, #tpu.memory_space<vmem>> -> memref<128x32xf32, #tpu.memory_space<vmem>>
    %dma_wait3A_457 = arith.constant 0 : i32
    %dma_wait3A_458 = tpu.memref_slice %arg7[%dma_wait3A_452, %dma_wait3A_457] : memref<50x128xi32, #tpu.memory_space<vmem>> -> memref<1x128xi32, #tpu.memory_space<vmem>>
    %dma_wait3A_459 = tpu.memref_squeeze %dma_wait3A_458 : memref<1x128xi32, #tpu.memory_space<vmem>> -> memref<128xi32, #tpu.memory_space<vmem>>
    %dma_wait3A_460 = arith.constant 0 : i32
    %dma_wait3A_461 = arith.constant 0 : i32
    %dma_wait3A_462 = tpu.memref_slice %arg8[%dma_wait3A_460, %dma_wait3A_461] : memref<28800x32xf32, #tpu.memory_space<vmem_shared>> -> memref<28800x32xf32, #tpu.memory_space<vmem_shared>>
    tpu.wait_indirect_dma semaphore(%arg9 : memref<!tpu.dma_semaphore, #tpu.memory_space<semaphore_mem>>) src(%dma_wait3A_456 : memref<128x32xf32, #tpu.memory_space<vmem>>) dst(%dma_wait3A_462 : memref<28800x32xf32, #tpu.memory_space<vmem_shared>>)
    %mul3A_463 = arith.constant 6400 : i32
    %mul3A_464 = arith.muli %arg1, %mul3A_463 : i32
    %add3A_465 = arith.constant 2560 : i32
    %add3A_466 = arith.addi %mul3A_464, %add3A_465 : i32
    %dma_start3A_467 = arith.constant 0 : i32
    %dma_start3A_468 = arith.constant 0 : i32
    %dma_start3A_469 = arith.constant 0 : i32
    %dma_start3A_470 = tpu.memref_slice %arg6[%dma_start3A_467, %dma_start3A_468, %dma_start3A_469] : memref<2x640x32xf32, #tpu.memory_space<vmem>> -> memref<1x640x32xf32, #tpu.memory_space<vmem>>
    %dma_start3A_471 = tpu.memref_squeeze %dma_start3A_470 : memref<1x640x32xf32, #tpu.memory_space<vmem>> -> memref<640x32xf32, #tpu.memory_space<vmem>>
    %dma_start3A_472 = arith.constant 0 : i32
    %dma_start3A_473 = tpu.memref_slice %arg2[%add3A_466, %dma_start3A_472] : memref<102400x32xf32, #tpu.memory_space<hbm>> -> memref<640x32xf32, #tpu.memory_space<hbm>>
    %dma_start3A_474 = arith.constant 0 : i32
    %dma_start3A_475 = arith.constant 0 : i32
    %dma_start3A_476 = tpu.memref_slice %arg6[%dma_start3A_467, %dma_start3A_474, %dma_start3A_475] : memref<2x640x32xf32, #tpu.memory_space<vmem>> -> memref<1x640x32xf32, #tpu.memory_space<vmem>>
    %dma_start3A_477 = tpu.memref_squeeze %dma_start3A_476 : memref<1x640x32xf32, #tpu.memory_space<vmem>> -> memref<640x32xf32, #tpu.memory_space<vmem>>
    %dma_start3A_478 = arith.constant 0 : i32
    %dma_start3A_479 = tpu.memref_slice %arg2[%add3A_466, %dma_start3A_478] : memref<102400x32xf32, #tpu.memory_space<hbm>> -> memref<640x32xf32, #tpu.memory_space<hbm>>
    tpu.enqueue_dma source(%dma_start3A_479 : memref<640x32xf32, #tpu.memory_space<hbm>>) target(%dma_start3A_477 : memref<640x32xf32, #tpu.memory_space<vmem>>) target_semaphore(%arg10 : memref<!tpu.dma_semaphore, #tpu.memory_space<semaphore_mem>>)
    %dma_wait3A_480 = arith.constant 1 : i32
    %dma_wait3A_481 = arith.constant 0 : i32
    %dma_wait3A_482 = arith.constant 0 : i32
    %dma_wait3A_483 = tpu.memref_slice %arg6[%dma_wait3A_480, %dma_wait3A_481, %dma_wait3A_482] : memref<2x640x32xf32, #tpu.memory_space<vmem>> -> memref<1x640x32xf32, #tpu.memory_space<vmem>>
    %dma_wait3A_484 = tpu.memref_squeeze %dma_wait3A_483 : memref<1x640x32xf32, #tpu.memory_space<vmem>> -> memref<640x32xf32, #tpu.memory_space<vmem>>
    %dma_wait3A_485 = arith.constant 0 : i32
    %dma_wait3A_486 = tpu.memref_slice %arg2[%add3A_316, %dma_wait3A_485] : memref<102400x32xf32, #tpu.memory_space<hbm>> -> memref<640x32xf32, #tpu.memory_space<hbm>>
    %dma_wait3A_487 = arith.constant 0 : i32
    %dma_wait3A_488 = arith.constant 0 : i32
    %dma_wait3A_489 = tpu.memref_slice %arg6[%dma_wait3A_480, %dma_wait3A_487, %dma_wait3A_488] : memref<2x640x32xf32, #tpu.memory_space<vmem>> -> memref<1x640x32xf32, #tpu.memory_space<vmem>>
    %dma_wait3A_490 = tpu.memref_squeeze %dma_wait3A_489 : memref<1x640x32xf32, #tpu.memory_space<vmem>> -> memref<640x32xf32, #tpu.memory_space<vmem>>
    %dma_wait3A_491 = arith.constant 0 : i32
    %dma_wait3A_492 = tpu.memref_slice %arg2[%add3A_316, %dma_wait3A_491] : memref<102400x32xf32, #tpu.memory_space<hbm>> -> memref<640x32xf32, #tpu.memory_space<hbm>>
    tpu.wait_dma2 semaphore(%arg10 : memref<!tpu.dma_semaphore, #tpu.memory_space<semaphore_mem>>) src(%dma_wait3A_492 : memref<640x32xf32, #tpu.memory_space<hbm>>) dst(%dma_wait3A_490 : memref<640x32xf32, #tpu.memory_space<vmem>>)
    %dma_start3A_493 = arith.constant 1 : i32
    %dma_start3A_494 = arith.constant 15 : i32
    %dma_start3A_495 = arith.constant 0 : i32
    %dma_start3A_496 = arith.constant 0 : i32
    %dma_start3A_497 = tpu.memref_slice %arg6[%dma_start3A_493, %dma_start3A_495, %dma_start3A_496] : memref<2x640x32xf32, #tpu.memory_space<vmem>> -> memref<1x128x32xf32, #tpu.memory_space<vmem>>
    %dma_start3A_498 = tpu.memref_squeeze %dma_start3A_497 : memref<1x128x32xf32, #tpu.memory_space<vmem>> -> memref<128x32xf32, #tpu.memory_space<vmem>>
    %dma_start3A_499 = arith.constant 0 : i32
    %dma_start3A_500 = tpu.memref_slice %arg7[%dma_start3A_494, %dma_start3A_499] : memref<50x128xi32, #tpu.memory_space<vmem>> -> memref<1x128xi32, #tpu.memory_space<vmem>>
    %dma_start3A_501 = tpu.memref_squeeze %dma_start3A_500 : memref<1x128xi32, #tpu.memory_space<vmem>> -> memref<128xi32, #tpu.memory_space<vmem>>
    %dma_start3A_502 = arith.constant 0 : i32
    %dma_start3A_503 = arith.constant 0 : i32
    %dma_start3A_504 = tpu.memref_slice %arg8[%dma_start3A_502, %dma_start3A_503] : memref<28800x32xf32, #tpu.memory_space<vmem_shared>> -> memref<28800x32xf32, #tpu.memory_space<vmem_shared>>
    tpu.enqueue_indirect_dma source(%dma_start3A_498 : memref<128x32xf32, #tpu.memory_space<vmem>>) target(%dma_start3A_504 : memref<28800x32xf32, #tpu.memory_space<vmem_shared>>) offsets(%dma_start3A_501 : memref<128xi32, #tpu.memory_space<vmem>>) semaphore(%arg9 : memref<!tpu.dma_semaphore, #tpu.memory_space<semaphore_mem>>) {add = true}
    %dma_start3A_505 = arith.constant 1 : i32
    %dma_start3A_506 = arith.constant 16 : i32
    %dma_start3A_507 = arith.constant 128 : i32
    %dma_start3A_508 = arith.constant 0 : i32
    %dma_start3A_509 = tpu.memref_slice %arg6[%dma_start3A_505, %dma_start3A_507, %dma_start3A_508] : memref<2x640x32xf32, #tpu.memory_space<vmem>> -> memref<1x128x32xf32, #tpu.memory_space<vmem>>
    %dma_start3A_510 = tpu.memref_squeeze %dma_start3A_509 : memref<1x128x32xf32, #tpu.memory_space<vmem>> -> memref<128x32xf32, #tpu.memory_space<vmem>>
    %dma_start3A_511 = arith.constant 0 : i32
    %dma_start3A_512 = tpu.memref_slice %arg7[%dma_start3A_506, %dma_start3A_511] : memref<50x128xi32, #tpu.memory_space<vmem>> -> memref<1x128xi32, #tpu.memory_space<vmem>>
    %dma_start3A_513 = tpu.memref_squeeze %dma_start3A_512 : memref<1x128xi32, #tpu.memory_space<vmem>> -> memref<128xi32, #tpu.memory_space<vmem>>
    %dma_start3A_514 = arith.constant 0 : i32
    %dma_start3A_515 = arith.constant 0 : i32
    %dma_start3A_516 = tpu.memref_slice %arg8[%dma_start3A_514, %dma_start3A_515] : memref<28800x32xf32, #tpu.memory_space<vmem_shared>> -> memref<28800x32xf32, #tpu.memory_space<vmem_shared>>
    tpu.enqueue_indirect_dma source(%dma_start3A_510 : memref<128x32xf32, #tpu.memory_space<vmem>>) target(%dma_start3A_516 : memref<28800x32xf32, #tpu.memory_space<vmem_shared>>) offsets(%dma_start3A_513 : memref<128xi32, #tpu.memory_space<vmem>>) semaphore(%arg9 : memref<!tpu.dma_semaphore, #tpu.memory_space<semaphore_mem>>) {add = true}
    %dma_start3A_517 = arith.constant 1 : i32
    %dma_start3A_518 = arith.constant 17 : i32
    %dma_start3A_519 = arith.constant 256 : i32
    %dma_start3A_520 = arith.constant 0 : i32
    %dma_start3A_521 = tpu.memref_slice %arg6[%dma_start3A_517, %dma_start3A_519, %dma_start3A_520] : memref<2x640x32xf32, #tpu.memory_space<vmem>> -> memref<1x128x32xf32, #tpu.memory_space<vmem>>
    %dma_start3A_522 = tpu.memref_squeeze %dma_start3A_521 : memref<1x128x32xf32, #tpu.memory_space<vmem>> -> memref<128x32xf32, #tpu.memory_space<vmem>>
    %dma_start3A_523 = arith.constant 0 : i32
    %dma_start3A_524 = tpu.memref_slice %arg7[%dma_start3A_518, %dma_start3A_523] : memref<50x128xi32, #tpu.memory_space<vmem>> -> memref<1x128xi32, #tpu.memory_space<vmem>>
    %dma_start3A_525 = tpu.memref_squeeze %dma_start3A_524 : memref<1x128xi32, #tpu.memory_space<vmem>> -> memref<128xi32, #tpu.memory_space<vmem>>
    %dma_start3A_526 = arith.constant 0 : i32
    %dma_start3A_527 = arith.constant 0 : i32
    %dma_start3A_528 = tpu.memref_slice %arg8[%dma_start3A_526, %dma_start3A_527] : memref<28800x32xf32, #tpu.memory_space<vmem_shared>> -> memref<28800x32xf32, #tpu.memory_space<vmem_shared>>
    tpu.enqueue_indirect_dma source(%dma_start3A_522 : memref<128x32xf32, #tpu.memory_space<vmem>>) target(%dma_start3A_528 : memref<28800x32xf32, #tpu.memory_space<vmem_shared>>) offsets(%dma_start3A_525 : memref<128xi32, #tpu.memory_space<vmem>>) semaphore(%arg9 : memref<!tpu.dma_semaphore, #tpu.memory_space<semaphore_mem>>) {add = true}
    %dma_start3A_529 = arith.constant 1 : i32
    %dma_start3A_530 = arith.constant 18 : i32
    %dma_start3A_531 = arith.constant 384 : i32
    %dma_start3A_532 = arith.constant 0 : i32
    %dma_start3A_533 = tpu.memref_slice %arg6[%dma_start3A_529, %dma_start3A_531, %dma_start3A_532] : memref<2x640x32xf32, #tpu.memory_space<vmem>> -> memref<1x128x32xf32, #tpu.memory_space<vmem>>
    %dma_start3A_534 = tpu.memref_squeeze %dma_start3A_533 : memref<1x128x32xf32, #tpu.memory_space<vmem>> -> memref<128x32xf32, #tpu.memory_space<vmem>>
    %dma_start3A_535 = arith.constant 0 : i32
    %dma_start3A_536 = tpu.memref_slice %arg7[%dma_start3A_530, %dma_start3A_535] : memref<50x128xi32, #tpu.memory_space<vmem>> -> memref<1x128xi32, #tpu.memory_space<vmem>>
    %dma_start3A_537 = tpu.memref_squeeze %dma_start3A_536 : memref<1x128xi32, #tpu.memory_space<vmem>> -> memref<128xi32, #tpu.memory_space<vmem>>
    %dma_start3A_538 = arith.constant 0 : i32
    %dma_start3A_539 = arith.constant 0 : i32
    %dma_start3A_540 = tpu.memref_slice %arg8[%dma_start3A_538, %dma_start3A_539] : memref<28800x32xf32, #tpu.memory_space<vmem_shared>> -> memref<28800x32xf32, #tpu.memory_space<vmem_shared>>
    tpu.enqueue_indirect_dma source(%dma_start3A_534 : memref<128x32xf32, #tpu.memory_space<vmem>>) target(%dma_start3A_540 : memref<28800x32xf32, #tpu.memory_space<vmem_shared>>) offsets(%dma_start3A_537 : memref<128xi32, #tpu.memory_space<vmem>>) semaphore(%arg9 : memref<!tpu.dma_semaphore, #tpu.memory_space<semaphore_mem>>) {add = true}
    %dma_start3A_541 = arith.constant 1 : i32
    %dma_start3A_542 = arith.constant 19 : i32
    %dma_start3A_543 = arith.constant 512 : i32
    %dma_start3A_544 = arith.constant 0 : i32
    %dma_start3A_545 = tpu.memref_slice %arg6[%dma_start3A_541, %dma_start3A_543, %dma_start3A_544] : memref<2x640x32xf32, #tpu.memory_space<vmem>> -> memref<1x128x32xf32, #tpu.memory_space<vmem>>
    %dma_start3A_546 = tpu.memref_squeeze %dma_start3A_545 : memref<1x128x32xf32, #tpu.memory_space<vmem>> -> memref<128x32xf32, #tpu.memory_space<vmem>>
    %dma_start3A_547 = arith.constant 0 : i32
    %dma_start3A_548 = tpu.memref_slice %arg7[%dma_start3A_542, %dma_start3A_547] : memref<50x128xi32, #tpu.memory_space<vmem>> -> memref<1x128xi32, #tpu.memory_space<vmem>>
    %dma_start3A_549 = tpu.memref_squeeze %dma_start3A_548 : memref<1x128xi32, #tpu.memory_space<vmem>> -> memref<128xi32, #tpu.memory_space<vmem>>
    %dma_start3A_550 = arith.constant 0 : i32
    %dma_start3A_551 = arith.constant 0 : i32
    %dma_start3A_552 = tpu.memref_slice %arg8[%dma_start3A_550, %dma_start3A_551] : memref<28800x32xf32, #tpu.memory_space<vmem_shared>> -> memref<28800x32xf32, #tpu.memory_space<vmem_shared>>
    tpu.enqueue_indirect_dma source(%dma_start3A_546 : memref<128x32xf32, #tpu.memory_space<vmem>>) target(%dma_start3A_552 : memref<28800x32xf32, #tpu.memory_space<vmem_shared>>) offsets(%dma_start3A_549 : memref<128xi32, #tpu.memory_space<vmem>>) semaphore(%arg9 : memref<!tpu.dma_semaphore, #tpu.memory_space<semaphore_mem>>) {add = true}
    %dma_wait3A_553 = arith.constant 1 : i32
    %dma_wait3A_554 = arith.constant 15 : i32
    %dma_wait3A_555 = arith.constant 0 : i32
    %dma_wait3A_556 = arith.constant 0 : i32
    %dma_wait3A_557 = tpu.memref_slice %arg6[%dma_wait3A_553, %dma_wait3A_555, %dma_wait3A_556] : memref<2x640x32xf32, #tpu.memory_space<vmem>> -> memref<1x128x32xf32, #tpu.memory_space<vmem>>
    %dma_wait3A_558 = tpu.memref_squeeze %dma_wait3A_557 : memref<1x128x32xf32, #tpu.memory_space<vmem>> -> memref<128x32xf32, #tpu.memory_space<vmem>>
    %dma_wait3A_559 = arith.constant 0 : i32
    %dma_wait3A_560 = tpu.memref_slice %arg7[%dma_wait3A_554, %dma_wait3A_559] : memref<50x128xi32, #tpu.memory_space<vmem>> -> memref<1x128xi32, #tpu.memory_space<vmem>>
    %dma_wait3A_561 = tpu.memref_squeeze %dma_wait3A_560 : memref<1x128xi32, #tpu.memory_space<vmem>> -> memref<128xi32, #tpu.memory_space<vmem>>
    %dma_wait3A_562 = arith.constant 0 : i32
    %dma_wait3A_563 = arith.constant 0 : i32
    %dma_wait3A_564 = tpu.memref_slice %arg8[%dma_wait3A_562, %dma_wait3A_563] : memref<28800x32xf32, #tpu.memory_space<vmem_shared>> -> memref<28800x32xf32, #tpu.memory_space<vmem_shared>>
    tpu.wait_indirect_dma semaphore(%arg9 : memref<!tpu.dma_semaphore, #tpu.memory_space<semaphore_mem>>) src(%dma_wait3A_558 : memref<128x32xf32, #tpu.memory_space<vmem>>) dst(%dma_wait3A_564 : memref<28800x32xf32, #tpu.memory_space<vmem_shared>>)
    %dma_wait3A_565 = arith.constant 1 : i32
    %dma_wait3A_566 = arith.constant 16 : i32
    %dma_wait3A_567 = arith.constant 128 : i32
    %dma_wait3A_568 = arith.constant 0 : i32
    %dma_wait3A_569 = tpu.memref_slice %arg6[%dma_wait3A_565, %dma_wait3A_567, %dma_wait3A_568] : memref<2x640x32xf32, #tpu.memory_space<vmem>> -> memref<1x128x32xf32, #tpu.memory_space<vmem>>
    %dma_wait3A_570 = tpu.memref_squeeze %dma_wait3A_569 : memref<1x128x32xf32, #tpu.memory_space<vmem>> -> memref<128x32xf32, #tpu.memory_space<vmem>>
    %dma_wait3A_571 = arith.constant 0 : i32
    %dma_wait3A_572 = tpu.memref_slice %arg7[%dma_wait3A_566, %dma_wait3A_571] : memref<50x128xi32, #tpu.memory_space<vmem>> -> memref<1x128xi32, #tpu.memory_space<vmem>>
    %dma_wait3A_573 = tpu.memref_squeeze %dma_wait3A_572 : memref<1x128xi32, #tpu.memory_space<vmem>> -> memref<128xi32, #tpu.memory_space<vmem>>
    %dma_wait3A_574 = arith.constant 0 : i32
    %dma_wait3A_575 = arith.constant 0 : i32
    %dma_wait3A_576 = tpu.memref_slice %arg8[%dma_wait3A_574, %dma_wait3A_575] : memref<28800x32xf32, #tpu.memory_space<vmem_shared>> -> memref<28800x32xf32, #tpu.memory_space<vmem_shared>>
    tpu.wait_indirect_dma semaphore(%arg9 : memref<!tpu.dma_semaphore, #tpu.memory_space<semaphore_mem>>) src(%dma_wait3A_570 : memref<128x32xf32, #tpu.memory_space<vmem>>) dst(%dma_wait3A_576 : memref<28800x32xf32, #tpu.memory_space<vmem_shared>>)
    %dma_wait3A_577 = arith.constant 1 : i32
    %dma_wait3A_578 = arith.constant 17 : i32
    %dma_wait3A_579 = arith.constant 256 : i32
    %dma_wait3A_580 = arith.constant 0 : i32
    %dma_wait3A_581 = tpu.memref_slice %arg6[%dma_wait3A_577, %dma_wait3A_579, %dma_wait3A_580] : memref<2x640x32xf32, #tpu.memory_space<vmem>> -> memref<1x128x32xf32, #tpu.memory_space<vmem>>
    %dma_wait3A_582 = tpu.memref_squeeze %dma_wait3A_581 : memref<1x128x32xf32, #tpu.memory_space<vmem>> -> memref<128x32xf32, #tpu.memory_space<vmem>>
    %dma_wait3A_583 = arith.constant 0 : i32
    %dma_wait3A_584 = tpu.memref_slice %arg7[%dma_wait3A_578, %dma_wait3A_583] : memref<50x128xi32, #tpu.memory_space<vmem>> -> memref<1x128xi32, #tpu.memory_space<vmem>>
    %dma_wait3A_585 = tpu.memref_squeeze %dma_wait3A_584 : memref<1x128xi32, #tpu.memory_space<vmem>> -> memref<128xi32, #tpu.memory_space<vmem>>
    %dma_wait3A_586 = arith.constant 0 : i32
    %dma_wait3A_587 = arith.constant 0 : i32
    %dma_wait3A_588 = tpu.memref_slice %arg8[%dma_wait3A_586, %dma_wait3A_587] : memref<28800x32xf32, #tpu.memory_space<vmem_shared>> -> memref<28800x32xf32, #tpu.memory_space<vmem_shared>>
    tpu.wait_indirect_dma semaphore(%arg9 : memref<!tpu.dma_semaphore, #tpu.memory_space<semaphore_mem>>) src(%dma_wait3A_582 : memref<128x32xf32, #tpu.memory_space<vmem>>) dst(%dma_wait3A_588 : memref<28800x32xf32, #tpu.memory_space<vmem_shared>>)
    %dma_wait3A_589 = arith.constant 1 : i32
    %dma_wait3A_590 = arith.constant 18 : i32
    %dma_wait3A_591 = arith.constant 384 : i32
    %dma_wait3A_592 = arith.constant 0 : i32
    %dma_wait3A_593 = tpu.memref_slice %arg6[%dma_wait3A_589, %dma_wait3A_591, %dma_wait3A_592] : memref<2x640x32xf32, #tpu.memory_space<vmem>> -> memref<1x128x32xf32, #tpu.memory_space<vmem>>
    %dma_wait3A_594 = tpu.memref_squeeze %dma_wait3A_593 : memref<1x128x32xf32, #tpu.memory_space<vmem>> -> memref<128x32xf32, #tpu.memory_space<vmem>>
    %dma_wait3A_595 = arith.constant 0 : i32
    %dma_wait3A_596 = tpu.memref_slice %arg7[%dma_wait3A_590, %dma_wait3A_595] : memref<50x128xi32, #tpu.memory_space<vmem>> -> memref<1x128xi32, #tpu.memory_space<vmem>>
    %dma_wait3A_597 = tpu.memref_squeeze %dma_wait3A_596 : memref<1x128xi32, #tpu.memory_space<vmem>> -> memref<128xi32, #tpu.memory_space<vmem>>
    %dma_wait3A_598 = arith.constant 0 : i32
    %dma_wait3A_599 = arith.constant 0 : i32
    %dma_wait3A_600 = tpu.memref_slice %arg8[%dma_wait3A_598, %dma_wait3A_599] : memref<28800x32xf32, #tpu.memory_space<vmem_shared>> -> memref<28800x32xf32, #tpu.memory_space<vmem_shared>>
    tpu.wait_indirect_dma semaphore(%arg9 : memref<!tpu.dma_semaphore, #tpu.memory_space<semaphore_mem>>) src(%dma_wait3A_594 : memref<128x32xf32, #tpu.memory_space<vmem>>) dst(%dma_wait3A_600 : memref<28800x32xf32, #tpu.memory_space<vmem_shared>>)
    %dma_wait3A_601 = arith.constant 1 : i32
    %dma_wait3A_602 = arith.constant 19 : i32
    %dma_wait3A_603 = arith.constant 512 : i32
    %dma_wait3A_604 = arith.constant 0 : i32
    %dma_wait3A_605 = tpu.memref_slice %arg6[%dma_wait3A_601, %dma_wait3A_603, %dma_wait3A_604] : memref<2x640x32xf32, #tpu.memory_space<vmem>> -> memref<1x128x32xf32, #tpu.memory_space<vmem>>
    %dma_wait3A_606 = tpu.memref_squeeze %dma_wait3A_605 : memref<1x128x32xf32, #tpu.memory_space<vmem>> -> memref<128x32xf32, #tpu.memory_space<vmem>>
    %dma_wait3A_607 = arith.constant 0 : i32
    %dma_wait3A_608 = tpu.memref_slice %arg7[%dma_wait3A_602, %dma_wait3A_607] : memref<50x128xi32, #tpu.memory_space<vmem>> -> memref<1x128xi32, #tpu.memory_space<vmem>>
    %dma_wait3A_609 = tpu.memref_squeeze %dma_wait3A_608 : memref<1x128xi32, #tpu.memory_space<vmem>> -> memref<128xi32, #tpu.memory_space<vmem>>
    %dma_wait3A_610 = arith.constant 0 : i32
    %dma_wait3A_611 = arith.constant 0 : i32
    %dma_wait3A_612 = tpu.memref_slice %arg8[%dma_wait3A_610, %dma_wait3A_611] : memref<28800x32xf32, #tpu.memory_space<vmem_shared>> -> memref<28800x32xf32, #tpu.memory_space<vmem_shared>>
    tpu.wait_indirect_dma semaphore(%arg9 : memref<!tpu.dma_semaphore, #tpu.memory_space<semaphore_mem>>) src(%dma_wait3A_606 : memref<128x32xf32, #tpu.memory_space<vmem>>) dst(%dma_wait3A_612 : memref<28800x32xf32, #tpu.memory_space<vmem_shared>>)
    %mul3A_613 = arith.constant 6400 : i32
    %mul3A_614 = arith.muli %arg1, %mul3A_613 : i32
    %add3A_615 = arith.constant 3200 : i32
    %add3A_616 = arith.addi %mul3A_614, %add3A_615 : i32
    %dma_start3A_617 = arith.constant 1 : i32
    %dma_start3A_618 = arith.constant 0 : i32
    %dma_start3A_619 = arith.constant 0 : i32
    %dma_start3A_620 = tpu.memref_slice %arg6[%dma_start3A_617, %dma_start3A_618, %dma_start3A_619] : memref<2x640x32xf32, #tpu.memory_space<vmem>> -> memref<1x640x32xf32, #tpu.memory_space<vmem>>
    %dma_start3A_621 = tpu.memref_squeeze %dma_start3A_620 : memref<1x640x32xf32, #tpu.memory_space<vmem>> -> memref<640x32xf32, #tpu.memory_space<vmem>>
    %dma_start3A_622 = arith.constant 0 : i32
    %dma_start3A_623 = tpu.memref_slice %arg2[%add3A_616, %dma_start3A_622] : memref<102400x32xf32, #tpu.memory_space<hbm>> -> memref<640x32xf32, #tpu.memory_space<hbm>>
    %dma_start3A_624 = arith.constant 0 : i32
    %dma_start3A_625 = arith.constant 0 : i32
    %dma_start3A_626 = tpu.memref_slice %arg6[%dma_start3A_617, %dma_start3A_624, %dma_start3A_625] : memref<2x640x32xf32, #tpu.memory_space<vmem>> -> memref<1x640x32xf32, #tpu.memory_space<vmem>>
    %dma_start3A_627 = tpu.memref_squeeze %dma_start3A_626 : memref<1x640x32xf32, #tpu.memory_space<vmem>> -> memref<640x32xf32, #tpu.memory_space<vmem>>
    %dma_start3A_628 = arith.constant 0 : i32
    %dma_start3A_629 = tpu.memref_slice %arg2[%add3A_616, %dma_start3A_628] : memref<102400x32xf32, #tpu.memory_space<hbm>> -> memref<640x32xf32, #tpu.memory_space<hbm>>
    tpu.enqueue_dma source(%dma_start3A_629 : memref<640x32xf32, #tpu.memory_space<hbm>>) target(%dma_start3A_627 : memref<640x32xf32, #tpu.memory_space<vmem>>) target_semaphore(%arg10 : memref<!tpu.dma_semaphore, #tpu.memory_space<semaphore_mem>>)
    %dma_wait3A_630 = arith.constant 0 : i32
    %dma_wait3A_631 = arith.constant 0 : i32
    %dma_wait3A_632 = arith.constant 0 : i32
    %dma_wait3A_633 = tpu.memref_slice %arg6[%dma_wait3A_630, %dma_wait3A_631, %dma_wait3A_632] : memref<2x640x32xf32, #tpu.memory_space<vmem>> -> memref<1x640x32xf32, #tpu.memory_space<vmem>>
    %dma_wait3A_634 = tpu.memref_squeeze %dma_wait3A_633 : memref<1x640x32xf32, #tpu.memory_space<vmem>> -> memref<640x32xf32, #tpu.memory_space<vmem>>
    %dma_wait3A_635 = arith.constant 0 : i32
    %dma_wait3A_636 = tpu.memref_slice %arg2[%add3A_466, %dma_wait3A_635] : memref<102400x32xf32, #tpu.memory_space<hbm>> -> memref<640x32xf32, #tpu.memory_space<hbm>>
    %dma_wait3A_637 = arith.constant 0 : i32
    %dma_wait3A_638 = arith.constant 0 : i32
    %dma_wait3A_639 = tpu.memref_slice %arg6[%dma_wait3A_630, %dma_wait3A_637, %dma_wait3A_638] : memref<2x640x32xf32, #tpu.memory_space<vmem>> -> memref<1x640x32xf32, #tpu.memory_space<vmem>>
    %dma_wait3A_640 = tpu.memref_squeeze %dma_wait3A_639 : memref<1x640x32xf32, #tpu.memory_space<vmem>> -> memref<640x32xf32, #tpu.memory_space<vmem>>
    %dma_wait3A_641 = arith.constant 0 : i32
    %dma_wait3A_642 = tpu.memref_slice %arg2[%add3A_466, %dma_wait3A_641] : memref<102400x32xf32, #tpu.memory_space<hbm>> -> memref<640x32xf32, #tpu.memory_space<hbm>>
    tpu.wait_dma2 semaphore(%arg10 : memref<!tpu.dma_semaphore, #tpu.memory_space<semaphore_mem>>) src(%dma_wait3A_642 : memref<640x32xf32, #tpu.memory_space<hbm>>) dst(%dma_wait3A_640 : memref<640x32xf32, #tpu.memory_space<vmem>>)
    %dma_start3A_643 = arith.constant 0 : i32
    %dma_start3A_644 = arith.constant 20 : i32
    %dma_start3A_645 = arith.constant 0 : i32
    %dma_start3A_646 = arith.constant 0 : i32
    %dma_start3A_647 = tpu.memref_slice %arg6[%dma_start3A_643, %dma_start3A_645, %dma_start3A_646] : memref<2x640x32xf32, #tpu.memory_space<vmem>> -> memref<1x128x32xf32, #tpu.memory_space<vmem>>
    %dma_start3A_648 = tpu.memref_squeeze %dma_start3A_647 : memref<1x128x32xf32, #tpu.memory_space<vmem>> -> memref<128x32xf32, #tpu.memory_space<vmem>>
    %dma_start3A_649 = arith.constant 0 : i32
    %dma_start3A_650 = tpu.memref_slice %arg7[%dma_start3A_644, %dma_start3A_649] : memref<50x128xi32, #tpu.memory_space<vmem>> -> memref<1x128xi32, #tpu.memory_space<vmem>>
    %dma_start3A_651 = tpu.memref_squeeze %dma_start3A_650 : memref<1x128xi32, #tpu.memory_space<vmem>> -> memref<128xi32, #tpu.memory_space<vmem>>
    %dma_start3A_652 = arith.constant 0 : i32
    %dma_start3A_653 = arith.constant 0 : i32
    %dma_start3A_654 = tpu.memref_slice %arg8[%dma_start3A_652, %dma_start3A_653] : memref<28800x32xf32, #tpu.memory_space<vmem_shared>> -> memref<28800x32xf32, #tpu.memory_space<vmem_shared>>
    tpu.enqueue_indirect_dma source(%dma_start3A_648 : memref<128x32xf32, #tpu.memory_space<vmem>>) target(%dma_start3A_654 : memref<28800x32xf32, #tpu.memory_space<vmem_shared>>) offsets(%dma_start3A_651 : memref<128xi32, #tpu.memory_space<vmem>>) semaphore(%arg9 : memref<!tpu.dma_semaphore, #tpu.memory_space<semaphore_mem>>) {add = true}
    %dma_start3A_655 = arith.constant 0 : i32
    %dma_start3A_656 = arith.constant 21 : i32
    %dma_start3A_657 = arith.constant 128 : i32
    %dma_start3A_658 = arith.constant 0 : i32
    %dma_start3A_659 = tpu.memref_slice %arg6[%dma_start3A_655, %dma_start3A_657, %dma_start3A_658] : memref<2x640x32xf32, #tpu.memory_space<vmem>> -> memref<1x128x32xf32, #tpu.memory_space<vmem>>
    %dma_start3A_660 = tpu.memref_squeeze %dma_start3A_659 : memref<1x128x32xf32, #tpu.memory_space<vmem>> -> memref<128x32xf32, #tpu.memory_space<vmem>>
    %dma_start3A_661 = arith.constant 0 : i32
    %dma_start3A_662 = tpu.memref_slice %arg7[%dma_start3A_656, %dma_start3A_661] : memref<50x128xi32, #tpu.memory_space<vmem>> -> memref<1x128xi32, #tpu.memory_space<vmem>>
    %dma_start3A_663 = tpu.memref_squeeze %dma_start3A_662 : memref<1x128xi32, #tpu.memory_space<vmem>> -> memref<128xi32, #tpu.memory_space<vmem>>
    %dma_start3A_664 = arith.constant 0 : i32
    %dma_start3A_665 = arith.constant 0 : i32
    %dma_start3A_666 = tpu.memref_slice %arg8[%dma_start3A_664, %dma_start3A_665] : memref<28800x32xf32, #tpu.memory_space<vmem_shared>> -> memref<28800x32xf32, #tpu.memory_space<vmem_shared>>
    tpu.enqueue_indirect_dma source(%dma_start3A_660 : memref<128x32xf32, #tpu.memory_space<vmem>>) target(%dma_start3A_666 : memref<28800x32xf32, #tpu.memory_space<vmem_shared>>) offsets(%dma_start3A_663 : memref<128xi32, #tpu.memory_space<vmem>>) semaphore(%arg9 : memref<!tpu.dma_semaphore, #tpu.memory_space<semaphore_mem>>) {add = true}
    %dma_start3A_667 = arith.constant 0 : i32
    %dma_start3A_668 = arith.constant 22 : i32
    %dma_start3A_669 = arith.constant 256 : i32
    %dma_start3A_670 = arith.constant 0 : i32
    %dma_start3A_671 = tpu.memref_slice %arg6[%dma_start3A_667, %dma_start3A_669, %dma_start3A_670] : memref<2x640x32xf32, #tpu.memory_space<vmem>> -> memref<1x128x32xf32, #tpu.memory_space<vmem>>
    %dma_start3A_672 = tpu.memref_squeeze %dma_start3A_671 : memref<1x128x32xf32, #tpu.memory_space<vmem>> -> memref<128x32xf32, #tpu.memory_space<vmem>>
    %dma_start3A_673 = arith.constant 0 : i32
    %dma_start3A_674 = tpu.memref_slice %arg7[%dma_start3A_668, %dma_start3A_673] : memref<50x128xi32, #tpu.memory_space<vmem>> -> memref<1x128xi32, #tpu.memory_space<vmem>>
    %dma_start3A_675 = tpu.memref_squeeze %dma_start3A_674 : memref<1x128xi32, #tpu.memory_space<vmem>> -> memref<128xi32, #tpu.memory_space<vmem>>
    %dma_start3A_676 = arith.constant 0 : i32
    %dma_start3A_677 = arith.constant 0 : i32
    %dma_start3A_678 = tpu.memref_slice %arg8[%dma_start3A_676, %dma_start3A_677] : memref<28800x32xf32, #tpu.memory_space<vmem_shared>> -> memref<28800x32xf32, #tpu.memory_space<vmem_shared>>
    tpu.enqueue_indirect_dma source(%dma_start3A_672 : memref<128x32xf32, #tpu.memory_space<vmem>>) target(%dma_start3A_678 : memref<28800x32xf32, #tpu.memory_space<vmem_shared>>) offsets(%dma_start3A_675 : memref<128xi32, #tpu.memory_space<vmem>>) semaphore(%arg9 : memref<!tpu.dma_semaphore, #tpu.memory_space<semaphore_mem>>) {add = true}
    %dma_start3A_679 = arith.constant 0 : i32
    %dma_start3A_680 = arith.constant 23 : i32
    %dma_start3A_681 = arith.constant 384 : i32
    %dma_start3A_682 = arith.constant 0 : i32
    %dma_start3A_683 = tpu.memref_slice %arg6[%dma_start3A_679, %dma_start3A_681, %dma_start3A_682] : memref<2x640x32xf32, #tpu.memory_space<vmem>> -> memref<1x128x32xf32, #tpu.memory_space<vmem>>
    %dma_start3A_684 = tpu.memref_squeeze %dma_start3A_683 : memref<1x128x32xf32, #tpu.memory_space<vmem>> -> memref<128x32xf32, #tpu.memory_space<vmem>>
    %dma_start3A_685 = arith.constant 0 : i32
    %dma_start3A_686 = tpu.memref_slice %arg7[%dma_start3A_680, %dma_start3A_685] : memref<50x128xi32, #tpu.memory_space<vmem>> -> memref<1x128xi32, #tpu.memory_space<vmem>>
    %dma_start3A_687 = tpu.memref_squeeze %dma_start3A_686 : memref<1x128xi32, #tpu.memory_space<vmem>> -> memref<128xi32, #tpu.memory_space<vmem>>
    %dma_start3A_688 = arith.constant 0 : i32
    %dma_start3A_689 = arith.constant 0 : i32
    %dma_start3A_690 = tpu.memref_slice %arg8[%dma_start3A_688, %dma_start3A_689] : memref<28800x32xf32, #tpu.memory_space<vmem_shared>> -> memref<28800x32xf32, #tpu.memory_space<vmem_shared>>
    tpu.enqueue_indirect_dma source(%dma_start3A_684 : memref<128x32xf32, #tpu.memory_space<vmem>>) target(%dma_start3A_690 : memref<28800x32xf32, #tpu.memory_space<vmem_shared>>) offsets(%dma_start3A_687 : memref<128xi32, #tpu.memory_space<vmem>>) semaphore(%arg9 : memref<!tpu.dma_semaphore, #tpu.memory_space<semaphore_mem>>) {add = true}
    %dma_start3A_691 = arith.constant 0 : i32
    %dma_start3A_692 = arith.constant 24 : i32
    %dma_start3A_693 = arith.constant 512 : i32
    %dma_start3A_694 = arith.constant 0 : i32
    %dma_start3A_695 = tpu.memref_slice %arg6[%dma_start3A_691, %dma_start3A_693, %dma_start3A_694] : memref<2x640x32xf32, #tpu.memory_space<vmem>> -> memref<1x128x32xf32, #tpu.memory_space<vmem>>
    %dma_start3A_696 = tpu.memref_squeeze %dma_start3A_695 : memref<1x128x32xf32, #tpu.memory_space<vmem>> -> memref<128x32xf32, #tpu.memory_space<vmem>>
    %dma_start3A_697 = arith.constant 0 : i32
    %dma_start3A_698 = tpu.memref_slice %arg7[%dma_start3A_692, %dma_start3A_697] : memref<50x128xi32, #tpu.memory_space<vmem>> -> memref<1x128xi32, #tpu.memory_space<vmem>>
    %dma_start3A_699 = tpu.memref_squeeze %dma_start3A_698 : memref<1x128xi32, #tpu.memory_space<vmem>> -> memref<128xi32, #tpu.memory_space<vmem>>
    %dma_start3A_700 = arith.constant 0 : i32
    %dma_start3A_701 = arith.constant 0 : i32
    %dma_start3A_702 = tpu.memref_slice %arg8[%dma_start3A_700, %dma_start3A_701] : memref<28800x32xf32, #tpu.memory_space<vmem_shared>> -> memref<28800x32xf32, #tpu.memory_space<vmem_shared>>
    tpu.enqueue_indirect_dma source(%dma_start3A_696 : memref<128x32xf32, #tpu.memory_space<vmem>>) target(%dma_start3A_702 : memref<28800x32xf32, #tpu.memory_space<vmem_shared>>) offsets(%dma_start3A_699 : memref<128xi32, #tpu.memory_space<vmem>>) semaphore(%arg9 : memref<!tpu.dma_semaphore, #tpu.memory_space<semaphore_mem>>) {add = true}
    %dma_wait3A_703 = arith.constant 0 : i32
    %dma_wait3A_704 = arith.constant 20 : i32
    %dma_wait3A_705 = arith.constant 0 : i32
    %dma_wait3A_706 = arith.constant 0 : i32
    %dma_wait3A_707 = tpu.memref_slice %arg6[%dma_wait3A_703, %dma_wait3A_705, %dma_wait3A_706] : memref<2x640x32xf32, #tpu.memory_space<vmem>> -> memref<1x128x32xf32, #tpu.memory_space<vmem>>
    %dma_wait3A_708 = tpu.memref_squeeze %dma_wait3A_707 : memref<1x128x32xf32, #tpu.memory_space<vmem>> -> memref<128x32xf32, #tpu.memory_space<vmem>>
    %dma_wait3A_709 = arith.constant 0 : i32
    %dma_wait3A_710 = tpu.memref_slice %arg7[%dma_wait3A_704, %dma_wait3A_709] : memref<50x128xi32, #tpu.memory_space<vmem>> -> memref<1x128xi32, #tpu.memory_space<vmem>>
    %dma_wait3A_711 = tpu.memref_squeeze %dma_wait3A_710 : memref<1x128xi32, #tpu.memory_space<vmem>> -> memref<128xi32, #tpu.memory_space<vmem>>
    %dma_wait3A_712 = arith.constant 0 : i32
    %dma_wait3A_713 = arith.constant 0 : i32
    %dma_wait3A_714 = tpu.memref_slice %arg8[%dma_wait3A_712, %dma_wait3A_713] : memref<28800x32xf32, #tpu.memory_space<vmem_shared>> -> memref<28800x32xf32, #tpu.memory_space<vmem_shared>>
    tpu.wait_indirect_dma semaphore(%arg9 : memref<!tpu.dma_semaphore, #tpu.memory_space<semaphore_mem>>) src(%dma_wait3A_708 : memref<128x32xf32, #tpu.memory_space<vmem>>) dst(%dma_wait3A_714 : memref<28800x32xf32, #tpu.memory_space<vmem_shared>>)
    %dma_wait3A_715 = arith.constant 0 : i32
    %dma_wait3A_716 = arith.constant 21 : i32
    %dma_wait3A_717 = arith.constant 128 : i32
    %dma_wait3A_718 = arith.constant 0 : i32
    %dma_wait3A_719 = tpu.memref_slice %arg6[%dma_wait3A_715, %dma_wait3A_717, %dma_wait3A_718] : memref<2x640x32xf32, #tpu.memory_space<vmem>> -> memref<1x128x32xf32, #tpu.memory_space<vmem>>
    %dma_wait3A_720 = tpu.memref_squeeze %dma_wait3A_719 : memref<1x128x32xf32, #tpu.memory_space<vmem>> -> memref<128x32xf32, #tpu.memory_space<vmem>>
    %dma_wait3A_721 = arith.constant 0 : i32
    %dma_wait3A_722 = tpu.memref_slice %arg7[%dma_wait3A_716, %dma_wait3A_721] : memref<50x128xi32, #tpu.memory_space<vmem>> -> memref<1x128xi32, #tpu.memory_space<vmem>>
    %dma_wait3A_723 = tpu.memref_squeeze %dma_wait3A_722 : memref<1x128xi32, #tpu.memory_space<vmem>> -> memref<128xi32, #tpu.memory_space<vmem>>
    %dma_wait3A_724 = arith.constant 0 : i32
    %dma_wait3A_725 = arith.constant 0 : i32
    %dma_wait3A_726 = tpu.memref_slice %arg8[%dma_wait3A_724, %dma_wait3A_725] : memref<28800x32xf32, #tpu.memory_space<vmem_shared>> -> memref<28800x32xf32, #tpu.memory_space<vmem_shared>>
    tpu.wait_indirect_dma semaphore(%arg9 : memref<!tpu.dma_semaphore, #tpu.memory_space<semaphore_mem>>) src(%dma_wait3A_720 : memref<128x32xf32, #tpu.memory_space<vmem>>) dst(%dma_wait3A_726 : memref<28800x32xf32, #tpu.memory_space<vmem_shared>>)
    %dma_wait3A_727 = arith.constant 0 : i32
    %dma_wait3A_728 = arith.constant 22 : i32
    %dma_wait3A_729 = arith.constant 256 : i32
    %dma_wait3A_730 = arith.constant 0 : i32
    %dma_wait3A_731 = tpu.memref_slice %arg6[%dma_wait3A_727, %dma_wait3A_729, %dma_wait3A_730] : memref<2x640x32xf32, #tpu.memory_space<vmem>> -> memref<1x128x32xf32, #tpu.memory_space<vmem>>
    %dma_wait3A_732 = tpu.memref_squeeze %dma_wait3A_731 : memref<1x128x32xf32, #tpu.memory_space<vmem>> -> memref<128x32xf32, #tpu.memory_space<vmem>>
    %dma_wait3A_733 = arith.constant 0 : i32
    %dma_wait3A_734 = tpu.memref_slice %arg7[%dma_wait3A_728, %dma_wait3A_733] : memref<50x128xi32, #tpu.memory_space<vmem>> -> memref<1x128xi32, #tpu.memory_space<vmem>>
    %dma_wait3A_735 = tpu.memref_squeeze %dma_wait3A_734 : memref<1x128xi32, #tpu.memory_space<vmem>> -> memref<128xi32, #tpu.memory_space<vmem>>
    %dma_wait3A_736 = arith.constant 0 : i32
    %dma_wait3A_737 = arith.constant 0 : i32
    %dma_wait3A_738 = tpu.memref_slice %arg8[%dma_wait3A_736, %dma_wait3A_737] : memref<28800x32xf32, #tpu.memory_space<vmem_shared>> -> memref<28800x32xf32, #tpu.memory_space<vmem_shared>>
    tpu.wait_indirect_dma semaphore(%arg9 : memref<!tpu.dma_semaphore, #tpu.memory_space<semaphore_mem>>) src(%dma_wait3A_732 : memref<128x32xf32, #tpu.memory_space<vmem>>) dst(%dma_wait3A_738 : memref<28800x32xf32, #tpu.memory_space<vmem_shared>>)
    %dma_wait3A_739 = arith.constant 0 : i32
    %dma_wait3A_740 = arith.constant 23 : i32
    %dma_wait3A_741 = arith.constant 384 : i32
    %dma_wait3A_742 = arith.constant 0 : i32
    %dma_wait3A_743 = tpu.memref_slice %arg6[%dma_wait3A_739, %dma_wait3A_741, %dma_wait3A_742] : memref<2x640x32xf32, #tpu.memory_space<vmem>> -> memref<1x128x32xf32, #tpu.memory_space<vmem>>
    %dma_wait3A_744 = tpu.memref_squeeze %dma_wait3A_743 : memref<1x128x32xf32, #tpu.memory_space<vmem>> -> memref<128x32xf32, #tpu.memory_space<vmem>>
    %dma_wait3A_745 = arith.constant 0 : i32
    %dma_wait3A_746 = tpu.memref_slice %arg7[%dma_wait3A_740, %dma_wait3A_745] : memref<50x128xi32, #tpu.memory_space<vmem>> -> memref<1x128xi32, #tpu.memory_space<vmem>>
    %dma_wait3A_747 = tpu.memref_squeeze %dma_wait3A_746 : memref<1x128xi32, #tpu.memory_space<vmem>> -> memref<128xi32, #tpu.memory_space<vmem>>
    %dma_wait3A_748 = arith.constant 0 : i32
    %dma_wait3A_749 = arith.constant 0 : i32
    %dma_wait3A_750 = tpu.memref_slice %arg8[%dma_wait3A_748, %dma_wait3A_749] : memref<28800x32xf32, #tpu.memory_space<vmem_shared>> -> memref<28800x32xf32, #tpu.memory_space<vmem_shared>>
    tpu.wait_indirect_dma semaphore(%arg9 : memref<!tpu.dma_semaphore, #tpu.memory_space<semaphore_mem>>) src(%dma_wait3A_744 : memref<128x32xf32, #tpu.memory_space<vmem>>) dst(%dma_wait3A_750 : memref<28800x32xf32, #tpu.memory_space<vmem_shared>>)
    %dma_wait3A_751 = arith.constant 0 : i32
    %dma_wait3A_752 = arith.constant 24 : i32
    %dma_wait3A_753 = arith.constant 512 : i32
    %dma_wait3A_754 = arith.constant 0 : i32
    %dma_wait3A_755 = tpu.memref_slice %arg6[%dma_wait3A_751, %dma_wait3A_753, %dma_wait3A_754] : memref<2x640x32xf32, #tpu.memory_space<vmem>> -> memref<1x128x32xf32, #tpu.memory_space<vmem>>
    %dma_wait3A_756 = tpu.memref_squeeze %dma_wait3A_755 : memref<1x128x32xf32, #tpu.memory_space<vmem>> -> memref<128x32xf32, #tpu.memory_space<vmem>>
    %dma_wait3A_757 = arith.constant 0 : i32
    %dma_wait3A_758 = tpu.memref_slice %arg7[%dma_wait3A_752, %dma_wait3A_757] : memref<50x128xi32, #tpu.memory_space<vmem>> -> memref<1x128xi32, #tpu.memory_space<vmem>>
    %dma_wait3A_759 = tpu.memref_squeeze %dma_wait3A_758 : memref<1x128xi32, #tpu.memory_space<vmem>> -> memref<128xi32, #tpu.memory_space<vmem>>
    %dma_wait3A_760 = arith.constant 0 : i32
    %dma_wait3A_761 = arith.constant 0 : i32
    %dma_wait3A_762 = tpu.memref_slice %arg8[%dma_wait3A_760, %dma_wait3A_761] : memref<28800x32xf32, #tpu.memory_space<vmem_shared>> -> memref<28800x32xf32, #tpu.memory_space<vmem_shared>>
    tpu.wait_indirect_dma semaphore(%arg9 : memref<!tpu.dma_semaphore, #tpu.memory_space<semaphore_mem>>) src(%dma_wait3A_756 : memref<128x32xf32, #tpu.memory_space<vmem>>) dst(%dma_wait3A_762 : memref<28800x32xf32, #tpu.memory_space<vmem_shared>>)
    %mul3A_763 = arith.constant 6400 : i32
    %mul3A_764 = arith.muli %arg1, %mul3A_763 : i32
    %add3A_765 = arith.constant 3840 : i32
    %add3A_766 = arith.addi %mul3A_764, %add3A_765 : i32
    %dma_start3A_767 = arith.constant 0 : i32
    %dma_start3A_768 = arith.constant 0 : i32
    %dma_start3A_769 = arith.constant 0 : i32
    %dma_start3A_770 = tpu.memref_slice %arg6[%dma_start3A_767, %dma_start3A_768, %dma_start3A_769] : memref<2x640x32xf32, #tpu.memory_space<vmem>> -> memref<1x640x32xf32, #tpu.memory_space<vmem>>
    %dma_start3A_771 = tpu.memref_squeeze %dma_start3A_770 : memref<1x640x32xf32, #tpu.memory_space<vmem>> -> memref<640x32xf32, #tpu.memory_space<vmem>>
    %dma_start3A_772 = arith.constant 0 : i32
    %dma_start3A_773 = tpu.memref_slice %arg2[%add3A_766, %dma_start3A_772] : memref<102400x32xf32, #tpu.memory_space<hbm>> -> memref<640x32xf32, #tpu.memory_space<hbm>>
    %dma_start3A_774 = arith.constant 0 : i32
    %dma_start3A_775 = arith.constant 0 : i32
    %dma_start3A_776 = tpu.memref_slice %arg6[%dma_start3A_767, %dma_start3A_774, %dma_start3A_775] : memref<2x640x32xf32, #tpu.memory_space<vmem>> -> memref<1x640x32xf32, #tpu.memory_space<vmem>>
    %dma_start3A_777 = tpu.memref_squeeze %dma_start3A_776 : memref<1x640x32xf32, #tpu.memory_space<vmem>> -> memref<640x32xf32, #tpu.memory_space<vmem>>
    %dma_start3A_778 = arith.constant 0 : i32
    %dma_start3A_779 = tpu.memref_slice %arg2[%add3A_766, %dma_start3A_778] : memref<102400x32xf32, #tpu.memory_space<hbm>> -> memref<640x32xf32, #tpu.memory_space<hbm>>
    tpu.enqueue_dma source(%dma_start3A_779 : memref<640x32xf32, #tpu.memory_space<hbm>>) target(%dma_start3A_777 : memref<640x32xf32, #tpu.memory_space<vmem>>) target_semaphore(%arg10 : memref<!tpu.dma_semaphore, #tpu.memory_space<semaphore_mem>>)
    %dma_wait3A_780 = arith.constant 1 : i32
    %dma_wait3A_781 = arith.constant 0 : i32
    %dma_wait3A_782 = arith.constant 0 : i32
    %dma_wait3A_783 = tpu.memref_slice %arg6[%dma_wait3A_780, %dma_wait3A_781, %dma_wait3A_782] : memref<2x640x32xf32, #tpu.memory_space<vmem>> -> memref<1x640x32xf32, #tpu.memory_space<vmem>>
    %dma_wait3A_784 = tpu.memref_squeeze %dma_wait3A_783 : memref<1x640x32xf32, #tpu.memory_space<vmem>> -> memref<640x32xf32, #tpu.memory_space<vmem>>
    %dma_wait3A_785 = arith.constant 0 : i32
    %dma_wait3A_786 = tpu.memref_slice %arg2[%add3A_616, %dma_wait3A_785] : memref<102400x32xf32, #tpu.memory_space<hbm>> -> memref<640x32xf32, #tpu.memory_space<hbm>>
    %dma_wait3A_787 = arith.constant 0 : i32
    %dma_wait3A_788 = arith.constant 0 : i32
    %dma_wait3A_789 = tpu.memref_slice %arg6[%dma_wait3A_780, %dma_wait3A_787, %dma_wait3A_788] : memref<2x640x32xf32, #tpu.memory_space<vmem>> -> memref<1x640x32xf32, #tpu.memory_space<vmem>>
    %dma_wait3A_790 = tpu.memref_squeeze %dma_wait3A_789 : memref<1x640x32xf32, #tpu.memory_space<vmem>> -> memref<640x32xf32, #tpu.memory_space<vmem>>
    %dma_wait3A_791 = arith.constant 0 : i32
    %dma_wait3A_792 = tpu.memref_slice %arg2[%add3A_616, %dma_wait3A_791] : memref<102400x32xf32, #tpu.memory_space<hbm>> -> memref<640x32xf32, #tpu.memory_space<hbm>>
    tpu.wait_dma2 semaphore(%arg10 : memref<!tpu.dma_semaphore, #tpu.memory_space<semaphore_mem>>) src(%dma_wait3A_792 : memref<640x32xf32, #tpu.memory_space<hbm>>) dst(%dma_wait3A_790 : memref<640x32xf32, #tpu.memory_space<vmem>>)
    %dma_start3A_793 = arith.constant 1 : i32
    %dma_start3A_794 = arith.constant 25 : i32
    %dma_start3A_795 = arith.constant 0 : i32
    %dma_start3A_796 = arith.constant 0 : i32
    %dma_start3A_797 = tpu.memref_slice %arg6[%dma_start3A_793, %dma_start3A_795, %dma_start3A_796] : memref<2x640x32xf32, #tpu.memory_space<vmem>> -> memref<1x128x32xf32, #tpu.memory_space<vmem>>
    %dma_start3A_798 = tpu.memref_squeeze %dma_start3A_797 : memref<1x128x32xf32, #tpu.memory_space<vmem>> -> memref<128x32xf32, #tpu.memory_space<vmem>>
    %dma_start3A_799 = arith.constant 0 : i32
    %dma_start3A_800 = tpu.memref_slice %arg7[%dma_start3A_794, %dma_start3A_799] : memref<50x128xi32, #tpu.memory_space<vmem>> -> memref<1x128xi32, #tpu.memory_space<vmem>>
    %dma_start3A_801 = tpu.memref_squeeze %dma_start3A_800 : memref<1x128xi32, #tpu.memory_space<vmem>> -> memref<128xi32, #tpu.memory_space<vmem>>
    %dma_start3A_802 = arith.constant 0 : i32
    %dma_start3A_803 = arith.constant 0 : i32
    %dma_start3A_804 = tpu.memref_slice %arg8[%dma_start3A_802, %dma_start3A_803] : memref<28800x32xf32, #tpu.memory_space<vmem_shared>> -> memref<28800x32xf32, #tpu.memory_space<vmem_shared>>
    tpu.enqueue_indirect_dma source(%dma_start3A_798 : memref<128x32xf32, #tpu.memory_space<vmem>>) target(%dma_start3A_804 : memref<28800x32xf32, #tpu.memory_space<vmem_shared>>) offsets(%dma_start3A_801 : memref<128xi32, #tpu.memory_space<vmem>>) semaphore(%arg9 : memref<!tpu.dma_semaphore, #tpu.memory_space<semaphore_mem>>) {add = true}
    %dma_start3A_805 = arith.constant 1 : i32
    %dma_start3A_806 = arith.constant 26 : i32
    %dma_start3A_807 = arith.constant 128 : i32
    %dma_start3A_808 = arith.constant 0 : i32
    %dma_start3A_809 = tpu.memref_slice %arg6[%dma_start3A_805, %dma_start3A_807, %dma_start3A_808] : memref<2x640x32xf32, #tpu.memory_space<vmem>> -> memref<1x128x32xf32, #tpu.memory_space<vmem>>
    %dma_start3A_810 = tpu.memref_squeeze %dma_start3A_809 : memref<1x128x32xf32, #tpu.memory_space<vmem>> -> memref<128x32xf32, #tpu.memory_space<vmem>>
    %dma_start3A_811 = arith.constant 0 : i32
    %dma_start3A_812 = tpu.memref_slice %arg7[%dma_start3A_806, %dma_start3A_811] : memref<50x128xi32, #tpu.memory_space<vmem>> -> memref<1x128xi32, #tpu.memory_space<vmem>>
    %dma_start3A_813 = tpu.memref_squeeze %dma_start3A_812 : memref<1x128xi32, #tpu.memory_space<vmem>> -> memref<128xi32, #tpu.memory_space<vmem>>
    %dma_start3A_814 = arith.constant 0 : i32
    %dma_start3A_815 = arith.constant 0 : i32
    %dma_start3A_816 = tpu.memref_slice %arg8[%dma_start3A_814, %dma_start3A_815] : memref<28800x32xf32, #tpu.memory_space<vmem_shared>> -> memref<28800x32xf32, #tpu.memory_space<vmem_shared>>
    tpu.enqueue_indirect_dma source(%dma_start3A_810 : memref<128x32xf32, #tpu.memory_space<vmem>>) target(%dma_start3A_816 : memref<28800x32xf32, #tpu.memory_space<vmem_shared>>) offsets(%dma_start3A_813 : memref<128xi32, #tpu.memory_space<vmem>>) semaphore(%arg9 : memref<!tpu.dma_semaphore, #tpu.memory_space<semaphore_mem>>) {add = true}
    %dma_start3A_817 = arith.constant 1 : i32
    %dma_start3A_818 = arith.constant 27 : i32
    %dma_start3A_819 = arith.constant 256 : i32
    %dma_start3A_820 = arith.constant 0 : i32
    %dma_start3A_821 = tpu.memref_slice %arg6[%dma_start3A_817, %dma_start3A_819, %dma_start3A_820] : memref<2x640x32xf32, #tpu.memory_space<vmem>> -> memref<1x128x32xf32, #tpu.memory_space<vmem>>
    %dma_start3A_822 = tpu.memref_squeeze %dma_start3A_821 : memref<1x128x32xf32, #tpu.memory_space<vmem>> -> memref<128x32xf32, #tpu.memory_space<vmem>>
    %dma_start3A_823 = arith.constant 0 : i32
    %dma_start3A_824 = tpu.memref_slice %arg7[%dma_start3A_818, %dma_start3A_823] : memref<50x128xi32, #tpu.memory_space<vmem>> -> memref<1x128xi32, #tpu.memory_space<vmem>>
    %dma_start3A_825 = tpu.memref_squeeze %dma_start3A_824 : memref<1x128xi32, #tpu.memory_space<vmem>> -> memref<128xi32, #tpu.memory_space<vmem>>
    %dma_start3A_826 = arith.constant 0 : i32
    %dma_start3A_827 = arith.constant 0 : i32
    %dma_start3A_828 = tpu.memref_slice %arg8[%dma_start3A_826, %dma_start3A_827] : memref<28800x32xf32, #tpu.memory_space<vmem_shared>> -> memref<28800x32xf32, #tpu.memory_space<vmem_shared>>
    tpu.enqueue_indirect_dma source(%dma_start3A_822 : memref<128x32xf32, #tpu.memory_space<vmem>>) target(%dma_start3A_828 : memref<28800x32xf32, #tpu.memory_space<vmem_shared>>) offsets(%dma_start3A_825 : memref<128xi32, #tpu.memory_space<vmem>>) semaphore(%arg9 : memref<!tpu.dma_semaphore, #tpu.memory_space<semaphore_mem>>) {add = true}
    %dma_start3A_829 = arith.constant 1 : i32
    %dma_start3A_830 = arith.constant 28 : i32
    %dma_start3A_831 = arith.constant 384 : i32
    %dma_start3A_832 = arith.constant 0 : i32
    %dma_start3A_833 = tpu.memref_slice %arg6[%dma_start3A_829, %dma_start3A_831, %dma_start3A_832] : memref<2x640x32xf32, #tpu.memory_space<vmem>> -> memref<1x128x32xf32, #tpu.memory_space<vmem>>
    %dma_start3A_834 = tpu.memref_squeeze %dma_start3A_833 : memref<1x128x32xf32, #tpu.memory_space<vmem>> -> memref<128x32xf32, #tpu.memory_space<vmem>>
    %dma_start3A_835 = arith.constant 0 : i32
    %dma_start3A_836 = tpu.memref_slice %arg7[%dma_start3A_830, %dma_start3A_835] : memref<50x128xi32, #tpu.memory_space<vmem>> -> memref<1x128xi32, #tpu.memory_space<vmem>>
    %dma_start3A_837 = tpu.memref_squeeze %dma_start3A_836 : memref<1x128xi32, #tpu.memory_space<vmem>> -> memref<128xi32, #tpu.memory_space<vmem>>
    %dma_start3A_838 = arith.constant 0 : i32
    %dma_start3A_839 = arith.constant 0 : i32
    %dma_start3A_840 = tpu.memref_slice %arg8[%dma_start3A_838, %dma_start3A_839] : memref<28800x32xf32, #tpu.memory_space<vmem_shared>> -> memref<28800x32xf32, #tpu.memory_space<vmem_shared>>
    tpu.enqueue_indirect_dma source(%dma_start3A_834 : memref<128x32xf32, #tpu.memory_space<vmem>>) target(%dma_start3A_840 : memref<28800x32xf32, #tpu.memory_space<vmem_shared>>) offsets(%dma_start3A_837 : memref<128xi32, #tpu.memory_space<vmem>>) semaphore(%arg9 : memref<!tpu.dma_semaphore, #tpu.memory_space<semaphore_mem>>) {add = true}
    %dma_start3A_841 = arith.constant 1 : i32
    %dma_start3A_842 = arith.constant 29 : i32
    %dma_start3A_843 = arith.constant 512 : i32
    %dma_start3A_844 = arith.constant 0 : i32
    %dma_start3A_845 = tpu.memref_slice %arg6[%dma_start3A_841, %dma_start3A_843, %dma_start3A_844] : memref<2x640x32xf32, #tpu.memory_space<vmem>> -> memref<1x128x32xf32, #tpu.memory_space<vmem>>
    %dma_start3A_846 = tpu.memref_squeeze %dma_start3A_845 : memref<1x128x32xf32, #tpu.memory_space<vmem>> -> memref<128x32xf32, #tpu.memory_space<vmem>>
    %dma_start3A_847 = arith.constant 0 : i32
    %dma_start3A_848 = tpu.memref_slice %arg7[%dma_start3A_842, %dma_start3A_847] : memref<50x128xi32, #tpu.memory_space<vmem>> -> memref<1x128xi32, #tpu.memory_space<vmem>>
    %dma_start3A_849 = tpu.memref_squeeze %dma_start3A_848 : memref<1x128xi32, #tpu.memory_space<vmem>> -> memref<128xi32, #tpu.memory_space<vmem>>
    %dma_start3A_850 = arith.constant 0 : i32
    %dma_start3A_851 = arith.constant 0 : i32
    %dma_start3A_852 = tpu.memref_slice %arg8[%dma_start3A_850, %dma_start3A_851] : memref<28800x32xf32, #tpu.memory_space<vmem_shared>> -> memref<28800x32xf32, #tpu.memory_space<vmem_shared>>
    tpu.enqueue_indirect_dma source(%dma_start3A_846 : memref<128x32xf32, #tpu.memory_space<vmem>>) target(%dma_start3A_852 : memref<28800x32xf32, #tpu.memory_space<vmem_shared>>) offsets(%dma_start3A_849 : memref<128xi32, #tpu.memory_space<vmem>>) semaphore(%arg9 : memref<!tpu.dma_semaphore, #tpu.memory_space<semaphore_mem>>) {add = true}
    %dma_wait3A_853 = arith.constant 1 : i32
    %dma_wait3A_854 = arith.constant 25 : i32
    %dma_wait3A_855 = arith.constant 0 : i32
    %dma_wait3A_856 = arith.constant 0 : i32
    %dma_wait3A_857 = tpu.memref_slice %arg6[%dma_wait3A_853, %dma_wait3A_855, %dma_wait3A_856] : memref<2x640x32xf32, #tpu.memory_space<vmem>> -> memref<1x128x32xf32, #tpu.memory_space<vmem>>
    %dma_wait3A_858 = tpu.memref_squeeze %dma_wait3A_857 : memref<1x128x32xf32, #tpu.memory_space<vmem>> -> memref<128x32xf32, #tpu.memory_space<vmem>>
    %dma_wait3A_859 = arith.constant 0 : i32
    %dma_wait3A_860 = tpu.memref_slice %arg7[%dma_wait3A_854, %dma_wait3A_859] : memref<50x128xi32, #tpu.memory_space<vmem>> -> memref<1x128xi32, #tpu.memory_space<vmem>>
    %dma_wait3A_861 = tpu.memref_squeeze %dma_wait3A_860 : memref<1x128xi32, #tpu.memory_space<vmem>> -> memref<128xi32, #tpu.memory_space<vmem>>
    %dma_wait3A_862 = arith.constant 0 : i32
    %dma_wait3A_863 = arith.constant 0 : i32
    %dma_wait3A_864 = tpu.memref_slice %arg8[%dma_wait3A_862, %dma_wait3A_863] : memref<28800x32xf32, #tpu.memory_space<vmem_shared>> -> memref<28800x32xf32, #tpu.memory_space<vmem_shared>>
    tpu.wait_indirect_dma semaphore(%arg9 : memref<!tpu.dma_semaphore, #tpu.memory_space<semaphore_mem>>) src(%dma_wait3A_858 : memref<128x32xf32, #tpu.memory_space<vmem>>) dst(%dma_wait3A_864 : memref<28800x32xf32, #tpu.memory_space<vmem_shared>>)
    %dma_wait3A_865 = arith.constant 1 : i32
    %dma_wait3A_866 = arith.constant 26 : i32
    %dma_wait3A_867 = arith.constant 128 : i32
    %dma_wait3A_868 = arith.constant 0 : i32
    %dma_wait3A_869 = tpu.memref_slice %arg6[%dma_wait3A_865, %dma_wait3A_867, %dma_wait3A_868] : memref<2x640x32xf32, #tpu.memory_space<vmem>> -> memref<1x128x32xf32, #tpu.memory_space<vmem>>
    %dma_wait3A_870 = tpu.memref_squeeze %dma_wait3A_869 : memref<1x128x32xf32, #tpu.memory_space<vmem>> -> memref<128x32xf32, #tpu.memory_space<vmem>>
    %dma_wait3A_871 = arith.constant 0 : i32
    %dma_wait3A_872 = tpu.memref_slice %arg7[%dma_wait3A_866, %dma_wait3A_871] : memref<50x128xi32, #tpu.memory_space<vmem>> -> memref<1x128xi32, #tpu.memory_space<vmem>>
    %dma_wait3A_873 = tpu.memref_squeeze %dma_wait3A_872 : memref<1x128xi32, #tpu.memory_space<vmem>> -> memref<128xi32, #tpu.memory_space<vmem>>
    %dma_wait3A_874 = arith.constant 0 : i32
    %dma_wait3A_875 = arith.constant 0 : i32
    %dma_wait3A_876 = tpu.memref_slice %arg8[%dma_wait3A_874, %dma_wait3A_875] : memref<28800x32xf32, #tpu.memory_space<vmem_shared>> -> memref<28800x32xf32, #tpu.memory_space<vmem_shared>>
    tpu.wait_indirect_dma semaphore(%arg9 : memref<!tpu.dma_semaphore, #tpu.memory_space<semaphore_mem>>) src(%dma_wait3A_870 : memref<128x32xf32, #tpu.memory_space<vmem>>) dst(%dma_wait3A_876 : memref<28800x32xf32, #tpu.memory_space<vmem_shared>>)
    %dma_wait3A_877 = arith.constant 1 : i32
    %dma_wait3A_878 = arith.constant 27 : i32
    %dma_wait3A_879 = arith.constant 256 : i32
    %dma_wait3A_880 = arith.constant 0 : i32
    %dma_wait3A_881 = tpu.memref_slice %arg6[%dma_wait3A_877, %dma_wait3A_879, %dma_wait3A_880] : memref<2x640x32xf32, #tpu.memory_space<vmem>> -> memref<1x128x32xf32, #tpu.memory_space<vmem>>
    %dma_wait3A_882 = tpu.memref_squeeze %dma_wait3A_881 : memref<1x128x32xf32, #tpu.memory_space<vmem>> -> memref<128x32xf32, #tpu.memory_space<vmem>>
    %dma_wait3A_883 = arith.constant 0 : i32
    %dma_wait3A_884 = tpu.memref_slice %arg7[%dma_wait3A_878, %dma_wait3A_883] : memref<50x128xi32, #tpu.memory_space<vmem>> -> memref<1x128xi32, #tpu.memory_space<vmem>>
    %dma_wait3A_885 = tpu.memref_squeeze %dma_wait3A_884 : memref<1x128xi32, #tpu.memory_space<vmem>> -> memref<128xi32, #tpu.memory_space<vmem>>
    %dma_wait3A_886 = arith.constant 0 : i32
    %dma_wait3A_887 = arith.constant 0 : i32
    %dma_wait3A_888 = tpu.memref_slice %arg8[%dma_wait3A_886, %dma_wait3A_887] : memref<28800x32xf32, #tpu.memory_space<vmem_shared>> -> memref<28800x32xf32, #tpu.memory_space<vmem_shared>>
    tpu.wait_indirect_dma semaphore(%arg9 : memref<!tpu.dma_semaphore, #tpu.memory_space<semaphore_mem>>) src(%dma_wait3A_882 : memref<128x32xf32, #tpu.memory_space<vmem>>) dst(%dma_wait3A_888 : memref<28800x32xf32, #tpu.memory_space<vmem_shared>>)
    %dma_wait3A_889 = arith.constant 1 : i32
    %dma_wait3A_890 = arith.constant 28 : i32
    %dma_wait3A_891 = arith.constant 384 : i32
    %dma_wait3A_892 = arith.constant 0 : i32
    %dma_wait3A_893 = tpu.memref_slice %arg6[%dma_wait3A_889, %dma_wait3A_891, %dma_wait3A_892] : memref<2x640x32xf32, #tpu.memory_space<vmem>> -> memref<1x128x32xf32, #tpu.memory_space<vmem>>
    %dma_wait3A_894 = tpu.memref_squeeze %dma_wait3A_893 : memref<1x128x32xf32, #tpu.memory_space<vmem>> -> memref<128x32xf32, #tpu.memory_space<vmem>>
    %dma_wait3A_895 = arith.constant 0 : i32
    %dma_wait3A_896 = tpu.memref_slice %arg7[%dma_wait3A_890, %dma_wait3A_895] : memref<50x128xi32, #tpu.memory_space<vmem>> -> memref<1x128xi32, #tpu.memory_space<vmem>>
    %dma_wait3A_897 = tpu.memref_squeeze %dma_wait3A_896 : memref<1x128xi32, #tpu.memory_space<vmem>> -> memref<128xi32, #tpu.memory_space<vmem>>
    %dma_wait3A_898 = arith.constant 0 : i32
    %dma_wait3A_899 = arith.constant 0 : i32
    %dma_wait3A_900 = tpu.memref_slice %arg8[%dma_wait3A_898, %dma_wait3A_899] : memref<28800x32xf32, #tpu.memory_space<vmem_shared>> -> memref<28800x32xf32, #tpu.memory_space<vmem_shared>>
    tpu.wait_indirect_dma semaphore(%arg9 : memref<!tpu.dma_semaphore, #tpu.memory_space<semaphore_mem>>) src(%dma_wait3A_894 : memref<128x32xf32, #tpu.memory_space<vmem>>) dst(%dma_wait3A_900 : memref<28800x32xf32, #tpu.memory_space<vmem_shared>>)
    %dma_wait3A_901 = arith.constant 1 : i32
    %dma_wait3A_902 = arith.constant 29 : i32
    %dma_wait3A_903 = arith.constant 512 : i32
    %dma_wait3A_904 = arith.constant 0 : i32
    %dma_wait3A_905 = tpu.memref_slice %arg6[%dma_wait3A_901, %dma_wait3A_903, %dma_wait3A_904] : memref<2x640x32xf32, #tpu.memory_space<vmem>> -> memref<1x128x32xf32, #tpu.memory_space<vmem>>
    %dma_wait3A_906 = tpu.memref_squeeze %dma_wait3A_905 : memref<1x128x32xf32, #tpu.memory_space<vmem>> -> memref<128x32xf32, #tpu.memory_space<vmem>>
    %dma_wait3A_907 = arith.constant 0 : i32
    %dma_wait3A_908 = tpu.memref_slice %arg7[%dma_wait3A_902, %dma_wait3A_907] : memref<50x128xi32, #tpu.memory_space<vmem>> -> memref<1x128xi32, #tpu.memory_space<vmem>>
    %dma_wait3A_909 = tpu.memref_squeeze %dma_wait3A_908 : memref<1x128xi32, #tpu.memory_space<vmem>> -> memref<128xi32, #tpu.memory_space<vmem>>
    %dma_wait3A_910 = arith.constant 0 : i32
    %dma_wait3A_911 = arith.constant 0 : i32
    %dma_wait3A_912 = tpu.memref_slice %arg8[%dma_wait3A_910, %dma_wait3A_911] : memref<28800x32xf32, #tpu.memory_space<vmem_shared>> -> memref<28800x32xf32, #tpu.memory_space<vmem_shared>>
    tpu.wait_indirect_dma semaphore(%arg9 : memref<!tpu.dma_semaphore, #tpu.memory_space<semaphore_mem>>) src(%dma_wait3A_906 : memref<128x32xf32, #tpu.memory_space<vmem>>) dst(%dma_wait3A_912 : memref<28800x32xf32, #tpu.memory_space<vmem_shared>>)
    %mul3A_913 = arith.constant 6400 : i32
    %mul3A_914 = arith.muli %arg1, %mul3A_913 : i32
    %add3A_915 = arith.constant 4480 : i32
    %add3A_916 = arith.addi %mul3A_914, %add3A_915 : i32
    %dma_start3A_917 = arith.constant 1 : i32
    %dma_start3A_918 = arith.constant 0 : i32
    %dma_start3A_919 = arith.constant 0 : i32
    %dma_start3A_920 = tpu.memref_slice %arg6[%dma_start3A_917, %dma_start3A_918, %dma_start3A_919] : memref<2x640x32xf32, #tpu.memory_space<vmem>> -> memref<1x640x32xf32, #tpu.memory_space<vmem>>
    %dma_start3A_921 = tpu.memref_squeeze %dma_start3A_920 : memref<1x640x32xf32, #tpu.memory_space<vmem>> -> memref<640x32xf32, #tpu.memory_space<vmem>>
    %dma_start3A_922 = arith.constant 0 : i32
    %dma_start3A_923 = tpu.memref_slice %arg2[%add3A_916, %dma_start3A_922] : memref<102400x32xf32, #tpu.memory_space<hbm>> -> memref<640x32xf32, #tpu.memory_space<hbm>>
    %dma_start3A_924 = arith.constant 0 : i32
    %dma_start3A_925 = arith.constant 0 : i32
    %dma_start3A_926 = tpu.memref_slice %arg6[%dma_start3A_917, %dma_start3A_924, %dma_start3A_925] : memref<2x640x32xf32, #tpu.memory_space<vmem>> -> memref<1x640x32xf32, #tpu.memory_space<vmem>>
    %dma_start3A_927 = tpu.memref_squeeze %dma_start3A_926 : memref<1x640x32xf32, #tpu.memory_space<vmem>> -> memref<640x32xf32, #tpu.memory_space<vmem>>
    %dma_start3A_928 = arith.constant 0 : i32
    %dma_start3A_929 = tpu.memref_slice %arg2[%add3A_916, %dma_start3A_928] : memref<102400x32xf32, #tpu.memory_space<hbm>> -> memref<640x32xf32, #tpu.memory_space<hbm>>
    tpu.enqueue_dma source(%dma_start3A_929 : memref<640x32xf32, #tpu.memory_space<hbm>>) target(%dma_start3A_927 : memref<640x32xf32, #tpu.memory_space<vmem>>) target_semaphore(%arg10 : memref<!tpu.dma_semaphore, #tpu.memory_space<semaphore_mem>>)
    %dma_wait3A_930 = arith.constant 0 : i32
    %dma_wait3A_931 = arith.constant 0 : i32
    %dma_wait3A_932 = arith.constant 0 : i32
    %dma_wait3A_933 = tpu.memref_slice %arg6[%dma_wait3A_930, %dma_wait3A_931, %dma_wait3A_932] : memref<2x640x32xf32, #tpu.memory_space<vmem>> -> memref<1x640x32xf32, #tpu.memory_space<vmem>>
    %dma_wait3A_934 = tpu.memref_squeeze %dma_wait3A_933 : memref<1x640x32xf32, #tpu.memory_space<vmem>> -> memref<640x32xf32, #tpu.memory_space<vmem>>
    %dma_wait3A_935 = arith.constant 0 : i32
    %dma_wait3A_936 = tpu.memref_slice %arg2[%add3A_766, %dma_wait3A_935] : memref<102400x32xf32, #tpu.memory_space<hbm>> -> memref<640x32xf32, #tpu.memory_space<hbm>>
    %dma_wait3A_937 = arith.constant 0 : i32
    %dma_wait3A_938 = arith.constant 0 : i32
    %dma_wait3A_939 = tpu.memref_slice %arg6[%dma_wait3A_930, %dma_wait3A_937, %dma_wait3A_938] : memref<2x640x32xf32, #tpu.memory_space<vmem>> -> memref<1x640x32xf32, #tpu.memory_space<vmem>>
    %dma_wait3A_940 = tpu.memref_squeeze %dma_wait3A_939 : memref<1x640x32xf32, #tpu.memory_space<vmem>> -> memref<640x32xf32, #tpu.memory_space<vmem>>
    %dma_wait3A_941 = arith.constant 0 : i32
    %dma_wait3A_942 = tpu.memref_slice %arg2[%add3A_766, %dma_wait3A_941] : memref<102400x32xf32, #tpu.memory_space<hbm>> -> memref<640x32xf32, #tpu.memory_space<hbm>>
    tpu.wait_dma2 semaphore(%arg10 : memref<!tpu.dma_semaphore, #tpu.memory_space<semaphore_mem>>) src(%dma_wait3A_942 : memref<640x32xf32, #tpu.memory_space<hbm>>) dst(%dma_wait3A_940 : memref<640x32xf32, #tpu.memory_space<vmem>>)
    %dma_start3A_943 = arith.constant 0 : i32
    %dma_start3A_944 = arith.constant 30 : i32
    %dma_start3A_945 = arith.constant 0 : i32
    %dma_start3A_946 = arith.constant 0 : i32
    %dma_start3A_947 = tpu.memref_slice %arg6[%dma_start3A_943, %dma_start3A_945, %dma_start3A_946] : memref<2x640x32xf32, #tpu.memory_space<vmem>> -> memref<1x128x32xf32, #tpu.memory_space<vmem>>
    %dma_start3A_948 = tpu.memref_squeeze %dma_start3A_947 : memref<1x128x32xf32, #tpu.memory_space<vmem>> -> memref<128x32xf32, #tpu.memory_space<vmem>>
    %dma_start3A_949 = arith.constant 0 : i32
    %dma_start3A_950 = tpu.memref_slice %arg7[%dma_start3A_944, %dma_start3A_949] : memref<50x128xi32, #tpu.memory_space<vmem>> -> memref<1x128xi32, #tpu.memory_space<vmem>>
    %dma_start3A_951 = tpu.memref_squeeze %dma_start3A_950 : memref<1x128xi32, #tpu.memory_space<vmem>> -> memref<128xi32, #tpu.memory_space<vmem>>
    %dma_start3A_952 = arith.constant 0 : i32
    %dma_start3A_953 = arith.constant 0 : i32
    %dma_start3A_954 = tpu.memref_slice %arg8[%dma_start3A_952, %dma_start3A_953] : memref<28800x32xf32, #tpu.memory_space<vmem_shared>> -> memref<28800x32xf32, #tpu.memory_space<vmem_shared>>
    tpu.enqueue_indirect_dma source(%dma_start3A_948 : memref<128x32xf32, #tpu.memory_space<vmem>>) target(%dma_start3A_954 : memref<28800x32xf32, #tpu.memory_space<vmem_shared>>) offsets(%dma_start3A_951 : memref<128xi32, #tpu.memory_space<vmem>>) semaphore(%arg9 : memref<!tpu.dma_semaphore, #tpu.memory_space<semaphore_mem>>) {add = true}
    %dma_start3A_955 = arith.constant 0 : i32
    %dma_start3A_956 = arith.constant 31 : i32
    %dma_start3A_957 = arith.constant 128 : i32
    %dma_start3A_958 = arith.constant 0 : i32
    %dma_start3A_959 = tpu.memref_slice %arg6[%dma_start3A_955, %dma_start3A_957, %dma_start3A_958] : memref<2x640x32xf32, #tpu.memory_space<vmem>> -> memref<1x128x32xf32, #tpu.memory_space<vmem>>
    %dma_start3A_960 = tpu.memref_squeeze %dma_start3A_959 : memref<1x128x32xf32, #tpu.memory_space<vmem>> -> memref<128x32xf32, #tpu.memory_space<vmem>>
    %dma_start3A_961 = arith.constant 0 : i32
    %dma_start3A_962 = tpu.memref_slice %arg7[%dma_start3A_956, %dma_start3A_961] : memref<50x128xi32, #tpu.memory_space<vmem>> -> memref<1x128xi32, #tpu.memory_space<vmem>>
    %dma_start3A_963 = tpu.memref_squeeze %dma_start3A_962 : memref<1x128xi32, #tpu.memory_space<vmem>> -> memref<128xi32, #tpu.memory_space<vmem>>
    %dma_start3A_964 = arith.constant 0 : i32
    %dma_start3A_965 = arith.constant 0 : i32
    %dma_start3A_966 = tpu.memref_slice %arg8[%dma_start3A_964, %dma_start3A_965] : memref<28800x32xf32, #tpu.memory_space<vmem_shared>> -> memref<28800x32xf32, #tpu.memory_space<vmem_shared>>
    tpu.enqueue_indirect_dma source(%dma_start3A_960 : memref<128x32xf32, #tpu.memory_space<vmem>>) target(%dma_start3A_966 : memref<28800x32xf32, #tpu.memory_space<vmem_shared>>) offsets(%dma_start3A_963 : memref<128xi32, #tpu.memory_space<vmem>>) semaphore(%arg9 : memref<!tpu.dma_semaphore, #tpu.memory_space<semaphore_mem>>) {add = true}
    %dma_start3A_967 = arith.constant 0 : i32
    %dma_start3A_968 = arith.constant 32 : i32
    %dma_start3A_969 = arith.constant 256 : i32
    %dma_start3A_970 = arith.constant 0 : i32
    %dma_start3A_971 = tpu.memref_slice %arg6[%dma_start3A_967, %dma_start3A_969, %dma_start3A_970] : memref<2x640x32xf32, #tpu.memory_space<vmem>> -> memref<1x128x32xf32, #tpu.memory_space<vmem>>
    %dma_start3A_972 = tpu.memref_squeeze %dma_start3A_971 : memref<1x128x32xf32, #tpu.memory_space<vmem>> -> memref<128x32xf32, #tpu.memory_space<vmem>>
    %dma_start3A_973 = arith.constant 0 : i32
    %dma_start3A_974 = tpu.memref_slice %arg7[%dma_start3A_968, %dma_start3A_973] : memref<50x128xi32, #tpu.memory_space<vmem>> -> memref<1x128xi32, #tpu.memory_space<vmem>>
    %dma_start3A_975 = tpu.memref_squeeze %dma_start3A_974 : memref<1x128xi32, #tpu.memory_space<vmem>> -> memref<128xi32, #tpu.memory_space<vmem>>
    %dma_start3A_976 = arith.constant 0 : i32
    %dma_start3A_977 = arith.constant 0 : i32
    %dma_start3A_978 = tpu.memref_slice %arg8[%dma_start3A_976, %dma_start3A_977] : memref<28800x32xf32, #tpu.memory_space<vmem_shared>> -> memref<28800x32xf32, #tpu.memory_space<vmem_shared>>
    tpu.enqueue_indirect_dma source(%dma_start3A_972 : memref<128x32xf32, #tpu.memory_space<vmem>>) target(%dma_start3A_978 : memref<28800x32xf32, #tpu.memory_space<vmem_shared>>) offsets(%dma_start3A_975 : memref<128xi32, #tpu.memory_space<vmem>>) semaphore(%arg9 : memref<!tpu.dma_semaphore, #tpu.memory_space<semaphore_mem>>) {add = true}
    %dma_start3A_979 = arith.constant 0 : i32
    %dma_start3A_980 = arith.constant 33 : i32
    %dma_start3A_981 = arith.constant 384 : i32
    %dma_start3A_982 = arith.constant 0 : i32
    %dma_start3A_983 = tpu.memref_slice %arg6[%dma_start3A_979, %dma_start3A_981, %dma_start3A_982] : memref<2x640x32xf32, #tpu.memory_space<vmem>> -> memref<1x128x32xf32, #tpu.memory_space<vmem>>
    %dma_start3A_984 = tpu.memref_squeeze %dma_start3A_983 : memref<1x128x32xf32, #tpu.memory_space<vmem>> -> memref<128x32xf32, #tpu.memory_space<vmem>>
    %dma_start3A_985 = arith.constant 0 : i32
    %dma_start3A_986 = tpu.memref_slice %arg7[%dma_start3A_980, %dma_start3A_985] : memref<50x128xi32, #tpu.memory_space<vmem>> -> memref<1x128xi32, #tpu.memory_space<vmem>>
    %dma_start3A_987 = tpu.memref_squeeze %dma_start3A_986 : memref<1x128xi32, #tpu.memory_space<vmem>> -> memref<128xi32, #tpu.memory_space<vmem>>
    %dma_start3A_988 = arith.constant 0 : i32
    %dma_start3A_989 = arith.constant 0 : i32
    %dma_start3A_990 = tpu.memref_slice %arg8[%dma_start3A_988, %dma_start3A_989] : memref<28800x32xf32, #tpu.memory_space<vmem_shared>> -> memref<28800x32xf32, #tpu.memory_space<vmem_shared>>
    tpu.enqueue_indirect_dma source(%dma_start3A_984 : memref<128x32xf32, #tpu.memory_space<vmem>>) target(%dma_start3A_990 : memref<28800x32xf32, #tpu.memory_space<vmem_shared>>) offsets(%dma_start3A_987 : memref<128xi32, #tpu.memory_space<vmem>>) semaphore(%arg9 : memref<!tpu.dma_semaphore, #tpu.memory_space<semaphore_mem>>) {add = true}
    %dma_start3A_991 = arith.constant 0 : i32
    %dma_start3A_992 = arith.constant 34 : i32
    %dma_start3A_993 = arith.constant 512 : i32
    %dma_start3A_994 = arith.constant 0 : i32
    %dma_start3A_995 = tpu.memref_slice %arg6[%dma_start3A_991, %dma_start3A_993, %dma_start3A_994] : memref<2x640x32xf32, #tpu.memory_space<vmem>> -> memref<1x128x32xf32, #tpu.memory_space<vmem>>
    %dma_start3A_996 = tpu.memref_squeeze %dma_start3A_995 : memref<1x128x32xf32, #tpu.memory_space<vmem>> -> memref<128x32xf32, #tpu.memory_space<vmem>>
    %dma_start3A_997 = arith.constant 0 : i32
    %dma_start3A_998 = tpu.memref_slice %arg7[%dma_start3A_992, %dma_start3A_997] : memref<50x128xi32, #tpu.memory_space<vmem>> -> memref<1x128xi32, #tpu.memory_space<vmem>>
    %dma_start3A_999 = tpu.memref_squeeze %dma_start3A_998 : memref<1x128xi32, #tpu.memory_space<vmem>> -> memref<128xi32, #tpu.memory_space<vmem>>
    %dma_start3A_1000 = arith.constant 0 : i32
    %dma_start3A_1001 = arith.constant 0 : i32
    %dma_start3A_1002 = tpu.memref_slice %arg8[%dma_start3A_1000, %dma_start3A_1001] : memref<28800x32xf32, #tpu.memory_space<vmem_shared>> -> memref<28800x32xf32, #tpu.memory_space<vmem_shared>>
    tpu.enqueue_indirect_dma source(%dma_start3A_996 : memref<128x32xf32, #tpu.memory_space<vmem>>) target(%dma_start3A_1002 : memref<28800x32xf32, #tpu.memory_space<vmem_shared>>) offsets(%dma_start3A_999 : memref<128xi32, #tpu.memory_space<vmem>>) semaphore(%arg9 : memref<!tpu.dma_semaphore, #tpu.memory_space<semaphore_mem>>) {add = true}
    %dma_wait3A_1003 = arith.constant 0 : i32
    %dma_wait3A_1004 = arith.constant 30 : i32
    %dma_wait3A_1005 = arith.constant 0 : i32
    %dma_wait3A_1006 = arith.constant 0 : i32
    %dma_wait3A_1007 = tpu.memref_slice %arg6[%dma_wait3A_1003, %dma_wait3A_1005, %dma_wait3A_1006] : memref<2x640x32xf32, #tpu.memory_space<vmem>> -> memref<1x128x32xf32, #tpu.memory_space<vmem>>
    %dma_wait3A_1008 = tpu.memref_squeeze %dma_wait3A_1007 : memref<1x128x32xf32, #tpu.memory_space<vmem>> -> memref<128x32xf32, #tpu.memory_space<vmem>>
    %dma_wait3A_1009 = arith.constant 0 : i32
    %dma_wait3A_1010 = tpu.memref_slice %arg7[%dma_wait3A_1004, %dma_wait3A_1009] : memref<50x128xi32, #tpu.memory_space<vmem>> -> memref<1x128xi32, #tpu.memory_space<vmem>>
    %dma_wait3A_1011 = tpu.memref_squeeze %dma_wait3A_1010 : memref<1x128xi32, #tpu.memory_space<vmem>> -> memref<128xi32, #tpu.memory_space<vmem>>
    %dma_wait3A_1012 = arith.constant 0 : i32
    %dma_wait3A_1013 = arith.constant 0 : i32
    %dma_wait3A_1014 = tpu.memref_slice %arg8[%dma_wait3A_1012, %dma_wait3A_1013] : memref<28800x32xf32, #tpu.memory_space<vmem_shared>> -> memref<28800x32xf32, #tpu.memory_space<vmem_shared>>
    tpu.wait_indirect_dma semaphore(%arg9 : memref<!tpu.dma_semaphore, #tpu.memory_space<semaphore_mem>>) src(%dma_wait3A_1008 : memref<128x32xf32, #tpu.memory_space<vmem>>) dst(%dma_wait3A_1014 : memref<28800x32xf32, #tpu.memory_space<vmem_shared>>)
    %dma_wait3A_1015 = arith.constant 0 : i32
    %dma_wait3A_1016 = arith.constant 31 : i32
    %dma_wait3A_1017 = arith.constant 128 : i32
    %dma_wait3A_1018 = arith.constant 0 : i32
    %dma_wait3A_1019 = tpu.memref_slice %arg6[%dma_wait3A_1015, %dma_wait3A_1017, %dma_wait3A_1018] : memref<2x640x32xf32, #tpu.memory_space<vmem>> -> memref<1x128x32xf32, #tpu.memory_space<vmem>>
    %dma_wait3A_1020 = tpu.memref_squeeze %dma_wait3A_1019 : memref<1x128x32xf32, #tpu.memory_space<vmem>> -> memref<128x32xf32, #tpu.memory_space<vmem>>
    %dma_wait3A_1021 = arith.constant 0 : i32
    %dma_wait3A_1022 = tpu.memref_slice %arg7[%dma_wait3A_1016, %dma_wait3A_1021] : memref<50x128xi32, #tpu.memory_space<vmem>> -> memref<1x128xi32, #tpu.memory_space<vmem>>
    %dma_wait3A_1023 = tpu.memref_squeeze %dma_wait3A_1022 : memref<1x128xi32, #tpu.memory_space<vmem>> -> memref<128xi32, #tpu.memory_space<vmem>>
    %dma_wait3A_1024 = arith.constant 0 : i32
    %dma_wait3A_1025 = arith.constant 0 : i32
    %dma_wait3A_1026 = tpu.memref_slice %arg8[%dma_wait3A_1024, %dma_wait3A_1025] : memref<28800x32xf32, #tpu.memory_space<vmem_shared>> -> memref<28800x32xf32, #tpu.memory_space<vmem_shared>>
    tpu.wait_indirect_dma semaphore(%arg9 : memref<!tpu.dma_semaphore, #tpu.memory_space<semaphore_mem>>) src(%dma_wait3A_1020 : memref<128x32xf32, #tpu.memory_space<vmem>>) dst(%dma_wait3A_1026 : memref<28800x32xf32, #tpu.memory_space<vmem_shared>>)
    %dma_wait3A_1027 = arith.constant 0 : i32
    %dma_wait3A_1028 = arith.constant 32 : i32
    %dma_wait3A_1029 = arith.constant 256 : i32
    %dma_wait3A_1030 = arith.constant 0 : i32
    %dma_wait3A_1031 = tpu.memref_slice %arg6[%dma_wait3A_1027, %dma_wait3A_1029, %dma_wait3A_1030] : memref<2x640x32xf32, #tpu.memory_space<vmem>> -> memref<1x128x32xf32, #tpu.memory_space<vmem>>
    %dma_wait3A_1032 = tpu.memref_squeeze %dma_wait3A_1031 : memref<1x128x32xf32, #tpu.memory_space<vmem>> -> memref<128x32xf32, #tpu.memory_space<vmem>>
    %dma_wait3A_1033 = arith.constant 0 : i32
    %dma_wait3A_1034 = tpu.memref_slice %arg7[%dma_wait3A_1028, %dma_wait3A_1033] : memref<50x128xi32, #tpu.memory_space<vmem>> -> memref<1x128xi32, #tpu.memory_space<vmem>>
    %dma_wait3A_1035 = tpu.memref_squeeze %dma_wait3A_1034 : memref<1x128xi32, #tpu.memory_space<vmem>> -> memref<128xi32, #tpu.memory_space<vmem>>
    %dma_wait3A_1036 = arith.constant 0 : i32
    %dma_wait3A_1037 = arith.constant 0 : i32
    %dma_wait3A_1038 = tpu.memref_slice %arg8[%dma_wait3A_1036, %dma_wait3A_1037] : memref<28800x32xf32, #tpu.memory_space<vmem_shared>> -> memref<28800x32xf32, #tpu.memory_space<vmem_shared>>
    tpu.wait_indirect_dma semaphore(%arg9 : memref<!tpu.dma_semaphore, #tpu.memory_space<semaphore_mem>>) src(%dma_wait3A_1032 : memref<128x32xf32, #tpu.memory_space<vmem>>) dst(%dma_wait3A_1038 : memref<28800x32xf32, #tpu.memory_space<vmem_shared>>)
    %dma_wait3A_1039 = arith.constant 0 : i32
    %dma_wait3A_1040 = arith.constant 33 : i32
    %dma_wait3A_1041 = arith.constant 384 : i32
    %dma_wait3A_1042 = arith.constant 0 : i32
    %dma_wait3A_1043 = tpu.memref_slice %arg6[%dma_wait3A_1039, %dma_wait3A_1041, %dma_wait3A_1042] : memref<2x640x32xf32, #tpu.memory_space<vmem>> -> memref<1x128x32xf32, #tpu.memory_space<vmem>>
    %dma_wait3A_1044 = tpu.memref_squeeze %dma_wait3A_1043 : memref<1x128x32xf32, #tpu.memory_space<vmem>> -> memref<128x32xf32, #tpu.memory_space<vmem>>
    %dma_wait3A_1045 = arith.constant 0 : i32
    %dma_wait3A_1046 = tpu.memref_slice %arg7[%dma_wait3A_1040, %dma_wait3A_1045] : memref<50x128xi32, #tpu.memory_space<vmem>> -> memref<1x128xi32, #tpu.memory_space<vmem>>
    %dma_wait3A_1047 = tpu.memref_squeeze %dma_wait3A_1046 : memref<1x128xi32, #tpu.memory_space<vmem>> -> memref<128xi32, #tpu.memory_space<vmem>>
    %dma_wait3A_1048 = arith.constant 0 : i32
    %dma_wait3A_1049 = arith.constant 0 : i32
    %dma_wait3A_1050 = tpu.memref_slice %arg8[%dma_wait3A_1048, %dma_wait3A_1049] : memref<28800x32xf32, #tpu.memory_space<vmem_shared>> -> memref<28800x32xf32, #tpu.memory_space<vmem_shared>>
    tpu.wait_indirect_dma semaphore(%arg9 : memref<!tpu.dma_semaphore, #tpu.memory_space<semaphore_mem>>) src(%dma_wait3A_1044 : memref<128x32xf32, #tpu.memory_space<vmem>>) dst(%dma_wait3A_1050 : memref<28800x32xf32, #tpu.memory_space<vmem_shared>>)
    %dma_wait3A_1051 = arith.constant 0 : i32
    %dma_wait3A_1052 = arith.constant 34 : i32
    %dma_wait3A_1053 = arith.constant 512 : i32
    %dma_wait3A_1054 = arith.constant 0 : i32
    %dma_wait3A_1055 = tpu.memref_slice %arg6[%dma_wait3A_1051, %dma_wait3A_1053, %dma_wait3A_1054] : memref<2x640x32xf32, #tpu.memory_space<vmem>> -> memref<1x128x32xf32, #tpu.memory_space<vmem>>
    %dma_wait3A_1056 = tpu.memref_squeeze %dma_wait3A_1055 : memref<1x128x32xf32, #tpu.memory_space<vmem>> -> memref<128x32xf32, #tpu.memory_space<vmem>>
    %dma_wait3A_1057 = arith.constant 0 : i32
    %dma_wait3A_1058 = tpu.memref_slice %arg7[%dma_wait3A_1052, %dma_wait3A_1057] : memref<50x128xi32, #tpu.memory_space<vmem>> -> memref<1x128xi32, #tpu.memory_space<vmem>>
    %dma_wait3A_1059 = tpu.memref_squeeze %dma_wait3A_1058 : memref<1x128xi32, #tpu.memory_space<vmem>> -> memref<128xi32, #tpu.memory_space<vmem>>
    %dma_wait3A_1060 = arith.constant 0 : i32
    %dma_wait3A_1061 = arith.constant 0 : i32
    %dma_wait3A_1062 = tpu.memref_slice %arg8[%dma_wait3A_1060, %dma_wait3A_1061] : memref<28800x32xf32, #tpu.memory_space<vmem_shared>> -> memref<28800x32xf32, #tpu.memory_space<vmem_shared>>
    tpu.wait_indirect_dma semaphore(%arg9 : memref<!tpu.dma_semaphore, #tpu.memory_space<semaphore_mem>>) src(%dma_wait3A_1056 : memref<128x32xf32, #tpu.memory_space<vmem>>) dst(%dma_wait3A_1062 : memref<28800x32xf32, #tpu.memory_space<vmem_shared>>)
    %mul3A_1063 = arith.constant 6400 : i32
    %mul3A_1064 = arith.muli %arg1, %mul3A_1063 : i32
    %add3A_1065 = arith.constant 5120 : i32
    %add3A_1066 = arith.addi %mul3A_1064, %add3A_1065 : i32
    %dma_start3A_1067 = arith.constant 0 : i32
    %dma_start3A_1068 = arith.constant 0 : i32
    %dma_start3A_1069 = arith.constant 0 : i32
    %dma_start3A_1070 = tpu.memref_slice %arg6[%dma_start3A_1067, %dma_start3A_1068, %dma_start3A_1069] : memref<2x640x32xf32, #tpu.memory_space<vmem>> -> memref<1x640x32xf32, #tpu.memory_space<vmem>>
    %dma_start3A_1071 = tpu.memref_squeeze %dma_start3A_1070 : memref<1x640x32xf32, #tpu.memory_space<vmem>> -> memref<640x32xf32, #tpu.memory_space<vmem>>
    %dma_start3A_1072 = arith.constant 0 : i32
    %dma_start3A_1073 = tpu.memref_slice %arg2[%add3A_1066, %dma_start3A_1072] : memref<102400x32xf32, #tpu.memory_space<hbm>> -> memref<640x32xf32, #tpu.memory_space<hbm>>
    %dma_start3A_1074 = arith.constant 0 : i32
    %dma_start3A_1075 = arith.constant 0 : i32
    %dma_start3A_1076 = tpu.memref_slice %arg6[%dma_start3A_1067, %dma_start3A_1074, %dma_start3A_1075] : memref<2x640x32xf32, #tpu.memory_space<vmem>> -> memref<1x640x32xf32, #tpu.memory_space<vmem>>
    %dma_start3A_1077 = tpu.memref_squeeze %dma_start3A_1076 : memref<1x640x32xf32, #tpu.memory_space<vmem>> -> memref<640x32xf32, #tpu.memory_space<vmem>>
    %dma_start3A_1078 = arith.constant 0 : i32
    %dma_start3A_1079 = tpu.memref_slice %arg2[%add3A_1066, %dma_start3A_1078] : memref<102400x32xf32, #tpu.memory_space<hbm>> -> memref<640x32xf32, #tpu.memory_space<hbm>>
    tpu.enqueue_dma source(%dma_start3A_1079 : memref<640x32xf32, #tpu.memory_space<hbm>>) target(%dma_start3A_1077 : memref<640x32xf32, #tpu.memory_space<vmem>>) target_semaphore(%arg10 : memref<!tpu.dma_semaphore, #tpu.memory_space<semaphore_mem>>)
    %dma_wait3A_1080 = arith.constant 1 : i32
    %dma_wait3A_1081 = arith.constant 0 : i32
    %dma_wait3A_1082 = arith.constant 0 : i32
    %dma_wait3A_1083 = tpu.memref_slice %arg6[%dma_wait3A_1080, %dma_wait3A_1081, %dma_wait3A_1082] : memref<2x640x32xf32, #tpu.memory_space<vmem>> -> memref<1x640x32xf32, #tpu.memory_space<vmem>>
    %dma_wait3A_1084 = tpu.memref_squeeze %dma_wait3A_1083 : memref<1x640x32xf32, #tpu.memory_space<vmem>> -> memref<640x32xf32, #tpu.memory_space<vmem>>
    %dma_wait3A_1085 = arith.constant 0 : i32
    %dma_wait3A_1086 = tpu.memref_slice %arg2[%add3A_916, %dma_wait3A_1085] : memref<102400x32xf32, #tpu.memory_space<hbm>> -> memref<640x32xf32, #tpu.memory_space<hbm>>
    %dma_wait3A_1087 = arith.constant 0 : i32
    %dma_wait3A_1088 = arith.constant 0 : i32
    %dma_wait3A_1089 = tpu.memref_slice %arg6[%dma_wait3A_1080, %dma_wait3A_1087, %dma_wait3A_1088] : memref<2x640x32xf32, #tpu.memory_space<vmem>> -> memref<1x640x32xf32, #tpu.memory_space<vmem>>
    %dma_wait3A_1090 = tpu.memref_squeeze %dma_wait3A_1089 : memref<1x640x32xf32, #tpu.memory_space<vmem>> -> memref<640x32xf32, #tpu.memory_space<vmem>>
    %dma_wait3A_1091 = arith.constant 0 : i32
    %dma_wait3A_1092 = tpu.memref_slice %arg2[%add3A_916, %dma_wait3A_1091] : memref<102400x32xf32, #tpu.memory_space<hbm>> -> memref<640x32xf32, #tpu.memory_space<hbm>>
    tpu.wait_dma2 semaphore(%arg10 : memref<!tpu.dma_semaphore, #tpu.memory_space<semaphore_mem>>) src(%dma_wait3A_1092 : memref<640x32xf32, #tpu.memory_space<hbm>>) dst(%dma_wait3A_1090 : memref<640x32xf32, #tpu.memory_space<vmem>>)
    %dma_start3A_1093 = arith.constant 1 : i32
    %dma_start3A_1094 = arith.constant 35 : i32
    %dma_start3A_1095 = arith.constant 0 : i32
    %dma_start3A_1096 = arith.constant 0 : i32
    %dma_start3A_1097 = tpu.memref_slice %arg6[%dma_start3A_1093, %dma_start3A_1095, %dma_start3A_1096] : memref<2x640x32xf32, #tpu.memory_space<vmem>> -> memref<1x128x32xf32, #tpu.memory_space<vmem>>
    %dma_start3A_1098 = tpu.memref_squeeze %dma_start3A_1097 : memref<1x128x32xf32, #tpu.memory_space<vmem>> -> memref<128x32xf32, #tpu.memory_space<vmem>>
    %dma_start3A_1099 = arith.constant 0 : i32
    %dma_start3A_1100 = tpu.memref_slice %arg7[%dma_start3A_1094, %dma_start3A_1099] : memref<50x128xi32, #tpu.memory_space<vmem>> -> memref<1x128xi32, #tpu.memory_space<vmem>>
    %dma_start3A_1101 = tpu.memref_squeeze %dma_start3A_1100 : memref<1x128xi32, #tpu.memory_space<vmem>> -> memref<128xi32, #tpu.memory_space<vmem>>
    %dma_start3A_1102 = arith.constant 0 : i32
    %dma_start3A_1103 = arith.constant 0 : i32
    %dma_start3A_1104 = tpu.memref_slice %arg8[%dma_start3A_1102, %dma_start3A_1103] : memref<28800x32xf32, #tpu.memory_space<vmem_shared>> -> memref<28800x32xf32, #tpu.memory_space<vmem_shared>>
    tpu.enqueue_indirect_dma source(%dma_start3A_1098 : memref<128x32xf32, #tpu.memory_space<vmem>>) target(%dma_start3A_1104 : memref<28800x32xf32, #tpu.memory_space<vmem_shared>>) offsets(%dma_start3A_1101 : memref<128xi32, #tpu.memory_space<vmem>>) semaphore(%arg9 : memref<!tpu.dma_semaphore, #tpu.memory_space<semaphore_mem>>) {add = true}
    %dma_start3A_1105 = arith.constant 1 : i32
    %dma_start3A_1106 = arith.constant 36 : i32
    %dma_start3A_1107 = arith.constant 128 : i32
    %dma_start3A_1108 = arith.constant 0 : i32
    %dma_start3A_1109 = tpu.memref_slice %arg6[%dma_start3A_1105, %dma_start3A_1107, %dma_start3A_1108] : memref<2x640x32xf32, #tpu.memory_space<vmem>> -> memref<1x128x32xf32, #tpu.memory_space<vmem>>
    %dma_start3A_1110 = tpu.memref_squeeze %dma_start3A_1109 : memref<1x128x32xf32, #tpu.memory_space<vmem>> -> memref<128x32xf32, #tpu.memory_space<vmem>>
    %dma_start3A_1111 = arith.constant 0 : i32
    %dma_start3A_1112 = tpu.memref_slice %arg7[%dma_start3A_1106, %dma_start3A_1111] : memref<50x128xi32, #tpu.memory_space<vmem>> -> memref<1x128xi32, #tpu.memory_space<vmem>>
    %dma_start3A_1113 = tpu.memref_squeeze %dma_start3A_1112 : memref<1x128xi32, #tpu.memory_space<vmem>> -> memref<128xi32, #tpu.memory_space<vmem>>
    %dma_start3A_1114 = arith.constant 0 : i32
    %dma_start3A_1115 = arith.constant 0 : i32
    %dma_start3A_1116 = tpu.memref_slice %arg8[%dma_start3A_1114, %dma_start3A_1115] : memref<28800x32xf32, #tpu.memory_space<vmem_shared>> -> memref<28800x32xf32, #tpu.memory_space<vmem_shared>>
    tpu.enqueue_indirect_dma source(%dma_start3A_1110 : memref<128x32xf32, #tpu.memory_space<vmem>>) target(%dma_start3A_1116 : memref<28800x32xf32, #tpu.memory_space<vmem_shared>>) offsets(%dma_start3A_1113 : memref<128xi32, #tpu.memory_space<vmem>>) semaphore(%arg9 : memref<!tpu.dma_semaphore, #tpu.memory_space<semaphore_mem>>) {add = true}
    %dma_start3A_1117 = arith.constant 1 : i32
    %dma_start3A_1118 = arith.constant 37 : i32
    %dma_start3A_1119 = arith.constant 256 : i32
    %dma_start3A_1120 = arith.constant 0 : i32
    %dma_start3A_1121 = tpu.memref_slice %arg6[%dma_start3A_1117, %dma_start3A_1119, %dma_start3A_1120] : memref<2x640x32xf32, #tpu.memory_space<vmem>> -> memref<1x128x32xf32, #tpu.memory_space<vmem>>
    %dma_start3A_1122 = tpu.memref_squeeze %dma_start3A_1121 : memref<1x128x32xf32, #tpu.memory_space<vmem>> -> memref<128x32xf32, #tpu.memory_space<vmem>>
    %dma_start3A_1123 = arith.constant 0 : i32
    %dma_start3A_1124 = tpu.memref_slice %arg7[%dma_start3A_1118, %dma_start3A_1123] : memref<50x128xi32, #tpu.memory_space<vmem>> -> memref<1x128xi32, #tpu.memory_space<vmem>>
    %dma_start3A_1125 = tpu.memref_squeeze %dma_start3A_1124 : memref<1x128xi32, #tpu.memory_space<vmem>> -> memref<128xi32, #tpu.memory_space<vmem>>
    %dma_start3A_1126 = arith.constant 0 : i32
    %dma_start3A_1127 = arith.constant 0 : i32
    %dma_start3A_1128 = tpu.memref_slice %arg8[%dma_start3A_1126, %dma_start3A_1127] : memref<28800x32xf32, #tpu.memory_space<vmem_shared>> -> memref<28800x32xf32, #tpu.memory_space<vmem_shared>>
    tpu.enqueue_indirect_dma source(%dma_start3A_1122 : memref<128x32xf32, #tpu.memory_space<vmem>>) target(%dma_start3A_1128 : memref<28800x32xf32, #tpu.memory_space<vmem_shared>>) offsets(%dma_start3A_1125 : memref<128xi32, #tpu.memory_space<vmem>>) semaphore(%arg9 : memref<!tpu.dma_semaphore, #tpu.memory_space<semaphore_mem>>) {add = true}
    %dma_start3A_1129 = arith.constant 1 : i32
    %dma_start3A_1130 = arith.constant 38 : i32
    %dma_start3A_1131 = arith.constant 384 : i32
    %dma_start3A_1132 = arith.constant 0 : i32
    %dma_start3A_1133 = tpu.memref_slice %arg6[%dma_start3A_1129, %dma_start3A_1131, %dma_start3A_1132] : memref<2x640x32xf32, #tpu.memory_space<vmem>> -> memref<1x128x32xf32, #tpu.memory_space<vmem>>
    %dma_start3A_1134 = tpu.memref_squeeze %dma_start3A_1133 : memref<1x128x32xf32, #tpu.memory_space<vmem>> -> memref<128x32xf32, #tpu.memory_space<vmem>>
    %dma_start3A_1135 = arith.constant 0 : i32
    %dma_start3A_1136 = tpu.memref_slice %arg7[%dma_start3A_1130, %dma_start3A_1135] : memref<50x128xi32, #tpu.memory_space<vmem>> -> memref<1x128xi32, #tpu.memory_space<vmem>>
    %dma_start3A_1137 = tpu.memref_squeeze %dma_start3A_1136 : memref<1x128xi32, #tpu.memory_space<vmem>> -> memref<128xi32, #tpu.memory_space<vmem>>
    %dma_start3A_1138 = arith.constant 0 : i32
    %dma_start3A_1139 = arith.constant 0 : i32
    %dma_start3A_1140 = tpu.memref_slice %arg8[%dma_start3A_1138, %dma_start3A_1139] : memref<28800x32xf32, #tpu.memory_space<vmem_shared>> -> memref<28800x32xf32, #tpu.memory_space<vmem_shared>>
    tpu.enqueue_indirect_dma source(%dma_start3A_1134 : memref<128x32xf32, #tpu.memory_space<vmem>>) target(%dma_start3A_1140 : memref<28800x32xf32, #tpu.memory_space<vmem_shared>>) offsets(%dma_start3A_1137 : memref<128xi32, #tpu.memory_space<vmem>>) semaphore(%arg9 : memref<!tpu.dma_semaphore, #tpu.memory_space<semaphore_mem>>) {add = true}
    %dma_start3A_1141 = arith.constant 1 : i32
    %dma_start3A_1142 = arith.constant 39 : i32
    %dma_start3A_1143 = arith.constant 512 : i32
    %dma_start3A_1144 = arith.constant 0 : i32
    %dma_start3A_1145 = tpu.memref_slice %arg6[%dma_start3A_1141, %dma_start3A_1143, %dma_start3A_1144] : memref<2x640x32xf32, #tpu.memory_space<vmem>> -> memref<1x128x32xf32, #tpu.memory_space<vmem>>
    %dma_start3A_1146 = tpu.memref_squeeze %dma_start3A_1145 : memref<1x128x32xf32, #tpu.memory_space<vmem>> -> memref<128x32xf32, #tpu.memory_space<vmem>>
    %dma_start3A_1147 = arith.constant 0 : i32
    %dma_start3A_1148 = tpu.memref_slice %arg7[%dma_start3A_1142, %dma_start3A_1147] : memref<50x128xi32, #tpu.memory_space<vmem>> -> memref<1x128xi32, #tpu.memory_space<vmem>>
    %dma_start3A_1149 = tpu.memref_squeeze %dma_start3A_1148 : memref<1x128xi32, #tpu.memory_space<vmem>> -> memref<128xi32, #tpu.memory_space<vmem>>
    %dma_start3A_1150 = arith.constant 0 : i32
    %dma_start3A_1151 = arith.constant 0 : i32
    %dma_start3A_1152 = tpu.memref_slice %arg8[%dma_start3A_1150, %dma_start3A_1151] : memref<28800x32xf32, #tpu.memory_space<vmem_shared>> -> memref<28800x32xf32, #tpu.memory_space<vmem_shared>>
    tpu.enqueue_indirect_dma source(%dma_start3A_1146 : memref<128x32xf32, #tpu.memory_space<vmem>>) target(%dma_start3A_1152 : memref<28800x32xf32, #tpu.memory_space<vmem_shared>>) offsets(%dma_start3A_1149 : memref<128xi32, #tpu.memory_space<vmem>>) semaphore(%arg9 : memref<!tpu.dma_semaphore, #tpu.memory_space<semaphore_mem>>) {add = true}
    %dma_wait3A_1153 = arith.constant 1 : i32
    %dma_wait3A_1154 = arith.constant 35 : i32
    %dma_wait3A_1155 = arith.constant 0 : i32
    %dma_wait3A_1156 = arith.constant 0 : i32
    %dma_wait3A_1157 = tpu.memref_slice %arg6[%dma_wait3A_1153, %dma_wait3A_1155, %dma_wait3A_1156] : memref<2x640x32xf32, #tpu.memory_space<vmem>> -> memref<1x128x32xf32, #tpu.memory_space<vmem>>
    %dma_wait3A_1158 = tpu.memref_squeeze %dma_wait3A_1157 : memref<1x128x32xf32, #tpu.memory_space<vmem>> -> memref<128x32xf32, #tpu.memory_space<vmem>>
    %dma_wait3A_1159 = arith.constant 0 : i32
    %dma_wait3A_1160 = tpu.memref_slice %arg7[%dma_wait3A_1154, %dma_wait3A_1159] : memref<50x128xi32, #tpu.memory_space<vmem>> -> memref<1x128xi32, #tpu.memory_space<vmem>>
    %dma_wait3A_1161 = tpu.memref_squeeze %dma_wait3A_1160 : memref<1x128xi32, #tpu.memory_space<vmem>> -> memref<128xi32, #tpu.memory_space<vmem>>
    %dma_wait3A_1162 = arith.constant 0 : i32
    %dma_wait3A_1163 = arith.constant 0 : i32
    %dma_wait3A_1164 = tpu.memref_slice %arg8[%dma_wait3A_1162, %dma_wait3A_1163] : memref<28800x32xf32, #tpu.memory_space<vmem_shared>> -> memref<28800x32xf32, #tpu.memory_space<vmem_shared>>
    tpu.wait_indirect_dma semaphore(%arg9 : memref<!tpu.dma_semaphore, #tpu.memory_space<semaphore_mem>>) src(%dma_wait3A_1158 : memref<128x32xf32, #tpu.memory_space<vmem>>) dst(%dma_wait3A_1164 : memref<28800x32xf32, #tpu.memory_space<vmem_shared>>)
    %dma_wait3A_1165 = arith.constant 1 : i32
    %dma_wait3A_1166 = arith.constant 36 : i32
    %dma_wait3A_1167 = arith.constant 128 : i32
    %dma_wait3A_1168 = arith.constant 0 : i32
    %dma_wait3A_1169 = tpu.memref_slice %arg6[%dma_wait3A_1165, %dma_wait3A_1167, %dma_wait3A_1168] : memref<2x640x32xf32, #tpu.memory_space<vmem>> -> memref<1x128x32xf32, #tpu.memory_space<vmem>>
    %dma_wait3A_1170 = tpu.memref_squeeze %dma_wait3A_1169 : memref<1x128x32xf32, #tpu.memory_space<vmem>> -> memref<128x32xf32, #tpu.memory_space<vmem>>
    %dma_wait3A_1171 = arith.constant 0 : i32
    %dma_wait3A_1172 = tpu.memref_slice %arg7[%dma_wait3A_1166, %dma_wait3A_1171] : memref<50x128xi32, #tpu.memory_space<vmem>> -> memref<1x128xi32, #tpu.memory_space<vmem>>
    %dma_wait3A_1173 = tpu.memref_squeeze %dma_wait3A_1172 : memref<1x128xi32, #tpu.memory_space<vmem>> -> memref<128xi32, #tpu.memory_space<vmem>>
    %dma_wait3A_1174 = arith.constant 0 : i32
    %dma_wait3A_1175 = arith.constant 0 : i32
    %dma_wait3A_1176 = tpu.memref_slice %arg8[%dma_wait3A_1174, %dma_wait3A_1175] : memref<28800x32xf32, #tpu.memory_space<vmem_shared>> -> memref<28800x32xf32, #tpu.memory_space<vmem_shared>>
    tpu.wait_indirect_dma semaphore(%arg9 : memref<!tpu.dma_semaphore, #tpu.memory_space<semaphore_mem>>) src(%dma_wait3A_1170 : memref<128x32xf32, #tpu.memory_space<vmem>>) dst(%dma_wait3A_1176 : memref<28800x32xf32, #tpu.memory_space<vmem_shared>>)
    %dma_wait3A_1177 = arith.constant 1 : i32
    %dma_wait3A_1178 = arith.constant 37 : i32
    %dma_wait3A_1179 = arith.constant 256 : i32
    %dma_wait3A_1180 = arith.constant 0 : i32
    %dma_wait3A_1181 = tpu.memref_slice %arg6[%dma_wait3A_1177, %dma_wait3A_1179, %dma_wait3A_1180] : memref<2x640x32xf32, #tpu.memory_space<vmem>> -> memref<1x128x32xf32, #tpu.memory_space<vmem>>
    %dma_wait3A_1182 = tpu.memref_squeeze %dma_wait3A_1181 : memref<1x128x32xf32, #tpu.memory_space<vmem>> -> memref<128x32xf32, #tpu.memory_space<vmem>>
    %dma_wait3A_1183 = arith.constant 0 : i32
    %dma_wait3A_1184 = tpu.memref_slice %arg7[%dma_wait3A_1178, %dma_wait3A_1183] : memref<50x128xi32, #tpu.memory_space<vmem>> -> memref<1x128xi32, #tpu.memory_space<vmem>>
    %dma_wait3A_1185 = tpu.memref_squeeze %dma_wait3A_1184 : memref<1x128xi32, #tpu.memory_space<vmem>> -> memref<128xi32, #tpu.memory_space<vmem>>
    %dma_wait3A_1186 = arith.constant 0 : i32
    %dma_wait3A_1187 = arith.constant 0 : i32
    %dma_wait3A_1188 = tpu.memref_slice %arg8[%dma_wait3A_1186, %dma_wait3A_1187] : memref<28800x32xf32, #tpu.memory_space<vmem_shared>> -> memref<28800x32xf32, #tpu.memory_space<vmem_shared>>
    tpu.wait_indirect_dma semaphore(%arg9 : memref<!tpu.dma_semaphore, #tpu.memory_space<semaphore_mem>>) src(%dma_wait3A_1182 : memref<128x32xf32, #tpu.memory_space<vmem>>) dst(%dma_wait3A_1188 : memref<28800x32xf32, #tpu.memory_space<vmem_shared>>)
    %dma_wait3A_1189 = arith.constant 1 : i32
    %dma_wait3A_1190 = arith.constant 38 : i32
    %dma_wait3A_1191 = arith.constant 384 : i32
    %dma_wait3A_1192 = arith.constant 0 : i32
    %dma_wait3A_1193 = tpu.memref_slice %arg6[%dma_wait3A_1189, %dma_wait3A_1191, %dma_wait3A_1192] : memref<2x640x32xf32, #tpu.memory_space<vmem>> -> memref<1x128x32xf32, #tpu.memory_space<vmem>>
    %dma_wait3A_1194 = tpu.memref_squeeze %dma_wait3A_1193 : memref<1x128x32xf32, #tpu.memory_space<vmem>> -> memref<128x32xf32, #tpu.memory_space<vmem>>
    %dma_wait3A_1195 = arith.constant 0 : i32
    %dma_wait3A_1196 = tpu.memref_slice %arg7[%dma_wait3A_1190, %dma_wait3A_1195] : memref<50x128xi32, #tpu.memory_space<vmem>> -> memref<1x128xi32, #tpu.memory_space<vmem>>
    %dma_wait3A_1197 = tpu.memref_squeeze %dma_wait3A_1196 : memref<1x128xi32, #tpu.memory_space<vmem>> -> memref<128xi32, #tpu.memory_space<vmem>>
    %dma_wait3A_1198 = arith.constant 0 : i32
    %dma_wait3A_1199 = arith.constant 0 : i32
    %dma_wait3A_1200 = tpu.memref_slice %arg8[%dma_wait3A_1198, %dma_wait3A_1199] : memref<28800x32xf32, #tpu.memory_space<vmem_shared>> -> memref<28800x32xf32, #tpu.memory_space<vmem_shared>>
    tpu.wait_indirect_dma semaphore(%arg9 : memref<!tpu.dma_semaphore, #tpu.memory_space<semaphore_mem>>) src(%dma_wait3A_1194 : memref<128x32xf32, #tpu.memory_space<vmem>>) dst(%dma_wait3A_1200 : memref<28800x32xf32, #tpu.memory_space<vmem_shared>>)
    %dma_wait3A_1201 = arith.constant 1 : i32
    %dma_wait3A_1202 = arith.constant 39 : i32
    %dma_wait3A_1203 = arith.constant 512 : i32
    %dma_wait3A_1204 = arith.constant 0 : i32
    %dma_wait3A_1205 = tpu.memref_slice %arg6[%dma_wait3A_1201, %dma_wait3A_1203, %dma_wait3A_1204] : memref<2x640x32xf32, #tpu.memory_space<vmem>> -> memref<1x128x32xf32, #tpu.memory_space<vmem>>
    %dma_wait3A_1206 = tpu.memref_squeeze %dma_wait3A_1205 : memref<1x128x32xf32, #tpu.memory_space<vmem>> -> memref<128x32xf32, #tpu.memory_space<vmem>>
    %dma_wait3A_1207 = arith.constant 0 : i32
    %dma_wait3A_1208 = tpu.memref_slice %arg7[%dma_wait3A_1202, %dma_wait3A_1207] : memref<50x128xi32, #tpu.memory_space<vmem>> -> memref<1x128xi32, #tpu.memory_space<vmem>>
    %dma_wait3A_1209 = tpu.memref_squeeze %dma_wait3A_1208 : memref<1x128xi32, #tpu.memory_space<vmem>> -> memref<128xi32, #tpu.memory_space<vmem>>
    %dma_wait3A_1210 = arith.constant 0 : i32
    %dma_wait3A_1211 = arith.constant 0 : i32
    %dma_wait3A_1212 = tpu.memref_slice %arg8[%dma_wait3A_1210, %dma_wait3A_1211] : memref<28800x32xf32, #tpu.memory_space<vmem_shared>> -> memref<28800x32xf32, #tpu.memory_space<vmem_shared>>
    tpu.wait_indirect_dma semaphore(%arg9 : memref<!tpu.dma_semaphore, #tpu.memory_space<semaphore_mem>>) src(%dma_wait3A_1206 : memref<128x32xf32, #tpu.memory_space<vmem>>) dst(%dma_wait3A_1212 : memref<28800x32xf32, #tpu.memory_space<vmem_shared>>)
    %mul3A_1213 = arith.constant 6400 : i32
    %mul3A_1214 = arith.muli %arg1, %mul3A_1213 : i32
    %add3A_1215 = arith.constant 5760 : i32
    %add3A_1216 = arith.addi %mul3A_1214, %add3A_1215 : i32
    %dma_start3A_1217 = arith.constant 1 : i32
    %dma_start3A_1218 = arith.constant 0 : i32
    %dma_start3A_1219 = arith.constant 0 : i32
    %dma_start3A_1220 = tpu.memref_slice %arg6[%dma_start3A_1217, %dma_start3A_1218, %dma_start3A_1219] : memref<2x640x32xf32, #tpu.memory_space<vmem>> -> memref<1x640x32xf32, #tpu.memory_space<vmem>>
    %dma_start3A_1221 = tpu.memref_squeeze %dma_start3A_1220 : memref<1x640x32xf32, #tpu.memory_space<vmem>> -> memref<640x32xf32, #tpu.memory_space<vmem>>
    %dma_start3A_1222 = arith.constant 0 : i32
    %dma_start3A_1223 = tpu.memref_slice %arg2[%add3A_1216, %dma_start3A_1222] : memref<102400x32xf32, #tpu.memory_space<hbm>> -> memref<640x32xf32, #tpu.memory_space<hbm>>
    %dma_start3A_1224 = arith.constant 0 : i32
    %dma_start3A_1225 = arith.constant 0 : i32
    %dma_start3A_1226 = tpu.memref_slice %arg6[%dma_start3A_1217, %dma_start3A_1224, %dma_start3A_1225] : memref<2x640x32xf32, #tpu.memory_space<vmem>> -> memref<1x640x32xf32, #tpu.memory_space<vmem>>
    %dma_start3A_1227 = tpu.memref_squeeze %dma_start3A_1226 : memref<1x640x32xf32, #tpu.memory_space<vmem>> -> memref<640x32xf32, #tpu.memory_space<vmem>>
    %dma_start3A_1228 = arith.constant 0 : i32
    %dma_start3A_1229 = tpu.memref_slice %arg2[%add3A_1216, %dma_start3A_1228] : memref<102400x32xf32, #tpu.memory_space<hbm>> -> memref<640x32xf32, #tpu.memory_space<hbm>>
    tpu.enqueue_dma source(%dma_start3A_1229 : memref<640x32xf32, #tpu.memory_space<hbm>>) target(%dma_start3A_1227 : memref<640x32xf32, #tpu.memory_space<vmem>>) target_semaphore(%arg10 : memref<!tpu.dma_semaphore, #tpu.memory_space<semaphore_mem>>)
    %dma_wait3A_1230 = arith.constant 0 : i32
    %dma_wait3A_1231 = arith.constant 0 : i32
    %dma_wait3A_1232 = arith.constant 0 : i32
    %dma_wait3A_1233 = tpu.memref_slice %arg6[%dma_wait3A_1230, %dma_wait3A_1231, %dma_wait3A_1232] : memref<2x640x32xf32, #tpu.memory_space<vmem>> -> memref<1x640x32xf32, #tpu.memory_space<vmem>>
    %dma_wait3A_1234 = tpu.memref_squeeze %dma_wait3A_1233 : memref<1x640x32xf32, #tpu.memory_space<vmem>> -> memref<640x32xf32, #tpu.memory_space<vmem>>
    %dma_wait3A_1235 = arith.constant 0 : i32
    %dma_wait3A_1236 = tpu.memref_slice %arg2[%add3A_1066, %dma_wait3A_1235] : memref<102400x32xf32, #tpu.memory_space<hbm>> -> memref<640x32xf32, #tpu.memory_space<hbm>>
    %dma_wait3A_1237 = arith.constant 0 : i32
    %dma_wait3A_1238 = arith.constant 0 : i32
    %dma_wait3A_1239 = tpu.memref_slice %arg6[%dma_wait3A_1230, %dma_wait3A_1237, %dma_wait3A_1238] : memref<2x640x32xf32, #tpu.memory_space<vmem>> -> memref<1x640x32xf32, #tpu.memory_space<vmem>>
    %dma_wait3A_1240 = tpu.memref_squeeze %dma_wait3A_1239 : memref<1x640x32xf32, #tpu.memory_space<vmem>> -> memref<640x32xf32, #tpu.memory_space<vmem>>
    %dma_wait3A_1241 = arith.constant 0 : i32
    %dma_wait3A_1242 = tpu.memref_slice %arg2[%add3A_1066, %dma_wait3A_1241] : memref<102400x32xf32, #tpu.memory_space<hbm>> -> memref<640x32xf32, #tpu.memory_space<hbm>>
    tpu.wait_dma2 semaphore(%arg10 : memref<!tpu.dma_semaphore, #tpu.memory_space<semaphore_mem>>) src(%dma_wait3A_1242 : memref<640x32xf32, #tpu.memory_space<hbm>>) dst(%dma_wait3A_1240 : memref<640x32xf32, #tpu.memory_space<vmem>>)
    %dma_start3A_1243 = arith.constant 0 : i32
    %dma_start3A_1244 = arith.constant 40 : i32
    %dma_start3A_1245 = arith.constant 0 : i32
    %dma_start3A_1246 = arith.constant 0 : i32
    %dma_start3A_1247 = tpu.memref_slice %arg6[%dma_start3A_1243, %dma_start3A_1245, %dma_start3A_1246] : memref<2x640x32xf32, #tpu.memory_space<vmem>> -> memref<1x128x32xf32, #tpu.memory_space<vmem>>
    %dma_start3A_1248 = tpu.memref_squeeze %dma_start3A_1247 : memref<1x128x32xf32, #tpu.memory_space<vmem>> -> memref<128x32xf32, #tpu.memory_space<vmem>>
    %dma_start3A_1249 = arith.constant 0 : i32
    %dma_start3A_1250 = tpu.memref_slice %arg7[%dma_start3A_1244, %dma_start3A_1249] : memref<50x128xi32, #tpu.memory_space<vmem>> -> memref<1x128xi32, #tpu.memory_space<vmem>>
    %dma_start3A_1251 = tpu.memref_squeeze %dma_start3A_1250 : memref<1x128xi32, #tpu.memory_space<vmem>> -> memref<128xi32, #tpu.memory_space<vmem>>
    %dma_start3A_1252 = arith.constant 0 : i32
    %dma_start3A_1253 = arith.constant 0 : i32
    %dma_start3A_1254 = tpu.memref_slice %arg8[%dma_start3A_1252, %dma_start3A_1253] : memref<28800x32xf32, #tpu.memory_space<vmem_shared>> -> memref<28800x32xf32, #tpu.memory_space<vmem_shared>>
    tpu.enqueue_indirect_dma source(%dma_start3A_1248 : memref<128x32xf32, #tpu.memory_space<vmem>>) target(%dma_start3A_1254 : memref<28800x32xf32, #tpu.memory_space<vmem_shared>>) offsets(%dma_start3A_1251 : memref<128xi32, #tpu.memory_space<vmem>>) semaphore(%arg9 : memref<!tpu.dma_semaphore, #tpu.memory_space<semaphore_mem>>) {add = true}
    %dma_start3A_1255 = arith.constant 0 : i32
    %dma_start3A_1256 = arith.constant 41 : i32
    %dma_start3A_1257 = arith.constant 128 : i32
    %dma_start3A_1258 = arith.constant 0 : i32
    %dma_start3A_1259 = tpu.memref_slice %arg6[%dma_start3A_1255, %dma_start3A_1257, %dma_start3A_1258] : memref<2x640x32xf32, #tpu.memory_space<vmem>> -> memref<1x128x32xf32, #tpu.memory_space<vmem>>
    %dma_start3A_1260 = tpu.memref_squeeze %dma_start3A_1259 : memref<1x128x32xf32, #tpu.memory_space<vmem>> -> memref<128x32xf32, #tpu.memory_space<vmem>>
    %dma_start3A_1261 = arith.constant 0 : i32
    %dma_start3A_1262 = tpu.memref_slice %arg7[%dma_start3A_1256, %dma_start3A_1261] : memref<50x128xi32, #tpu.memory_space<vmem>> -> memref<1x128xi32, #tpu.memory_space<vmem>>
    %dma_start3A_1263 = tpu.memref_squeeze %dma_start3A_1262 : memref<1x128xi32, #tpu.memory_space<vmem>> -> memref<128xi32, #tpu.memory_space<vmem>>
    %dma_start3A_1264 = arith.constant 0 : i32
    %dma_start3A_1265 = arith.constant 0 : i32
    %dma_start3A_1266 = tpu.memref_slice %arg8[%dma_start3A_1264, %dma_start3A_1265] : memref<28800x32xf32, #tpu.memory_space<vmem_shared>> -> memref<28800x32xf32, #tpu.memory_space<vmem_shared>>
    tpu.enqueue_indirect_dma source(%dma_start3A_1260 : memref<128x32xf32, #tpu.memory_space<vmem>>) target(%dma_start3A_1266 : memref<28800x32xf32, #tpu.memory_space<vmem_shared>>) offsets(%dma_start3A_1263 : memref<128xi32, #tpu.memory_space<vmem>>) semaphore(%arg9 : memref<!tpu.dma_semaphore, #tpu.memory_space<semaphore_mem>>) {add = true}
    %dma_start3A_1267 = arith.constant 0 : i32
    %dma_start3A_1268 = arith.constant 42 : i32
    %dma_start3A_1269 = arith.constant 256 : i32
    %dma_start3A_1270 = arith.constant 0 : i32
    %dma_start3A_1271 = tpu.memref_slice %arg6[%dma_start3A_1267, %dma_start3A_1269, %dma_start3A_1270] : memref<2x640x32xf32, #tpu.memory_space<vmem>> -> memref<1x128x32xf32, #tpu.memory_space<vmem>>
    %dma_start3A_1272 = tpu.memref_squeeze %dma_start3A_1271 : memref<1x128x32xf32, #tpu.memory_space<vmem>> -> memref<128x32xf32, #tpu.memory_space<vmem>>
    %dma_start3A_1273 = arith.constant 0 : i32
    %dma_start3A_1274 = tpu.memref_slice %arg7[%dma_start3A_1268, %dma_start3A_1273] : memref<50x128xi32, #tpu.memory_space<vmem>> -> memref<1x128xi32, #tpu.memory_space<vmem>>
    %dma_start3A_1275 = tpu.memref_squeeze %dma_start3A_1274 : memref<1x128xi32, #tpu.memory_space<vmem>> -> memref<128xi32, #tpu.memory_space<vmem>>
    %dma_start3A_1276 = arith.constant 0 : i32
    %dma_start3A_1277 = arith.constant 0 : i32
    %dma_start3A_1278 = tpu.memref_slice %arg8[%dma_start3A_1276, %dma_start3A_1277] : memref<28800x32xf32, #tpu.memory_space<vmem_shared>> -> memref<28800x32xf32, #tpu.memory_space<vmem_shared>>
    tpu.enqueue_indirect_dma source(%dma_start3A_1272 : memref<128x32xf32, #tpu.memory_space<vmem>>) target(%dma_start3A_1278 : memref<28800x32xf32, #tpu.memory_space<vmem_shared>>) offsets(%dma_start3A_1275 : memref<128xi32, #tpu.memory_space<vmem>>) semaphore(%arg9 : memref<!tpu.dma_semaphore, #tpu.memory_space<semaphore_mem>>) {add = true}
    %dma_start3A_1279 = arith.constant 0 : i32
    %dma_start3A_1280 = arith.constant 43 : i32
    %dma_start3A_1281 = arith.constant 384 : i32
    %dma_start3A_1282 = arith.constant 0 : i32
    %dma_start3A_1283 = tpu.memref_slice %arg6[%dma_start3A_1279, %dma_start3A_1281, %dma_start3A_1282] : memref<2x640x32xf32, #tpu.memory_space<vmem>> -> memref<1x128x32xf32, #tpu.memory_space<vmem>>
    %dma_start3A_1284 = tpu.memref_squeeze %dma_start3A_1283 : memref<1x128x32xf32, #tpu.memory_space<vmem>> -> memref<128x32xf32, #tpu.memory_space<vmem>>
    %dma_start3A_1285 = arith.constant 0 : i32
    %dma_start3A_1286 = tpu.memref_slice %arg7[%dma_start3A_1280, %dma_start3A_1285] : memref<50x128xi32, #tpu.memory_space<vmem>> -> memref<1x128xi32, #tpu.memory_space<vmem>>
    %dma_start3A_1287 = tpu.memref_squeeze %dma_start3A_1286 : memref<1x128xi32, #tpu.memory_space<vmem>> -> memref<128xi32, #tpu.memory_space<vmem>>
    %dma_start3A_1288 = arith.constant 0 : i32
    %dma_start3A_1289 = arith.constant 0 : i32
    %dma_start3A_1290 = tpu.memref_slice %arg8[%dma_start3A_1288, %dma_start3A_1289] : memref<28800x32xf32, #tpu.memory_space<vmem_shared>> -> memref<28800x32xf32, #tpu.memory_space<vmem_shared>>
    tpu.enqueue_indirect_dma source(%dma_start3A_1284 : memref<128x32xf32, #tpu.memory_space<vmem>>) target(%dma_start3A_1290 : memref<28800x32xf32, #tpu.memory_space<vmem_shared>>) offsets(%dma_start3A_1287 : memref<128xi32, #tpu.memory_space<vmem>>) semaphore(%arg9 : memref<!tpu.dma_semaphore, #tpu.memory_space<semaphore_mem>>) {add = true}
    %dma_start3A_1291 = arith.constant 0 : i32
    %dma_start3A_1292 = arith.constant 44 : i32
    %dma_start3A_1293 = arith.constant 512 : i32
    %dma_start3A_1294 = arith.constant 0 : i32
    %dma_start3A_1295 = tpu.memref_slice %arg6[%dma_start3A_1291, %dma_start3A_1293, %dma_start3A_1294] : memref<2x640x32xf32, #tpu.memory_space<vmem>> -> memref<1x128x32xf32, #tpu.memory_space<vmem>>
    %dma_start3A_1296 = tpu.memref_squeeze %dma_start3A_1295 : memref<1x128x32xf32, #tpu.memory_space<vmem>> -> memref<128x32xf32, #tpu.memory_space<vmem>>
    %dma_start3A_1297 = arith.constant 0 : i32
    %dma_start3A_1298 = tpu.memref_slice %arg7[%dma_start3A_1292, %dma_start3A_1297] : memref<50x128xi32, #tpu.memory_space<vmem>> -> memref<1x128xi32, #tpu.memory_space<vmem>>
    %dma_start3A_1299 = tpu.memref_squeeze %dma_start3A_1298 : memref<1x128xi32, #tpu.memory_space<vmem>> -> memref<128xi32, #tpu.memory_space<vmem>>
    %dma_start3A_1300 = arith.constant 0 : i32
    %dma_start3A_1301 = arith.constant 0 : i32
    %dma_start3A_1302 = tpu.memref_slice %arg8[%dma_start3A_1300, %dma_start3A_1301] : memref<28800x32xf32, #tpu.memory_space<vmem_shared>> -> memref<28800x32xf32, #tpu.memory_space<vmem_shared>>
    tpu.enqueue_indirect_dma source(%dma_start3A_1296 : memref<128x32xf32, #tpu.memory_space<vmem>>) target(%dma_start3A_1302 : memref<28800x32xf32, #tpu.memory_space<vmem_shared>>) offsets(%dma_start3A_1299 : memref<128xi32, #tpu.memory_space<vmem>>) semaphore(%arg9 : memref<!tpu.dma_semaphore, #tpu.memory_space<semaphore_mem>>) {add = true}
    %dma_wait3A_1303 = arith.constant 0 : i32
    %dma_wait3A_1304 = arith.constant 40 : i32
    %dma_wait3A_1305 = arith.constant 0 : i32
    %dma_wait3A_1306 = arith.constant 0 : i32
    %dma_wait3A_1307 = tpu.memref_slice %arg6[%dma_wait3A_1303, %dma_wait3A_1305, %dma_wait3A_1306] : memref<2x640x32xf32, #tpu.memory_space<vmem>> -> memref<1x128x32xf32, #tpu.memory_space<vmem>>
    %dma_wait3A_1308 = tpu.memref_squeeze %dma_wait3A_1307 : memref<1x128x32xf32, #tpu.memory_space<vmem>> -> memref<128x32xf32, #tpu.memory_space<vmem>>
    %dma_wait3A_1309 = arith.constant 0 : i32
    %dma_wait3A_1310 = tpu.memref_slice %arg7[%dma_wait3A_1304, %dma_wait3A_1309] : memref<50x128xi32, #tpu.memory_space<vmem>> -> memref<1x128xi32, #tpu.memory_space<vmem>>
    %dma_wait3A_1311 = tpu.memref_squeeze %dma_wait3A_1310 : memref<1x128xi32, #tpu.memory_space<vmem>> -> memref<128xi32, #tpu.memory_space<vmem>>
    %dma_wait3A_1312 = arith.constant 0 : i32
    %dma_wait3A_1313 = arith.constant 0 : i32
    %dma_wait3A_1314 = tpu.memref_slice %arg8[%dma_wait3A_1312, %dma_wait3A_1313] : memref<28800x32xf32, #tpu.memory_space<vmem_shared>> -> memref<28800x32xf32, #tpu.memory_space<vmem_shared>>
    tpu.wait_indirect_dma semaphore(%arg9 : memref<!tpu.dma_semaphore, #tpu.memory_space<semaphore_mem>>) src(%dma_wait3A_1308 : memref<128x32xf32, #tpu.memory_space<vmem>>) dst(%dma_wait3A_1314 : memref<28800x32xf32, #tpu.memory_space<vmem_shared>>)
    %dma_wait3A_1315 = arith.constant 0 : i32
    %dma_wait3A_1316 = arith.constant 41 : i32
    %dma_wait3A_1317 = arith.constant 128 : i32
    %dma_wait3A_1318 = arith.constant 0 : i32
    %dma_wait3A_1319 = tpu.memref_slice %arg6[%dma_wait3A_1315, %dma_wait3A_1317, %dma_wait3A_1318] : memref<2x640x32xf32, #tpu.memory_space<vmem>> -> memref<1x128x32xf32, #tpu.memory_space<vmem>>
    %dma_wait3A_1320 = tpu.memref_squeeze %dma_wait3A_1319 : memref<1x128x32xf32, #tpu.memory_space<vmem>> -> memref<128x32xf32, #tpu.memory_space<vmem>>
    %dma_wait3A_1321 = arith.constant 0 : i32
    %dma_wait3A_1322 = tpu.memref_slice %arg7[%dma_wait3A_1316, %dma_wait3A_1321] : memref<50x128xi32, #tpu.memory_space<vmem>> -> memref<1x128xi32, #tpu.memory_space<vmem>>
    %dma_wait3A_1323 = tpu.memref_squeeze %dma_wait3A_1322 : memref<1x128xi32, #tpu.memory_space<vmem>> -> memref<128xi32, #tpu.memory_space<vmem>>
    %dma_wait3A_1324 = arith.constant 0 : i32
    %dma_wait3A_1325 = arith.constant 0 : i32
    %dma_wait3A_1326 = tpu.memref_slice %arg8[%dma_wait3A_1324, %dma_wait3A_1325] : memref<28800x32xf32, #tpu.memory_space<vmem_shared>> -> memref<28800x32xf32, #tpu.memory_space<vmem_shared>>
    tpu.wait_indirect_dma semaphore(%arg9 : memref<!tpu.dma_semaphore, #tpu.memory_space<semaphore_mem>>) src(%dma_wait3A_1320 : memref<128x32xf32, #tpu.memory_space<vmem>>) dst(%dma_wait3A_1326 : memref<28800x32xf32, #tpu.memory_space<vmem_shared>>)
    %dma_wait3A_1327 = arith.constant 0 : i32
    %dma_wait3A_1328 = arith.constant 42 : i32
    %dma_wait3A_1329 = arith.constant 256 : i32
    %dma_wait3A_1330 = arith.constant 0 : i32
    %dma_wait3A_1331 = tpu.memref_slice %arg6[%dma_wait3A_1327, %dma_wait3A_1329, %dma_wait3A_1330] : memref<2x640x32xf32, #tpu.memory_space<vmem>> -> memref<1x128x32xf32, #tpu.memory_space<vmem>>
    %dma_wait3A_1332 = tpu.memref_squeeze %dma_wait3A_1331 : memref<1x128x32xf32, #tpu.memory_space<vmem>> -> memref<128x32xf32, #tpu.memory_space<vmem>>
    %dma_wait3A_1333 = arith.constant 0 : i32
    %dma_wait3A_1334 = tpu.memref_slice %arg7[%dma_wait3A_1328, %dma_wait3A_1333] : memref<50x128xi32, #tpu.memory_space<vmem>> -> memref<1x128xi32, #tpu.memory_space<vmem>>
    %dma_wait3A_1335 = tpu.memref_squeeze %dma_wait3A_1334 : memref<1x128xi32, #tpu.memory_space<vmem>> -> memref<128xi32, #tpu.memory_space<vmem>>
    %dma_wait3A_1336 = arith.constant 0 : i32
    %dma_wait3A_1337 = arith.constant 0 : i32
    %dma_wait3A_1338 = tpu.memref_slice %arg8[%dma_wait3A_1336, %dma_wait3A_1337] : memref<28800x32xf32, #tpu.memory_space<vmem_shared>> -> memref<28800x32xf32, #tpu.memory_space<vmem_shared>>
    tpu.wait_indirect_dma semaphore(%arg9 : memref<!tpu.dma_semaphore, #tpu.memory_space<semaphore_mem>>) src(%dma_wait3A_1332 : memref<128x32xf32, #tpu.memory_space<vmem>>) dst(%dma_wait3A_1338 : memref<28800x32xf32, #tpu.memory_space<vmem_shared>>)
    %dma_wait3A_1339 = arith.constant 0 : i32
    %dma_wait3A_1340 = arith.constant 43 : i32
    %dma_wait3A_1341 = arith.constant 384 : i32
    %dma_wait3A_1342 = arith.constant 0 : i32
    %dma_wait3A_1343 = tpu.memref_slice %arg6[%dma_wait3A_1339, %dma_wait3A_1341, %dma_wait3A_1342] : memref<2x640x32xf32, #tpu.memory_space<vmem>> -> memref<1x128x32xf32, #tpu.memory_space<vmem>>
    %dma_wait3A_1344 = tpu.memref_squeeze %dma_wait3A_1343 : memref<1x128x32xf32, #tpu.memory_space<vmem>> -> memref<128x32xf32, #tpu.memory_space<vmem>>
    %dma_wait3A_1345 = arith.constant 0 : i32
    %dma_wait3A_1346 = tpu.memref_slice %arg7[%dma_wait3A_1340, %dma_wait3A_1345] : memref<50x128xi32, #tpu.memory_space<vmem>> -> memref<1x128xi32, #tpu.memory_space<vmem>>
    %dma_wait3A_1347 = tpu.memref_squeeze %dma_wait3A_1346 : memref<1x128xi32, #tpu.memory_space<vmem>> -> memref<128xi32, #tpu.memory_space<vmem>>
    %dma_wait3A_1348 = arith.constant 0 : i32
    %dma_wait3A_1349 = arith.constant 0 : i32
    %dma_wait3A_1350 = tpu.memref_slice %arg8[%dma_wait3A_1348, %dma_wait3A_1349] : memref<28800x32xf32, #tpu.memory_space<vmem_shared>> -> memref<28800x32xf32, #tpu.memory_space<vmem_shared>>
    tpu.wait_indirect_dma semaphore(%arg9 : memref<!tpu.dma_semaphore, #tpu.memory_space<semaphore_mem>>) src(%dma_wait3A_1344 : memref<128x32xf32, #tpu.memory_space<vmem>>) dst(%dma_wait3A_1350 : memref<28800x32xf32, #tpu.memory_space<vmem_shared>>)
    %dma_wait3A_1351 = arith.constant 0 : i32
    %dma_wait3A_1352 = arith.constant 44 : i32
    %dma_wait3A_1353 = arith.constant 512 : i32
    %dma_wait3A_1354 = arith.constant 0 : i32
    %dma_wait3A_1355 = tpu.memref_slice %arg6[%dma_wait3A_1351, %dma_wait3A_1353, %dma_wait3A_1354] : memref<2x640x32xf32, #tpu.memory_space<vmem>> -> memref<1x128x32xf32, #tpu.memory_space<vmem>>
    %dma_wait3A_1356 = tpu.memref_squeeze %dma_wait3A_1355 : memref<1x128x32xf32, #tpu.memory_space<vmem>> -> memref<128x32xf32, #tpu.memory_space<vmem>>
    %dma_wait3A_1357 = arith.constant 0 : i32
    %dma_wait3A_1358 = tpu.memref_slice %arg7[%dma_wait3A_1352, %dma_wait3A_1357] : memref<50x128xi32, #tpu.memory_space<vmem>> -> memref<1x128xi32, #tpu.memory_space<vmem>>
    %dma_wait3A_1359 = tpu.memref_squeeze %dma_wait3A_1358 : memref<1x128xi32, #tpu.memory_space<vmem>> -> memref<128xi32, #tpu.memory_space<vmem>>
    %dma_wait3A_1360 = arith.constant 0 : i32
    %dma_wait3A_1361 = arith.constant 0 : i32
    %dma_wait3A_1362 = tpu.memref_slice %arg8[%dma_wait3A_1360, %dma_wait3A_1361] : memref<28800x32xf32, #tpu.memory_space<vmem_shared>> -> memref<28800x32xf32, #tpu.memory_space<vmem_shared>>
    tpu.wait_indirect_dma semaphore(%arg9 : memref<!tpu.dma_semaphore, #tpu.memory_space<semaphore_mem>>) src(%dma_wait3A_1356 : memref<128x32xf32, #tpu.memory_space<vmem>>) dst(%dma_wait3A_1362 : memref<28800x32xf32, #tpu.memory_space<vmem_shared>>)
    %dma_wait3A_1363 = arith.constant 1 : i32
    %dma_wait3A_1364 = arith.constant 0 : i32
    %dma_wait3A_1365 = arith.constant 0 : i32
    %dma_wait3A_1366 = tpu.memref_slice %arg6[%dma_wait3A_1363, %dma_wait3A_1364, %dma_wait3A_1365] : memref<2x640x32xf32, #tpu.memory_space<vmem>> -> memref<1x640x32xf32, #tpu.memory_space<vmem>>
    %dma_wait3A_1367 = tpu.memref_squeeze %dma_wait3A_1366 : memref<1x640x32xf32, #tpu.memory_space<vmem>> -> memref<640x32xf32, #tpu.memory_space<vmem>>
    %dma_wait3A_1368 = arith.constant 0 : i32
    %dma_wait3A_1369 = tpu.memref_slice %arg2[%add3A_1216, %dma_wait3A_1368] : memref<102400x32xf32, #tpu.memory_space<hbm>> -> memref<640x32xf32, #tpu.memory_space<hbm>>
    %dma_wait3A_1370 = arith.constant 0 : i32
    %dma_wait3A_1371 = arith.constant 0 : i32
    %dma_wait3A_1372 = tpu.memref_slice %arg6[%dma_wait3A_1363, %dma_wait3A_1370, %dma_wait3A_1371] : memref<2x640x32xf32, #tpu.memory_space<vmem>> -> memref<1x640x32xf32, #tpu.memory_space<vmem>>
    %dma_wait3A_1373 = tpu.memref_squeeze %dma_wait3A_1372 : memref<1x640x32xf32, #tpu.memory_space<vmem>> -> memref<640x32xf32, #tpu.memory_space<vmem>>
    %dma_wait3A_1374 = arith.constant 0 : i32
    %dma_wait3A_1375 = tpu.memref_slice %arg2[%add3A_1216, %dma_wait3A_1374] : memref<102400x32xf32, #tpu.memory_space<hbm>> -> memref<640x32xf32, #tpu.memory_space<hbm>>
    tpu.wait_dma2 semaphore(%arg10 : memref<!tpu.dma_semaphore, #tpu.memory_space<semaphore_mem>>) src(%dma_wait3A_1375 : memref<640x32xf32, #tpu.memory_space<hbm>>) dst(%dma_wait3A_1373 : memref<640x32xf32, #tpu.memory_space<vmem>>)
    %dma_start3A_1376 = arith.constant 1 : i32
    %dma_start3A_1377 = arith.constant 45 : i32
    %dma_start3A_1378 = arith.constant 0 : i32
    %dma_start3A_1379 = arith.constant 0 : i32
    %dma_start3A_1380 = tpu.memref_slice %arg6[%dma_start3A_1376, %dma_start3A_1378, %dma_start3A_1379] : memref<2x640x32xf32, #tpu.memory_space<vmem>> -> memref<1x128x32xf32, #tpu.memory_space<vmem>>
    %dma_start3A_1381 = tpu.memref_squeeze %dma_start3A_1380 : memref<1x128x32xf32, #tpu.memory_space<vmem>> -> memref<128x32xf32, #tpu.memory_space<vmem>>
    %dma_start3A_1382 = arith.constant 0 : i32
    %dma_start3A_1383 = tpu.memref_slice %arg7[%dma_start3A_1377, %dma_start3A_1382] : memref<50x128xi32, #tpu.memory_space<vmem>> -> memref<1x128xi32, #tpu.memory_space<vmem>>
    %dma_start3A_1384 = tpu.memref_squeeze %dma_start3A_1383 : memref<1x128xi32, #tpu.memory_space<vmem>> -> memref<128xi32, #tpu.memory_space<vmem>>
    %dma_start3A_1385 = arith.constant 0 : i32
    %dma_start3A_1386 = arith.constant 0 : i32
    %dma_start3A_1387 = tpu.memref_slice %arg8[%dma_start3A_1385, %dma_start3A_1386] : memref<28800x32xf32, #tpu.memory_space<vmem_shared>> -> memref<28800x32xf32, #tpu.memory_space<vmem_shared>>
    tpu.enqueue_indirect_dma source(%dma_start3A_1381 : memref<128x32xf32, #tpu.memory_space<vmem>>) target(%dma_start3A_1387 : memref<28800x32xf32, #tpu.memory_space<vmem_shared>>) offsets(%dma_start3A_1384 : memref<128xi32, #tpu.memory_space<vmem>>) semaphore(%arg9 : memref<!tpu.dma_semaphore, #tpu.memory_space<semaphore_mem>>) {add = true}
    %dma_start3A_1388 = arith.constant 1 : i32
    %dma_start3A_1389 = arith.constant 46 : i32
    %dma_start3A_1390 = arith.constant 128 : i32
    %dma_start3A_1391 = arith.constant 0 : i32
    %dma_start3A_1392 = tpu.memref_slice %arg6[%dma_start3A_1388, %dma_start3A_1390, %dma_start3A_1391] : memref<2x640x32xf32, #tpu.memory_space<vmem>> -> memref<1x128x32xf32, #tpu.memory_space<vmem>>
    %dma_start3A_1393 = tpu.memref_squeeze %dma_start3A_1392 : memref<1x128x32xf32, #tpu.memory_space<vmem>> -> memref<128x32xf32, #tpu.memory_space<vmem>>
    %dma_start3A_1394 = arith.constant 0 : i32
    %dma_start3A_1395 = tpu.memref_slice %arg7[%dma_start3A_1389, %dma_start3A_1394] : memref<50x128xi32, #tpu.memory_space<vmem>> -> memref<1x128xi32, #tpu.memory_space<vmem>>
    %dma_start3A_1396 = tpu.memref_squeeze %dma_start3A_1395 : memref<1x128xi32, #tpu.memory_space<vmem>> -> memref<128xi32, #tpu.memory_space<vmem>>
    %dma_start3A_1397 = arith.constant 0 : i32
    %dma_start3A_1398 = arith.constant 0 : i32
    %dma_start3A_1399 = tpu.memref_slice %arg8[%dma_start3A_1397, %dma_start3A_1398] : memref<28800x32xf32, #tpu.memory_space<vmem_shared>> -> memref<28800x32xf32, #tpu.memory_space<vmem_shared>>
    tpu.enqueue_indirect_dma source(%dma_start3A_1393 : memref<128x32xf32, #tpu.memory_space<vmem>>) target(%dma_start3A_1399 : memref<28800x32xf32, #tpu.memory_space<vmem_shared>>) offsets(%dma_start3A_1396 : memref<128xi32, #tpu.memory_space<vmem>>) semaphore(%arg9 : memref<!tpu.dma_semaphore, #tpu.memory_space<semaphore_mem>>) {add = true}
    %dma_start3A_1400 = arith.constant 1 : i32
    %dma_start3A_1401 = arith.constant 47 : i32
    %dma_start3A_1402 = arith.constant 256 : i32
    %dma_start3A_1403 = arith.constant 0 : i32
    %dma_start3A_1404 = tpu.memref_slice %arg6[%dma_start3A_1400, %dma_start3A_1402, %dma_start3A_1403] : memref<2x640x32xf32, #tpu.memory_space<vmem>> -> memref<1x128x32xf32, #tpu.memory_space<vmem>>
    %dma_start3A_1405 = tpu.memref_squeeze %dma_start3A_1404 : memref<1x128x32xf32, #tpu.memory_space<vmem>> -> memref<128x32xf32, #tpu.memory_space<vmem>>
    %dma_start3A_1406 = arith.constant 0 : i32
    %dma_start3A_1407 = tpu.memref_slice %arg7[%dma_start3A_1401, %dma_start3A_1406] : memref<50x128xi32, #tpu.memory_space<vmem>> -> memref<1x128xi32, #tpu.memory_space<vmem>>
    %dma_start3A_1408 = tpu.memref_squeeze %dma_start3A_1407 : memref<1x128xi32, #tpu.memory_space<vmem>> -> memref<128xi32, #tpu.memory_space<vmem>>
    %dma_start3A_1409 = arith.constant 0 : i32
    %dma_start3A_1410 = arith.constant 0 : i32
    %dma_start3A_1411 = tpu.memref_slice %arg8[%dma_start3A_1409, %dma_start3A_1410] : memref<28800x32xf32, #tpu.memory_space<vmem_shared>> -> memref<28800x32xf32, #tpu.memory_space<vmem_shared>>
    tpu.enqueue_indirect_dma source(%dma_start3A_1405 : memref<128x32xf32, #tpu.memory_space<vmem>>) target(%dma_start3A_1411 : memref<28800x32xf32, #tpu.memory_space<vmem_shared>>) offsets(%dma_start3A_1408 : memref<128xi32, #tpu.memory_space<vmem>>) semaphore(%arg9 : memref<!tpu.dma_semaphore, #tpu.memory_space<semaphore_mem>>) {add = true}
    %dma_start3A_1412 = arith.constant 1 : i32
    %dma_start3A_1413 = arith.constant 48 : i32
    %dma_start3A_1414 = arith.constant 384 : i32
    %dma_start3A_1415 = arith.constant 0 : i32
    %dma_start3A_1416 = tpu.memref_slice %arg6[%dma_start3A_1412, %dma_start3A_1414, %dma_start3A_1415] : memref<2x640x32xf32, #tpu.memory_space<vmem>> -> memref<1x128x32xf32, #tpu.memory_space<vmem>>
    %dma_start3A_1417 = tpu.memref_squeeze %dma_start3A_1416 : memref<1x128x32xf32, #tpu.memory_space<vmem>> -> memref<128x32xf32, #tpu.memory_space<vmem>>
    %dma_start3A_1418 = arith.constant 0 : i32
    %dma_start3A_1419 = tpu.memref_slice %arg7[%dma_start3A_1413, %dma_start3A_1418] : memref<50x128xi32, #tpu.memory_space<vmem>> -> memref<1x128xi32, #tpu.memory_space<vmem>>
    %dma_start3A_1420 = tpu.memref_squeeze %dma_start3A_1419 : memref<1x128xi32, #tpu.memory_space<vmem>> -> memref<128xi32, #tpu.memory_space<vmem>>
    %dma_start3A_1421 = arith.constant 0 : i32
    %dma_start3A_1422 = arith.constant 0 : i32
    %dma_start3A_1423 = tpu.memref_slice %arg8[%dma_start3A_1421, %dma_start3A_1422] : memref<28800x32xf32, #tpu.memory_space<vmem_shared>> -> memref<28800x32xf32, #tpu.memory_space<vmem_shared>>
    tpu.enqueue_indirect_dma source(%dma_start3A_1417 : memref<128x32xf32, #tpu.memory_space<vmem>>) target(%dma_start3A_1423 : memref<28800x32xf32, #tpu.memory_space<vmem_shared>>) offsets(%dma_start3A_1420 : memref<128xi32, #tpu.memory_space<vmem>>) semaphore(%arg9 : memref<!tpu.dma_semaphore, #tpu.memory_space<semaphore_mem>>) {add = true}
    %dma_start3A_1424 = arith.constant 1 : i32
    %dma_start3A_1425 = arith.constant 49 : i32
    %dma_start3A_1426 = arith.constant 512 : i32
    %dma_start3A_1427 = arith.constant 0 : i32
    %dma_start3A_1428 = tpu.memref_slice %arg6[%dma_start3A_1424, %dma_start3A_1426, %dma_start3A_1427] : memref<2x640x32xf32, #tpu.memory_space<vmem>> -> memref<1x128x32xf32, #tpu.memory_space<vmem>>
    %dma_start3A_1429 = tpu.memref_squeeze %dma_start3A_1428 : memref<1x128x32xf32, #tpu.memory_space<vmem>> -> memref<128x32xf32, #tpu.memory_space<vmem>>
    %dma_start3A_1430 = arith.constant 0 : i32
    %dma_start3A_1431 = tpu.memref_slice %arg7[%dma_start3A_1425, %dma_start3A_1430] : memref<50x128xi32, #tpu.memory_space<vmem>> -> memref<1x128xi32, #tpu.memory_space<vmem>>
    %dma_start3A_1432 = tpu.memref_squeeze %dma_start3A_1431 : memref<1x128xi32, #tpu.memory_space<vmem>> -> memref<128xi32, #tpu.memory_space<vmem>>
    %dma_start3A_1433 = arith.constant 0 : i32
    %dma_start3A_1434 = arith.constant 0 : i32
    %dma_start3A_1435 = tpu.memref_slice %arg8[%dma_start3A_1433, %dma_start3A_1434] : memref<28800x32xf32, #tpu.memory_space<vmem_shared>> -> memref<28800x32xf32, #tpu.memory_space<vmem_shared>>
    tpu.enqueue_indirect_dma source(%dma_start3A_1429 : memref<128x32xf32, #tpu.memory_space<vmem>>) target(%dma_start3A_1435 : memref<28800x32xf32, #tpu.memory_space<vmem_shared>>) offsets(%dma_start3A_1432 : memref<128xi32, #tpu.memory_space<vmem>>) semaphore(%arg9 : memref<!tpu.dma_semaphore, #tpu.memory_space<semaphore_mem>>) {add = true}
    %dma_wait3A_1436 = arith.constant 1 : i32
    %dma_wait3A_1437 = arith.constant 45 : i32
    %dma_wait3A_1438 = arith.constant 0 : i32
    %dma_wait3A_1439 = arith.constant 0 : i32
    %dma_wait3A_1440 = tpu.memref_slice %arg6[%dma_wait3A_1436, %dma_wait3A_1438, %dma_wait3A_1439] : memref<2x640x32xf32, #tpu.memory_space<vmem>> -> memref<1x128x32xf32, #tpu.memory_space<vmem>>
    %dma_wait3A_1441 = tpu.memref_squeeze %dma_wait3A_1440 : memref<1x128x32xf32, #tpu.memory_space<vmem>> -> memref<128x32xf32, #tpu.memory_space<vmem>>
    %dma_wait3A_1442 = arith.constant 0 : i32
    %dma_wait3A_1443 = tpu.memref_slice %arg7[%dma_wait3A_1437, %dma_wait3A_1442] : memref<50x128xi32, #tpu.memory_space<vmem>> -> memref<1x128xi32, #tpu.memory_space<vmem>>
    %dma_wait3A_1444 = tpu.memref_squeeze %dma_wait3A_1443 : memref<1x128xi32, #tpu.memory_space<vmem>> -> memref<128xi32, #tpu.memory_space<vmem>>
    %dma_wait3A_1445 = arith.constant 0 : i32
    %dma_wait3A_1446 = arith.constant 0 : i32
    %dma_wait3A_1447 = tpu.memref_slice %arg8[%dma_wait3A_1445, %dma_wait3A_1446] : memref<28800x32xf32, #tpu.memory_space<vmem_shared>> -> memref<28800x32xf32, #tpu.memory_space<vmem_shared>>
    tpu.wait_indirect_dma semaphore(%arg9 : memref<!tpu.dma_semaphore, #tpu.memory_space<semaphore_mem>>) src(%dma_wait3A_1441 : memref<128x32xf32, #tpu.memory_space<vmem>>) dst(%dma_wait3A_1447 : memref<28800x32xf32, #tpu.memory_space<vmem_shared>>)
    %dma_wait3A_1448 = arith.constant 1 : i32
    %dma_wait3A_1449 = arith.constant 46 : i32
    %dma_wait3A_1450 = arith.constant 128 : i32
    %dma_wait3A_1451 = arith.constant 0 : i32
    %dma_wait3A_1452 = tpu.memref_slice %arg6[%dma_wait3A_1448, %dma_wait3A_1450, %dma_wait3A_1451] : memref<2x640x32xf32, #tpu.memory_space<vmem>> -> memref<1x128x32xf32, #tpu.memory_space<vmem>>
    %dma_wait3A_1453 = tpu.memref_squeeze %dma_wait3A_1452 : memref<1x128x32xf32, #tpu.memory_space<vmem>> -> memref<128x32xf32, #tpu.memory_space<vmem>>
    %dma_wait3A_1454 = arith.constant 0 : i32
    %dma_wait3A_1455 = tpu.memref_slice %arg7[%dma_wait3A_1449, %dma_wait3A_1454] : memref<50x128xi32, #tpu.memory_space<vmem>> -> memref<1x128xi32, #tpu.memory_space<vmem>>
    %dma_wait3A_1456 = tpu.memref_squeeze %dma_wait3A_1455 : memref<1x128xi32, #tpu.memory_space<vmem>> -> memref<128xi32, #tpu.memory_space<vmem>>
    %dma_wait3A_1457 = arith.constant 0 : i32
    %dma_wait3A_1458 = arith.constant 0 : i32
    %dma_wait3A_1459 = tpu.memref_slice %arg8[%dma_wait3A_1457, %dma_wait3A_1458] : memref<28800x32xf32, #tpu.memory_space<vmem_shared>> -> memref<28800x32xf32, #tpu.memory_space<vmem_shared>>
    tpu.wait_indirect_dma semaphore(%arg9 : memref<!tpu.dma_semaphore, #tpu.memory_space<semaphore_mem>>) src(%dma_wait3A_1453 : memref<128x32xf32, #tpu.memory_space<vmem>>) dst(%dma_wait3A_1459 : memref<28800x32xf32, #tpu.memory_space<vmem_shared>>)
    %dma_wait3A_1460 = arith.constant 1 : i32
    %dma_wait3A_1461 = arith.constant 47 : i32
    %dma_wait3A_1462 = arith.constant 256 : i32
    %dma_wait3A_1463 = arith.constant 0 : i32
    %dma_wait3A_1464 = tpu.memref_slice %arg6[%dma_wait3A_1460, %dma_wait3A_1462, %dma_wait3A_1463] : memref<2x640x32xf32, #tpu.memory_space<vmem>> -> memref<1x128x32xf32, #tpu.memory_space<vmem>>
    %dma_wait3A_1465 = tpu.memref_squeeze %dma_wait3A_1464 : memref<1x128x32xf32, #tpu.memory_space<vmem>> -> memref<128x32xf32, #tpu.memory_space<vmem>>
    %dma_wait3A_1466 = arith.constant 0 : i32
    %dma_wait3A_1467 = tpu.memref_slice %arg7[%dma_wait3A_1461, %dma_wait3A_1466] : memref<50x128xi32, #tpu.memory_space<vmem>> -> memref<1x128xi32, #tpu.memory_space<vmem>>
    %dma_wait3A_1468 = tpu.memref_squeeze %dma_wait3A_1467 : memref<1x128xi32, #tpu.memory_space<vmem>> -> memref<128xi32, #tpu.memory_space<vmem>>
    %dma_wait3A_1469 = arith.constant 0 : i32
    %dma_wait3A_1470 = arith.constant 0 : i32
    %dma_wait3A_1471 = tpu.memref_slice %arg8[%dma_wait3A_1469, %dma_wait3A_1470] : memref<28800x32xf32, #tpu.memory_space<vmem_shared>> -> memref<28800x32xf32, #tpu.memory_space<vmem_shared>>
    tpu.wait_indirect_dma semaphore(%arg9 : memref<!tpu.dma_semaphore, #tpu.memory_space<semaphore_mem>>) src(%dma_wait3A_1465 : memref<128x32xf32, #tpu.memory_space<vmem>>) dst(%dma_wait3A_1471 : memref<28800x32xf32, #tpu.memory_space<vmem_shared>>)
    %dma_wait3A_1472 = arith.constant 1 : i32
    %dma_wait3A_1473 = arith.constant 48 : i32
    %dma_wait3A_1474 = arith.constant 384 : i32
    %dma_wait3A_1475 = arith.constant 0 : i32
    %dma_wait3A_1476 = tpu.memref_slice %arg6[%dma_wait3A_1472, %dma_wait3A_1474, %dma_wait3A_1475] : memref<2x640x32xf32, #tpu.memory_space<vmem>> -> memref<1x128x32xf32, #tpu.memory_space<vmem>>
    %dma_wait3A_1477 = tpu.memref_squeeze %dma_wait3A_1476 : memref<1x128x32xf32, #tpu.memory_space<vmem>> -> memref<128x32xf32, #tpu.memory_space<vmem>>
    %dma_wait3A_1478 = arith.constant 0 : i32
    %dma_wait3A_1479 = tpu.memref_slice %arg7[%dma_wait3A_1473, %dma_wait3A_1478] : memref<50x128xi32, #tpu.memory_space<vmem>> -> memref<1x128xi32, #tpu.memory_space<vmem>>
    %dma_wait3A_1480 = tpu.memref_squeeze %dma_wait3A_1479 : memref<1x128xi32, #tpu.memory_space<vmem>> -> memref<128xi32, #tpu.memory_space<vmem>>
    %dma_wait3A_1481 = arith.constant 0 : i32
    %dma_wait3A_1482 = arith.constant 0 : i32
    %dma_wait3A_1483 = tpu.memref_slice %arg8[%dma_wait3A_1481, %dma_wait3A_1482] : memref<28800x32xf32, #tpu.memory_space<vmem_shared>> -> memref<28800x32xf32, #tpu.memory_space<vmem_shared>>
    tpu.wait_indirect_dma semaphore(%arg9 : memref<!tpu.dma_semaphore, #tpu.memory_space<semaphore_mem>>) src(%dma_wait3A_1477 : memref<128x32xf32, #tpu.memory_space<vmem>>) dst(%dma_wait3A_1483 : memref<28800x32xf32, #tpu.memory_space<vmem_shared>>)
    %dma_wait3A_1484 = arith.constant 1 : i32
    %dma_wait3A_1485 = arith.constant 49 : i32
    %dma_wait3A_1486 = arith.constant 512 : i32
    %dma_wait3A_1487 = arith.constant 0 : i32
    %dma_wait3A_1488 = tpu.memref_slice %arg6[%dma_wait3A_1484, %dma_wait3A_1486, %dma_wait3A_1487] : memref<2x640x32xf32, #tpu.memory_space<vmem>> -> memref<1x128x32xf32, #tpu.memory_space<vmem>>
    %dma_wait3A_1489 = tpu.memref_squeeze %dma_wait3A_1488 : memref<1x128x32xf32, #tpu.memory_space<vmem>> -> memref<128x32xf32, #tpu.memory_space<vmem>>
    %dma_wait3A_1490 = arith.constant 0 : i32
    %dma_wait3A_1491 = tpu.memref_slice %arg7[%dma_wait3A_1485, %dma_wait3A_1490] : memref<50x128xi32, #tpu.memory_space<vmem>> -> memref<1x128xi32, #tpu.memory_space<vmem>>
    %dma_wait3A_1492 = tpu.memref_squeeze %dma_wait3A_1491 : memref<1x128xi32, #tpu.memory_space<vmem>> -> memref<128xi32, #tpu.memory_space<vmem>>
    %dma_wait3A_1493 = arith.constant 0 : i32
    %dma_wait3A_1494 = arith.constant 0 : i32
    %dma_wait3A_1495 = tpu.memref_slice %arg8[%dma_wait3A_1493, %dma_wait3A_1494] : memref<28800x32xf32, #tpu.memory_space<vmem_shared>> -> memref<28800x32xf32, #tpu.memory_space<vmem_shared>>
    tpu.wait_indirect_dma semaphore(%arg9 : memref<!tpu.dma_semaphore, #tpu.memory_space<semaphore_mem>>) src(%dma_wait3A_1489 : memref<128x32xf32, #tpu.memory_space<vmem>>) dst(%dma_wait3A_1495 : memref<28800x32xf32, #tpu.memory_space<vmem_shared>>)
    %barrier3A_1496 = arith.constant 0 : index
    tpu.barrier barrier_id(%barrier3A_1496)
    %mul3A_1497 = arith.constant 1800 : i32
    %mul3A_1498 = arith.muli %arg1, %mul3A_1497 : i32
    %mul3A_1499 = arith.constant 1800 : i32
    %mul3A_1500 = arith.muli %arg1, %mul3A_1499 : i32
    "tpu.region"() ({
      %run_scoped3A = tpu.sem_alloc : memref<!tpu.dma_semaphore, #tpu.memory_space<semaphore_mem>>
      %dma_start3A_1501 = arith.constant 0 : i32
      %dma_start3A_1502 = tpu.memref_slice %arg5[%arg0, %mul3A_1500, %dma_start3A_1501] : memref<2x28800x32xf32, #tpu.memory_space<hbm>> -> memref<1x1800x32xf32, #tpu.memory_space<hbm>>
      %dma_start3A_1503 = tpu.memref_squeeze %dma_start3A_1502 : memref<1x1800x32xf32, #tpu.memory_space<hbm>> -> memref<1800x32xf32, #tpu.memory_space<hbm>>
      %dma_start3A_1504 = arith.constant 0 : i32
      %dma_start3A_1505 = tpu.memref_slice %arg8[%mul3A_1498, %dma_start3A_1504] : memref<28800x32xf32, #tpu.memory_space<vmem_shared>> -> memref<1800x32xf32, #tpu.memory_space<vmem_shared>>
      tpu.enqueue_dma source(%dma_start3A_1505 : memref<1800x32xf32, #tpu.memory_space<vmem_shared>>) target(%dma_start3A_1503 : memref<1800x32xf32, #tpu.memory_space<hbm>>) target_semaphore(%run_scoped3A : memref<!tpu.dma_semaphore, #tpu.memory_space<semaphore_mem>>)
      %dma_wait3A_1506 = arith.constant 0 : i32
      %dma_wait3A_1507 = tpu.memref_slice %arg5[%arg0, %mul3A_1500, %dma_wait3A_1506] : memref<2x28800x32xf32, #tpu.memory_space<hbm>> -> memref<1x1800x32xf32, #tpu.memory_space<hbm>>
      %dma_wait3A_1508 = tpu.memref_squeeze %dma_wait3A_1507 : memref<1x1800x32xf32, #tpu.memory_space<hbm>> -> memref<1800x32xf32, #tpu.memory_space<hbm>>
      %dma_wait3A_1509 = arith.constant 0 : i32
      %dma_wait3A_1510 = tpu.memref_slice %arg8[%mul3A_1498, %dma_wait3A_1509] : memref<28800x32xf32, #tpu.memory_space<vmem_shared>> -> memref<1800x32xf32, #tpu.memory_space<vmem_shared>>
      tpu.wait_dma2 semaphore(%run_scoped3A : memref<!tpu.dma_semaphore, #tpu.memory_space<semaphore_mem>>) src(%dma_wait3A_1510 : memref<1800x32xf32, #tpu.memory_space<vmem_shared>>) dst(%dma_wait3A_1508 : memref<1800x32xf32, #tpu.memory_space<hbm>>)
      tpu.yield
    }) : () -> ()
    return
  }
}

module attributes {stable_mosaic.version = 14 : i64} {
  func.func @_msg_body(%arg0: i32, %arg1: memref<14x2048xf32, #tpu.memory_space<vmem>>, %arg2: memref<32x2048xf32, #tpu.memory_space<vmem>>, %arg3: memref<128x14xf32, #tpu.memory_space<vmem>>, %arg4: memref<128x1xf32, #tpu.memory_space<vmem>>, %arg5: memref<1024x128xbf16, #tpu.memory_space<vmem>>, %arg6: memref<1024x1xf32, #tpu.memory_space<vmem>>, %arg7: memref<32x2048xf32, #tpu.memory_space<vmem>>) attributes {dimension_semantics = [#tpu.dimension_semantics<arbitrary>], iteration_bounds = array<i64: 50>, scalar_prefetch = 0 : i64, scratch_operands = 0 : i64, tpu.core_type = #tpu.core_type<tc>, window_params = [{transform_indices = @transform_0, window_bounds = array<i64: 14, 2048>}, {transform_indices = @transform_1, window_bounds = array<i64: 32, 2048>}, {pipeline_mode = #tpu.pipeline_mode<synchronous>, transform_indices = @transform_2, window_bounds = array<i64: 128, 14>}, {pipeline_mode = #tpu.pipeline_mode<synchronous>, transform_indices = @transform_3, window_bounds = array<i64: 128, 1>}, {pipeline_mode = #tpu.pipeline_mode<synchronous>, transform_indices = @transform_4, window_bounds = array<i64: 1024, 128>}, {pipeline_mode = #tpu.pipeline_mode<synchronous>, transform_indices = @transform_5, window_bounds = array<i64: 1024, 1>}, {transform_indices = @transform_6, window_bounds = array<i64: 32, 2048>}]} {
    %get3A = arith.constant 0 : index
    %get3A_0 = arith.constant 0 : index
    %get3A_1 = vector.load %arg3[%get3A, %get3A_0] : memref<128x14xf32, #tpu.memory_space<vmem>>, vector<128x14xf32>
    %get3A_2 = arith.constant 0 : index
    %get3A_3 = arith.constant 0 : index
    %get3A_4 = vector.load %arg1[%get3A_2, %get3A_3] : memref<14x2048xf32, #tpu.memory_space<vmem>>, vector<14x2048xf32>
    %dot_general3A = arith.constant dense<0.000000e+00> : vector<128x2048xf32>
    %dot_general3A_5 = tpu.matmul %get3A_1, %get3A_4, %dot_general3A {dimension_numbers = #tpu.dot_dimension_numbers<[1], [0], [0], [1], [0, 0, 1, 1], [], []>, transpose_lhs_hint = false} : vector<128x14xf32>, vector<14x2048xf32>, vector<128x2048xf32> -> vector<128x2048xf32>
    %get3A_6 = arith.constant 0 : index
    %get3A_7 = arith.constant 0 : index
    %get3A_8 = vector.load %arg4[%get3A_6, %get3A_7] : memref<128x1xf32, #tpu.memory_space<vmem>>, vector<128x1xf32>
    %add3A = vector.broadcast %get3A_8 : vector<128x1xf32> to vector<128x2048xf32>
    %add3A_9 = arith.addf %dot_general3A_5, %add3A : vector<128x2048xf32>
    %mul3A = arith.constant 5.000000e-01 : f32
    %mul3A_10 = vector.broadcast %mul3A : f32 to vector<128x2048xf32>
    %mul3A_11 = arith.mulf %mul3A_10, %add3A_9 : vector<128x2048xf32>
    %mul3A_12 = arith.constant 0.707106769 : f32
    %mul3A_13 = vector.broadcast %mul3A_12 : f32 to vector<128x2048xf32>
    %mul3A_14 = arith.mulf %add3A_9, %mul3A_13 : vector<128x2048xf32>
    %erf3A = math.erf %mul3A_14 : vector<128x2048xf32>
    %add3A_15 = arith.constant 1.000000e+00 : f32
    %add3A_16 = vector.broadcast %add3A_15 : f32 to vector<128x2048xf32>
    %add3A_17 = arith.addf %add3A_16, %erf3A : vector<128x2048xf32>
    %mul3A_18 = arith.mulf %mul3A_11, %add3A_17 : vector<128x2048xf32>
    %get3A_19 = arith.constant 0 : index
    %get3A_20 = arith.constant 0 : index
    %get3A_21 = vector.load %arg5[%get3A_19, %get3A_20] : memref<1024x128xbf16, #tpu.memory_space<vmem>>, vector<1024x128xbf16>
    %convert_element_type3A = arith.truncf %mul3A_18 : vector<128x2048xf32> to vector<128x2048xbf16>
    %dot_general3A_22 = arith.constant dense<0.000000e+00> : vector<1024x2048xf32>
    %dot_general3A_23 = tpu.matmul %get3A_21, %convert_element_type3A, %dot_general3A_22 {dimension_numbers = #tpu.dot_dimension_numbers<[1], [0], [0], [1], [0, 0, 1, 1], [], []>, transpose_lhs_hint = false} : vector<1024x128xbf16>, vector<128x2048xbf16>, vector<1024x2048xf32> -> vector<1024x2048xf32>
    %get3A_24 = arith.constant 0 : index
    %get3A_25 = arith.constant 0 : index
    %get3A_26 = vector.load %arg6[%get3A_24, %get3A_25] : memref<1024x1xf32, #tpu.memory_space<vmem>>, vector<1024x1xf32>
    %add3A_27 = vector.broadcast %get3A_26 : vector<1024x1xf32> to vector<1024x2048xf32>
    %add3A_28 = arith.addf %dot_general3A_23, %add3A_27 : vector<1024x2048xf32>
    %reshape3A = vector.shape_cast %add3A_28 : vector<1024x2048xf32> to vector<32x32x2048xf32>
    %get3A_29 = arith.constant 0 : index
    %get3A_30 = arith.constant 0 : index
    %get3A_31 = vector.load %arg2[%get3A_29, %get3A_30] : memref<32x2048xf32, #tpu.memory_space<vmem>>, vector<32x2048xf32>
    %reshape3A_32 = vector.shape_cast %get3A_31 : vector<32x2048xf32> to vector<32x1x2048xf32>
    %mul3A_33 = vector.broadcast %reshape3A_32 : vector<32x1x2048xf32> to vector<32x32x2048xf32>
    %mul3A_34 = arith.mulf %reshape3A, %mul3A_33 : vector<32x32x2048xf32>
    %reduce_sum3A = arith.constant dense<0.000000e+00> : vector<32x2048xf32>
    %reduce_sum3A_35 = vector.multi_reduction <add>, %mul3A_34, %reduce_sum3A [0] : vector<32x32x2048xf32> to vector<32x2048xf32>
    %mul3A_36 = arith.constant 2048 : i32
    %mul3A_37 = arith.muli %arg0, %mul3A_36 : i32
    %iota3A = tpu.iota {dimensions = array<i32: 1>} : vector<32x2048xi32>
    %add3A_38 = vector.broadcast %mul3A_37 : i32 to vector<32x2048xi32>
    %add3A_39 = arith.addi %add3A_38, %iota3A : vector<32x2048xi32>
    %lt3A = arith.constant 100000 : i32
    %lt3A_40 = vector.broadcast %lt3A : i32 to vector<32x2048xi32>
    %lt3A_41 = arith.cmpi slt, %add3A_39, %lt3A_40 : vector<32x2048xi32>
    %jit3A = arith.constant 0.000000e+00 : f32
    %broadcast_in_dim3A = vector.broadcast %jit3A : f32 to vector<32x2048xf32>
    %select_n3A = arith.select %lt3A_41, %reduce_sum3A_35, %broadcast_in_dim3A : vector<32x2048xi1>, vector<32x2048xf32>
    %swap3A = arith.constant 0 : index
    %swap3A_42 = arith.constant 0 : index
    %swap3A_43 = vector.load %arg7[%swap3A, %swap3A_42] : memref<32x2048xf32, #tpu.memory_space<vmem>>, vector<32x2048xf32>
    tpu.vector_store %arg7[%swap3A, %swap3A_42], %select_n3A {strides = array<i32>} : memref<32x2048xf32, #tpu.memory_space<vmem>>, vector<32x2048xf32>,
    return
  }
  func.func @transform_0(%arg0: i32) -> (i32, i32) {
    %c0_i32 = arith.constant 0 : i32
    %c0_i32_0 = arith.constant 0 : i32
    return %c0_i32, %arg0 : i32, i32
  }
  func.func @transform_1(%arg0: i32) -> (i32, i32) {
    %c0_i32 = arith.constant 0 : i32
    %c0_i32_0 = arith.constant 0 : i32
    return %c0_i32, %arg0 : i32, i32
  }
  func.func @transform_2(%arg0: i32) -> (i32, i32) {
    %c0_i32 = arith.constant 0 : i32
    %c0_i32_0 = arith.constant 0 : i32
    %c0_i32_1 = arith.constant 0 : i32
    return %c0_i32, %c0_i32_0 : i32, i32
  }
  func.func @transform_3(%arg0: i32) -> (i32, i32) {
    %c0_i32 = arith.constant 0 : i32
    %c0_i32_0 = arith.constant 0 : i32
    %c0_i32_1 = arith.constant 0 : i32
    return %c0_i32, %c0_i32_0 : i32, i32
  }
  func.func @transform_4(%arg0: i32) -> (i32, i32) {
    %c0_i32 = arith.constant 0 : i32
    %c0_i32_0 = arith.constant 0 : i32
    %c0_i32_1 = arith.constant 0 : i32
    return %c0_i32, %c0_i32_0 : i32, i32
  }
  func.func @transform_5(%arg0: i32) -> (i32, i32) {
    %c0_i32 = arith.constant 0 : i32
    %c0_i32_0 = arith.constant 0 : i32
    %c0_i32_1 = arith.constant 0 : i32
    return %c0_i32, %c0_i32_0 : i32, i32
  }
  func.func @transform_6(%arg0: i32) -> (i32, i32) {
    %c0_i32 = arith.constant 0 : i32
    %c0_i32_0 = arith.constant 0 : i32
    return %c0_i32, %arg0 : i32, i32
  }
}

module attributes {stable_mosaic.version = 14 : i64} {
  func.func @_gru_body(%arg0: i32, %arg1: memref<32x4096xf32, #tpu.memory_space<vmem>>, %arg2: memref<1x32x4096xf32, #tpu.memory_space<vmem>>, %arg3: memref<96x32xf32, #tpu.memory_space<vmem>>, %arg4: memref<96x1xf32, #tpu.memory_space<vmem>>, %arg5: memref<96x32xf32, #tpu.memory_space<vmem>>, %arg6: memref<96x1xf32, #tpu.memory_space<vmem>>, %arg7: memref<32x4096xf32, #tpu.memory_space<vmem>>) attributes {dimension_semantics = [#tpu.dimension_semantics<arbitrary>], iteration_bounds = array<i64: 13>, scalar_prefetch = 0 : i64, scratch_operands = 0 : i64, tpu.core_type = #tpu.core_type<tc>, window_params = [{transform_indices = @transform_0, window_bounds = array<i64: 32, 4096>}, {transform_indices = @transform_1, window_bounds = array<i64: 1, 32, 4096>}, {pipeline_mode = #tpu.pipeline_mode<synchronous>, transform_indices = @transform_2, window_bounds = array<i64: 96, 32>}, {pipeline_mode = #tpu.pipeline_mode<synchronous>, transform_indices = @transform_3, window_bounds = array<i64: 96, 1>}, {pipeline_mode = #tpu.pipeline_mode<synchronous>, transform_indices = @transform_4, window_bounds = array<i64: 96, 32>}, {pipeline_mode = #tpu.pipeline_mode<synchronous>, transform_indices = @transform_5, window_bounds = array<i64: 96, 1>}, {transform_indices = @transform_6, window_bounds = array<i64: 32, 4096>}]} {
    %get3A = arith.constant 0 : index
    %get3A_0 = arith.constant 0 : index
    %get3A_1 = vector.load %arg1[%get3A, %get3A_0] : memref<32x4096xf32, #tpu.memory_space<vmem>>, vector<32x4096xf32>
    %get3A_2 = arith.constant 0 : index
    %get3A_3 = arith.constant 0 : index
    %get3A_4 = arith.constant 0 : index
    %get3A_5 = vector.load %arg2[%get3A_2, %get3A_3, %get3A_4] : memref<1x32x4096xf32, #tpu.memory_space<vmem>>, vector<1x32x4096xf32>
    %get3A_6 = vector.shape_cast %get3A_5 : vector<1x32x4096xf32> to vector<32x4096xf32>
    %get3A_7 = arith.constant 0 : index
    %get3A_8 = arith.constant 0 : index
    %get3A_9 = vector.load %arg3[%get3A_7, %get3A_8] : memref<96x32xf32, #tpu.memory_space<vmem>>, vector<96x32xf32>
    %dot_general3A = arith.constant dense<0.000000e+00> : vector<96x4096xf32>
    %dot_general3A_10 = tpu.matmul %get3A_9, %get3A_6, %dot_general3A {dimension_numbers = #tpu.dot_dimension_numbers<[1], [0], [0], [1], [0, 0, 1, 1], [], []>, transpose_lhs_hint = false} : vector<96x32xf32>, vector<32x4096xf32>, vector<96x4096xf32> -> vector<96x4096xf32>
    %get3A_11 = arith.constant 0 : index
    %get3A_12 = arith.constant 0 : index
    %get3A_13 = vector.load %arg4[%get3A_11, %get3A_12] : memref<96x1xf32, #tpu.memory_space<vmem>>, vector<96x1xf32>
    %add3A = vector.broadcast %get3A_13 : vector<96x1xf32> to vector<96x4096xf32>
    %add3A_14 = arith.addf %dot_general3A_10, %add3A : vector<96x4096xf32>
    %get3A_15 = arith.constant 0 : index
    %get3A_16 = arith.constant 0 : index
    %get3A_17 = vector.load %arg5[%get3A_15, %get3A_16] : memref<96x32xf32, #tpu.memory_space<vmem>>, vector<96x32xf32>
    %dot_general3A_18 = arith.constant dense<0.000000e+00> : vector<96x4096xf32>
    %dot_general3A_19 = tpu.matmul %get3A_17, %get3A_1, %dot_general3A_18 {dimension_numbers = #tpu.dot_dimension_numbers<[1], [0], [0], [1], [0, 0, 1, 1], [], []>, transpose_lhs_hint = false} : vector<96x32xf32>, vector<32x4096xf32>, vector<96x4096xf32> -> vector<96x4096xf32>
    %get3A_20 = arith.constant 0 : index
    %get3A_21 = arith.constant 0 : index
    %get3A_22 = vector.load %arg6[%get3A_20, %get3A_21] : memref<96x1xf32, #tpu.memory_space<vmem>>, vector<96x1xf32>
    %add3A_23 = vector.broadcast %get3A_22 : vector<96x1xf32> to vector<96x4096xf32>
    %add3A_24 = arith.addf %dot_general3A_19, %add3A_23 : vector<96x4096xf32>
    %slice3A = vector.extract_strided_slice %add3A_14 {offsets = [0, 0], sizes = [32, 4096], strides = [1, 1]} : vector<96x4096xf32> to vector<32x4096xf32>
    %slice3A_25 = vector.extract_strided_slice %add3A_24 {offsets = [0, 0], sizes = [32, 4096], strides = [1, 1]} : vector<96x4096xf32> to vector<32x4096xf32>
    %add3A_26 = arith.addf %slice3A, %slice3A_25 : vector<32x4096xf32>
    %logistic3A = arith.negf %add3A_26 : vector<32x4096xf32>
    %logistic3A_27 = math.exp %logistic3A : vector<32x4096xf32>
    %logistic3A_28 = arith.constant 1.000000e+00 : f32
    %logistic3A_29 = vector.broadcast %logistic3A_28 : f32 to vector<32x4096xf32>
    %logistic3A_30 = arith.addf %logistic3A_29, %logistic3A_27 : vector<32x4096xf32>
    %logistic3A_31 = arith.divf %logistic3A_29, %logistic3A_30 : vector<32x4096xf32>
    %slice3A_32 = vector.extract_strided_slice %add3A_14 {offsets = [32, 0], sizes = [32, 4096], strides = [1, 1]} : vector<96x4096xf32> to vector<32x4096xf32>
    %slice3A_33 = vector.extract_strided_slice %add3A_24 {offsets = [32, 0], sizes = [32, 4096], strides = [1, 1]} : vector<96x4096xf32> to vector<32x4096xf32>
    %add3A_34 = arith.addf %slice3A_32, %slice3A_33 : vector<32x4096xf32>
    %logistic3A_35 = arith.negf %add3A_34 : vector<32x4096xf32>
    %logistic3A_36 = math.exp %logistic3A_35 : vector<32x4096xf32>
    %logistic3A_37 = arith.constant 1.000000e+00 : f32
    %logistic3A_38 = vector.broadcast %logistic3A_37 : f32 to vector<32x4096xf32>
    %logistic3A_39 = arith.addf %logistic3A_38, %logistic3A_36 : vector<32x4096xf32>
    %logistic3A_40 = arith.divf %logistic3A_38, %logistic3A_39 : vector<32x4096xf32>
    %slice3A_41 = vector.extract_strided_slice %add3A_24 {offsets = [64, 0], sizes = [32, 4096], strides = [1, 1]} : vector<96x4096xf32> to vector<32x4096xf32>
    %slice3A_42 = vector.extract_strided_slice %add3A_14 {offsets = [64, 0], sizes = [32, 4096], strides = [1, 1]} : vector<96x4096xf32> to vector<32x4096xf32>
    %mul3A = arith.mulf %logistic3A_31, %slice3A_41 : vector<32x4096xf32>
    %add3A_43 = arith.addf %slice3A_42, %mul3A : vector<32x4096xf32>
    %tanh3A = math.tanh %add3A_43 : vector<32x4096xf32>
    %sub3A = arith.constant 1.000000e+00 : f32
    %sub3A_44 = vector.broadcast %sub3A : f32 to vector<32x4096xf32>
    %sub3A_45 = arith.subf %sub3A_44, %logistic3A_40 : vector<32x4096xf32>
    %mul3A_46 = arith.mulf %sub3A_45, %tanh3A : vector<32x4096xf32>
    %mul3A_47 = arith.mulf %logistic3A_40, %get3A_1 : vector<32x4096xf32>
    %add3A_48 = arith.addf %mul3A_46, %mul3A_47 : vector<32x4096xf32>
    %swap3A = arith.constant 0 : index
    %swap3A_49 = arith.constant 0 : index
    %swap3A_50 = vector.load %arg7[%swap3A, %swap3A_49] : memref<32x4096xf32, #tpu.memory_space<vmem>>, vector<32x4096xf32>
    tpu.vector_store %arg7[%swap3A, %swap3A_49], %add3A_48 {strides = array<i32>} : memref<32x4096xf32, #tpu.memory_space<vmem>>, vector<32x4096xf32>,
    return
  }
  func.func @transform_0(%arg0: i32) -> (i32, i32) {
    %c0_i32 = arith.constant 0 : i32
    %c0_i32_0 = arith.constant 0 : i32
    return %c0_i32, %arg0 : i32, i32
  }
  func.func @transform_1(%arg0: i32) -> (i32, i32, i32) {
    %jit3A = arith.constant 7 : i32
    %div3A = arith.divsi %arg0, %jit3A : i32
    %sign3A = arith.constant 0 : i32
    %sign3A_0 = arith.cmpi sgt, %arg0, %sign3A : i32
    %sign3A_1 = arith.extui %sign3A_0 : i1 to i32
    %sign3A_2 = arith.constant 0 : i32
    %sign3A_3 = arith.cmpi slt, %arg0, %sign3A_2 : i32
    %sign3A_4 = arith.extui %sign3A_3 : i1 to i32
    %sign3A_5 = arith.subi %sign3A_1, %sign3A_4 : i32
    %sign3A_6 = arith.constant 0 : i32
    %sign3A_7 = arith.cmpi sgt, %jit3A, %sign3A_6 : i32
    %sign3A_8 = arith.extui %sign3A_7 : i1 to i32
    %sign3A_9 = arith.constant 0 : i32
    %sign3A_10 = arith.cmpi slt, %jit3A, %sign3A_9 : i32
    %sign3A_11 = arith.extui %sign3A_10 : i1 to i32
    %sign3A_12 = arith.subi %sign3A_8, %sign3A_11 : i32
    %ne3A = arith.cmpi ne, %sign3A_5, %sign3A_12 : i32
    %rem3A = arith.remsi %arg0, %jit3A : i32
    %ne3A_13 = arith.constant 0 : i32
    %ne3A_14 = arith.cmpi ne, %rem3A, %ne3A_13 : i32
    %and3A = arith.andi %ne3A, %ne3A_14 : i1
    %sub3A = arith.constant 1 : i32
    %sub3A_15 = arith.subi %div3A, %sub3A : i32
    %select_n3A = arith.select %and3A, %sub3A_15, %div3A : i32
    %jit3A_16 = arith.constant 7 : i32
    %eq3A = arith.constant 0 : i32
    %eq3A_17 = arith.cmpi eq, %jit3A_16, %eq3A : i32
    %jit3A_18 = arith.constant 1 : i32
    %select_n3A_19 = arith.select %eq3A_17, %jit3A_18, %jit3A_16 : i32
    %rem3A_20 = arith.remsi %arg0, %select_n3A_19 : i32
    %ne3A_21 = arith.constant 0 : i32
    %ne3A_22 = arith.cmpi ne, %rem3A_20, %ne3A_21 : i32
    %lt3A = arith.constant 0 : i32
    %lt3A_23 = arith.cmpi slt, %rem3A_20, %lt3A : i32
    %lt3A_24 = arith.constant 0 : i32
    %lt3A_25 = arith.cmpi slt, %select_n3A_19, %lt3A_24 : i32
    %ne3A_26 = arith.xori %lt3A_23, %lt3A_25 : i1
    %and3A_27 = arith.andi %ne3A_26, %ne3A_22 : i1
    %add3A = arith.addi %rem3A_20, %select_n3A_19 : i32
    %select_n3A_28 = arith.select %and3A_27, %add3A, %rem3A_20 : i32
    %c0_i32 = arith.constant 0 : i32
    %c0_i32_29 = arith.constant 0 : i32
    return %select_n3A, %c0_i32, %select_n3A_28 : i32, i32, i32
  }
  func.func @transform_2(%arg0: i32) -> (i32, i32) {
    %c0_i32 = arith.constant 0 : i32
    %c0_i32_0 = arith.constant 0 : i32
    %c0_i32_1 = arith.constant 0 : i32
    return %c0_i32, %c0_i32_0 : i32, i32
  }
  func.func @transform_3(%arg0: i32) -> (i32, i32) {
    %c0_i32 = arith.constant 0 : i32
    %c0_i32_0 = arith.constant 0 : i32
    %c0_i32_1 = arith.constant 0 : i32
    return %c0_i32, %c0_i32_0 : i32, i32
  }
  func.func @transform_4(%arg0: i32) -> (i32, i32) {
    %c0_i32 = arith.constant 0 : i32
    %c0_i32_0 = arith.constant 0 : i32
    %c0_i32_1 = arith.constant 0 : i32
    return %c0_i32, %c0_i32_0 : i32, i32
  }
  func.func @transform_5(%arg0: i32) -> (i32, i32) {
    %c0_i32 = arith.constant 0 : i32
    %c0_i32_0 = arith.constant 0 : i32
    %c0_i32_1 = arith.constant 0 : i32
    return %c0_i32, %c0_i32_0 : i32, i32
  }
  func.func @transform_6(%arg0: i32) -> (i32, i32) {
    %c0_i32 = arith.constant 0 : i32
    %c0_i32_0 = arith.constant 0 : i32
    return %c0_i32, %arg0 : i32, i32
  }
}

</mosaic_0001>

<sc_bundles>
// kernel: kernel.6.cloned.1.call-start
scs
__scs_entry_jumppad:
0x0: {  	(pc) =	sbr.rel $0x88, $3  }
0x1: {  	(tag) =	ssettag $0x0;
	lr =	simm.s32 $0x1  }
0x2: {  	[smem:$0x3F96] =	sst lr;
	_ =	strace $0xD0000000  }
0x3: {  	_ = 	snop  }
0x4: {  	_ = 	snop  }
0x5: {  	_ = 	snop  }
0x6: {  	_ = 	snop  }
0x7: {  	_ = 	snop  }
__scs_overlays_trampoline_lowered:
0x8: {  	[smem:$0x3FA5] =	sst s0  }
0x9: {  	[smem:$0x3FA6] =	sst s1  }
0xa: {  	[smem:$0x3FA7] =	sst s2  }
0xb: {  	[smem:$0x3FA8] =	sst s3  }
0xc: {  	[smem:$0x3FA9] =	sst s4  }
0xd: {  	[smem:$0x3FAA] =	sst s5  }
0xe: {  	[smem:$0x3FAB] =	sst s6  }
0xf: {  	[smem:$0x3FAC] =	sst s7  }
0x10: {  	[smem:$0x3FAD] =	sst s8  }
0x11: {  	[smem:$0x3FAE] =	sst s9;
	s0 =	simm.s32 @!p0 $0x0  }
0x12: {  	s1 =	sld [smem:$0x3F94];
	s0 =	simm.s32 @p0 $0x1  }
0x13: {  	[smem:$0x3FAF] =	sst s0;
	s0 =	simm.s32 @!p1 $0x0  }
0x14: {  	s2 =	sld [smem:$0x3F93];
	s0 =	simm.s32 @p1 $0x1  }
0x15: {  	[smem:$0x3FB0] =	sst s0;
	s0 =	simm.s32 @!p2 $0x0  }
0x16: {  	s3 =	sld [smem:$0x3FDB];
	s0 =	simm.s32 @p2 $0x1  }
0x17: {  	s4 =	simm.s32 $0x1BF5;
	[smem:$0x3FB2] =	sst s0  }
0x18: {  	s0 =	sld [smem:$0x3F95];
	_ =	swait.ge [sflag:s4], $0x0  }
0x19: {  	s7 =	sld [smem:$0x3F96]  }
0x1a: {  	s8 =	sadd.s32 $0xFFFFE003, lr  }
0x1b: {  	s9 =	sadd.s32 $0xFFFFFEF7, lr;
	s5 =	simm.s32 $0xFFFFFFFF;
	p2 =	slt.u32 s8, $0xFFFFF086  }
0x1c: {  	p1 =	slt.u32 s9, $0xF7A;
	s5 =	simm.s32 @!p2 $0x0  }
0x1d: {  	s5 =	simm.s32 @p1 $0x1;
	p0 =	seq.s32 s7, s2  }
0x1e: {  	s7 =	smul.u32 @!p0 $0xF7A, s2;
	p2 =	seq.s32 @!p0 s5, $0x0  }
0x1f: {  	s9 =	smul.u32 $0xF7A, s1;
	s8 =	simm.s32 @!p0 $0x1BF5;
	p2 =	por !p2, p0  }
0x20: {  	[sflag:s8] =	ssyncset.s32 @!p0 $0xFFFFF086;
	s6 =	sadd.s32 @!p0 s3, s7;
	s7 =	simm.s32 @!p0 $0x108  }
0x21: {  	s3 =	sadd.s32 s3, s9;
	s6 =	sadd.s32 @!p0 $0x88, s6;
	s7 =	simm.s32 @p2 $0x1082  }
0x22: {  	[simem:s7], [sflag:s8] =	dma.local @!p0 [hbm:s6], $0xF7A  }
0x23: {  	s9 =	sor.u32 $0xD0000000, s2;
	s6 =	simm.s32 $0x108;
	_ =	swait.ge @!p0 [sflag:s8], $0x0  }
0x24: {  	s3 =	sadd.s32 $0x88, s3;
	s6 =	simm.s32 @!p1 $0x1082;
	[sflag:s4] =	ssyncset.s32 $0xFFFFF086  }
0x25: {  	[simem:s6], [sflag:s4] =	dma.local [hbm:s3], $0xF7A  }
0x26: {  	[smem:$0x3F96] =	sst s1;
	(tag) =	ssettag s2;
	_ =	strace s9  }
0x27: {  	s1 =	sld [smem:$0x3FA6]  }
0x28: {  	s2 =	sld [smem:$0x3FA7]  }
0x29: {  	s4 =	sld [smem:$0x3FA9]  }
0x2a: {  	p0 =	seq.s32 s5, $0x0;
	s5 =	sld [smem:$0x3FAA]  }
0x2b: {  	s6 =	sld [smem:$0x3FAB]  }
0x2c: {  	s7 =	sld [smem:$0x3FAC]  }
0x2d: {  	s3 =	simm.s32 $0x108;
	s8 =	sld [smem:$0x3FAD]  }
0x2e: {  	s3 =	simm.s32 @!p0 $0x1082;
	s9 =	sld [smem:$0x3FAE]  }
0x2f: {  	lr =	sadd.s32 s0, s3;
	s0 =	sld [smem:$0x3FA5]  }
0x30: {  	s3 =	sld [smem:$0x3FA8]  }
0x31: {  	[smem:$0x3FB1] =	sst s10  }
0x32: {  	s10 =	sld [smem:$0x3FAF];
	_ =	sdelay $0x3  }
0x33: {  	p0 =	seq.s32 s10, $0x1;
	s10 =	sld [smem:$0x3FB1];
	_ =	sdelay $0x3  }
0x34: {  	[smem:$0x3FB1] =	sst s10  }
0x35: {  	s10 =	sld [smem:$0x3FB0];
	_ =	sdelay $0x3  }
0x36: {  	p1 =	seq.s32 s10, $0x1;
	s10 =	sld [smem:$0x3FB1];
	_ =	sdelay $0x3  }
0x37: {  	[smem:$0x3FB1] =	sst s10  }
0x38: {  	s10 =	sld [smem:$0x3FB2]  }
0x39: {  	_ = 	snop;
	(pc) =	sbr.ind lr, $3  }
0x3a: {  	_ = 	snop  }
0x3b: {  	_ = 	snop  }
0x3c: {  	p2 =	seq.s32 s10, $0x1;
	s10 =	sld [smem:$0x3FB1]  }
0x3d: {  	_ =	shalt  }
0x3e: {  	_ =	shalt  }
0x3f: {  	_ =	shalt  }
0x40: {  	_ =	shalt  }
0x41: {  	_ =	shalt  }
0x42: {  	_ =	shalt  }
0x43: {  	_ =	shalt  }
0x44: {  	_ =	shalt  }
0x45: {  	_ =	shalt  }
0x46: {  	_ =	shalt  }
0x47: {  	_ =	shalt  }
0x48: {  	_ =	shalt  }
0x49: {  	_ =	shalt  }
0x4a: {  	_ =	shalt  }
0x4b: {  	_ =	shalt  }
0x4c: {  	_ =	shalt  }
0x4d: {  	_ =	shalt  }
0x4e: {  	_ =	shalt  }
0x4f: {  	_ =	shalt  }
0x50: {  	_ =	shalt  }
0x51: {  	_ =	shalt  }
0x52: {  	_ =	shalt  }
0x53: {  	_ =	shalt  }
0x54: {  	_ =	shalt  }
0x55: {  	_ =	shalt  }
0x56: {  	_ =	shalt  }
0x57: {  	_ =	shalt  }
0x58: {  	_ =	shalt  }
0x59: {  	_ =	shalt  }
0x5a: {  	_ =	shalt  }
0x5b: {  	_ =	shalt  }
0x5c: {  	_ =	shalt  }
0x5d: {  	_ =	shalt  }
0x5e: {  	_ =	shalt  }
0x5f: {  	_ =	shalt  }
0x60: {  	_ =	shalt  }
0x61: {  	_ =	shalt  }
0x62: {  	_ =	shalt  }
0x63: {  	_ =	shalt  }
0x64: {  	_ =	shalt  }
0x65: {  	_ =	shalt  }
0x66: {  	_ =	shalt  }
0x67: {  	_ =	shalt  }
0x68: {  	_ =	shalt  }
0x69: {  	_ =	shalt  }
0x6a: {  	_ =	shalt  }
0x6b: {  	_ =	shalt  }
0x6c: {  	_ =	shalt  }
0x6d: {  	_ =	shalt  }
0x6e: {  	_ =	shalt  }
0x6f: {  	_ =	shalt  }
0x70: {  	_ =	shalt  }
0x71: {  	_ =	shalt  }
0x72: {  	_ =	shalt  }
0x73: {  	_ =	shalt  }
0x74: {  	_ =	shalt  }
0x75: {  	_ =	shalt  }
0x76: {  	_ =	shalt  }
0x77: {  	_ =	shalt  }
0x78: {  	_ =	shalt  }
0x79: {  	_ =	shalt  }
0x7a: {  	_ =	shalt  }
0x7b: {  	_ =	shalt  }
0x7c: {  	_ =	shalt  }
0x7d: {  	_ =	shalt  }
0x7e: {  	_ =	shalt  }
0x7f: {  	_ =	shalt  }
0x80: {  	_ =	shalt  }
0x81: {  	_ =	shalt  }
0x82: {  	_ =	shalt  }
0x83: {  	_ =	shalt  }
0x84: {  	_ =	shalt  }
0x85: {  	_ =	shalt  }
0x86: {  	_ =	shalt  }
0x87: {  	_ =	shalt  }
.Lfunc_end0:
.L_simem_size_0:
called_computation_lowered:
.L_overlay_start_0:
0x88: {  	s2 =	sld [smem:$0x3FD9]  }
0x89: {  	s3 =	sld [smem:$0x3FFE];
	_ =	sdelay $0x1  }
0x8a: {  	s1 =	srdreg.scid  }
0x8b: {  	s0 =	sand.u32 $0x1, s1  }
0x8c: {  	s17 =	sshll.u32 s0, $0xA;
	s2 =	sadd.s32 s3, s2  }
0x8d: {  	s2 =	sadd.s32 s2, s17  }
0x8e: {  	[smem:$0x3FBD] =	sst s2  }
0x8f: {  	_ = 	snop  }
0x90: {  	s2 =	sld [smem:$0x3FD0];
	(tm) =	ssettm $0x1  }
0x91: {  	s18 =	sld [smem:$0x3FFB];
	_ =	sdelay $0x3  }
0x92: {  	_ =	strace s18  }
0x93: {  	s3 =	sld [smem:$0x3FFC];
	_ =	sdelay $0x3  }
0x94: {  	_ =	strace s3  }
0x95: {  	s3 =	sld [smem:$0x3FFD];
	_ =	sdelay $0x3  }
0x96: {  	_ =	strace s3  }
0x97: {  	_ =	strace $0x8FFFFFFF  }
0x98: {  	s19 =	sld [smem:$0x3FDB];
	_ =	sdelay $0x1  }
0x99: {  	s4 =	simm.s32 $_scs_section_size  }
0x9a: {  	s5 =	simm.s32 $_size__tile_overlayer_lowered;
	s6 =	simm.s32 $_tile_overlayer_lowered  }
0x9b: {  	s22 =	simm.s32 $0x1BFF;
	s21 =	sshll.u32 s6, $0x1;
	s3 =	sadd.s32 s4, s19  }
0x9c: {  	s7 =	simm.s32 $0x0;
	s20 =	sshll.u32 s5, $0x1;
	s5 =	sadd.s32 s21, s3  }
0x9d: {  	[timem:s7], [sflag:s22] =	dma.local [hbm:s5], s20  }
0x9e: {  	_ =	swait.ge [sflag:s22], s20  }
0x9f: {  	s4 =	ssub.s32 $0x0, s20;
	[sflag:s22] =	ssyncset.done $0x0  }
0xa0: {  	[sflag:s22] =	ssyncadd.s32 s4;
	_ =	sdelay $0x1  }
0xa1: {  	s23 =	simm.s32 $0x1B8B  }
0xa2: {  	_ =	swait.ge [sflag:s23], $0x1  }
0xa3: {  	[sflag:s23] =	ssyncset.done $0x0  }
0xa4: {  	s25 =	simm.s32 $0x1B8E;
	s24 =	sld [smem:$0x3FFE];
	[sflag:s23] =	ssyncadd.s32 $0xFFFFFFFF  }
0xa5: {  	s26 =	simm.s32 $execute0_lowered;
	[smem:$0x3FD2] =	sst s25  }
0xa6: {  	s5 =	sshll.u32 s26, $0x1;
	_ =	strace $0x80000046;
	[dreg:$0x1] =	wrdreg $0xFFFFFFFF  }
0xa7: {  	s28 =	simm.s32 $_size_execute0_lowered;
	s3 =	sadd.s32 s3, s5;
	[dreg:$0x0] =	wrdreg $0x0  }
0xa8: {  	s5 =	sshll.u32 s28, $0x1;
	[dreg:$0x2] =	wrdreg s3  }
0xa9: {  	[dreg:$0x3] =	wrdreg s5  }
0xaa: {  	[dreg:$0x4] =	wrdreg $0xC0  }
0xab: {  	_ =	task [dreg:s7], $0x5FFFF  }
0xac: {  	[dreg:$0x1] =	wrdreg $0xFFFFFFFF  }
0xad: {  	[dreg:$0x0] =	wrdreg $0x60  }
0xae: {  	[dreg:$0x2] =	wrdreg s2  }
0xaf: {  	[dreg:$0x3] =	wrdreg s24  }
0xb0: {  	[dreg:$0x4] =	wrdreg $0x9  }
0xb1: {  	_ =	task.clear_ibuf [dreg:s7], $0x5FFFF;
	_ =	strace $0x90000046  }
0xb2: {  	s29 =	simm.s32 $0x9;
	_ =	strace $0x80000048  }
0xb3: {  	_ =	swait.ge [sflag:s29], $0x1  }
0xb4: {  	[sflag:s29] =	ssyncadd.s32 $0xFFFFFFFF  }
0xb5: {  	_ =	strace $0x90000048  }
0xb6: {  	_ =	sfence  }
0xb7: {  	s30 =	sld [smem:$0x0];
	_ =	sdelay $0x2  }
0xb8: {  	s31 =	sshll.u32 s1, $0xD;
	s1 =	sshrl.u32 s1, $0x2  }
0xb9: {  	s3 =	sand.u32 $0x4000, s31;
	s1 =	sadd.s32 s1, s30  }
0xba: {  	s0 =	sor.u32 s3, s0;
	s1 =	sshll.u32 s1, $0x11  }
0xbb: {  	s0 =	sor.u32 s1, s0  }
0xbc: {  	s0 =	sadd.s32 $0x8F2B, s0  }
0xbd: {  	[sflag:s0] =	ssyncadd.remote.s32 $0x1  }
0xbe: {  	_ =	sfence.sel $0xFFFF  }
0xbf: {  	[dreg:$0x0] =	wrdreg $0xFFFFFFFF;
	(pc) =	sbr.abs _section_cstart, $3  }
0xc0: {  	[dreg:$0x1] =	wrdreg $0xFFFFFFFF  }
0xc1: {  	_ =	task.clear_ibuf [dreg:s7], $0x2FFFF;
	_ =	strace $0x9FFFFFFF  }
0xc2: {  	(tm) =	ssettm $0x7FFFFFFF  }
0xc3: {  	_ =	shalt  }
tec
execute0_lowered:
.L_overlay_start_1:
0x0: {  	(tag) =	ssettag $0x1  }
0x1: {  	s0 =	srdreg.scid  }
0x2: {  	s1 =	sand.u32 $0x1, s0  }
0x3: {  	s2 =	rddreg [dreg:$0x0];
	s3 =	stileid.u32;
	s0 =	sshll.u32 s1, $0x4  }
0x4: {  	s4 =	rddreg [dreg:$0x1];
	s0 =	sor.u32 s3, s0;
	s3 =	simm.s32 $0x0  }
0x5: {  	s18 =	simm.s32 $0x1C80;
	[smem:$0x7FF] =	sst s3  }
0x6: {  	s19 =	simm.s32 $0x100;
	_ =	strace $0x80000047;
	[dreg:$0x9] =	wrdreg s18  }
0x7: {  	s20 =	simm.s32 $0x2C80;
	[dreg:$0xa] =	wrdreg s19  }
0x8: {  	s21 =	simm.s32 $0x180;
	[dreg:$0xb] =	wrdreg s20  }
0x9: {  	s22 =	simm.s32 $0x3C80;
	[dreg:$0xc] =	wrdreg s21  }
0xa: {  	s23 =	simm.s32 $0x200;
	[dreg:$0xd] =	wrdreg s22  }
0xb: {  	s24 =	simm.s32 $0x4C80;
	[dreg:$0xe] =	wrdreg s23  }
0xc: {  	s25 =	simm.s32 $0x280;
	[dreg:$0xf] =	wrdreg s24  }
0xd: {  	s26 =	simm.s32 $0x300;
	[dreg:$0x10] =	wrdreg s25  }
0xe: {  	s7 =	simm.s32 $0x400;
	[dreg:$0x11] =	wrdreg s26  }
0xf: {  	s8 =	simm.s32 $0x8C80;
	[dreg:$0x15] =	wrdreg s7  }
0x10: {  	s9 =	simm.s32 $0x480;
	[dreg:$0x16] =	wrdreg s8  }
0x11: {  	s10 =	simm.s32 $0x9C80;
	[dreg:$0x17] =	wrdreg s9  }
0x12: {  	s11 =	simm.s32 $0x500;
	[dreg:$0x18] =	wrdreg s10  }
0x13: {  	s12 =	simm.s32 $0x580;
	s5 =	smul.u32 $0x190, s0;
	[dreg:$0x19] =	wrdreg s11  }
0x14: {  	s13 =	simm.s32 $0xBC80;
	s6 =	smul.u32 $0x19000, s0;
	[dreg:$0x1a] =	wrdreg s12  }
0x15: {  	s0 =	smul.u32 $0x3200, s0;
	[dreg:$0x1b] =	wrdreg s13;
	s18 =	simm.s32 $0x700  }
0x16: {  	s19 =	simm.s32 $0xEC80;
	s5 =	sadd.s32 s5, s4;
	[smem:$0x7FD] =	sst s18  }
0x17: {  	s4 =	sadd.s32 $0x5400, s4;
	[smem:$0x7FC] =	sst s19;
	s5 =	sadd.s32 $0x2200, s5  }
0x18: {  	s6 =	sshrl.u32 s6, $0x3;
	s0 =	sadd.s32 s4, s0;
	[dreg:$0x3] =	wrdreg s5  }
0x19: {  	s4 =	sadd.s32 s4, s6;
	s6 =	simm.s32 $0x7C80;
	[dreg:$0x4] =	wrdreg s0  }
0x1a: {  	s14 =	sadd.s32 $0xA00, s4;
	[dreg:$0x14] =	wrdreg s6  }
0x1b: {  	s15 =	sadd.s32 $0x1400, s4;
	[dreg:$0x5] =	wrdreg s14  }
0x1c: {  	s16 =	sadd.s32 $0x1E00, s4;
	[dreg:$0x6] =	wrdreg s15  }
0x1d: {  	s17 =	sadd.s32 $0x2800, s4;
	[dreg:$0x7] =	wrdreg s16  }
0x1e: {  	s4 =	simm.s32 $0x6C80;
	[dreg:$0x8] =	wrdreg s17  }
0x1f: {  	s5 =	simm.s32 $0x380;
	[dreg:$0x12] =	wrdreg s4  }
0x20: {  	[dreg:$0x13] =	wrdreg s5  }
0x21: {  	s14 =	simm.s32 $0x600;
	s5 =	rddreg [dreg:$0x3]  }
0x22: {  	s15 =	simm.s32 $0xCC80;
	[dreg:$0x1c] =	wrdreg s14  }
0x23: {  	s16 =	simm.s32 $0x680;
	[dreg:$0x1d] =	wrdreg s15  }
0x24: {  	s17 =	simm.s32 $0xDC80;
	[dreg:$0x1e] =	wrdreg s16  }
0x25: {  	s4 =	simm.s32 $0x3;
	[dreg:$0x1f] =	wrdreg s17  }
0x26: {  	[tilespmem:s3], [sflag:$0x3] =	stream.linear.gather [hbm4b:s5+s3], $0xC80, $0x38;
	[tilespmem:$0x19C80] =	vst v63  }
0x27: {  	_ =	swait.ge [sflag:s4], $0xC80  }
0x28: {  	s0 =	rddreg [dreg:$0x1f]  }
0x29: {  	s9 =	rddreg [dreg:$0x1d]  }
0x2a: {  	s10 =	rddreg [dreg:$0x1b]  }
0x2b: {  	s8 =	rddreg [dreg:$0x18]  }
0x2c: {  	s11 =	rddreg [dreg:$0x16]  }
0x2d: {  	s12 =	rddreg [dreg:$0x14]  }
0x2e: {  	s13 =	rddreg [dreg:$0x12]  }
0x2f: {  	s14 =	rddreg [dreg:$0x10]  }
0x30: {  	s7 =	rddreg [dreg:$0xf]  }
0x31: {  	s15 =	rddreg [dreg:$0xa]  }
0x32: {  	s6 =	simm.s32 $0xC80;
	[sflag:s4] =	ssyncset.done $0x0;
	s16 =	rddreg [dreg:$0x9]  }
0x33: {  	s5 =	simm.s32 $0x80;
	s17 =	rddreg [dreg:$0xb];
	[sflag:s4] =	ssyncadd.s32 $0xFFFFF380  }
0x34: {  	[tilespmem:s6], [sflag:$0x1] =	stream.indirect.gather [hbm4b:s2+s5], $0x20, s3, s5, $0xb8;
	[tilespmem:$0x19C80] =	vst v63  }
0x35: {  	s18 =	rddreg [dreg:$0xd]  }
0x36: {  	[tilespmem:s16], [sflag:$0x1] =	stream.indirect.gather [hbm4b:s2+s5], $0x20, s5, s5, $0xb8;
	[tilespmem:$0x19C80] =	vst v63  }
0x37: {  	s20 =	rddreg [dreg:$0xc]  }
0x38: {  	[tilespmem:s17], [sflag:$0x1] =	stream.indirect.gather [hbm4b:s2+s5], $0x20, s15, s5, $0xb8;
	[tilespmem:$0x19C80] =	vst v63  }
0x39: {  	s21 =	rddreg [dreg:$0xe]  }
0x3a: {  	[tilespmem:s18], [sflag:$0x1] =	stream.indirect.gather [hbm4b:s2+s5], $0x20, s20, s5, $0xb8;
	[tilespmem:$0x19C80] =	vst v63  }
0x3b: {  	s22 =	sld [smem:$0x7FC]  }
0x3c: {  	[tilespmem:s7], [sflag:$0x1] =	stream.indirect.gather [hbm4b:s2+s5], $0x20, s21, s5, $0xb8;
	[tilespmem:$0x19C80] =	vst v63  }
0x3d: {  	s23 =	rddreg [dreg:$0x11];
	s7 =	simm.s32 $0x5C80  }
0x3e: {  	[tilespmem:s7], [sflag:$0x1] =	stream.indirect.gather [hbm4b:s2+s5], $0x20, s14, s5, $0xb8;
	[tilespmem:$0x19C80] =	vst v63  }
0x3f: {  	s24 =	rddreg [dreg:$0x13]  }
0x40: {  	[tilespmem:s13], [sflag:$0x1] =	stream.indirect.gather [hbm4b:s2+s5], $0x20, s23, s5, $0xb8;
	[tilespmem:$0x19C80] =	vst v63  }
0x41: {  	s25 =	rddreg [dreg:$0x15]  }
0x42: {  	[tilespmem:s12], [sflag:$0x1] =	stream.indirect.gather [hbm4b:s2+s5], $0x20, s24, s5, $0xb8;
	[tilespmem:$0x19C80] =	vst v63  }
0x43: {  	s26 =	rddreg [dreg:$0x17]  }
0x44: {  	[tilespmem:s11], [sflag:$0x1] =	stream.indirect.gather [hbm4b:s2+s5], $0x20, s25, s5, $0xb8;
	[tilespmem:$0x19C80] =	vst v63  }
0x45: {  	s19 =	sld [smem:$0x7FD]  }
0x46: {  	[tilespmem:s8], [sflag:$0x1] =	stream.indirect.gather [hbm4b:s2+s5], $0x20, s26, s5, $0xb8;
	[tilespmem:$0x19C80] =	vst v63  }
0x47: {  	s14 =	rddreg [dreg:$0x19];
	s8 =	simm.s32 $0xAC80  }
0x48: {  	[tilespmem:s8], [sflag:$0x1] =	stream.indirect.gather [hbm4b:s2+s5], $0x20, s14, s5, $0xb8;
	[tilespmem:$0x19C80] =	vst v63  }
0x49: {  	s15 =	rddreg [dreg:$0x1a]  }
0x4a: {  	[tilespmem:s10], [sflag:$0x1] =	stream.indirect.gather [hbm4b:s2+s5], $0x20, s15, s5, $0xb8;
	[tilespmem:$0x19C80] =	vst v63  }
0x4b: {  	s17 =	rddreg [dreg:$0x1c]  }
0x4c: {  	[tilespmem:s9], [sflag:$0x1] =	stream.indirect.gather [hbm4b:s2+s5], $0x20, s17, s5, $0xb8;
	[tilespmem:$0x19C80] =	vst v63  }
0x4d: {  	s18 =	rddreg [dreg:$0x1e]  }
0x4e: {  	[tilespmem:s0], [sflag:$0x1] =	stream.indirect.gather [hbm4b:s2+s5], $0x20, s18, s5, $0xb8;
	[tilespmem:$0x19C80] =	vst v63  }
0x4f: {  	_ = 	snop  }
0x50: {  	[tilespmem:s22], [sflag:$0x1] =	stream.indirect.gather [hbm4b:s2+s5], $0x20, s19, s5, $0xb8;
	[tilespmem:$0x19C80] =	vst v63  }
0x51: {  	s20 =	simm.s32 $0x780;
	s10 =	simm.s32 $0xFC80  }
0x52: {  	[tilespmem:s10], [sflag:$0x1] =	stream.indirect.gather [hbm4b:s2+s5], $0x20, s20, s5, $0xb8;
	[tilespmem:$0x19C80] =	vst v63  }
0x53: {  	s21 =	simm.s32 $0x800;
	s22 =	simm.s32 $0x10C80  }
0x54: {  	[tilespmem:s22], [sflag:$0x1] =	stream.indirect.gather [hbm4b:s2+s5], $0x20, s21, s5, $0xb8;
	[tilespmem:$0x19C80] =	vst v63  }
0x55: {  	s23 =	simm.s32 $0x880;
	s24 =	simm.s32 $0x11C80  }
0x56: {  	[tilespmem:s24], [sflag:$0x1] =	stream.indirect.gather [hbm4b:s2+s5], $0x20, s23, s5, $0xb8;
	[tilespmem:$0x19C80] =	vst v63  }
0x57: {  	s25 =	simm.s32 $0x900;
	s26 =	simm.s32 $0x12C80  }
0x58: {  	[tilespmem:s26], [sflag:$0x1] =	stream.indirect.gather [hbm4b:s2+s5], $0x20, s25, s5, $0xb8;
	[tilespmem:$0x19C80] =	vst v63  }
0x59: {  	s12 =	simm.s32 $0x13C80;
	s11 =	simm.s32 $0x980  }
0x5a: {  	[tilespmem:s12], [sflag:$0x1] =	stream.indirect.gather [hbm4b:s2+s5], $0x20, s11, s5, $0xb8;
	[tilespmem:$0x19C80] =	vst v63  }
0x5b: {  	s13 =	simm.s32 $0xA00;
	s20 =	simm.s32 $0x14C80  }
0x5c: {  	[tilespmem:s20], [sflag:$0x1] =	stream.indirect.gather [hbm4b:s2+s5], $0x20, s13, s5, $0xb8;
	[tilespmem:$0x19C80] =	vst v63  }
0x5d: {  	s14 =	simm.s32 $0xA80;
	s15 =	simm.s32 $0x15C80  }
0x5e: {  	[tilespmem:s15], [sflag:$0x1] =	stream.indirect.gather [hbm4b:s2+s5], $0x20, s14, s5, $0xb8;
	[tilespmem:$0x19C80] =	vst v63  }
0x5f: {  	s23 =	simm.s32 $0xB00;
	s24 =	simm.s32 $0x16C80  }
0x60: {  	[tilespmem:s24], [sflag:$0x1] =	stream.indirect.gather [hbm4b:s2+s5], $0x20, s23, s5, $0xb8;
	[tilespmem:$0x19C80] =	vst v63  }
0x61: {  	s25 =	simm.s32 $0xB80;
	s26 =	simm.s32 $0x17C80  }
0x62: {  	[tilespmem:s26], [sflag:$0x1] =	stream.indirect.gather [hbm4b:s2+s5], $0x20, s25, s5, $0xb8;
	[tilespmem:$0x19C80] =	vst v63  }
0x63: {  	s28 =	simm.s32 $0xC00;
	s29 =	simm.s32 $0x18C80;
	s30 =	simm.s32 $0x1  }
0x64: {  	[tilespmem:s29], [sflag:$0x1] =	stream.indirect.gather [hbm4b:s2+s5], $0x20, s28, s5, $0xb8;
	[tilespmem:$0x19C80] =	vst v63  }
0x65: {  	_ =	swait.ge [sflag:s30], $0x1000  }
0x66: {  	[sflag:s30] =	ssyncset.done $0x0  }
0x67: {  	[sflag:s30] =	ssyncadd.s32 $0xFFFFF000  }
0x68: {  	_ =	swait.ge [sflag:s30], $0x1000  }
0x69: {  	[sflag:s30] =	ssyncset.done $0x0  }
0x6a: {  	[sflag:s30] =	ssyncadd.s32 $0xFFFFF000  }
0x6b: {  	_ =	swait.ge [sflag:s30], $0x1000  }
0x6c: {  	[sflag:s30] =	ssyncset.done $0x0  }
0x6d: {  	[sflag:s30] =	ssyncadd.s32 $0xFFFFF000  }
0x6e: {  	_ =	swait.ge [sflag:s30], $0x1000  }
0x6f: {  	[sflag:s30] =	ssyncset.done $0x0  }
0x70: {  	[sflag:s30] =	ssyncadd.s32 $0xFFFFF000  }
0x71: {  	_ =	swait.ge [sflag:s30], $0x1000  }
0x72: {  	[sflag:s30] =	ssyncset.done $0x0  }
0x73: {  	s16 =	rddreg [dreg:$0x4];
	[sflag:s30] =	ssyncadd.s32 $0xFFFFF000  }
0x74: {  	[hbm4b:s16+s3] =	stream.linear.scatter [tilespmem:s6], [sflag:$0x2], $0x5000, $0x38;
	[tilespmem:$0x19C80] =	vst v63  }
0x75: {  	_ =	swait.ge [sflag:s30], $0x1000  }
0x76: {  	[sflag:s30] =	ssyncset.done $0x0  }
0x77: {  	[sflag:s30] =	ssyncadd.s32 $0xFFFFF000  }
0x78: {  	_ =	swait.ge [sflag:s30], $0x1000  }
0x79: {  	[sflag:s30] =	ssyncset.done $0x0  }
0x7a: {  	[sflag:s30] =	ssyncadd.s32 $0xFFFFF000  }
0x7b: {  	_ =	swait.ge [sflag:s30], $0x1000  }
0x7c: {  	[sflag:s30] =	ssyncset.done $0x0  }
0x7d: {  	[sflag:s30] =	ssyncadd.s32 $0xFFFFF000  }
0x7e: {  	_ =	swait.ge [sflag:s30], $0x1000  }
0x7f: {  	[sflag:s30] =	ssyncset.done $0x0  }
0x80: {  	[sflag:s30] =	ssyncadd.s32 $0xFFFFF000  }
0x81: {  	_ =	swait.ge [sflag:s30], $0x1000  }
0x82: {  	[sflag:s30] =	ssyncset.done $0x0  }
0x83: {  	s17 =	rddreg [dreg:$0x5];
	[sflag:s30] =	ssyncadd.s32 $0xFFFFF000  }
0x84: {  	[hbm4b:s17+s3] =	stream.linear.scatter [tilespmem:s7], [sflag:$0x2], $0x5000, $0x38;
	[tilespmem:$0x19C80] =	vst v63  }
0x85: {  	_ =	swait.ge [sflag:s30], $0x1000  }
0x86: {  	[sflag:s30] =	ssyncset.done $0x0  }
0x87: {  	[sflag:s30] =	ssyncadd.s32 $0xFFFFF000  }
0x88: {  	_ =	swait.ge [sflag:s30], $0x1000  }
0x89: {  	[sflag:s30] =	ssyncset.done $0x0  }
0x8a: {  	[sflag:s30] =	ssyncadd.s32 $0xFFFFF000  }
0x8b: {  	_ =	swait.ge [sflag:s30], $0x1000  }
0x8c: {  	[sflag:s30] =	ssyncset.done $0x0  }
0x8d: {  	[sflag:s30] =	ssyncadd.s32 $0xFFFFF000  }
0x8e: {  	_ =	swait.ge [sflag:s30], $0x1000  }
0x8f: {  	[sflag:s30] =	ssyncset.done $0x0  }
0x90: {  	[sflag:s30] =	ssyncadd.s32 $0xFFFFF000  }
0x91: {  	_ =	swait.ge [sflag:s30], $0x1000  }
0x92: {  	[sflag:s30] =	ssyncset.done $0x0  }
0x93: {  	s18 =	rddreg [dreg:$0x6];
	[sflag:s30] =	ssyncadd.s32 $0xFFFFF000  }
0x94: {  	[hbm4b:s18+s3] =	stream.linear.scatter [tilespmem:s8], [sflag:$0x2], $0x5000, $0x38;
	[tilespmem:$0x19C80] =	vst v63  }
0x95: {  	_ =	swait.ge [sflag:s30], $0x1000  }
0x96: {  	[sflag:s30] =	ssyncset.done $0x0  }
0x97: {  	[sflag:s30] =	ssyncadd.s32 $0xFFFFF000  }
0x98: {  	_ =	swait.ge [sflag:s30], $0x1000  }
0x99: {  	[sflag:s30] =	ssyncset.done $0x0  }
0x9a: {  	[sflag:s30] =	ssyncadd.s32 $0xFFFFF000  }
0x9b: {  	_ =	swait.ge [sflag:s30], $0x1000  }
0x9c: {  	[sflag:s30] =	ssyncset.done $0x0  }
0x9d: {  	[sflag:s30] =	ssyncadd.s32 $0xFFFFF000  }
0x9e: {  	_ =	swait.ge [sflag:s30], $0x1000  }
0x9f: {  	[sflag:s30] =	ssyncset.done $0x0  }
0xa0: {  	[sflag:s30] =	ssyncadd.s32 $0xFFFFF000  }
0xa1: {  	_ =	swait.ge [sflag:s30], $0x1000  }
0xa2: {  	[sflag:s30] =	ssyncset.done $0x0  }
0xa3: {  	s19 =	rddreg [dreg:$0x7];
	[sflag:s30] =	ssyncadd.s32 $0xFFFFF000  }
0xa4: {  	[hbm4b:s19+s3] =	stream.linear.scatter [tilespmem:s10], [sflag:$0x2], $0x5000, $0x38;
	[tilespmem:$0x19C80] =	vst v63  }
0xa5: {  	_ =	swait.ge [sflag:s30], $0x1000  }
0xa6: {  	[sflag:s30] =	ssyncset.done $0x0  }
0xa7: {  	[sflag:s30] =	ssyncadd.s32 $0xFFFFF000  }
0xa8: {  	_ =	swait.ge [sflag:s30], $0x1000  }
0xa9: {  	[sflag:s30] =	ssyncset.done $0x0  }
0xaa: {  	[sflag:s30] =	ssyncadd.s32 $0xFFFFF000  }
0xab: {  	_ =	swait.ge [sflag:s30], $0x1000  }
0xac: {  	[sflag:s30] =	ssyncset.done $0x0  }
0xad: {  	[sflag:s30] =	ssyncadd.s32 $0xFFFFF000  }
0xae: {  	s22 =	ssub.s32 $0x2, s1;
	_ =	swait.ge [sflag:s30], $0x1000  }
0xaf: {  	s1 =	sshrl.u32 s22, $0x1;
	[sflag:s30] =	ssyncset.done $0x0  }
0xb0: {  	s0 =	ssub.s32 s22, s1;
	[sflag:s30] =	ssyncadd.s32 $0xFFFFF000  }
0xb1: {  	s0 =	smax.u32 s0, $0x1;
	_ =	swait.ge [sflag:s30], $0x1000  }
0xb2: {  	s31 =	simm.s32 $0x2;
	p0 =	sne.s32 s0, $0x1;
	[sflag:s30] =	ssyncset.done $0x0  }
.Ltmp0:
0xb3: {  	s21 =	rddreg [dreg:$0x8];
	[sflag:s30] =	ssyncadd.s32 $0xFFFFF000;
	(pc) =	sbr.rel @!p0 .LBB2_2-.Ltmp0, $4  }
0xb4: {  	[hbm4b:s21+s3] =	stream.linear.scatter [tilespmem:s20], [sflag:$0x2], $0x5000, $0x38;
	[tilespmem:$0x19C80] =	vst v63  }
0xb5: {  	_ =	swait.ge [sflag:s31], $0x5000  }
0xb6: {  	[sflag:s31] =	ssyncset.done $0x0  }
0xb7: {  	s1 =	sadd.s32 $0xFFFFFFFF, s0;
	[sflag:s31] =	ssyncadd.s32 $0xFFFFB000  }
.LBB2_1:
0xb8: {  	_ =	swait.ge [sflag:s31], $0x5000  }
0xb9: {  	[sflag:s31] =	ssyncset.done $0x0  }
0xba: {  	[sflag:s31] =	ssyncadd.s32 $0xFFFFB000  }
0xbb: {  	_ =	swait.ge [sflag:s31], $0x5000  }
0xbc: {  	[sflag:s31] =	ssyncset.done $0x0  }
0xbd: {  	[sflag:s31] =	ssyncadd.s32 $0xFFFFB000  }
0xbe: {  	_ =	swait.ge [sflag:s31], $0x5000  }
0xbf: {  	[sflag:s31] =	ssyncset.done $0x0  }
0xc0: {  	[sflag:s31] =	ssyncadd.s32 $0xFFFFB000  }
0xc1: {  	_ =	swait.ge [sflag:s31], $0x5000  }
0xc2: {  	[sflag:s31] =	ssyncset.done $0x0  }
0xc3: {  	s0 =	rddreg [dreg:$0x3];
	[sflag:s31] =	ssyncadd.s32 $0xFFFFB000  }
0xc4: {  	[tilespmem:s3], [sflag:$0x3] =	stream.linear.gather [hbm4b:s0+s3], $0xC80, $0x38;
	[tilespmem:$0x19C80] =	vst v63  }
0xc5: {  	_ =	swait.ge [sflag:s4], $0xC80  }
0xc6: {  	s0 =	rddreg [dreg:$0x1f]  }
0xc7: {  	s9 =	rddreg [dreg:$0x1d]  }
0xc8: {  	s11 =	rddreg [dreg:$0x1b]  }
0xc9: {  	s12 =	rddreg [dreg:$0x18]  }
0xca: {  	s13 =	rddreg [dreg:$0x16]  }
0xcb: {  	s14 =	rddreg [dreg:$0x14]  }
0xcc: {  	s15 =	rddreg [dreg:$0x12]  }
0xcd: {  	s16 =	rddreg [dreg:$0x10]  }
0xce: {  	s17 =	rddreg [dreg:$0xf]  }
0xcf: {  	s18 =	rddreg [dreg:$0xa]  }
0xd0: {  	[sflag:s4] =	ssyncset.done $0x0;
	s19 =	rddreg [dreg:$0x9]  }
0xd1: {  	s21 =	rddreg [dreg:$0xb];
	[sflag:s4] =	ssyncadd.s32 $0xFFFFF380  }
0xd2: {  	[tilespmem:s6], [sflag:$0x1] =	stream.indirect.gather [hbm4b:s2+s5], $0x20, s3, s5, $0xb8;
	[tilespmem:$0x19C80] =	vst v63  }
0xd3: {  	s22 =	rddreg [dreg:$0xd]  }
0xd4: {  	[tilespmem:s19], [sflag:$0x1] =	stream.indirect.gather [hbm4b:s2+s5], $0x20, s5, s5, $0xb8;
	[tilespmem:$0x19C80] =	vst v63  }
0xd5: {  	s19 =	rddreg [dreg:$0xc]  }
0xd6: {  	[tilespmem:s21], [sflag:$0x1] =	stream.indirect.gather [hbm4b:s2+s5], $0x20, s18, s5, $0xb8;
	[tilespmem:$0x19C80] =	vst v63  }
0xd7: {  	s21 =	rddreg [dreg:$0xe]  }
0xd8: {  	[tilespmem:s22], [sflag:$0x1] =	stream.indirect.gather [hbm4b:s2+s5], $0x20, s19, s5, $0xb8;
	[tilespmem:$0x19C80] =	vst v63  }
0xd9: {  	s18 =	rddreg [dreg:$0x17]  }
0xda: {  	[tilespmem:s17], [sflag:$0x1] =	stream.indirect.gather [hbm4b:s2+s5], $0x20, s21, s5, $0xb8;
	[tilespmem:$0x19C80] =	vst v63  }
0xdb: {  	s19 =	sld [smem:$0x7FC]  }
0xdc: {  	[tilespmem:s7], [sflag:$0x1] =	stream.indirect.gather [hbm4b:s2+s5], $0x20, s16, s5, $0xb8;
	[tilespmem:$0x19C80] =	vst v63  }
0xdd: {  	s21 =	rddreg [dreg:$0x11]  }
0xde: {  	[tilespmem:s15], [sflag:$0x1] =	stream.indirect.gather [hbm4b:s2+s5], $0x20, s21, s5, $0xb8;
	[tilespmem:$0x19C80] =	vst v63  }
0xdf: {  	s22 =	rddreg [dreg:$0x13]  }
0xe0: {  	[tilespmem:s14], [sflag:$0x1] =	stream.indirect.gather [hbm4b:s2+s5], $0x20, s22, s5, $0xb8;
	[tilespmem:$0x19C80] =	vst v63  }
0xe1: {  	s17 =	rddreg [dreg:$0x15]  }
0xe2: {  	[tilespmem:s13], [sflag:$0x1] =	stream.indirect.gather [hbm4b:s2+s5], $0x20, s17, s5, $0xb8;
	[tilespmem:$0x19C80] =	vst v63  }
0xe3: {  	s16 =	sld [smem:$0x7FD]  }
0xe4: {  	[tilespmem:s12], [sflag:$0x1] =	stream.indirect.gather [hbm4b:s2+s5], $0x20, s18, s5, $0xb8;
	[tilespmem:$0x19C80] =	vst v63  }
0xe5: {  	s21 =	rddreg [dreg:$0x19]  }
0xe6: {  	[tilespmem:s8], [sflag:$0x1] =	stream.indirect.gather [hbm4b:s2+s5], $0x20, s21, s5, $0xb8;
	[tilespmem:$0x19C80] =	vst v63  }
0xe7: {  	s22 =	rddreg [dreg:$0x1a]  }
0xe8: {  	[tilespmem:s11], [sflag:$0x1] =	stream.indirect.gather [hbm4b:s2+s5], $0x20, s22, s5, $0xb8;
	[tilespmem:$0x19C80] =	vst v63  }
0xe9: {  	s14 =	rddreg [dreg:$0x1c]  }
0xea: {  	[tilespmem:s9], [sflag:$0x1] =	stream.indirect.gather [hbm4b:s2+s5], $0x20, s14, s5, $0xb8;
	[tilespmem:$0x19C80] =	vst v63  }
0xeb: {  	s15 =	rddreg [dreg:$0x1e]  }
0xec: {  	[tilespmem:s0], [sflag:$0x1] =	stream.indirect.gather [hbm4b:s2+s5], $0x20, s15, s5, $0xb8;
	[tilespmem:$0x19C80] =	vst v63  }
0xed: {  	_ = 	snop  }
0xee: {  	[tilespmem:s19], [sflag:$0x1] =	stream.indirect.gather [hbm4b:s2+s5], $0x20, s16, s5, $0xb8;
	[tilespmem:$0x19C80] =	vst v63  }
0xef: {  	s17 =	simm.s32 $0x780  }
0xf0: {  	[tilespmem:s10], [sflag:$0x1] =	stream.indirect.gather [hbm4b:s2+s5], $0x20, s17, s5, $0xb8;
	[tilespmem:$0x19C80] =	vst v63  }
0xf1: {  	s18 =	simm.s32 $0x800;
	s19 =	simm.s32 $0x10C80  }
0xf2: {  	[tilespmem:s19], [sflag:$0x1] =	stream.indirect.gather [hbm4b:s2+s5], $0x20, s18, s5, $0xb8;
	[tilespmem:$0x19C80] =	vst v63  }
0xf3: {  	s21 =	simm.s32 $0x880;
	s22 =	simm.s32 $0x11C80  }
0xf4: {  	[tilespmem:s22], [sflag:$0x1] =	stream.indirect.gather [hbm4b:s2+s5], $0x20, s21, s5, $0xb8;
	[tilespmem:$0x19C80] =	vst v63  }
0xf5: {  	s11 =	simm.s32 $0x12C80;
	s9 =	simm.s32 $0x900  }
0xf6: {  	[tilespmem:s11], [sflag:$0x1] =	stream.indirect.gather [hbm4b:s2+s5], $0x20, s9, s5, $0xb8;
	[tilespmem:$0x19C80] =	vst v63  }
0xf7: {  	s13 =	simm.s32 $0x13C80;
	s12 =	simm.s32 $0x980  }
0xf8: {  	[tilespmem:s13], [sflag:$0x1] =	stream.indirect.gather [hbm4b:s2+s5], $0x20, s12, s5, $0xb8;
	[tilespmem:$0x19C80] =	vst v63  }
0xf9: {  	s14 =	simm.s32 $0xA00  }
0xfa: {  	[tilespmem:s20], [sflag:$0x1] =	stream.indirect.gather [hbm4b:s2+s5], $0x20, s14, s5, $0xb8;
	[tilespmem:$0x19C80] =	vst v63  }
0xfb: {  	s15 =	simm.s32 $0xA80;
	s16 =	simm.s32 $0x15C80  }
0xfc: {  	[tilespmem:s16], [sflag:$0x1] =	stream.indirect.gather [hbm4b:s2+s5], $0x20, s15, s5, $0xb8;
	[tilespmem:$0x19C80] =	vst v63  }
0xfd: {  	_ = 	snop  }
0xfe: {  	[tilespmem:s24], [sflag:$0x1] =	stream.indirect.gather [hbm4b:s2+s5], $0x20, s23, s5, $0xb8;
	[tilespmem:$0x19C80] =	vst v63  }
0xff: {  	_ = 	snop  }
0x100: {  	[tilespmem:s26], [sflag:$0x1] =	stream.indirect.gather [hbm4b:s2+s5], $0x20, s25, s5, $0xb8;
	[tilespmem:$0x19C80] =	vst v63  }
0x101: {  	_ = 	snop  }
0x102: {  	[tilespmem:s29], [sflag:$0x1] =	stream.indirect.gather [hbm4b:s2+s5], $0x20, s28, s5, $0xb8;
	[tilespmem:$0x19C80] =	vst v63  }
0x103: {  	_ =	swait.ge [sflag:s30], $0x1000  }
0x104: {  	[sflag:s30] =	ssyncset.done $0x0  }
0x105: {  	[sflag:s30] =	ssyncadd.s32 $0xFFFFF000  }
0x106: {  	_ =	swait.ge [sflag:s30], $0x1000  }
0x107: {  	[sflag:s30] =	ssyncset.done $0x0  }
0x108: {  	[sflag:s30] =	ssyncadd.s32 $0xFFFFF000  }
0x109: {  	_ =	swait.ge [sflag:s30], $0x1000  }
0x10a: {  	[sflag:s30] =	ssyncset.done $0x0  }
0x10b: {  	[sflag:s30] =	ssyncadd.s32 $0xFFFFF000  }
0x10c: {  	_ =	swait.ge [sflag:s30], $0x1000  }
0x10d: {  	[sflag:s30] =	ssyncset.done $0x0  }
0x10e: {  	[sflag:s30] =	ssyncadd.s32 $0xFFFFF000  }
0x10f: {  	_ =	swait.ge [sflag:s30], $0x1000  }
0x110: {  	[sflag:s30] =	ssyncset.done $0x0  }
0x111: {  	s17 =	rddreg [dreg:$0x4];
	[sflag:s30] =	ssyncadd.s32 $0xFFFFF000  }
0x112: {  	[hbm4b:s17+s3] =	stream.linear.scatter [tilespmem:s6], [sflag:$0x2], $0x5000, $0x38;
	[tilespmem:$0x19C80] =	vst v63  }
0x113: {  	_ =	swait.ge [sflag:s30], $0x1000  }
0x114: {  	[sflag:s30] =	ssyncset.done $0x0  }
0x115: {  	[sflag:s30] =	ssyncadd.s32 $0xFFFFF000  }
0x116: {  	_ =	swait.ge [sflag:s30], $0x1000  }
0x117: {  	[sflag:s30] =	ssyncset.done $0x0  }
0x118: {  	[sflag:s30] =	ssyncadd.s32 $0xFFFFF000  }
0x119: {  	_ =	swait.ge [sflag:s30], $0x1000  }
0x11a: {  	[sflag:s30] =	ssyncset.done $0x0  }
0x11b: {  	[sflag:s30] =	ssyncadd.s32 $0xFFFFF000  }
0x11c: {  	_ =	swait.ge [sflag:s30], $0x1000  }
0x11d: {  	[sflag:s30] =	ssyncset.done $0x0  }
0x11e: {  	[sflag:s30] =	ssyncadd.s32 $0xFFFFF000  }
0x11f: {  	_ =	swait.ge [sflag:s30], $0x1000  }
0x120: {  	[sflag:s30] =	ssyncset.done $0x0  }
0x121: {  	s18 =	rddreg [dreg:$0x5];
	[sflag:s30] =	ssyncadd.s32 $0xFFFFF000  }
0x122: {  	[hbm4b:s18+s3] =	stream.linear.scatter [tilespmem:s7], [sflag:$0x2], $0x5000, $0x38;
	[tilespmem:$0x19C80] =	vst v63  }
0x123: {  	_ =	swait.ge [sflag:s30], $0x1000  }
0x124: {  	[sflag:s30] =	ssyncset.done $0x0  }
0x125: {  	[sflag:s30] =	ssyncadd.s32 $0xFFFFF000  }
0x126: {  	_ =	swait.ge [sflag:s30], $0x1000  }
0x127: {  	[sflag:s30] =	ssyncset.done $0x0  }
0x128: {  	[sflag:s30] =	ssyncadd.s32 $0xFFFFF000  }
0x129: {  	_ =	swait.ge [sflag:s30], $0x1000  }
0x12a: {  	[sflag:s30] =	ssyncset.done $0x0  }
0x12b: {  	[sflag:s30] =	ssyncadd.s32 $0xFFFFF000  }
0x12c: {  	_ =	swait.ge [sflag:s30], $0x1000  }
0x12d: {  	[sflag:s30] =	ssyncset.done $0x0  }
0x12e: {  	[sflag:s30] =	ssyncadd.s32 $0xFFFFF000  }
0x12f: {  	_ =	swait.ge [sflag:s30], $0x1000  }
0x130: {  	[sflag:s30] =	ssyncset.done $0x0  }
0x131: {  	s19 =	rddreg [dreg:$0x6];
	[sflag:s30] =	ssyncadd.s32 $0xFFFFF000  }
0x132: {  	[hbm4b:s19+s3] =	stream.linear.scatter [tilespmem:s8], [sflag:$0x2], $0x5000, $0x38;
	[tilespmem:$0x19C80] =	vst v63  }
0x133: {  	_ =	swait.ge [sflag:s30], $0x1000  }
0x134: {  	[sflag:s30] =	ssyncset.done $0x0  }
0x135: {  	[sflag:s30] =	ssyncadd.s32 $0xFFFFF000  }
0x136: {  	_ =	swait.ge [sflag:s30], $0x1000  }
0x137: {  	[sflag:s30] =	ssyncset.done $0x0  }
0x138: {  	[sflag:s30] =	ssyncadd.s32 $0xFFFFF000  }
0x139: {  	_ =	swait.ge [sflag:s30], $0x1000  }
0x13a: {  	[sflag:s30] =	ssyncset.done $0x0  }
0x13b: {  	[sflag:s30] =	ssyncadd.s32 $0xFFFFF000  }
0x13c: {  	_ =	swait.ge [sflag:s30], $0x1000  }
0x13d: {  	[sflag:s30] =	ssyncset.done $0x0  }
0x13e: {  	[sflag:s30] =	ssyncadd.s32 $0xFFFFF000  }
0x13f: {  	_ =	swait.ge [sflag:s30], $0x1000  }
0x140: {  	[sflag:s30] =	ssyncset.done $0x0  }
0x141: {  	s21 =	rddreg [dreg:$0x7];
	[sflag:s30] =	ssyncadd.s32 $0xFFFFF000  }
0x142: {  	[hbm4b:s21+s3] =	stream.linear.scatter [tilespmem:s10], [sflag:$0x2], $0x5000, $0x38;
	[tilespmem:$0x19C80] =	vst v63  }
0x143: {  	_ =	swait.ge [sflag:s30], $0x1000  }
0x144: {  	[sflag:s30] =	ssyncset.done $0x0  }
0x145: {  	[sflag:s30] =	ssyncadd.s32 $0xFFFFF000  }
0x146: {  	_ =	swait.ge [sflag:s30], $0x1000  }
0x147: {  	[sflag:s30] =	ssyncset.done $0x0  }
0x148: {  	[sflag:s30] =	ssyncadd.s32 $0xFFFFF000  }
0x149: {  	_ =	swait.ge [sflag:s30], $0x1000  }
0x14a: {  	[sflag:s30] =	ssyncset.done $0x0  }
0x14b: {  	[sflag:s30] =	ssyncadd.s32 $0xFFFFF000  }
0x14c: {  	_ =	swait.ge [sflag:s30], $0x1000  }
0x14d: {  	[sflag:s30] =	ssyncset.done $0x0  }
0x14e: {  	[sflag:s30] =	ssyncadd.s32 $0xFFFFF000  }
0x14f: {  	_ =	swait.ge [sflag:s30], $0x1000  }
0x150: {  	p0 =	sne.s32 s1, $0x1;
	[sflag:s30] =	ssyncset.done $0x0  }
.Ltmp1:
0x151: {  	s22 =	rddreg [dreg:$0x8];
	[sflag:s30] =	ssyncadd.s32 $0xFFFFF000;
	(pc) =	sbr.rel @p0 .LBB2_1-.Ltmp1, $4  }
0x152: {  	[hbm4b:s22+s3] =	stream.linear.scatter [tilespmem:s20], [sflag:$0x2], $0x5000, $0x38;
	[tilespmem:$0x19C80] =	vst v63  }
0x153: {  	_ =	swait.ge [sflag:s31], $0x5000  }
0x154: {  	[sflag:s31] =	ssyncset.done $0x0  }
0x155: {  	s1 =	sadd.s32 $0xFFFFFFFF, s1;
	[sflag:s31] =	ssyncadd.s32 $0xFFFFB000  }
.LBB2_2:
0x156: {  	_ =	swait.ge [sflag:s31], $0x5000  }
0x157: {  	[sflag:s31] =	ssyncset.done $0x0  }
0x158: {  	[sflag:s31] =	ssyncadd.s32 $0xFFFFB000  }
0x159: {  	_ =	swait.ge [sflag:s31], $0x5000  }
0x15a: {  	[sflag:s31] =	ssyncset.done $0x0  }
0x15b: {  	[sflag:s31] =	ssyncadd.s32 $0xFFFFB000  }
0x15c: {  	_ =	swait.ge [sflag:s31], $0x5000  }
0x15d: {  	[sflag:s31] =	ssyncset.done $0x0  }
0x15e: {  	[sflag:s31] =	ssyncadd.s32 $0xFFFFB000  }
0x15f: {  	_ =	swait.ge [sflag:s31], $0x5000  }
0x160: {  	[sflag:s31] =	ssyncset.done $0x0  }
0x161: {  	[sflag:s31] =	ssyncadd.s32 $0xFFFFB000  }
0x162: {  	_ =	sfence.sel $0x180000  }
0x163: {  	[bflag:$0x0] =	sbarrier.arrive $0xFFFF  }
0x164: {  	_ =	strace $0x90000047  }
0x165: {  	s0 =	stileid.u32;
	[bflag:$0x2] =	sbarrier.arrive $0xFFFF  }
0x166: {  	p0 =	sne.s32 s0, $0x0;
	s0 =	rddreg [dreg:$0x2]  }
0x167: {  	s0 =	sadd.s32 @!p0 $0x100000, s0  }
0x168: {  	[sflag:s0] =	ssyncadd.tile.s32 @!p0 $0x1;
	_ =	shalt  }
.Lfunc_end2:
_tile_overlayer_lowered:
.L_overlay_start_2:
0x169: {  	(tag) =	ssettag $0x2  }
0x16a: {  	s0 =	rddreg [dreg:$0x0];
	s2 =	stileid.u32  }
0x16b: {  	s1 =	rddreg [dreg:$0x1];
	p0 =	sne.s32 s2, $0x0  }
0x16c: {  	s3 =	rddreg [dreg:$0x2];
	[bflag:$0x3] =	sbarrier.arrive $0xFFFF;
	s2 =	simm.s32 @!p0 $0x1C03  }
0x16d: {  	[timem:s3], [sflag:s2] =	dma.local @!p0 [hbm:s0], s1  }
0x16e: {  	s0 =	simm.s32 @!p0 $0x3  }
0x16f: {  	_ =	swait.ge @!p0 [sflag:s0], s1  }
0x170: {  	s1 =	ssub.s32 @!p0 $0x0, s1;
	[sflag:s0] =	ssyncset.done @!p0 $0x0  }
0x171: {  	[sflag:s0] =	ssyncadd.s32 @!p0 s1  }
0x172: {  	[bflag:$0x3] =	sbarrier.arrive $0xFFFF  }
0x173: {  	_ =	shalt  }

// kernel: kernel.9.cloned.1.call-start
scs
__scs_entry_jumppad:
0x0: {  	(pc) =	sbr.rel $0x88, $3  }
0x1: {  	(tag) =	ssettag $0x0;
	lr =	simm.s32 $0x1  }
0x2: {  	[smem:$0x3F96] =	sst lr;
	_ =	strace $0xD0000000  }
0x3: {  	_ = 	snop  }
0x4: {  	_ = 	snop  }
0x5: {  	_ = 	snop  }
0x6: {  	_ = 	snop  }
0x7: {  	_ = 	snop  }
__scs_overlays_trampoline_lowered:
0x8: {  	[smem:$0x3FA5] =	sst s0  }
0x9: {  	[smem:$0x3FA6] =	sst s1  }
0xa: {  	[smem:$0x3FA7] =	sst s2  }
0xb: {  	[smem:$0x3FA8] =	sst s3  }
0xc: {  	[smem:$0x3FA9] =	sst s4  }
0xd: {  	[smem:$0x3FAA] =	sst s5  }
0xe: {  	[smem:$0x3FAB] =	sst s6  }
0xf: {  	[smem:$0x3FAC] =	sst s7  }
0x10: {  	[smem:$0x3FAD] =	sst s8  }
0x11: {  	[smem:$0x3FAE] =	sst s9;
	s0 =	simm.s32 @!p0 $0x0  }
0x12: {  	s1 =	sld [smem:$0x3F94];
	s0 =	simm.s32 @p0 $0x1  }
0x13: {  	[smem:$0x3FAF] =	sst s0;
	s0 =	simm.s32 @!p1 $0x0  }
0x14: {  	s2 =	sld [smem:$0x3F93];
	s0 =	simm.s32 @p1 $0x1  }
0x15: {  	[smem:$0x3FB0] =	sst s0;
	s0 =	simm.s32 @!p2 $0x0  }
0x16: {  	s3 =	sld [smem:$0x3FDB];
	s0 =	simm.s32 @p2 $0x1  }
0x17: {  	s4 =	simm.s32 $0x1BF5;
	[smem:$0x3FB2] =	sst s0  }
0x18: {  	s0 =	sld [smem:$0x3F95];
	_ =	swait.ge [sflag:s4], $0x0  }
0x19: {  	s7 =	sld [smem:$0x3F96]  }
0x1a: {  	s8 =	sadd.s32 $0xFFFFE003, lr  }
0x1b: {  	s9 =	sadd.s32 $0xFFFFFEF7, lr;
	s5 =	simm.s32 $0xFFFFFFFF;
	p2 =	slt.u32 s8, $0xFFFFF086  }
0x1c: {  	p1 =	slt.u32 s9, $0xF7A;
	s5 =	simm.s32 @!p2 $0x0  }
0x1d: {  	s5 =	simm.s32 @p1 $0x1;
	p0 =	seq.s32 s7, s2  }
0x1e: {  	s7 =	smul.u32 @!p0 $0xF7A, s2;
	p2 =	seq.s32 @!p0 s5, $0x0  }
0x1f: {  	s9 =	smul.u32 $0xF7A, s1;
	s8 =	simm.s32 @!p0 $0x1BF5;
	p2 =	por !p2, p0  }
0x20: {  	[sflag:s8] =	ssyncset.s32 @!p0 $0xFFFFF086;
	s6 =	sadd.s32 @!p0 s3, s7;
	s7 =	simm.s32 @!p0 $0x108  }
0x21: {  	s3 =	sadd.s32 s3, s9;
	s6 =	sadd.s32 @!p0 $0x88, s6;
	s7 =	simm.s32 @p2 $0x1082  }
0x22: {  	[simem:s7], [sflag:s8] =	dma.local @!p0 [hbm:s6], $0xF7A  }
0x23: {  	s9 =	sor.u32 $0xD0000000, s2;
	s6 =	simm.s32 $0x108;
	_ =	swait.ge @!p0 [sflag:s8], $0x0  }
0x24: {  	s3 =	sadd.s32 $0x88, s3;
	s6 =	simm.s32 @!p1 $0x1082;
	[sflag:s4] =	ssyncset.s32 $0xFFFFF086  }
0x25: {  	[simem:s6], [sflag:s4] =	dma.local [hbm:s3], $0xF7A  }
0x26: {  	[smem:$0x3F96] =	sst s1;
	(tag) =	ssettag s2;
	_ =	strace s9  }
0x27: {  	s1 =	sld [smem:$0x3FA6]  }
0x28: {  	s2 =	sld [smem:$0x3FA7]  }
0x29: {  	s4 =	sld [smem:$0x3FA9]  }
0x2a: {  	p0 =	seq.s32 s5, $0x0;
	s5 =	sld [smem:$0x3FAA]  }
0x2b: {  	s6 =	sld [smem:$0x3FAB]  }
0x2c: {  	s7 =	sld [smem:$0x3FAC]  }
0x2d: {  	s3 =	simm.s32 $0x108;
	s8 =	sld [smem:$0x3FAD]  }
0x2e: {  	s3 =	simm.s32 @!p0 $0x1082;
	s9 =	sld [smem:$0x3FAE]  }
0x2f: {  	lr =	sadd.s32 s0, s3;
	s0 =	sld [smem:$0x3FA5]  }
0x30: {  	s3 =	sld [smem:$0x3FA8]  }
0x31: {  	[smem:$0x3FB1] =	sst s10  }
0x32: {  	s10 =	sld [smem:$0x3FAF];
	_ =	sdelay $0x3  }
0x33: {  	p0 =	seq.s32 s10, $0x1;
	s10 =	sld [smem:$0x3FB1];
	_ =	sdelay $0x3  }
0x34: {  	[smem:$0x3FB1] =	sst s10  }
0x35: {  	s10 =	sld [smem:$0x3FB0];
	_ =	sdelay $0x3  }
0x36: {  	p1 =	seq.s32 s10, $0x1;
	s10 =	sld [smem:$0x3FB1];
	_ =	sdelay $0x3  }
0x37: {  	[smem:$0x3FB1] =	sst s10  }
0x38: {  	s10 =	sld [smem:$0x3FB2]  }
0x39: {  	_ = 	snop;
	(pc) =	sbr.ind lr, $3  }
0x3a: {  	_ = 	snop  }
0x3b: {  	_ = 	snop  }
0x3c: {  	p2 =	seq.s32 s10, $0x1;
	s10 =	sld [smem:$0x3FB1]  }
0x3d: {  	_ =	shalt  }
0x3e: {  	_ =	shalt  }
0x3f: {  	_ =	shalt  }
0x40: {  	_ =	shalt  }
0x41: {  	_ =	shalt  }
0x42: {  	_ =	shalt  }
0x43: {  	_ =	shalt  }
0x44: {  	_ =	shalt  }
0x45: {  	_ =	shalt  }
0x46: {  	_ =	shalt  }
0x47: {  	_ =	shalt  }
0x48: {  	_ =	shalt  }
0x49: {  	_ =	shalt  }
0x4a: {  	_ =	shalt  }
0x4b: {  	_ =	shalt  }
0x4c: {  	_ =	shalt  }
0x4d: {  	_ =	shalt  }
0x4e: {  	_ =	shalt  }
0x4f: {  	_ =	shalt  }
0x50: {  	_ =	shalt  }
0x51: {  	_ =	shalt  }
0x52: {  	_ =	shalt  }
0x53: {  	_ =	shalt  }
0x54: {  	_ =	shalt  }
0x55: {  	_ =	shalt  }
0x56: {  	_ =	shalt  }
0x57: {  	_ =	shalt  }
0x58: {  	_ =	shalt  }
0x59: {  	_ =	shalt  }
0x5a: {  	_ =	shalt  }
0x5b: {  	_ =	shalt  }
0x5c: {  	_ =	shalt  }
0x5d: {  	_ =	shalt  }
0x5e: {  	_ =	shalt  }
0x5f: {  	_ =	shalt  }
0x60: {  	_ =	shalt  }
0x61: {  	_ =	shalt  }
0x62: {  	_ =	shalt  }
0x63: {  	_ =	shalt  }
0x64: {  	_ =	shalt  }
0x65: {  	_ =	shalt  }
0x66: {  	_ =	shalt  }
0x67: {  	_ =	shalt  }
0x68: {  	_ =	shalt  }
0x69: {  	_ =	shalt  }
0x6a: {  	_ =	shalt  }
0x6b: {  	_ =	shalt  }
0x6c: {  	_ =	shalt  }
0x6d: {  	_ =	shalt  }
0x6e: {  	_ =	shalt  }
0x6f: {  	_ =	shalt  }
0x70: {  	_ =	shalt  }
0x71: {  	_ =	shalt  }
0x72: {  	_ =	shalt  }
0x73: {  	_ =	shalt  }
0x74: {  	_ =	shalt  }
0x75: {  	_ =	shalt  }
0x76: {  	_ =	shalt  }
0x77: {  	_ =	shalt  }
0x78: {  	_ =	shalt  }
0x79: {  	_ =	shalt  }
0x7a: {  	_ =	shalt  }
0x7b: {  	_ =	shalt  }
0x7c: {  	_ =	shalt  }
0x7d: {  	_ =	shalt  }
0x7e: {  	_ =	shalt  }
0x7f: {  	_ =	shalt  }
0x80: {  	_ =	shalt  }
0x81: {  	_ =	shalt  }
0x82: {  	_ =	shalt  }
0x83: {  	_ =	shalt  }
0x84: {  	_ =	shalt  }
0x85: {  	_ =	shalt  }
0x86: {  	_ =	shalt  }
0x87: {  	_ =	shalt  }
.Lfunc_end0:
.L_simem_size_0:
called_computation.1_lowered:
.L_overlay_start_0:
0x88: {  	s2 =	sld [smem:$0x3FD9]  }
0x89: {  	s3 =	sld [smem:$0x3FFE];
	_ =	sdelay $0x1  }
0x8a: {  	s1 =	srdreg.scid  }
0x8b: {  	s0 =	sand.u32 $0x1, s1  }
0x8c: {  	s17 =	sshll.u32 s0, $0xA;
	s2 =	sadd.s32 s3, s2  }
0x8d: {  	s2 =	sadd.s32 s2, s17  }
0x8e: {  	[smem:$0x3FBD] =	sst s2  }
0x8f: {  	_ = 	snop  }
0x90: {  	s2 =	sld [smem:$0x3FD0];
	(tm) =	ssettm $0x1  }
0x91: {  	s18 =	sld [smem:$0x3FFB];
	_ =	sdelay $0x3  }
0x92: {  	_ =	strace s18  }
0x93: {  	s3 =	sld [smem:$0x3FFC];
	_ =	sdelay $0x3  }
0x94: {  	_ =	strace s3  }
0x95: {  	s3 =	sld [smem:$0x3FFD];
	_ =	sdelay $0x3  }
0x96: {  	_ =	strace s3  }
0x97: {  	_ =	strace $0x8FFFFFFF  }
0x98: {  	s19 =	sld [smem:$0x3FDB];
	_ =	sdelay $0x1  }
0x99: {  	s4 =	simm.s32 $_scs_section_size  }
0x9a: {  	s5 =	simm.s32 $_size__tile_overlayer_lowered;
	s6 =	simm.s32 $_tile_overlayer_lowered  }
0x9b: {  	s22 =	simm.s32 $0x1BFF;
	s21 =	sshll.u32 s6, $0x1;
	s3 =	sadd.s32 s4, s19  }
0x9c: {  	s7 =	simm.s32 $0x0;
	s20 =	sshll.u32 s5, $0x1;
	s5 =	sadd.s32 s21, s3  }
0x9d: {  	[timem:s7], [sflag:s22] =	dma.local [hbm:s5], s20  }
0x9e: {  	_ =	swait.ge [sflag:s22], s20  }
0x9f: {  	s4 =	ssub.s32 $0x0, s20;
	[sflag:s22] =	ssyncset.done $0x0  }
0xa0: {  	[sflag:s22] =	ssyncadd.s32 s4;
	_ =	sdelay $0x1  }
0xa1: {  	s23 =	simm.s32 $0x1B8B  }
0xa2: {  	_ =	swait.ge [sflag:s23], $0x1  }
0xa3: {  	[sflag:s23] =	ssyncset.done $0x0  }
0xa4: {  	s25 =	simm.s32 $0x1B8E;
	s24 =	sld [smem:$0x3FFE];
	[sflag:s23] =	ssyncadd.s32 $0xFFFFFFFF  }
0xa5: {  	s26 =	simm.s32 $execute0_lowered;
	[smem:$0x3FD2] =	sst s25  }
0xa6: {  	s5 =	sshll.u32 s26, $0x1;
	_ =	strace $0x80000049;
	[dreg:$0x1] =	wrdreg $0xFFFFFFFF  }
0xa7: {  	s28 =	simm.s32 $_size_execute0_lowered;
	s3 =	sadd.s32 s3, s5;
	[dreg:$0x0] =	wrdreg $0x0  }
0xa8: {  	s5 =	sshll.u32 s28, $0x1;
	[dreg:$0x2] =	wrdreg s3  }
0xa9: {  	[dreg:$0x3] =	wrdreg s5  }
0xaa: {  	[dreg:$0x4] =	wrdreg $0xC0  }
0xab: {  	_ =	task [dreg:s7], $0x5FFFF  }
0xac: {  	[dreg:$0x1] =	wrdreg $0xFFFFFFFF  }
0xad: {  	[dreg:$0x0] =	wrdreg $0x60  }
0xae: {  	[dreg:$0x2] =	wrdreg s24  }
0xaf: {  	[dreg:$0x3] =	wrdreg s2  }
0xb0: {  	[dreg:$0x4] =	wrdreg $0xB9000  }
0xb1: {  	[dreg:$0x5] =	wrdreg $0x9  }
0xb2: {  	_ =	task.clear_ibuf [dreg:s7], $0x6FFFF;
	_ =	strace $0x90000049  }
0xb3: {  	s29 =	simm.s32 $0x9;
	_ =	strace $0x8000004B  }
0xb4: {  	_ =	swait.ge [sflag:s29], $0x1  }
0xb5: {  	[sflag:s29] =	ssyncadd.s32 $0xFFFFFFFF  }
0xb6: {  	_ =	strace $0x9000004B  }
0xb7: {  	_ =	sfence  }
0xb8: {  	s30 =	sld [smem:$0x0];
	_ =	sdelay $0x2  }
0xb9: {  	s31 =	sshll.u32 s1, $0xD;
	s1 =	sshrl.u32 s1, $0x2  }
0xba: {  	s3 =	sand.u32 $0x4000, s31;
	s1 =	sadd.s32 s1, s30  }
0xbb: {  	s0 =	sor.u32 s3, s0;
	s1 =	sshll.u32 s1, $0x11  }
0xbc: {  	s0 =	sor.u32 s1, s0  }
0xbd: {  	s0 =	sadd.s32 $0x8F2B, s0  }
0xbe: {  	[sflag:s0] =	ssyncadd.remote.s32 $0x1  }
0xbf: {  	_ =	sfence.sel $0xFFFF  }
0xc0: {  	[dreg:$0x0] =	wrdreg $0xFFFFFFFF;
	(pc) =	sbr.abs _section_cstart, $3  }
0xc1: {  	[dreg:$0x1] =	wrdreg $0xFFFFFFFF  }
0xc2: {  	_ =	task.clear_ibuf [dreg:s7], $0x2FFFF;
	_ =	strace $0x9FFFFFFF  }
0xc3: {  	(tm) =	ssettm $0x7FFFFFFF  }
tec
execute0_lowered:
.L_overlay_start_1:
0x0: {  	(tag) =	ssettag $0x1  }
0x1: {  	s0 =	rddreg [dreg:$0x0]  }
0x2: {  	s2 =	rddreg [dreg:$0x1]  }
0x3: {  	[dreg:$0x4] =	wrdreg s2  }
0x4: {  	s3 =	simm.s32 $0x0;
	s2 =	rddreg [dreg:$0x2]  }
0x5: {  	s8 =	simm.s32 $0xA200;
	[smem:$0x7FF] =	sst s3  }
0x6: {  	s9 =	simm.s32 $0xA280;
	_ =	strace $0x8000004A;
	[dreg:$0x14] =	wrdreg s8  }
0x7: {  	s10 =	simm.s32 $0xA300;
	[dreg:$0x15] =	wrdreg s9  }
0x8: {  	s11 =	simm.s32 $0xA380;
	[dreg:$0x16] =	wrdreg s10  }
0x9: {  	s12 =	simm.s32 $0xA400;
	[dreg:$0x17] =	wrdreg s11  }
0xa: {  	s13 =	simm.s32 $0xA480;
	[dreg:$0x18] =	wrdreg s12  }
0xb: {  	s1 =	srdreg.scid;
	s14 =	simm.s32 $0xA500;
	[dreg:$0x19] =	wrdreg s13  }
0xc: {  	s19 =	stileid.u32;
	[dreg:$0x1a] =	wrdreg s14;
	s8 =	simm.s32 $0xAB00  }
0xd: {  	s1 =	sand.u32 $0x1, s1;
	s10 =	simm.s32 $0xAB80;
	[smem:$0x7ED] =	sst s8  }
0xe: {  	s5 =	smul.u32 $0x1900, s19;
	s11 =	simm.s32 $0xAC00;
	[smem:$0x7EE] =	sst s10  }
0xf: {  	s6 =	smul.u32 $0x6400, s19;
	s12 =	simm.s32 $0xAC80;
	[smem:$0x7EF] =	sst s11  }
0x10: {  	s7 =	sadd.s32 $0x2200, s0;
	s13 =	simm.s32 $0xAD00;
	[smem:$0x7F0] =	sst s12  }
0x11: {  	s4 =	smul.u32 $0x19000, s1;
	s14 =	simm.s32 $0xAD80;
	[smem:$0x7F1] =	sst s13  }
0x12: {  	s15 =	smul.u32 $0x32000, s19;
	s16 =	sadd.s32 s7, s6;
	[smem:$0x7F2] =	sst s14  }
0x13: {  	s6 =	simm.s32 $0xA100;
	s4 =	sadd.s32 s5, s4;
	[dreg:$0x6] =	wrdreg s16  }
0x14: {  	s5 =	sshrl.u32 s15, $0x3;
	[dreg:$0x12] =	wrdreg s6;
	s15 =	simm.s32 $0xA580  }
0x15: {  	s16 =	simm.s32 $0xA600;
	[dreg:$0x1b] =	wrdreg s15  }
0x16: {  	s6 =	simm.s32 $0xAA80;
	[dreg:$0x1c] =	wrdreg s16  }
0x17: {  	[smem:$0x7EC] =	sst s6;
	s15 =	simm.s32 $0xAE00  }
0x18: {  	s5 =	sadd.s32 s7, s5;
	s16 =	simm.s32 $0xAE80;
	[smem:$0x7F3] =	sst s15  }
0x19: {  	s17 =	sadd.s32 $0xA00, s5;
	[smem:$0x7F4] =	sst s16  }
0x1a: {  	s18 =	sadd.s32 $0x1400, s5;
	[dreg:$0x7] =	wrdreg s17  }
0x1b: {  	s20 =	sadd.s32 $0x1E00, s5;
	[dreg:$0x8] =	wrdreg s18  }
0x1c: {  	s31 =	simm.s32 $0xA000;
	s21 =	sadd.s32 $0x2800, s5;
	[dreg:$0x9] =	wrdreg s20  }
0x1d: {  	s28 =	simm.s32 $0xB500;
	s23 =	sadd.s32 $0x3200, s5;
	[dreg:$0xa] =	wrdreg s21  }
0x1e: {  	s29 =	simm.s32 $0xB580;
	s24 =	sadd.s32 $0x3C00, s5;
	[dreg:$0xb] =	wrdreg s23  }
0x1f: {  	p0 =	por $0x0, $0x0;
	s25 =	sadd.s32 $0x4600, s5;
	[dreg:$0xc] =	wrdreg s24  }
0x20: {  	s4 =	sshrl.u32 s4, $0x3;
	s26 =	sadd.s32 $0x5000, s5;
	[dreg:$0xd] =	wrdreg s25  }
0x21: {  	s4 =	sadd.s32 s4, s0;
	s5 =	sadd.s32 $0x5A00, s5;
	[dreg:$0xe] =	wrdreg s26  }
0x22: {  	s30 =	simm.s32 $0xB600;
	s4 =	sadd.s32 $0x69400, s4;
	[dreg:$0xf] =	wrdreg s5  }
0x23: {  	s22 =	smul.u32 $0xE1000, s1;
	s5 =	simm.s32 $0xA080;
	[dreg:$0x5] =	wrdreg s4  }
0x24: {  	s1 =	ssub.s32 $0x2, s1;
	s17 =	simm.s32 $0xA680;
	[dreg:$0x11] =	wrdreg s5  }
0x25: {  	s9 =	sshll.u32 s19, $0x6;
	s18 =	simm.s32 $0xA700;
	[dreg:$0x1d] =	wrdreg s17  }
0x26: {  	s10 =	simm.s32 $0x2;
	s20 =	simm.s32 $0xA780;
	[dreg:$0x1e] =	wrdreg s18  }
0x27: {  	s8 =	simm.s32 $0x80;
	s21 =	simm.s32 $0xA800;
	[dreg:$0x1f] =	wrdreg s20  }
0x28: {  	s11 =	simm.s32 $0x6000;
	s23 =	simm.s32 $0xA900;
	[smem:$0x7E7] =	sst s21  }
0x29: {  	s12 =	simm.s32 $0x7000;
	s24 =	simm.s32 $0xA980;
	[smem:$0x7E9] =	sst s23  }
0x2a: {  	s13 =	simm.s32 $0x8000;
	s26 =	simm.s32 $0xAA00;
	[smem:$0x7EA] =	sst s24  }
0x2b: {  	s14 =	simm.s32 $0x9000;
	[smem:$0x7EB] =	sst s26;
	s17 =	simm.s32 $0xAF00  }
0x2c: {  	s6 =	simm.s32 $0x3;
	s18 =	simm.s32 $0xAF80;
	[smem:$0x7F5] =	sst s17  }
0x2d: {  	s15 =	simm.s32 $0x1000;
	s20 =	simm.s32 $0xB000;
	[smem:$0x7F6] =	sst s18  }
0x2e: {  	s16 =	simm.s32 $0x2000;
	s21 =	simm.s32 $0xB080;
	[smem:$0x7F7] =	sst s20  }
0x2f: {  	s25 =	sshrl.u32 s1, $0x1;
	s23 =	simm.s32 $0xB180;
	[smem:$0x7F8] =	sst s21  }
0x30: {  	s4 =	smul.u32 $0xE100, s19;
	s24 =	simm.s32 $0xB200;
	[smem:$0x7FA] =	sst s23  }
0x31: {  	s1 =	ssub.s32 s1, s25;
	s25 =	simm.s32 $0xB280;
	[smem:$0x7FB] =	sst s24  }
0x32: {  	s26 =	simm.s32 $0xB300;
	s1 =	smax.u32 s1, $0x1;
	[smem:$0x7FC] =	sst s25  }
0x33: {  	s17 =	simm.s32 $0x3000;
	s18 =	simm.s32 $0x4000;
	[smem:$0x7FD] =	sst s26  }
0x34: {  	s25 =	simm.s32 $0xB380;
	s26 =	simm.s32 $0xB480;
	s20 =	simm.s32 $0xB680  }
0x35: {  	s21 =	simm.s32 $0xB700;
	s23 =	simm.s32 $0xB800;
	s24 =	simm.s32 $0xB880  }
0x36: {  	s7 =	sadd.s32 s4, s22;
	s22 =	simm.s32 $0xA880;
	p1 =	sne.s32 s1, $0x1  }
0x37: {  	s1 =	sadd.s32 $0xFFFFFFFF, s1;
	s7 =	sshrl.u32 s7, $0x3;
	[smem:$0x7E8] =	sst s22  }
.Ltmp0:
0x38: {  	s22 =	simm.s32 $0xB100;
	s0 =	sadd.s32 s7, s0;
	(pc) =	sbr.rel @!p1 .LBB2_1-.Ltmp0, $4  }
0x39: {  	s7 =	simm.s32 $0xA180;
	[smem:$0x7F9] =	sst s22;
	s22 =	simm.s32 $0xB780  }
0x3a: {  	s0 =	sadd.s32 $0x6F800, s0;
	[dreg:$0x13] =	wrdreg s7;
	s7 =	sadd.s32 s4, s2  }
0x3b: {  	s4 =	sor.u32 $0x1C03, s9;
	s9 =	simm.s32 $0x1;
	[dreg:$0x10] =	wrdreg s0  }
0x3c: {  	s5 =	sshrl.u32 s7, $0x3;
	s7 =	simm.s32 $0x5000;
	s0 =	rddreg [dreg:$0x4]  }
0x3d: {  	[spmem:s5], [sflag:s4] =	dma.local [hbm:s0], $0x1C20  }
0x3e: {  	_ =	swait.ge [sflag:s6], $0x1C20  }
0x3f: {  	[sflag:s6] =	ssyncset.done $0x0  }
0x40: {  	s19 =	rddreg [dreg:$0x5];
	[sflag:s6] =	ssyncadd.s32 $0xFFFFE3E0  }
0x41: {  	[tilespmem:s31], [sflag:$0x3] =	stream.linear.gather [hbm4b:s19+s3], $0x1900, $0x38;
	[tilespmem:$0x19A00] =	vst v63  }
0x42: {  	_ =	swait.ge [sflag:s6], $0x1900  }
0x43: {  	[sflag:s6] =	ssyncset.done $0x0  }
0x44: {  	[sflag:s6] =	ssyncadd.s32 $0xFFFFE700  }
0x45: {  	[bflag:$0x0] =	sbarrier.arrive $0xFFFF  }
0x46: {  	s0 =	rddreg [dreg:$0x6]  }
0x47: {  	[tilespmem:s3], [sflag:$0x2] =	stream.linear.gather [hbm4b:s0+s3], $0x5000, $0x38;
	[tilespmem:$0x19A00] =	vst v63  }
0x48: {  	s19 =	smov.u32 s1;
	s1 =	rddreg [dreg:$0x7]  }
0x49: {  	[tilespmem:s7], [sflag:$0x2] =	stream.linear.gather [hbm4b:s1+s3], $0x5000, $0x38;
	[tilespmem:$0x19A00] =	vst v63  }
0x4a: {  	_ =	swait.ge [sflag:s10], $0x5000  }
0x4b: {  	[sflag:s10] =	ssyncset.done $0x0  }
0x4c: {  	[sflag:s10] =	ssyncadd.s32 $0xFFFFB000  }
0x4d: {  	[spmem:s2] =	stream.indirect.scatter.add.f32 [tilespmem:s3], [sflag:$0x1], $0x20, s31, s8, $0xb8;
	[tilespmem:$0x19A00] =	vst v63  }
0x4e: {  	s0 =	rddreg [dreg:$0x11]  }
0x4f: {  	[spmem:s2] =	stream.indirect.scatter.add.f32 [tilespmem:s15], [sflag:$0x1], $0x20, s0, s8, $0xb8;
	[tilespmem:$0x19A00] =	vst v63  }
0x50: {  	s1 =	rddreg [dreg:$0x12]  }
0x51: {  	[spmem:s2] =	stream.indirect.scatter.add.f32 [tilespmem:s16], [sflag:$0x1], $0x20, s1, s8, $0xb8;
	[tilespmem:$0x19A00] =	vst v63  }
0x52: {  	s0 =	rddreg [dreg:$0x13]  }
0x53: {  	[spmem:s2] =	stream.indirect.scatter.add.f32 [tilespmem:s17], [sflag:$0x1], $0x20, s0, s8, $0xb8;
	[tilespmem:$0x19A00] =	vst v63  }
0x54: {  	s1 =	rddreg [dreg:$0x14]  }
0x55: {  	[spmem:s2] =	stream.indirect.scatter.add.f32 [tilespmem:s18], [sflag:$0x1], $0x20, s1, s8, $0xb8;
	[tilespmem:$0x19A00] =	vst v63  }
0x56: {  	_ =	swait.ge [sflag:s9], $0x1000  }
0x57: {  	[sflag:s9] =	ssyncset.done $0x0  }
0x58: {  	[sflag:s9] =	ssyncadd.s32 $0xFFFFF000  }
0x59: {  	_ =	swait.ge [sflag:s9], $0x1000  }
0x5a: {  	[sflag:s9] =	ssyncset.done $0x0  }
0x5b: {  	[sflag:s9] =	ssyncadd.s32 $0xFFFFF000  }
0x5c: {  	_ =	swait.ge [sflag:s9], $0x1000  }
0x5d: {  	[sflag:s9] =	ssyncset.done $0x0  }
0x5e: {  	[sflag:s9] =	ssyncadd.s32 $0xFFFFF000  }
0x5f: {  	_ =	swait.ge [sflag:s9], $0x1000  }
0x60: {  	[sflag:s9] =	ssyncset.done $0x0  }
0x61: {  	[sflag:s9] =	ssyncadd.s32 $0xFFFFF000  }
0x62: {  	_ =	swait.ge [sflag:s9], $0x1000  }
0x63: {  	[sflag:s9] =	ssyncset.done $0x0  }
0x64: {  	s1 =	rddreg [dreg:$0x8];
	[sflag:s9] =	ssyncadd.s32 $0xFFFFF000  }
0x65: {  	[tilespmem:s3], [sflag:$0x2] =	stream.linear.gather [hbm4b:s1+s3], $0x5000, $0x38;
	[tilespmem:$0x19A00] =	vst v63  }
0x66: {  	_ =	swait.ge [sflag:s10], $0x5000  }
0x67: {  	[sflag:s10] =	ssyncset.done $0x0  }
0x68: {  	s0 =	rddreg [dreg:$0x15];
	[sflag:s10] =	ssyncadd.s32 $0xFFFFB000  }
0x69: {  	[spmem:s2] =	stream.indirect.scatter.add.f32 [tilespmem:s7], [sflag:$0x1], $0x20, s0, s8, $0xb8;
	[tilespmem:$0x19A00] =	vst v63  }
0x6a: {  	s1 =	rddreg [dreg:$0x16]  }
0x6b: {  	[spmem:s2] =	stream.indirect.scatter.add.f32 [tilespmem:s11], [sflag:$0x1], $0x20, s1, s8, $0xb8;
	[tilespmem:$0x19A00] =	vst v63  }
0x6c: {  	s0 =	rddreg [dreg:$0x17]  }
0x6d: {  	[spmem:s2] =	stream.indirect.scatter.add.f32 [tilespmem:s12], [sflag:$0x1], $0x20, s0, s8, $0xb8;
	[tilespmem:$0x19A00] =	vst v63  }
0x6e: {  	s1 =	rddreg [dreg:$0x18]  }
0x6f: {  	[spmem:s2] =	stream.indirect.scatter.add.f32 [tilespmem:s13], [sflag:$0x1], $0x20, s1, s8, $0xb8;
	[tilespmem:$0x19A00] =	vst v63  }
0x70: {  	s0 =	rddreg [dreg:$0x19]  }
0x71: {  	[spmem:s2] =	stream.indirect.scatter.add.f32 [tilespmem:s14], [sflag:$0x1], $0x20, s0, s8, $0xb8;
	[tilespmem:$0x19A00] =	vst v63  }
0x72: {  	_ =	swait.ge [sflag:s9], $0x1000  }
0x73: {  	[sflag:s9] =	ssyncset.done $0x0  }
0x74: {  	[sflag:s9] =	ssyncadd.s32 $0xFFFFF000  }
0x75: {  	_ =	swait.ge [sflag:s9], $0x1000  }
0x76: {  	[sflag:s9] =	ssyncset.done $0x0  }
0x77: {  	[sflag:s9] =	ssyncadd.s32 $0xFFFFF000  }
0x78: {  	_ =	swait.ge [sflag:s9], $0x1000  }
0x79: {  	[sflag:s9] =	ssyncset.done $0x0  }
0x7a: {  	[sflag:s9] =	ssyncadd.s32 $0xFFFFF000  }
0x7b: {  	_ =	swait.ge [sflag:s9], $0x1000  }
0x7c: {  	[sflag:s9] =	ssyncset.done $0x0  }
0x7d: {  	[sflag:s9] =	ssyncadd.s32 $0xFFFFF000  }
0x7e: {  	_ =	swait.ge [sflag:s9], $0x1000  }
0x7f: {  	[sflag:s9] =	ssyncset.done $0x0  }
0x80: {  	s1 =	rddreg [dreg:$0x9];
	[sflag:s9] =	ssyncadd.s32 $0xFFFFF000  }
0x81: {  	[tilespmem:s7], [sflag:$0x2] =	stream.linear.gather [hbm4b:s1+s3], $0x5000, $0x38;
	[tilespmem:$0x19A00] =	vst v63  }
0x82: {  	_ =	swait.ge [sflag:s10], $0x5000  }
0x83: {  	[sflag:s10] =	ssyncset.done $0x0  }
0x84: {  	s0 =	rddreg [dreg:$0x1a];
	[sflag:s10] =	ssyncadd.s32 $0xFFFFB000  }
0x85: {  	[spmem:s2] =	stream.indirect.scatter.add.f32 [tilespmem:s3], [sflag:$0x1], $0x20, s0, s8, $0xb8;
	[tilespmem:$0x19A00] =	vst v63  }
0x86: {  	s1 =	rddreg [dreg:$0x1b]  }
0x87: {  	[spmem:s2] =	stream.indirect.scatter.add.f32 [tilespmem:s15], [sflag:$0x1], $0x20, s1, s8, $0xb8;
	[tilespmem:$0x19A00] =	vst v63  }
0x88: {  	s0 =	rddreg [dreg:$0x1c]  }
0x89: {  	[spmem:s2] =	stream.indirect.scatter.add.f32 [tilespmem:s16], [sflag:$0x1], $0x20, s0, s8, $0xb8;
	[tilespmem:$0x19A00] =	vst v63  }
0x8a: {  	s1 =	rddreg [dreg:$0x1d]  }
0x8b: {  	[spmem:s2] =	stream.indirect.scatter.add.f32 [tilespmem:s17], [sflag:$0x1], $0x20, s1, s8, $0xb8;
	[tilespmem:$0x19A00] =	vst v63  }
0x8c: {  	s0 =	rddreg [dreg:$0x1e]  }
0x8d: {  	[spmem:s2] =	stream.indirect.scatter.add.f32 [tilespmem:s18], [sflag:$0x1], $0x20, s0, s8, $0xb8;
	[tilespmem:$0x19A00] =	vst v63  }
0x8e: {  	_ =	swait.ge [sflag:s9], $0x1000  }
0x8f: {  	[sflag:s9] =	ssyncset.done $0x0  }
0x90: {  	[sflag:s9] =	ssyncadd.s32 $0xFFFFF000  }
0x91: {  	_ =	swait.ge [sflag:s9], $0x1000  }
0x92: {  	[sflag:s9] =	ssyncset.done $0x0  }
0x93: {  	[sflag:s9] =	ssyncadd.s32 $0xFFFFF000  }
0x94: {  	_ =	swait.ge [sflag:s9], $0x1000  }
0x95: {  	[sflag:s9] =	ssyncset.done $0x0  }
0x96: {  	[sflag:s9] =	ssyncadd.s32 $0xFFFFF000  }
0x97: {  	_ =	swait.ge [sflag:s9], $0x1000  }
0x98: {  	[sflag:s9] =	ssyncset.done $0x0  }
0x99: {  	[sflag:s9] =	ssyncadd.s32 $0xFFFFF000  }
0x9a: {  	_ =	swait.ge [sflag:s9], $0x1000  }
0x9b: {  	[sflag:s9] =	ssyncset.done $0x0  }
0x9c: {  	s1 =	rddreg [dreg:$0xa];
	[sflag:s9] =	ssyncadd.s32 $0xFFFFF000  }
0x9d: {  	[tilespmem:s3], [sflag:$0x2] =	stream.linear.gather [hbm4b:s1+s3], $0x5000, $0x38;
	[tilespmem:$0x19A00] =	vst v63  }
0x9e: {  	_ =	swait.ge [sflag:s10], $0x5000  }
0x9f: {  	s0 =	rddreg [dreg:$0x1f];
	[sflag:s10] =	ssyncset.done $0x0  }
0xa0: {  	s1 =	sld [smem:$0x7E7];
	[sflag:s10] =	ssyncadd.s32 $0xFFFFB000  }
0xa1: {  	[spmem:s2] =	stream.indirect.scatter.add.f32 [tilespmem:s7], [sflag:$0x1], $0x20, s0, s8, $0xb8;
	[tilespmem:$0x19A00] =	vst v63  }
0xa2: {  	s0 =	sld [smem:$0x7E8]  }
0xa3: {  	[spmem:s2] =	stream.indirect.scatter.add.f32 [tilespmem:s11], [sflag:$0x1], $0x20, s1, s8, $0xb8;
	[tilespmem:$0x19A00] =	vst v63  }
0xa4: {  	s1 =	sld [smem:$0x7E9]  }
0xa5: {  	[spmem:s2] =	stream.indirect.scatter.add.f32 [tilespmem:s12], [sflag:$0x1], $0x20, s0, s8, $0xb8;
	[tilespmem:$0x19A00] =	vst v63  }
0xa6: {  	s0 =	sld [smem:$0x7EA]  }
0xa7: {  	[spmem:s2] =	stream.indirect.scatter.add.f32 [tilespmem:s13], [sflag:$0x1], $0x20, s1, s8, $0xb8;
	[tilespmem:$0x19A00] =	vst v63  }
0xa8: {  	_ = 	snop  }
0xa9: {  	[spmem:s2] =	stream.indirect.scatter.add.f32 [tilespmem:s14], [sflag:$0x1], $0x20, s0, s8, $0xb8;
	[tilespmem:$0x19A00] =	vst v63  }
0xaa: {  	_ =	swait.ge [sflag:s9], $0x1000  }
0xab: {  	[sflag:s9] =	ssyncset.done $0x0  }
0xac: {  	[sflag:s9] =	ssyncadd.s32 $0xFFFFF000  }
0xad: {  	_ =	swait.ge [sflag:s9], $0x1000  }
0xae: {  	[sflag:s9] =	ssyncset.done $0x0  }
0xaf: {  	[sflag:s9] =	ssyncadd.s32 $0xFFFFF000  }
0xb0: {  	_ =	swait.ge [sflag:s9], $0x1000  }
0xb1: {  	[sflag:s9] =	ssyncset.done $0x0  }
0xb2: {  	[sflag:s9] =	ssyncadd.s32 $0xFFFFF000  }
0xb3: {  	_ =	swait.ge [sflag:s9], $0x1000  }
0xb4: {  	[sflag:s9] =	ssyncset.done $0x0  }
0xb5: {  	[sflag:s9] =	ssyncadd.s32 $0xFFFFF000  }
0xb6: {  	_ =	swait.ge [sflag:s9], $0x1000  }
0xb7: {  	[sflag:s9] =	ssyncset.done $0x0  }
0xb8: {  	s1 =	rddreg [dreg:$0xb];
	[sflag:s9] =	ssyncadd.s32 $0xFFFFF000  }
0xb9: {  	[tilespmem:s7], [sflag:$0x2] =	stream.linear.gather [hbm4b:s1+s3], $0x5000, $0x38;
	[tilespmem:$0x19A00] =	vst v63  }
0xba: {  	_ =	swait.ge [sflag:s10], $0x5000  }
0xbb: {  	s0 =	sld [smem:$0x7EB]  }
0xbc: {  	[sflag:s10] =	ssyncset.done $0x0  }
0xbd: {  	s1 =	sld [smem:$0x7EC];
	[sflag:s10] =	ssyncadd.s32 $0xFFFFB000  }
0xbe: {  	[spmem:s2] =	stream.indirect.scatter.add.f32 [tilespmem:s3], [sflag:$0x1], $0x20, s0, s8, $0xb8;
	[tilespmem:$0x19A00] =	vst v63  }
0xbf: {  	s0 =	sld [smem:$0x7ED]  }
0xc0: {  	[spmem:s2] =	stream.indirect.scatter.add.f32 [tilespmem:s15], [sflag:$0x1], $0x20, s1, s8, $0xb8;
	[tilespmem:$0x19A00] =	vst v63  }
0xc1: {  	s1 =	sld [smem:$0x7EE]  }
0xc2: {  	[spmem:s2] =	stream.indirect.scatter.add.f32 [tilespmem:s16], [sflag:$0x1], $0x20, s0, s8, $0xb8;
	[tilespmem:$0x19A00] =	vst v63  }
0xc3: {  	s0 =	sld [smem:$0x7EF]  }
0xc4: {  	[spmem:s2] =	stream.indirect.scatter.add.f32 [tilespmem:s17], [sflag:$0x1], $0x20, s1, s8, $0xb8;
	[tilespmem:$0x19A00] =	vst v63  }
0xc5: {  	_ = 	snop  }
0xc6: {  	[spmem:s2] =	stream.indirect.scatter.add.f32 [tilespmem:s18], [sflag:$0x1], $0x20, s0, s8, $0xb8;
	[tilespmem:$0x19A00] =	vst v63  }
0xc7: {  	_ =	swait.ge [sflag:s9], $0x1000  }
0xc8: {  	[sflag:s9] =	ssyncset.done $0x0  }
0xc9: {  	[sflag:s9] =	ssyncadd.s32 $0xFFFFF000  }
0xca: {  	_ =	swait.ge [sflag:s9], $0x1000  }
0xcb: {  	[sflag:s9] =	ssyncset.done $0x0  }
0xcc: {  	[sflag:s9] =	ssyncadd.s32 $0xFFFFF000  }
0xcd: {  	_ =	swait.ge [sflag:s9], $0x1000  }
0xce: {  	[sflag:s9] =	ssyncset.done $0x0  }
0xcf: {  	[sflag:s9] =	ssyncadd.s32 $0xFFFFF000  }
0xd0: {  	_ =	swait.ge [sflag:s9], $0x1000  }
0xd1: {  	[sflag:s9] =	ssyncset.done $0x0  }
0xd2: {  	[sflag:s9] =	ssyncadd.s32 $0xFFFFF000  }
0xd3: {  	_ =	swait.ge [sflag:s9], $0x1000  }
0xd4: {  	[sflag:s9] =	ssyncset.done $0x0  }
0xd5: {  	s1 =	rddreg [dreg:$0xc];
	[sflag:s9] =	ssyncadd.s32 $0xFFFFF000  }
0xd6: {  	[tilespmem:s3], [sflag:$0x2] =	stream.linear.gather [hbm4b:s1+s3], $0x5000, $0x38;
	[tilespmem:$0x19A00] =	vst v63  }
0xd7: {  	_ =	swait.ge [sflag:s10], $0x5000  }
0xd8: {  	s0 =	sld [smem:$0x7F0]  }
0xd9: {  	[sflag:s10] =	ssyncset.done $0x0  }
0xda: {  	s1 =	sld [smem:$0x7F1];
	[sflag:s10] =	ssyncadd.s32 $0xFFFFB000  }
0xdb: {  	[spmem:s2] =	stream.indirect.scatter.add.f32 [tilespmem:s7], [sflag:$0x1], $0x20, s0, s8, $0xb8;
	[tilespmem:$0x19A00] =	vst v63  }
0xdc: {  	s0 =	sld [smem:$0x7F2]  }
0xdd: {  	[spmem:s2] =	stream.indirect.scatter.add.f32 [tilespmem:s11], [sflag:$0x1], $0x20, s1, s8, $0xb8;
	[tilespmem:$0x19A00] =	vst v63  }
0xde: {  	s1 =	sld [smem:$0x7F3]  }
0xdf: {  	[spmem:s2] =	stream.indirect.scatter.add.f32 [tilespmem:s12], [sflag:$0x1], $0x20, s0, s8, $0xb8;
	[tilespmem:$0x19A00] =	vst v63  }
0xe0: {  	s0 =	sld [smem:$0x7F4]  }
0xe1: {  	[spmem:s2] =	stream.indirect.scatter.add.f32 [tilespmem:s13], [sflag:$0x1], $0x20, s1, s8, $0xb8;
	[tilespmem:$0x19A00] =	vst v63  }
0xe2: {  	_ = 	snop  }
0xe3: {  	[spmem:s2] =	stream.indirect.scatter.add.f32 [tilespmem:s14], [sflag:$0x1], $0x20, s0, s8, $0xb8;
	[tilespmem:$0x19A00] =	vst v63  }
0xe4: {  	_ =	swait.ge [sflag:s9], $0x1000  }
0xe5: {  	[sflag:s9] =	ssyncset.done $0x0  }
0xe6: {  	[sflag:s9] =	ssyncadd.s32 $0xFFFFF000  }
0xe7: {  	_ =	swait.ge [sflag:s9], $0x1000  }
0xe8: {  	[sflag:s9] =	ssyncset.done $0x0  }
0xe9: {  	[sflag:s9] =	ssyncadd.s32 $0xFFFFF000  }
0xea: {  	_ =	swait.ge [sflag:s9], $0x1000  }
0xeb: {  	[sflag:s9] =	ssyncset.done $0x0  }
0xec: {  	[sflag:s9] =	ssyncadd.s32 $0xFFFFF000  }
0xed: {  	_ =	swait.ge [sflag:s9], $0x1000  }
0xee: {  	[sflag:s9] =	ssyncset.done $0x0  }
0xef: {  	[sflag:s9] =	ssyncadd.s32 $0xFFFFF000  }
0xf0: {  	_ =	swait.ge [sflag:s9], $0x1000  }
0xf1: {  	[sflag:s9] =	ssyncset.done $0x0  }
0xf2: {  	s1 =	rddreg [dreg:$0xd];
	[sflag:s9] =	ssyncadd.s32 $0xFFFFF000  }
0xf3: {  	[tilespmem:s7], [sflag:$0x2] =	stream.linear.gather [hbm4b:s1+s3], $0x5000, $0x38;
	[tilespmem:$0x19A00] =	vst v63  }
0xf4: {  	_ =	swait.ge [sflag:s10], $0x5000  }
0xf5: {  	s0 =	sld [smem:$0x7F5]  }
0xf6: {  	[sflag:s10] =	ssyncset.done $0x0  }
0xf7: {  	s1 =	sld [smem:$0x7F6];
	[sflag:s10] =	ssyncadd.s32 $0xFFFFB000  }
0xf8: {  	[spmem:s2] =	stream.indirect.scatter.add.f32 [tilespmem:s3], [sflag:$0x1], $0x20, s0, s8, $0xb8;
	[tilespmem:$0x19A00] =	vst v63  }
0xf9: {  	s0 =	sld [smem:$0x7F7]  }
0xfa: {  	[spmem:s2] =	stream.indirect.scatter.add.f32 [tilespmem:s15], [sflag:$0x1], $0x20, s1, s8, $0xb8;
	[tilespmem:$0x19A00] =	vst v63  }
0xfb: {  	s1 =	sld [smem:$0x7F8]  }
0xfc: {  	[spmem:s2] =	stream.indirect.scatter.add.f32 [tilespmem:s16], [sflag:$0x1], $0x20, s0, s8, $0xb8;
	[tilespmem:$0x19A00] =	vst v63  }
0xfd: {  	s0 =	sld [smem:$0x7F9]  }
0xfe: {  	[spmem:s2] =	stream.indirect.scatter.add.f32 [tilespmem:s17], [sflag:$0x1], $0x20, s1, s8, $0xb8;
	[tilespmem:$0x19A00] =	vst v63  }
0xff: {  	_ = 	snop  }
0x100: {  	[spmem:s2] =	stream.indirect.scatter.add.f32 [tilespmem:s18], [sflag:$0x1], $0x20, s0, s8, $0xb8;
	[tilespmem:$0x19A00] =	vst v63  }
0x101: {  	_ =	swait.ge [sflag:s9], $0x1000  }
0x102: {  	[sflag:s9] =	ssyncset.done $0x0  }
0x103: {  	[sflag:s9] =	ssyncadd.s32 $0xFFFFF000  }
0x104: {  	_ =	swait.ge [sflag:s9], $0x1000  }
0x105: {  	[sflag:s9] =	ssyncset.done $0x0  }
0x106: {  	[sflag:s9] =	ssyncadd.s32 $0xFFFFF000  }
0x107: {  	_ =	swait.ge [sflag:s9], $0x1000  }
0x108: {  	[sflag:s9] =	ssyncset.done $0x0  }
0x109: {  	[sflag:s9] =	ssyncadd.s32 $0xFFFFF000  }
0x10a: {  	_ =	swait.ge [sflag:s9], $0x1000  }
0x10b: {  	[sflag:s9] =	ssyncset.done $0x0  }
0x10c: {  	[sflag:s9] =	ssyncadd.s32 $0xFFFFF000  }
0x10d: {  	_ =	swait.ge [sflag:s9], $0x1000  }
0x10e: {  	[sflag:s9] =	ssyncset.done $0x0  }
0x10f: {  	s1 =	rddreg [dreg:$0xe];
	[sflag:s9] =	ssyncadd.s32 $0xFFFFF000  }
0x110: {  	[tilespmem:s3], [sflag:$0x2] =	stream.linear.gather [hbm4b:s1+s3], $0x5000, $0x38;
	[tilespmem:$0x19A00] =	vst v63  }
0x111: {  	_ =	swait.ge [sflag:s10], $0x5000  }
0x112: {  	s0 =	sld [smem:$0x7FA]  }
0x113: {  	[sflag:s10] =	ssyncset.done $0x0  }
0x114: {  	s1 =	sld [smem:$0x7FB];
	[sflag:s10] =	ssyncadd.s32 $0xFFFFB000  }
0x115: {  	[spmem:s2] =	stream.indirect.scatter.add.f32 [tilespmem:s7], [sflag:$0x1], $0x20, s0, s8, $0xb8;
	[tilespmem:$0x19A00] =	vst v63  }
0x116: {  	s0 =	sld [smem:$0x7FC]  }
0x117: {  	[spmem:s2] =	stream.indirect.scatter.add.f32 [tilespmem:s11], [sflag:$0x1], $0x20, s1, s8, $0xb8;
	[tilespmem:$0x19A00] =	vst v63  }
0x118: {  	s1 =	sld [smem:$0x7FD]  }
0x119: {  	[spmem:s2] =	stream.indirect.scatter.add.f32 [tilespmem:s12], [sflag:$0x1], $0x20, s0, s8, $0xb8;
	[tilespmem:$0x19A00] =	vst v63  }
0x11a: {  	_ = 	snop  }
0x11b: {  	[spmem:s2] =	stream.indirect.scatter.add.f32 [tilespmem:s13], [sflag:$0x1], $0x20, s1, s8, $0xb8;
	[tilespmem:$0x19A00] =	vst v63  }
0x11c: {  	_ = 	snop  }
0x11d: {  	[spmem:s2] =	stream.indirect.scatter.add.f32 [tilespmem:s14], [sflag:$0x1], $0x20, s25, s8, $0xb8;
	[tilespmem:$0x19A00] =	vst v63  }
0x11e: {  	_ =	swait.ge [sflag:s9], $0x1000  }
0x11f: {  	[sflag:s9] =	ssyncset.done $0x0  }
0x120: {  	[sflag:s9] =	ssyncadd.s32 $0xFFFFF000  }
0x121: {  	_ =	swait.ge [sflag:s9], $0x1000  }
0x122: {  	[sflag:s9] =	ssyncset.done $0x0  }
0x123: {  	[sflag:s9] =	ssyncadd.s32 $0xFFFFF000  }
0x124: {  	_ =	swait.ge [sflag:s9], $0x1000  }
0x125: {  	[sflag:s9] =	ssyncset.done $0x0  }
0x126: {  	[sflag:s9] =	ssyncadd.s32 $0xFFFFF000  }
0x127: {  	_ =	swait.ge [sflag:s9], $0x1000  }
0x128: {  	[sflag:s9] =	ssyncset.done $0x0  }
0x129: {  	[sflag:s9] =	ssyncadd.s32 $0xFFFFF000  }
0x12a: {  	_ =	swait.ge [sflag:s9], $0x1000  }
0x12b: {  	[sflag:s9] =	ssyncset.done $0x0  }
0x12c: {  	s1 =	rddreg [dreg:$0xf];
	[sflag:s9] =	ssyncadd.s32 $0xFFFFF000  }
0x12d: {  	[tilespmem:s7], [sflag:$0x2] =	stream.linear.gather [hbm4b:s1+s3], $0x5000, $0x38;
	[tilespmem:$0x19A00] =	vst v63  }
0x12e: {  	_ =	swait.ge [sflag:s10], $0x5000  }
0x12f: {  	[sflag:s10] =	ssyncset.done $0x0  }
0x130: {  	s1 =	simm.s32 $0xB400;
	[sflag:s10] =	ssyncadd.s32 $0xFFFFB000  }
0x131: {  	[spmem:s2] =	stream.indirect.scatter.add.f32 [tilespmem:s3], [sflag:$0x1], $0x20, s1, s8, $0xb8;
	[tilespmem:$0x19A00] =	vst v63  }
0x132: {  	_ = 	snop  }
0x133: {  	[spmem:s2] =	stream.indirect.scatter.add.f32 [tilespmem:s15], [sflag:$0x1], $0x20, s26, s8, $0xb8;
	[tilespmem:$0x19A00] =	vst v63  }
0x134: {  	_ = 	snop  }
0x135: {  	[spmem:s2] =	stream.indirect.scatter.add.f32 [tilespmem:s16], [sflag:$0x1], $0x20, s28, s8, $0xb8;
	[tilespmem:$0x19A00] =	vst v63  }
0x136: {  	_ = 	snop  }
0x137: {  	[spmem:s2] =	stream.indirect.scatter.add.f32 [tilespmem:s17], [sflag:$0x1], $0x20, s29, s8, $0xb8;
	[tilespmem:$0x19A00] =	vst v63  }
0x138: {  	_ = 	snop  }
0x139: {  	[spmem:s2] =	stream.indirect.scatter.add.f32 [tilespmem:s18], [sflag:$0x1], $0x20, s30, s8, $0xb8;
	[tilespmem:$0x19A00] =	vst v63  }
0x13a: {  	_ =	swait.ge [sflag:s9], $0x1000  }
0x13b: {  	[sflag:s9] =	ssyncset.done $0x0  }
0x13c: {  	[sflag:s9] =	ssyncadd.s32 $0xFFFFF000  }
0x13d: {  	_ =	swait.ge [sflag:s9], $0x1000  }
0x13e: {  	[sflag:s9] =	ssyncset.done $0x0  }
0x13f: {  	[sflag:s9] =	ssyncadd.s32 $0xFFFFF000  }
0x140: {  	_ =	swait.ge [sflag:s9], $0x1000  }
0x141: {  	[sflag:s9] =	ssyncset.done $0x0  }
0x142: {  	[sflag:s9] =	ssyncadd.s32 $0xFFFFF000  }
0x143: {  	_ =	swait.ge [sflag:s9], $0x1000  }
0x144: {  	[sflag:s9] =	ssyncset.done $0x0  }
0x145: {  	[sflag:s9] =	ssyncadd.s32 $0xFFFFF000  }
0x146: {  	_ =	swait.ge [sflag:s9], $0x1000  }
0x147: {  	[sflag:s9] =	ssyncset.done $0x0  }
0x148: {  	[sflag:s9] =	ssyncadd.s32 $0xFFFFF000  }
0x149: {  	_ =	swait.ge [sflag:s10], $0x5000  }
0x14a: {  	[sflag:s10] =	ssyncset.done $0x0  }
0x14b: {  	[sflag:s10] =	ssyncadd.s32 $0xFFFFB000  }
0x14c: {  	[spmem:s2] =	stream.indirect.scatter.add.f32 [tilespmem:s7], [sflag:$0x1], $0x20, s20, s8, $0xb8;
	[tilespmem:$0x19A00] =	vst v63  }
0x14d: {  	_ = 	snop  }
0x14e: {  	[spmem:s2] =	stream.indirect.scatter.add.f32 [tilespmem:s11], [sflag:$0x1], $0x20, s21, s8, $0xb8;
	[tilespmem:$0x19A00] =	vst v63  }
0x14f: {  	_ = 	snop  }
0x150: {  	[spmem:s2] =	stream.indirect.scatter.add.f32 [tilespmem:s12], [sflag:$0x1], $0x20, s22, s8, $0xb8;
	[tilespmem:$0x19A00] =	vst v63  }
0x151: {  	_ = 	snop  }
0x152: {  	[spmem:s2] =	stream.indirect.scatter.add.f32 [tilespmem:s13], [sflag:$0x1], $0x20, s23, s8, $0xb8;
	[tilespmem:$0x19A00] =	vst v63  }
0x153: {  	_ = 	snop  }
0x154: {  	[spmem:s2] =	stream.indirect.scatter.add.f32 [tilespmem:s14], [sflag:$0x1], $0x20, s24, s8, $0xb8;
	[tilespmem:$0x19A00] =	vst v63  }
0x155: {  	_ =	swait.ge [sflag:s9], $0x1000  }
0x156: {  	[sflag:s9] =	ssyncset.done $0x0  }
0x157: {  	[sflag:s9] =	ssyncadd.s32 $0xFFFFF000  }
0x158: {  	_ =	swait.ge [sflag:s9], $0x1000  }
0x159: {  	[sflag:s9] =	ssyncset.done $0x0  }
0x15a: {  	[sflag:s9] =	ssyncadd.s32 $0xFFFFF000  }
0x15b: {  	_ =	swait.ge [sflag:s9], $0x1000  }
0x15c: {  	[sflag:s9] =	ssyncset.done $0x0  }
0x15d: {  	[sflag:s9] =	ssyncadd.s32 $0xFFFFF000  }
0x15e: {  	_ =	swait.ge [sflag:s9], $0x1000  }
0x15f: {  	[sflag:s9] =	ssyncset.done $0x0  }
0x160: {  	[sflag:s9] =	ssyncadd.s32 $0xFFFFF000  }
0x161: {  	_ =	swait.ge [sflag:s9], $0x1000  }
0x162: {  	[sflag:s9] =	ssyncset.done $0x0  }
0x163: {  	p1 =	sne.s32 s19, $0x1;
	[sflag:s9] =	ssyncadd.s32 $0xFFFFF000  }
.Ltmp1:
0x164: {  	[bflag:$0x0] =	sbarrier.arrive $0xFFFF;
	(pc) =	sbr.rel @!p1 .LBB2_3-.Ltmp1, $4  }
0x165: {  	s1 =	rddreg [dreg:$0x10]  }
0x166: {  	[hbm:s1], [sflag:s4] =	dma.local [spmem:s5], $0x1C20  }
0x167: {  	p0 =	por $0x1, $0x1;
	_ =	swait.ge [sflag:s6], $0x1C20  }
0x168: {  	s1 =	sadd.s32 $0xFFFFFFFF, s19;
	s0 =	rddreg [dreg:$0x4];
	[sflag:s6] =	ssyncset.done $0x0  }
.LBB2_4:
0x169: {  	[sflag:s6] =	ssyncadd.s32 $0xFFFFE3E0  }
0x16a: {  	[spmem:s5], [sflag:s4] =	dma.local [hbm:s0], $0x1C20  }
0x16b: {  	_ =	swait.ge [sflag:s6], $0x1C20  }
0x16c: {  	[sflag:s6] =	ssyncset.done $0x0  }
0x16d: {  	s19 =	rddreg [dreg:$0x5];
	[sflag:s6] =	ssyncadd.s32 $0xFFFFE3E0  }
0x16e: {  	[tilespmem:s31], [sflag:$0x3] =	stream.linear.gather [hbm4b:s19+s3], $0x1900, $0x38;
	[tilespmem:$0x19A00] =	vst v63  }
0x16f: {  	_ =	swait.ge [sflag:s6], $0x1900  }
0x170: {  	[sflag:s6] =	ssyncset.done $0x0  }
0x171: {  	[sflag:s6] =	ssyncadd.s32 $0xFFFFE700  }
0x172: {  	[bflag:$0x0] =	sbarrier.arrive $0xFFFF  }
0x173: {  	s0 =	rddreg [dreg:$0x6]  }
0x174: {  	[tilespmem:s3], [sflag:$0x2] =	stream.linear.gather [hbm4b:s0+s3], $0x5000, $0x38;
	[tilespmem:$0x19A00] =	vst v63  }
0x175: {  	s19 =	rddreg [dreg:$0x7]  }
0x176: {  	[tilespmem:s7], [sflag:$0x2] =	stream.linear.gather [hbm4b:s19+s3], $0x5000, $0x38;
	[tilespmem:$0x19A00] =	vst v63  }
0x177: {  	_ =	swait.ge [sflag:s10], $0x5000  }
0x178: {  	[sflag:s10] =	ssyncset.done $0x0  }
0x179: {  	[sflag:s10] =	ssyncadd.s32 $0xFFFFB000  }
0x17a: {  	[spmem:s2] =	stream.indirect.scatter.add.f32 [tilespmem:s3], [sflag:$0x1], $0x20, s31, s8, $0xb8;
	[tilespmem:$0x19A00] =	vst v63  }
0x17b: {  	s0 =	rddreg [dreg:$0x11]  }
0x17c: {  	[spmem:s2] =	stream.indirect.scatter.add.f32 [tilespmem:s15], [sflag:$0x1], $0x20, s0, s8, $0xb8;
	[tilespmem:$0x19A00] =	vst v63  }
0x17d: {  	s19 =	rddreg [dreg:$0x12]  }
0x17e: {  	[spmem:s2] =	stream.indirect.scatter.add.f32 [tilespmem:s16], [sflag:$0x1], $0x20, s19, s8, $0xb8;
	[tilespmem:$0x19A00] =	vst v63  }
0x17f: {  	s0 =	rddreg [dreg:$0x13]  }
0x180: {  	[spmem:s2] =	stream.indirect.scatter.add.f32 [tilespmem:s17], [sflag:$0x1], $0x20, s0, s8, $0xb8;
	[tilespmem:$0x19A00] =	vst v63  }
0x181: {  	s19 =	rddreg [dreg:$0x14]  }
0x182: {  	[spmem:s2] =	stream.indirect.scatter.add.f32 [tilespmem:s18], [sflag:$0x1], $0x20, s19, s8, $0xb8;
	[tilespmem:$0x19A00] =	vst v63  }
0x183: {  	_ =	swait.ge [sflag:s9], $0x1000  }
0x184: {  	[sflag:s9] =	ssyncset.done $0x0  }
0x185: {  	[sflag:s9] =	ssyncadd.s32 $0xFFFFF000  }
0x186: {  	_ =	swait.ge [sflag:s9], $0x1000  }
0x187: {  	[sflag:s9] =	ssyncset.done $0x0  }
0x188: {  	[sflag:s9] =	ssyncadd.s32 $0xFFFFF000  }
0x189: {  	_ =	swait.ge [sflag:s9], $0x1000  }
0x18a: {  	[sflag:s9] =	ssyncset.done $0x0  }
0x18b: {  	[sflag:s9] =	ssyncadd.s32 $0xFFFFF000  }
0x18c: {  	_ =	swait.ge [sflag:s9], $0x1000  }
0x18d: {  	[sflag:s9] =	ssyncset.done $0x0  }
0x18e: {  	[sflag:s9] =	ssyncadd.s32 $0xFFFFF000  }
0x18f: {  	_ =	swait.ge [sflag:s9], $0x1000  }
0x190: {  	[sflag:s9] =	ssyncset.done $0x0  }
0x191: {  	s19 =	rddreg [dreg:$0x8];
	[sflag:s9] =	ssyncadd.s32 $0xFFFFF000  }
0x192: {  	[tilespmem:s3], [sflag:$0x2] =	stream.linear.gather [hbm4b:s19+s3], $0x5000, $0x38;
	[tilespmem:$0x19A00] =	vst v63  }
0x193: {  	_ =	swait.ge [sflag:s10], $0x5000  }
0x194: {  	[sflag:s10] =	ssyncset.done $0x0  }
0x195: {  	s0 =	rddreg [dreg:$0x15];
	[sflag:s10] =	ssyncadd.s32 $0xFFFFB000  }
0x196: {  	[spmem:s2] =	stream.indirect.scatter.add.f32 [tilespmem:s7], [sflag:$0x1], $0x20, s0, s8, $0xb8;
	[tilespmem:$0x19A00] =	vst v63  }
0x197: {  	s19 =	rddreg [dreg:$0x16]  }
0x198: {  	[spmem:s2] =	stream.indirect.scatter.add.f32 [tilespmem:s11], [sflag:$0x1], $0x20, s19, s8, $0xb8;
	[tilespmem:$0x19A00] =	vst v63  }
0x199: {  	s0 =	rddreg [dreg:$0x17]  }
0x19a: {  	[spmem:s2] =	stream.indirect.scatter.add.f32 [tilespmem:s12], [sflag:$0x1], $0x20, s0, s8, $0xb8;
	[tilespmem:$0x19A00] =	vst v63  }
0x19b: {  	s19 =	rddreg [dreg:$0x18]  }
0x19c: {  	[spmem:s2] =	stream.indirect.scatter.add.f32 [tilespmem:s13], [sflag:$0x1], $0x20, s19, s8, $0xb8;
	[tilespmem:$0x19A00] =	vst v63  }
0x19d: {  	s0 =	rddreg [dreg:$0x19]  }
0x19e: {  	[spmem:s2] =	stream.indirect.scatter.add.f32 [tilespmem:s14], [sflag:$0x1], $0x20, s0, s8, $0xb8;
	[tilespmem:$0x19A00] =	vst v63  }
0x19f: {  	_ =	swait.ge [sflag:s9], $0x1000  }
0x1a0: {  	[sflag:s9] =	ssyncset.done $0x0  }
0x1a1: {  	[sflag:s9] =	ssyncadd.s32 $0xFFFFF000  }
0x1a2: {  	_ =	swait.ge [sflag:s9], $0x1000  }
0x1a3: {  	[sflag:s9] =	ssyncset.done $0x0  }
0x1a4: {  	[sflag:s9] =	ssyncadd.s32 $0xFFFFF000  }
0x1a5: {  	_ =	swait.ge [sflag:s9], $0x1000  }
0x1a6: {  	[sflag:s9] =	ssyncset.done $0x0  }
0x1a7: {  	[sflag:s9] =	ssyncadd.s32 $0xFFFFF000  }
0x1a8: {  	_ =	swait.ge [sflag:s9], $0x1000  }
0x1a9: {  	[sflag:s9] =	ssyncset.done $0x0  }
0x1aa: {  	[sflag:s9] =	ssyncadd.s32 $0xFFFFF000  }
0x1ab: {  	_ =	swait.ge [sflag:s9], $0x1000  }
0x1ac: {  	[sflag:s9] =	ssyncset.done $0x0  }
0x1ad: {  	s19 =	rddreg [dreg:$0x9];
	[sflag:s9] =	ssyncadd.s32 $0xFFFFF000  }
0x1ae: {  	[tilespmem:s7], [sflag:$0x2] =	stream.linear.gather [hbm4b:s19+s3], $0x5000, $0x38;
	[tilespmem:$0x19A00] =	vst v63  }
0x1af: {  	_ =	swait.ge [sflag:s10], $0x5000  }
0x1b0: {  	[sflag:s10] =	ssyncset.done $0x0  }
0x1b1: {  	s0 =	rddreg [dreg:$0x1a];
	[sflag:s10] =	ssyncadd.s32 $0xFFFFB000  }
0x1b2: {  	[spmem:s2] =	stream.indirect.scatter.add.f32 [tilespmem:s3], [sflag:$0x1], $0x20, s0, s8, $0xb8;
	[tilespmem:$0x19A00] =	vst v63  }
0x1b3: {  	s19 =	rddreg [dreg:$0x1b]  }
0x1b4: {  	[spmem:s2] =	stream.indirect.scatter.add.f32 [tilespmem:s15], [sflag:$0x1], $0x20, s19, s8, $0xb8;
	[tilespmem:$0x19A00] =	vst v63  }
0x1b5: {  	s0 =	rddreg [dreg:$0x1c]  }
0x1b6: {  	[spmem:s2] =	stream.indirect.scatter.add.f32 [tilespmem:s16], [sflag:$0x1], $0x20, s0, s8, $0xb8;
	[tilespmem:$0x19A00] =	vst v63  }
0x1b7: {  	s19 =	rddreg [dreg:$0x1d]  }
0x1b8: {  	[spmem:s2] =	stream.indirect.scatter.add.f32 [tilespmem:s17], [sflag:$0x1], $0x20, s19, s8, $0xb8;
	[tilespmem:$0x19A00] =	vst v63  }
0x1b9: {  	s0 =	rddreg [dreg:$0x1e]  }
0x1ba: {  	[spmem:s2] =	stream.indirect.scatter.add.f32 [tilespmem:s18], [sflag:$0x1], $0x20, s0, s8, $0xb8;
	[tilespmem:$0x19A00] =	vst v63  }
0x1bb: {  	_ =	swait.ge [sflag:s9], $0x1000  }
0x1bc: {  	[sflag:s9] =	ssyncset.done $0x0  }
0x1bd: {  	[sflag:s9] =	ssyncadd.s32 $0xFFFFF000  }
0x1be: {  	_ =	swait.ge [sflag:s9], $0x1000  }
0x1bf: {  	[sflag:s9] =	ssyncset.done $0x0  }
0x1c0: {  	[sflag:s9] =	ssyncadd.s32 $0xFFFFF000  }
0x1c1: {  	_ =	swait.ge [sflag:s9], $0x1000  }
0x1c2: {  	[sflag:s9] =	ssyncset.done $0x0  }
0x1c3: {  	[sflag:s9] =	ssyncadd.s32 $0xFFFFF000  }
0x1c4: {  	_ =	swait.ge [sflag:s9], $0x1000  }
0x1c5: {  	[sflag:s9] =	ssyncset.done $0x0  }
0x1c6: {  	[sflag:s9] =	ssyncadd.s32 $0xFFFFF000  }
0x1c7: {  	_ =	swait.ge [sflag:s9], $0x1000  }
0x1c8: {  	[sflag:s9] =	ssyncset.done $0x0  }
0x1c9: {  	s19 =	rddreg [dreg:$0xa];
	[sflag:s9] =	ssyncadd.s32 $0xFFFFF000  }
0x1ca: {  	[tilespmem:s3], [sflag:$0x2] =	stream.linear.gather [hbm4b:s19+s3], $0x5000, $0x38;
	[tilespmem:$0x19A00] =	vst v63  }
0x1cb: {  	_ =	swait.ge [sflag:s10], $0x5000  }
0x1cc: {  	s0 =	rddreg [dreg:$0x1f];
	[sflag:s10] =	ssyncset.done $0x0  }
0x1cd: {  	s19 =	sld [smem:$0x7E7];
	[sflag:s10] =	ssyncadd.s32 $0xFFFFB000  }
0x1ce: {  	[spmem:s2] =	stream.indirect.scatter.add.f32 [tilespmem:s7], [sflag:$0x1], $0x20, s0, s8, $0xb8;
	[tilespmem:$0x19A00] =	vst v63  }
0x1cf: {  	s0 =	sld [smem:$0x7E8]  }
0x1d0: {  	[spmem:s2] =	stream.indirect.scatter.add.f32 [tilespmem:s11], [sflag:$0x1], $0x20, s19, s8, $0xb8;
	[tilespmem:$0x19A00] =	vst v63  }
0x1d1: {  	s19 =	sld [smem:$0x7E9]  }
0x1d2: {  	[spmem:s2] =	stream.indirect.scatter.add.f32 [tilespmem:s12], [sflag:$0x1], $0x20, s0, s8, $0xb8;
	[tilespmem:$0x19A00] =	vst v63  }
0x1d3: {  	s0 =	sld [smem:$0x7EA]  }
0x1d4: {  	[spmem:s2] =	stream.indirect.scatter.add.f32 [tilespmem:s13], [sflag:$0x1], $0x20, s19, s8, $0xb8;
	[tilespmem:$0x19A00] =	vst v63  }
0x1d5: {  	_ = 	snop  }
0x1d6: {  	[spmem:s2] =	stream.indirect.scatter.add.f32 [tilespmem:s14], [sflag:$0x1], $0x20, s0, s8, $0xb8;
	[tilespmem:$0x19A00] =	vst v63  }
0x1d7: {  	_ =	swait.ge [sflag:s9], $0x1000  }
0x1d8: {  	[sflag:s9] =	ssyncset.done $0x0  }
0x1d9: {  	[sflag:s9] =	ssyncadd.s32 $0xFFFFF000  }
0x1da: {  	_ =	swait.ge [sflag:s9], $0x1000  }
0x1db: {  	[sflag:s9] =	ssyncset.done $0x0  }
0x1dc: {  	[sflag:s9] =	ssyncadd.s32 $0xFFFFF000  }
0x1dd: {  	_ =	swait.ge [sflag:s9], $0x1000  }
0x1de: {  	[sflag:s9] =	ssyncset.done $0x0  }
0x1df: {  	[sflag:s9] =	ssyncadd.s32 $0xFFFFF000  }
0x1e0: {  	_ =	swait.ge [sflag:s9], $0x1000  }
0x1e1: {  	[sflag:s9] =	ssyncset.done $0x0  }
0x1e2: {  	[sflag:s9] =	ssyncadd.s32 $0xFFFFF000  }
0x1e3: {  	_ =	swait.ge [sflag:s9], $0x1000  }
0x1e4: {  	[sflag:s9] =	ssyncset.done $0x0  }
0x1e5: {  	s19 =	rddreg [dreg:$0xb];
	[sflag:s9] =	ssyncadd.s32 $0xFFFFF000  }
0x1e6: {  	[tilespmem:s7], [sflag:$0x2] =	stream.linear.gather [hbm4b:s19+s3], $0x5000, $0x38;
	[tilespmem:$0x19A00] =	vst v63  }
0x1e7: {  	_ =	swait.ge [sflag:s10], $0x5000  }
0x1e8: {  	s0 =	sld [smem:$0x7EB]  }
0x1e9: {  	[sflag:s10] =	ssyncset.done $0x0  }
0x1ea: {  	s19 =	sld [smem:$0x7EC];
	[sflag:s10] =	ssyncadd.s32 $0xFFFFB000  }
0x1eb: {  	[spmem:s2] =	stream.indirect.scatter.add.f32 [tilespmem:s3], [sflag:$0x1], $0x20, s0, s8, $0xb8;
	[tilespmem:$0x19A00] =	vst v63  }
0x1ec: {  	s0 =	sld [smem:$0x7ED]  }
0x1ed: {  	[spmem:s2] =	stream.indirect.scatter.add.f32 [tilespmem:s15], [sflag:$0x1], $0x20, s19, s8, $0xb8;
	[tilespmem:$0x19A00] =	vst v63  }
0x1ee: {  	s19 =	sld [smem:$0x7EE]  }
0x1ef: {  	[spmem:s2] =	stream.indirect.scatter.add.f32 [tilespmem:s16], [sflag:$0x1], $0x20, s0, s8, $0xb8;
	[tilespmem:$0x19A00] =	vst v63  }
0x1f0: {  	s0 =	sld [smem:$0x7EF]  }
0x1f1: {  	[spmem:s2] =	stream.indirect.scatter.add.f32 [tilespmem:s17], [sflag:$0x1], $0x20, s19, s8, $0xb8;
	[tilespmem:$0x19A00] =	vst v63  }
0x1f2: {  	_ = 	snop  }
0x1f3: {  	[spmem:s2] =	stream.indirect.scatter.add.f32 [tilespmem:s18], [sflag:$0x1], $0x20, s0, s8, $0xb8;
	[tilespmem:$0x19A00] =	vst v63  }
0x1f4: {  	_ =	swait.ge [sflag:s9], $0x1000  }
0x1f5: {  	[sflag:s9] =	ssyncset.done $0x0  }
0x1f6: {  	[sflag:s9] =	ssyncadd.s32 $0xFFFFF000  }
0x1f7: {  	_ =	swait.ge [sflag:s9], $0x1000  }
0x1f8: {  	[sflag:s9] =	ssyncset.done $0x0  }
0x1f9: {  	[sflag:s9] =	ssyncadd.s32 $0xFFFFF000  }
0x1fa: {  	_ =	swait.ge [sflag:s9], $0x1000  }
0x1fb: {  	[sflag:s9] =	ssyncset.done $0x0  }
0x1fc: {  	[sflag:s9] =	ssyncadd.s32 $0xFFFFF000  }
0x1fd: {  	_ =	swait.ge [sflag:s9], $0x1000  }
0x1fe: {  	[sflag:s9] =	ssyncset.done $0x0  }
0x1ff: {  	[sflag:s9] =	ssyncadd.s32 $0xFFFFF000  }
0x200: {  	_ =	swait.ge [sflag:s9], $0x1000  }
0x201: {  	[sflag:s9] =	ssyncset.done $0x0  }
0x202: {  	s19 =	rddreg [dreg:$0xc];
	[sflag:s9] =	ssyncadd.s32 $0xFFFFF000  }
0x203: {  	[tilespmem:s3], [sflag:$0x2] =	stream.linear.gather [hbm4b:s19+s3], $0x5000, $0x38;
	[tilespmem:$0x19A00] =	vst v63  }
0x204: {  	_ =	swait.ge [sflag:s10], $0x5000  }
0x205: {  	s0 =	sld [smem:$0x7F0]  }
0x206: {  	[sflag:s10] =	ssyncset.done $0x0  }
0x207: {  	s19 =	sld [smem:$0x7F1];
	[sflag:s10] =	ssyncadd.s32 $0xFFFFB000  }
0x208: {  	[spmem:s2] =	stream.indirect.scatter.add.f32 [tilespmem:s7], [sflag:$0x1], $0x20, s0, s8, $0xb8;
	[tilespmem:$0x19A00] =	vst v63  }
0x209: {  	s0 =	sld [smem:$0x7F2]  }
0x20a: {  	[spmem:s2] =	stream.indirect.scatter.add.f32 [tilespmem:s11], [sflag:$0x1], $0x20, s19, s8, $0xb8;
	[tilespmem:$0x19A00] =	vst v63  }
0x20b: {  	s19 =	sld [smem:$0x7F3]  }
0x20c: {  	[spmem:s2] =	stream.indirect.scatter.add.f32 [tilespmem:s12], [sflag:$0x1], $0x20, s0, s8, $0xb8;
	[tilespmem:$0x19A00] =	vst v63  }
0x20d: {  	s0 =	sld [smem:$0x7F4]  }
0x20e: {  	[spmem:s2] =	stream.indirect.scatter.add.f32 [tilespmem:s13], [sflag:$0x1], $0x20, s19, s8, $0xb8;
	[tilespmem:$0x19A00] =	vst v63  }
0x20f: {  	_ = 	snop  }
0x210: {  	[spmem:s2] =	stream.indirect.scatter.add.f32 [tilespmem:s14], [sflag:$0x1], $0x20, s0, s8, $0xb8;
	[tilespmem:$0x19A00] =	vst v63  }
0x211: {  	_ =	swait.ge [sflag:s9], $0x1000  }
0x212: {  	[sflag:s9] =	ssyncset.done $0x0  }
0x213: {  	[sflag:s9] =	ssyncadd.s32 $0xFFFFF000  }
0x214: {  	_ =	swait.ge [sflag:s9], $0x1000  }
0x215: {  	[sflag:s9] =	ssyncset.done $0x0  }
0x216: {  	[sflag:s9] =	ssyncadd.s32 $0xFFFFF000  }
0x217: {  	_ =	swait.ge [sflag:s9], $0x1000  }
0x218: {  	[sflag:s9] =	ssyncset.done $0x0  }
0x219: {  	[sflag:s9] =	ssyncadd.s32 $0xFFFFF000  }
0x21a: {  	_ =	swait.ge [sflag:s9], $0x1000  }
0x21b: {  	[sflag:s9] =	ssyncset.done $0x0  }
0x21c: {  	[sflag:s9] =	ssyncadd.s32 $0xFFFFF000  }
0x21d: {  	_ =	swait.ge [sflag:s9], $0x1000  }
0x21e: {  	[sflag:s9] =	ssyncset.done $0x0  }
0x21f: {  	s19 =	rddreg [dreg:$0xd];
	[sflag:s9] =	ssyncadd.s32 $0xFFFFF000  }
0x220: {  	[tilespmem:s7], [sflag:$0x2] =	stream.linear.gather [hbm4b:s19+s3], $0x5000, $0x38;
	[tilespmem:$0x19A00] =	vst v63  }
0x221: {  	_ =	swait.ge [sflag:s10], $0x5000  }
0x222: {  	s0 =	sld [smem:$0x7F5]  }
0x223: {  	[sflag:s10] =	ssyncset.done $0x0  }
0x224: {  	s19 =	sld [smem:$0x7F6];
	[sflag:s10] =	ssyncadd.s32 $0xFFFFB000  }
0x225: {  	[spmem:s2] =	stream.indirect.scatter.add.f32 [tilespmem:s3], [sflag:$0x1], $0x20, s0, s8, $0xb8;
	[tilespmem:$0x19A00] =	vst v63  }
0x226: {  	s0 =	sld [smem:$0x7F7]  }
0x227: {  	[spmem:s2] =	stream.indirect.scatter.add.f32 [tilespmem:s15], [sflag:$0x1], $0x20, s19, s8, $0xb8;
	[tilespmem:$0x19A00] =	vst v63  }
0x228: {  	s19 =	sld [smem:$0x7F8]  }
0x229: {  	[spmem:s2] =	stream.indirect.scatter.add.f32 [tilespmem:s16], [sflag:$0x1], $0x20, s0, s8, $0xb8;
	[tilespmem:$0x19A00] =	vst v63  }
0x22a: {  	s0 =	sld [smem:$0x7F9]  }
0x22b: {  	[spmem:s2] =	stream.indirect.scatter.add.f32 [tilespmem:s17], [sflag:$0x1], $0x20, s19, s8, $0xb8;
	[tilespmem:$0x19A00] =	vst v63  }
0x22c: {  	_ = 	snop  }
0x22d: {  	[spmem:s2] =	stream.indirect.scatter.add.f32 [tilespmem:s18], [sflag:$0x1], $0x20, s0, s8, $0xb8;
	[tilespmem:$0x19A00] =	vst v63  }
0x22e: {  	_ =	swait.ge [sflag:s9], $0x1000  }
0x22f: {  	[sflag:s9] =	ssyncset.done $0x0  }
0x230: {  	[sflag:s9] =	ssyncadd.s32 $0xFFFFF000  }
0x231: {  	_ =	swait.ge [sflag:s9], $0x1000  }
0x232: {  	[sflag:s9] =	ssyncset.done $0x0  }
0x233: {  	[sflag:s9] =	ssyncadd.s32 $0xFFFFF000  }
0x234: {  	_ =	swait.ge [sflag:s9], $0x1000  }
0x235: {  	[sflag:s9] =	ssyncset.done $0x0  }
0x236: {  	[sflag:s9] =	ssyncadd.s32 $0xFFFFF000  }
0x237: {  	_ =	swait.ge [sflag:s9], $0x1000  }
0x238: {  	[sflag:s9] =	ssyncset.done $0x0  }
0x239: {  	[sflag:s9] =	ssyncadd.s32 $0xFFFFF000  }
0x23a: {  	_ =	swait.ge [sflag:s9], $0x1000  }
0x23b: {  	[sflag:s9] =	ssyncset.done $0x0  }
0x23c: {  	s19 =	rddreg [dreg:$0xe];
	[sflag:s9] =	ssyncadd.s32 $0xFFFFF000  }
0x23d: {  	[tilespmem:s3], [sflag:$0x2] =	stream.linear.gather [hbm4b:s19+s3], $0x5000, $0x38;
	[tilespmem:$0x19A00] =	vst v63  }
0x23e: {  	_ =	swait.ge [sflag:s10], $0x5000  }
0x23f: {  	s0 =	sld [smem:$0x7FA]  }
0x240: {  	[sflag:s10] =	ssyncset.done $0x0  }
0x241: {  	s19 =	sld [smem:$0x7FB];
	[sflag:s10] =	ssyncadd.s32 $0xFFFFB000  }
0x242: {  	[spmem:s2] =	stream.indirect.scatter.add.f32 [tilespmem:s7], [sflag:$0x1], $0x20, s0, s8, $0xb8;
	[tilespmem:$0x19A00] =	vst v63  }
0x243: {  	s0 =	sld [smem:$0x7FC]  }
0x244: {  	[spmem:s2] =	stream.indirect.scatter.add.f32 [tilespmem:s11], [sflag:$0x1], $0x20, s19, s8, $0xb8;
	[tilespmem:$0x19A00] =	vst v63  }
0x245: {  	s19 =	sld [smem:$0x7FD]  }
0x246: {  	[spmem:s2] =	stream.indirect.scatter.add.f32 [tilespmem:s12], [sflag:$0x1], $0x20, s0, s8, $0xb8;
	[tilespmem:$0x19A00] =	vst v63  }
0x247: {  	_ = 	snop  }
0x248: {  	[spmem:s2] =	stream.indirect.scatter.add.f32 [tilespmem:s13], [sflag:$0x1], $0x20, s19, s8, $0xb8;
	[tilespmem:$0x19A00] =	vst v63  }
0x249: {  	_ = 	snop  }
0x24a: {  	[spmem:s2] =	stream.indirect.scatter.add.f32 [tilespmem:s14], [sflag:$0x1], $0x20, s25, s8, $0xb8;
	[tilespmem:$0x19A00] =	vst v63  }
0x24b: {  	_ =	swait.ge [sflag:s9], $0x1000  }
0x24c: {  	[sflag:s9] =	ssyncset.done $0x0  }
0x24d: {  	[sflag:s9] =	ssyncadd.s32 $0xFFFFF000  }
0x24e: {  	_ =	swait.ge [sflag:s9], $0x1000  }
0x24f: {  	[sflag:s9] =	ssyncset.done $0x0  }
0x250: {  	[sflag:s9] =	ssyncadd.s32 $0xFFFFF000  }
0x251: {  	_ =	swait.ge [sflag:s9], $0x1000  }
0x252: {  	[sflag:s9] =	ssyncset.done $0x0  }
0x253: {  	[sflag:s9] =	ssyncadd.s32 $0xFFFFF000  }
0x254: {  	_ =	swait.ge [sflag:s9], $0x1000  }
0x255: {  	[sflag:s9] =	ssyncset.done $0x0  }
0x256: {  	[sflag:s9] =	ssyncadd.s32 $0xFFFFF000  }
0x257: {  	_ =	swait.ge [sflag:s9], $0x1000  }
0x258: {  	[sflag:s9] =	ssyncset.done $0x0  }
0x259: {  	s19 =	rddreg [dreg:$0xf];
	[sflag:s9] =	ssyncadd.s32 $0xFFFFF000  }
0x25a: {  	[tilespmem:s7], [sflag:$0x2] =	stream.linear.gather [hbm4b:s19+s3], $0x5000, $0x38;
	[tilespmem:$0x19A00] =	vst v63  }
0x25b: {  	_ =	swait.ge [sflag:s10], $0x5000  }
0x25c: {  	[sflag:s10] =	ssyncset.done $0x0  }
0x25d: {  	s19 =	simm.s32 $0xB400;
	[sflag:s10] =	ssyncadd.s32 $0xFFFFB000  }
0x25e: {  	[spmem:s2] =	stream.indirect.scatter.add.f32 [tilespmem:s3], [sflag:$0x1], $0x20, s19, s8, $0xb8;
	[tilespmem:$0x19A00] =	vst v63  }
0x25f: {  	_ = 	snop  }
0x260: {  	[spmem:s2] =	stream.indirect.scatter.add.f32 [tilespmem:s15], [sflag:$0x1], $0x20, s26, s8, $0xb8;
	[tilespmem:$0x19A00] =	vst v63  }
0x261: {  	_ = 	snop  }
0x262: {  	[spmem:s2] =	stream.indirect.scatter.add.f32 [tilespmem:s16], [sflag:$0x1], $0x20, s28, s8, $0xb8;
	[tilespmem:$0x19A00] =	vst v63  }
0x263: {  	_ = 	snop  }
0x264: {  	[spmem:s2] =	stream.indirect.scatter.add.f32 [tilespmem:s17], [sflag:$0x1], $0x20, s29, s8, $0xb8;
	[tilespmem:$0x19A00] =	vst v63  }
0x265: {  	_ = 	snop  }
0x266: {  	[spmem:s2] =	stream.indirect.scatter.add.f32 [tilespmem:s18], [sflag:$0x1], $0x20, s30, s8, $0xb8;
	[tilespmem:$0x19A00] =	vst v63  }
0x267: {  	_ =	swait.ge [sflag:s9], $0x1000  }
0x268: {  	[sflag:s9] =	ssyncset.done $0x0  }
0x269: {  	[sflag:s9] =	ssyncadd.s32 $0xFFFFF000  }
0x26a: {  	_ =	swait.ge [sflag:s9], $0x1000  }
0x26b: {  	[sflag:s9] =	ssyncset.done $0x0  }
0x26c: {  	[sflag:s9] =	ssyncadd.s32 $0xFFFFF000  }
0x26d: {  	_ =	swait.ge [sflag:s9], $0x1000  }
0x26e: {  	[sflag:s9] =	ssyncset.done $0x0  }
0x26f: {  	[sflag:s9] =	ssyncadd.s32 $0xFFFFF000  }
0x270: {  	_ =	swait.ge [sflag:s9], $0x1000  }
0x271: {  	[sflag:s9] =	ssyncset.done $0x0  }
0x272: {  	[sflag:s9] =	ssyncadd.s32 $0xFFFFF000  }
0x273: {  	_ =	swait.ge [sflag:s9], $0x1000  }
0x274: {  	[sflag:s9] =	ssyncset.done $0x0  }
0x275: {  	[sflag:s9] =	ssyncadd.s32 $0xFFFFF000  }
0x276: {  	_ =	swait.ge [sflag:s10], $0x5000  }
0x277: {  	[sflag:s10] =	ssyncset.done $0x0  }
0x278: {  	[sflag:s10] =	ssyncadd.s32 $0xFFFFB000  }
0x279: {  	[spmem:s2] =	stream.indirect.scatter.add.f32 [tilespmem:s7], [sflag:$0x1], $0x20, s20, s8, $0xb8;
	[tilespmem:$0x19A00] =	vst v63  }
0x27a: {  	_ = 	snop  }
0x27b: {  	[spmem:s2] =	stream.indirect.scatter.add.f32 [tilespmem:s11], [sflag:$0x1], $0x20, s21, s8, $0xb8;
	[tilespmem:$0x19A00] =	vst v63  }
0x27c: {  	_ = 	snop  }
0x27d: {  	[spmem:s2] =	stream.indirect.scatter.add.f32 [tilespmem:s12], [sflag:$0x1], $0x20, s22, s8, $0xb8;
	[tilespmem:$0x19A00] =	vst v63  }
0x27e: {  	_ = 	snop  }
0x27f: {  	[spmem:s2] =	stream.indirect.scatter.add.f32 [tilespmem:s13], [sflag:$0x1], $0x20, s23, s8, $0xb8;
	[tilespmem:$0x19A00] =	vst v63  }
0x280: {  	_ = 	snop  }
0x281: {  	[spmem:s2] =	stream.indirect.scatter.add.f32 [tilespmem:s14], [sflag:$0x1], $0x20, s24, s8, $0xb8;
	[tilespmem:$0x19A00] =	vst v63  }
0x282: {  	_ =	swait.ge [sflag:s9], $0x1000  }
0x283: {  	[sflag:s9] =	ssyncset.done $0x0  }
0x284: {  	[sflag:s9] =	ssyncadd.s32 $0xFFFFF000  }
0x285: {  	_ =	swait.ge [sflag:s9], $0x1000  }
0x286: {  	[sflag:s9] =	ssyncset.done $0x0  }
0x287: {  	[sflag:s9] =	ssyncadd.s32 $0xFFFFF000  }
0x288: {  	_ =	swait.ge [sflag:s9], $0x1000  }
0x289: {  	[sflag:s9] =	ssyncset.done $0x0  }
0x28a: {  	[sflag:s9] =	ssyncadd.s32 $0xFFFFF000  }
0x28b: {  	_ =	swait.ge [sflag:s9], $0x1000  }
0x28c: {  	[sflag:s9] =	ssyncset.done $0x0  }
0x28d: {  	[sflag:s9] =	ssyncadd.s32 $0xFFFFF000  }
0x28e: {  	_ =	swait.ge [sflag:s9], $0x1000  }
0x28f: {  	[sflag:s9] =	ssyncset.done $0x0  }
0x290: {  	p1 =	sne.s32 s1, $0x1;
	[sflag:s9] =	ssyncadd.s32 $0xFFFFF000  }
.Ltmp2:
0x291: {  	[bflag:$0x0] =	sbarrier.arrive $0xFFFF;
	(pc) =	sbr.rel @p1 .LBB2_4-.Ltmp2, $4  }
0x292: {  	s19 =	rddreg [dreg:$0x10]  }
0x293: {  	[hbm:s19], [sflag:s4] =	dma.local [spmem:s5], $0x1C20  }
0x294: {  	_ =	swait.ge [sflag:s6], $0x1C20  }
0x295: {  	s1 =	sadd.s32 $0xFFFFFFFF, s1;
	s0 =	rddreg [dreg:$0x4];
	[sflag:s6] =	ssyncset.done $0x0  }
0x296: {  	s24 =	simm.s32 $0xB380;
	s30 =	simm.s32 $0xB600  }
0x297: {  	s29 =	simm.s32 $0xB580;
	s28 =	simm.s32 $0xB500;
	s26 =	simm.s32 $0xB480  }
0x298: {  	s25 =	simm.s32 $0xB400;
	s23 =	simm.s32 $0xB800;
	s22 =	simm.s32 $0xB780  }
0x299: {  	s21 =	simm.s32 $0xB700;
	s20 =	simm.s32 $0xB680;
	s19 =	stileid.u32  }
.LBB2_6:
0x29a: {  	[sflag:s6] =	ssyncadd.s32 @p0 $0xFFFFE3E0  }
0x29b: {  	[spmem:s5], [sflag:s4] =	dma.local [hbm:s0], $0x1C20  }
0x29c: {  	_ =	swait.ge [sflag:s6], $0x1C20  }
0x29d: {  	[sflag:s6] =	ssyncset.done $0x0  }
0x29e: {  	s1 =	rddreg [dreg:$0x5];
	[sflag:s6] =	ssyncadd.s32 $0xFFFFE3E0  }
0x29f: {  	[tilespmem:s31], [sflag:$0x3] =	stream.linear.gather [hbm4b:s1+s3], $0x1900, $0x38;
	[tilespmem:$0x19A00] =	vst v63  }
0x2a0: {  	_ =	swait.ge [sflag:s6], $0x1900  }
0x2a1: {  	[sflag:s6] =	ssyncset.done $0x0  }
0x2a2: {  	[sflag:s6] =	ssyncadd.s32 $0xFFFFE700  }
0x2a3: {  	[bflag:$0x0] =	sbarrier.arrive $0xFFFF  }
0x2a4: {  	s0 =	rddreg [dreg:$0x6]  }
0x2a5: {  	[tilespmem:s3], [sflag:$0x2] =	stream.linear.gather [hbm4b:s0+s3], $0x5000, $0x38;
	[tilespmem:$0x19A00] =	vst v63  }
0x2a6: {  	s1 =	rddreg [dreg:$0x7]  }
0x2a7: {  	[tilespmem:s7], [sflag:$0x2] =	stream.linear.gather [hbm4b:s1+s3], $0x5000, $0x38;
	[tilespmem:$0x19A00] =	vst v63  }
0x2a8: {  	_ =	swait.ge [sflag:s10], $0x5000  }
0x2a9: {  	[sflag:s10] =	ssyncset.done $0x0  }
0x2aa: {  	[sflag:s10] =	ssyncadd.s32 $0xFFFFB000  }
0x2ab: {  	[spmem:s2] =	stream.indirect.scatter.add.f32 [tilespmem:s3], [sflag:$0x1], $0x20, s31, s8, $0xb8;
	[tilespmem:$0x19A00] =	vst v63  }
0x2ac: {  	s1 =	rddreg [dreg:$0x11]  }
0x2ad: {  	[spmem:s2] =	stream.indirect.scatter.add.f32 [tilespmem:s15], [sflag:$0x1], $0x20, s1, s8, $0xb8;
	[tilespmem:$0x19A00] =	vst v63  }
0x2ae: {  	s31 =	rddreg [dreg:$0x12]  }
0x2af: {  	[spmem:s2] =	stream.indirect.scatter.add.f32 [tilespmem:s16], [sflag:$0x1], $0x20, s31, s8, $0xb8;
	[tilespmem:$0x19A00] =	vst v63  }
0x2b0: {  	s0 =	rddreg [dreg:$0x13]  }
0x2b1: {  	[spmem:s2] =	stream.indirect.scatter.add.f32 [tilespmem:s17], [sflag:$0x1], $0x20, s0, s8, $0xb8;
	[tilespmem:$0x19A00] =	vst v63  }
0x2b2: {  	s31 =	rddreg [dreg:$0x14]  }
0x2b3: {  	[spmem:s2] =	stream.indirect.scatter.add.f32 [tilespmem:s18], [sflag:$0x1], $0x20, s31, s8, $0xb8;
	[tilespmem:$0x19A00] =	vst v63  }
0x2b4: {  	_ =	swait.ge [sflag:s9], $0x1000  }
0x2b5: {  	[sflag:s9] =	ssyncset.done $0x0  }
0x2b6: {  	[sflag:s9] =	ssyncadd.s32 $0xFFFFF000  }
0x2b7: {  	_ =	swait.ge [sflag:s9], $0x1000  }
0x2b8: {  	[sflag:s9] =	ssyncset.done $0x0  }
0x2b9: {  	[sflag:s9] =	ssyncadd.s32 $0xFFFFF000  }
0x2ba: {  	_ =	swait.ge [sflag:s9], $0x1000  }
0x2bb: {  	[sflag:s9] =	ssyncset.done $0x0  }
0x2bc: {  	[sflag:s9] =	ssyncadd.s32 $0xFFFFF000  }
0x2bd: {  	_ =	swait.ge [sflag:s9], $0x1000  }
0x2be: {  	[sflag:s9] =	ssyncset.done $0x0  }
0x2bf: {  	[sflag:s9] =	ssyncadd.s32 $0xFFFFF000  }
0x2c0: {  	_ =	swait.ge [sflag:s9], $0x1000  }
0x2c1: {  	[sflag:s9] =	ssyncset.done $0x0  }
0x2c2: {  	s1 =	rddreg [dreg:$0x8];
	[sflag:s9] =	ssyncadd.s32 $0xFFFFF000  }
0x2c3: {  	[tilespmem:s3], [sflag:$0x2] =	stream.linear.gather [hbm4b:s1+s3], $0x5000, $0x38;
	[tilespmem:$0x19A00] =	vst v63  }
0x2c4: {  	_ =	swait.ge [sflag:s10], $0x5000  }
0x2c5: {  	[sflag:s10] =	ssyncset.done $0x0  }
0x2c6: {  	s31 =	rddreg [dreg:$0x15];
	[sflag:s10] =	ssyncadd.s32 $0xFFFFB000  }
0x2c7: {  	[spmem:s2] =	stream.indirect.scatter.add.f32 [tilespmem:s7], [sflag:$0x1], $0x20, s31, s8, $0xb8;
	[tilespmem:$0x19A00] =	vst v63  }
0x2c8: {  	s1 =	rddreg [dreg:$0x16]  }
0x2c9: {  	[spmem:s2] =	stream.indirect.scatter.add.f32 [tilespmem:s11], [sflag:$0x1], $0x20, s1, s8, $0xb8;
	[tilespmem:$0x19A00] =	vst v63  }
0x2ca: {  	s31 =	rddreg [dreg:$0x17]  }
0x2cb: {  	[spmem:s2] =	stream.indirect.scatter.add.f32 [tilespmem:s12], [sflag:$0x1], $0x20, s31, s8, $0xb8;
	[tilespmem:$0x19A00] =	vst v63  }
0x2cc: {  	s1 =	rddreg [dreg:$0x18]  }
0x2cd: {  	[spmem:s2] =	stream.indirect.scatter.add.f32 [tilespmem:s13], [sflag:$0x1], $0x20, s1, s8, $0xb8;
	[tilespmem:$0x19A00] =	vst v63  }
0x2ce: {  	s31 =	rddreg [dreg:$0x19]  }
0x2cf: {  	[spmem:s2] =	stream.indirect.scatter.add.f32 [tilespmem:s14], [sflag:$0x1], $0x20, s31, s8, $0xb8;
	[tilespmem:$0x19A00] =	vst v63  }
0x2d0: {  	_ =	swait.ge [sflag:s9], $0x1000  }
0x2d1: {  	[sflag:s9] =	ssyncset.done $0x0  }
0x2d2: {  	[sflag:s9] =	ssyncadd.s32 $0xFFFFF000  }
0x2d3: {  	_ =	swait.ge [sflag:s9], $0x1000  }
0x2d4: {  	[sflag:s9] =	ssyncset.done $0x0  }
0x2d5: {  	[sflag:s9] =	ssyncadd.s32 $0xFFFFF000  }
0x2d6: {  	_ =	swait.ge [sflag:s9], $0x1000  }
0x2d7: {  	[sflag:s9] =	ssyncset.done $0x0  }
0x2d8: {  	[sflag:s9] =	ssyncadd.s32 $0xFFFFF000  }
0x2d9: {  	_ =	swait.ge [sflag:s9], $0x1000  }
0x2da: {  	[sflag:s9] =	ssyncset.done $0x0  }
0x2db: {  	[sflag:s9] =	ssyncadd.s32 $0xFFFFF000  }
0x2dc: {  	_ =	swait.ge [sflag:s9], $0x1000  }
0x2dd: {  	[sflag:s9] =	ssyncset.done $0x0  }
0x2de: {  	s1 =	rddreg [dreg:$0x9];
	[sflag:s9] =	ssyncadd.s32 $0xFFFFF000  }
0x2df: {  	[tilespmem:s7], [sflag:$0x2] =	stream.linear.gather [hbm4b:s1+s3], $0x5000, $0x38;
	[tilespmem:$0x19A00] =	vst v63  }
0x2e0: {  	_ =	swait.ge [sflag:s10], $0x5000  }
0x2e1: {  	[sflag:s10] =	ssyncset.done $0x0  }
0x2e2: {  	s31 =	rddreg [dreg:$0x1a];
	[sflag:s10] =	ssyncadd.s32 $0xFFFFB000  }
0x2e3: {  	[spmem:s2] =	stream.indirect.scatter.add.f32 [tilespmem:s3], [sflag:$0x1], $0x20, s31, s8, $0xb8;
	[tilespmem:$0x19A00] =	vst v63  }
0x2e4: {  	s1 =	rddreg [dreg:$0x1b]  }
0x2e5: {  	[spmem:s2] =	stream.indirect.scatter.add.f32 [tilespmem:s15], [sflag:$0x1], $0x20, s1, s8, $0xb8;
	[tilespmem:$0x19A00] =	vst v63  }
0x2e6: {  	s31 =	rddreg [dreg:$0x1c]  }
0x2e7: {  	[spmem:s2] =	stream.indirect.scatter.add.f32 [tilespmem:s16], [sflag:$0x1], $0x20, s31, s8, $0xb8;
	[tilespmem:$0x19A00] =	vst v63  }
0x2e8: {  	s1 =	rddreg [dreg:$0x1d]  }
0x2e9: {  	[spmem:s2] =	stream.indirect.scatter.add.f32 [tilespmem:s17], [sflag:$0x1], $0x20, s1, s8, $0xb8;
	[tilespmem:$0x19A00] =	vst v63  }
0x2ea: {  	s31 =	rddreg [dreg:$0x1e]  }
0x2eb: {  	[spmem:s2] =	stream.indirect.scatter.add.f32 [tilespmem:s18], [sflag:$0x1], $0x20, s31, s8, $0xb8;
	[tilespmem:$0x19A00] =	vst v63  }
0x2ec: {  	_ =	swait.ge [sflag:s9], $0x1000  }
0x2ed: {  	[sflag:s9] =	ssyncset.done $0x0  }
0x2ee: {  	[sflag:s9] =	ssyncadd.s32 $0xFFFFF000  }
0x2ef: {  	_ =	swait.ge [sflag:s9], $0x1000  }
0x2f0: {  	[sflag:s9] =	ssyncset.done $0x0  }
0x2f1: {  	[sflag:s9] =	ssyncadd.s32 $0xFFFFF000  }
0x2f2: {  	_ =	swait.ge [sflag:s9], $0x1000  }
0x2f3: {  	[sflag:s9] =	ssyncset.done $0x0  }
0x2f4: {  	[sflag:s9] =	ssyncadd.s32 $0xFFFFF000  }
0x2f5: {  	_ =	swait.ge [sflag:s9], $0x1000  }
0x2f6: {  	[sflag:s9] =	ssyncset.done $0x0  }
0x2f7: {  	[sflag:s9] =	ssyncadd.s32 $0xFFFFF000  }
0x2f8: {  	_ =	swait.ge [sflag:s9], $0x1000  }
0x2f9: {  	[sflag:s9] =	ssyncset.done $0x0  }
0x2fa: {  	s1 =	rddreg [dreg:$0xa];
	[sflag:s9] =	ssyncadd.s32 $0xFFFFF000  }
0x2fb: {  	[tilespmem:s3], [sflag:$0x2] =	stream.linear.gather [hbm4b:s1+s3], $0x5000, $0x38;
	[tilespmem:$0x19A00] =	vst v63  }
0x2fc: {  	_ =	swait.ge [sflag:s10], $0x5000  }
0x2fd: {  	s31 =	rddreg [dreg:$0x1f];
	[sflag:s10] =	ssyncset.done $0x0  }
0x2fe: {  	s1 =	sld [smem:$0x7E7];
	[sflag:s10] =	ssyncadd.s32 $0xFFFFB000  }
0x2ff: {  	[spmem:s2] =	stream.indirect.scatter.add.f32 [tilespmem:s7], [sflag:$0x1], $0x20, s31, s8, $0xb8;
	[tilespmem:$0x19A00] =	vst v63  }
0x300: {  	s31 =	sld [smem:$0x7E8]  }
0x301: {  	[spmem:s2] =	stream.indirect.scatter.add.f32 [tilespmem:s11], [sflag:$0x1], $0x20, s1, s8, $0xb8;
	[tilespmem:$0x19A00] =	vst v63  }
0x302: {  	s1 =	sld [smem:$0x7E9]  }
0x303: {  	[spmem:s2] =	stream.indirect.scatter.add.f32 [tilespmem:s12], [sflag:$0x1], $0x20, s31, s8, $0xb8;
	[tilespmem:$0x19A00] =	vst v63  }
0x304: {  	s31 =	sld [smem:$0x7EA]  }
0x305: {  	[spmem:s2] =	stream.indirect.scatter.add.f32 [tilespmem:s13], [sflag:$0x1], $0x20, s1, s8, $0xb8;
	[tilespmem:$0x19A00] =	vst v63  }
0x306: {  	_ = 	snop  }
0x307: {  	[spmem:s2] =	stream.indirect.scatter.add.f32 [tilespmem:s14], [sflag:$0x1], $0x20, s31, s8, $0xb8;
	[tilespmem:$0x19A00] =	vst v63  }
0x308: {  	_ =	swait.ge [sflag:s9], $0x1000  }
0x309: {  	[sflag:s9] =	ssyncset.done $0x0  }
0x30a: {  	[sflag:s9] =	ssyncadd.s32 $0xFFFFF000  }
0x30b: {  	_ =	swait.ge [sflag:s9], $0x1000  }
0x30c: {  	[sflag:s9] =	ssyncset.done $0x0  }
0x30d: {  	[sflag:s9] =	ssyncadd.s32 $0xFFFFF000  }
0x30e: {  	_ =	swait.ge [sflag:s9], $0x1000  }
0x30f: {  	[sflag:s9] =	ssyncset.done $0x0  }
0x310: {  	[sflag:s9] =	ssyncadd.s32 $0xFFFFF000  }
0x311: {  	_ =	swait.ge [sflag:s9], $0x1000  }
0x312: {  	[sflag:s9] =	ssyncset.done $0x0  }
0x313: {  	[sflag:s9] =	ssyncadd.s32 $0xFFFFF000  }
0x314: {  	_ =	swait.ge [sflag:s9], $0x1000  }
0x315: {  	[sflag:s9] =	ssyncset.done $0x0  }
0x316: {  	s1 =	rddreg [dreg:$0xb];
	[sflag:s9] =	ssyncadd.s32 $0xFFFFF000  }
0x317: {  	[tilespmem:s7], [sflag:$0x2] =	stream.linear.gather [hbm4b:s1+s3], $0x5000, $0x38;
	[tilespmem:$0x19A00] =	vst v63  }
0x318: {  	_ =	swait.ge [sflag:s10], $0x5000  }
0x319: {  	s31 =	sld [smem:$0x7EB]  }
0x31a: {  	[sflag:s10] =	ssyncset.done $0x0  }
0x31b: {  	s1 =	sld [smem:$0x7EC];
	[sflag:s10] =	ssyncadd.s32 $0xFFFFB000  }
0x31c: {  	[spmem:s2] =	stream.indirect.scatter.add.f32 [tilespmem:s3], [sflag:$0x1], $0x20, s31, s8, $0xb8;
	[tilespmem:$0x19A00] =	vst v63  }
0x31d: {  	s31 =	sld [smem:$0x7ED]  }
0x31e: {  	[spmem:s2] =	stream.indirect.scatter.add.f32 [tilespmem:s15], [sflag:$0x1], $0x20, s1, s8, $0xb8;
	[tilespmem:$0x19A00] =	vst v63  }
0x31f: {  	s1 =	sld [smem:$0x7EE]  }
0x320: {  	[spmem:s2] =	stream.indirect.scatter.add.f32 [tilespmem:s16], [sflag:$0x1], $0x20, s31, s8, $0xb8;
	[tilespmem:$0x19A00] =	vst v63  }
0x321: {  	s31 =	sld [smem:$0x7EF]  }
0x322: {  	[spmem:s2] =	stream.indirect.scatter.add.f32 [tilespmem:s17], [sflag:$0x1], $0x20, s1, s8, $0xb8;
	[tilespmem:$0x19A00] =	vst v63  }
0x323: {  	_ = 	snop  }
0x324: {  	[spmem:s2] =	stream.indirect.scatter.add.f32 [tilespmem:s18], [sflag:$0x1], $0x20, s31, s8, $0xb8;
	[tilespmem:$0x19A00] =	vst v63  }
0x325: {  	_ =	swait.ge [sflag:s9], $0x1000  }
0x326: {  	[sflag:s9] =	ssyncset.done $0x0  }
0x327: {  	[sflag:s9] =	ssyncadd.s32 $0xFFFFF000  }
0x328: {  	_ =	swait.ge [sflag:s9], $0x1000  }
0x329: {  	[sflag:s9] =	ssyncset.done $0x0  }
0x32a: {  	[sflag:s9] =	ssyncadd.s32 $0xFFFFF000  }
0x32b: {  	_ =	swait.ge [sflag:s9], $0x1000  }
0x32c: {  	[sflag:s9] =	ssyncset.done $0x0  }
0x32d: {  	[sflag:s9] =	ssyncadd.s32 $0xFFFFF000  }
0x32e: {  	_ =	swait.ge [sflag:s9], $0x1000  }
0x32f: {  	[sflag:s9] =	ssyncset.done $0x0  }
0x330: {  	[sflag:s9] =	ssyncadd.s32 $0xFFFFF000  }
0x331: {  	_ =	swait.ge [sflag:s9], $0x1000  }
0x332: {  	[sflag:s9] =	ssyncset.done $0x0  }
0x333: {  	s1 =	rddreg [dreg:$0xc];
	[sflag:s9] =	ssyncadd.s32 $0xFFFFF000  }
0x334: {  	[tilespmem:s3], [sflag:$0x2] =	stream.linear.gather [hbm4b:s1+s3], $0x5000, $0x38;
	[tilespmem:$0x19A00] =	vst v63  }
0x335: {  	_ =	swait.ge [sflag:s10], $0x5000  }
0x336: {  	s31 =	sld [smem:$0x7F0]  }
0x337: {  	[sflag:s10] =	ssyncset.done $0x0  }
0x338: {  	s1 =	sld [smem:$0x7F1];
	[sflag:s10] =	ssyncadd.s32 $0xFFFFB000  }
0x339: {  	[spmem:s2] =	stream.indirect.scatter.add.f32 [tilespmem:s7], [sflag:$0x1], $0x20, s31, s8, $0xb8;
	[tilespmem:$0x19A00] =	vst v63  }
0x33a: {  	s31 =	sld [smem:$0x7F2]  }
0x33b: {  	[spmem:s2] =	stream.indirect.scatter.add.f32 [tilespmem:s11], [sflag:$0x1], $0x20, s1, s8, $0xb8;
	[tilespmem:$0x19A00] =	vst v63  }
0x33c: {  	s1 =	sld [smem:$0x7F3]  }
0x33d: {  	[spmem:s2] =	stream.indirect.scatter.add.f32 [tilespmem:s12], [sflag:$0x1], $0x20, s31, s8, $0xb8;
	[tilespmem:$0x19A00] =	vst v63  }
0x33e: {  	s31 =	sld [smem:$0x7F4]  }
0x33f: {  	[spmem:s2] =	stream.indirect.scatter.add.f32 [tilespmem:s13], [sflag:$0x1], $0x20, s1, s8, $0xb8;
	[tilespmem:$0x19A00] =	vst v63  }
0x340: {  	_ = 	snop  }
0x341: {  	[spmem:s2] =	stream.indirect.scatter.add.f32 [tilespmem:s14], [sflag:$0x1], $0x20, s31, s8, $0xb8;
	[tilespmem:$0x19A00] =	vst v63  }
0x342: {  	_ =	swait.ge [sflag:s9], $0x1000  }
0x343: {  	[sflag:s9] =	ssyncset.done $0x0  }
0x344: {  	[sflag:s9] =	ssyncadd.s32 $0xFFFFF000  }
0x345: {  	_ =	swait.ge [sflag:s9], $0x1000  }
0x346: {  	[sflag:s9] =	ssyncset.done $0x0  }
0x347: {  	[sflag:s9] =	ssyncadd.s32 $0xFFFFF000  }
0x348: {  	_ =	swait.ge [sflag:s9], $0x1000  }
0x349: {  	[sflag:s9] =	ssyncset.done $0x0  }
0x34a: {  	[sflag:s9] =	ssyncadd.s32 $0xFFFFF000  }
0x34b: {  	_ =	swait.ge [sflag:s9], $0x1000  }
0x34c: {  	[sflag:s9] =	ssyncset.done $0x0  }
0x34d: {  	[sflag:s9] =	ssyncadd.s32 $0xFFFFF000  }
0x34e: {  	_ =	swait.ge [sflag:s9], $0x1000  }
0x34f: {  	[sflag:s9] =	ssyncset.done $0x0  }
0x350: {  	s1 =	rddreg [dreg:$0xd];
	[sflag:s9] =	ssyncadd.s32 $0xFFFFF000  }
0x351: {  	[tilespmem:s7], [sflag:$0x2] =	stream.linear.gather [hbm4b:s1+s3], $0x5000, $0x38;
	[tilespmem:$0x19A00] =	vst v63  }
0x352: {  	_ =	swait.ge [sflag:s10], $0x5000  }
0x353: {  	s31 =	sld [smem:$0x7F5]  }
0x354: {  	[sflag:s10] =	ssyncset.done $0x0  }
0x355: {  	s1 =	sld [smem:$0x7F6];
	[sflag:s10] =	ssyncadd.s32 $0xFFFFB000  }
0x356: {  	[spmem:s2] =	stream.indirect.scatter.add.f32 [tilespmem:s3], [sflag:$0x1], $0x20, s31, s8, $0xb8;
	[tilespmem:$0x19A00] =	vst v63  }
0x357: {  	s31 =	sld [smem:$0x7F7]  }
0x358: {  	[spmem:s2] =	stream.indirect.scatter.add.f32 [tilespmem:s15], [sflag:$0x1], $0x20, s1, s8, $0xb8;
	[tilespmem:$0x19A00] =	vst v63  }
0x359: {  	s1 =	sld [smem:$0x7F8]  }
0x35a: {  	[spmem:s2] =	stream.indirect.scatter.add.f32 [tilespmem:s16], [sflag:$0x1], $0x20, s31, s8, $0xb8;
	[tilespmem:$0x19A00] =	vst v63  }
0x35b: {  	s31 =	sld [smem:$0x7F9]  }
0x35c: {  	[spmem:s2] =	stream.indirect.scatter.add.f32 [tilespmem:s17], [sflag:$0x1], $0x20, s1, s8, $0xb8;
	[tilespmem:$0x19A00] =	vst v63  }
0x35d: {  	_ = 	snop  }
0x35e: {  	[spmem:s2] =	stream.indirect.scatter.add.f32 [tilespmem:s18], [sflag:$0x1], $0x20, s31, s8, $0xb8;
	[tilespmem:$0x19A00] =	vst v63  }
0x35f: {  	_ =	swait.ge [sflag:s9], $0x1000  }
0x360: {  	[sflag:s9] =	ssyncset.done $0x0  }
0x361: {  	[sflag:s9] =	ssyncadd.s32 $0xFFFFF000  }
0x362: {  	_ =	swait.ge [sflag:s9], $0x1000  }
0x363: {  	[sflag:s9] =	ssyncset.done $0x0  }
0x364: {  	[sflag:s9] =	ssyncadd.s32 $0xFFFFF000  }
0x365: {  	_ =	swait.ge [sflag:s9], $0x1000  }
0x366: {  	[sflag:s9] =	ssyncset.done $0x0  }
0x367: {  	[sflag:s9] =	ssyncadd.s32 $0xFFFFF000  }
0x368: {  	_ =	swait.ge [sflag:s9], $0x1000  }
0x369: {  	[sflag:s9] =	ssyncset.done $0x0  }
0x36a: {  	[sflag:s9] =	ssyncadd.s32 $0xFFFFF000  }
0x36b: {  	_ =	swait.ge [sflag:s9], $0x1000  }
0x36c: {  	[sflag:s9] =	ssyncset.done $0x0  }
0x36d: {  	s31 =	rddreg [dreg:$0xe];
	[sflag:s9] =	ssyncadd.s32 $0xFFFFF000  }
0x36e: {  	[tilespmem:s3], [sflag:$0x2] =	stream.linear.gather [hbm4b:s31+s3], $0x5000, $0x38;
	[tilespmem:$0x19A00] =	vst v63  }
0x36f: {  	_ =	swait.ge [sflag:s10], $0x5000  }
0x370: {  	s1 =	sld [smem:$0x7FA]  }
0x371: {  	[sflag:s10] =	ssyncset.done $0x0  }
0x372: {  	s31 =	sld [smem:$0x7FB];
	[sflag:s10] =	ssyncadd.s32 $0xFFFFB000  }
0x373: {  	[spmem:s2] =	stream.indirect.scatter.add.f32 [tilespmem:s7], [sflag:$0x1], $0x20, s1, s8, $0xb8;
	[tilespmem:$0x19A00] =	vst v63  }
0x374: {  	s0 =	sld [smem:$0x7FC]  }
0x375: {  	[spmem:s2] =	stream.indirect.scatter.add.f32 [tilespmem:s11], [sflag:$0x1], $0x20, s31, s8, $0xb8;
	[tilespmem:$0x19A00] =	vst v63  }
0x376: {  	s31 =	sld [smem:$0x7FD]  }
0x377: {  	[spmem:s2] =	stream.indirect.scatter.add.f32 [tilespmem:s12], [sflag:$0x1], $0x20, s0, s8, $0xb8;
	[tilespmem:$0x19A00] =	vst v63  }
0x378: {  	_ = 	snop  }
0x379: {  	[spmem:s2] =	stream.indirect.scatter.add.f32 [tilespmem:s13], [sflag:$0x1], $0x20, s31, s8, $0xb8;
	[tilespmem:$0x19A00] =	vst v63  }
0x37a: {  	_ = 	snop  }
0x37b: {  	[spmem:s2] =	stream.indirect.scatter.add.f32 [tilespmem:s14], [sflag:$0x1], $0x20, s24, s8, $0xb8;
	[tilespmem:$0x19A00] =	vst v63  }
0x37c: {  	_ =	swait.ge [sflag:s9], $0x1000  }
0x37d: {  	[sflag:s9] =	ssyncset.done $0x0  }
0x37e: {  	[sflag:s9] =	ssyncadd.s32 $0xFFFFF000  }
0x37f: {  	_ =	swait.ge [sflag:s9], $0x1000  }
0x380: {  	[sflag:s9] =	ssyncset.done $0x0  }
0x381: {  	[sflag:s9] =	ssyncadd.s32 $0xFFFFF000  }
0x382: {  	_ =	swait.ge [sflag:s9], $0x1000  }
0x383: {  	[sflag:s9] =	ssyncset.done $0x0  }
0x384: {  	[sflag:s9] =	ssyncadd.s32 $0xFFFFF000  }
0x385: {  	_ =	swait.ge [sflag:s9], $0x1000  }
0x386: {  	[sflag:s9] =	ssyncset.done $0x0  }
0x387: {  	[sflag:s9] =	ssyncadd.s32 $0xFFFFF000  }
0x388: {  	_ =	swait.ge [sflag:s9], $0x1000  }
0x389: {  	[sflag:s9] =	ssyncset.done $0x0  }
0x38a: {  	s24 =	rddreg [dreg:$0xf];
	[sflag:s9] =	ssyncadd.s32 $0xFFFFF000  }
0x38b: {  	[tilespmem:s7], [sflag:$0x2] =	stream.linear.gather [hbm4b:s24+s3], $0x5000, $0x38;
	[tilespmem:$0x19A00] =	vst v63  }
0x38c: {  	_ =	swait.ge [sflag:s10], $0x5000  }
0x38d: {  	[sflag:s10] =	ssyncset.done $0x0  }
0x38e: {  	[sflag:s10] =	ssyncadd.s32 $0xFFFFB000  }
0x38f: {  	[spmem:s2] =	stream.indirect.scatter.add.f32 [tilespmem:s3], [sflag:$0x1], $0x20, s25, s8, $0xb8;
	[tilespmem:$0x19A00] =	vst v63  }
0x390: {  	_ = 	snop  }
0x391: {  	[spmem:s2] =	stream.indirect.scatter.add.f32 [tilespmem:s15], [sflag:$0x1], $0x20, s26, s8, $0xb8;
	[tilespmem:$0x19A00] =	vst v63  }
0x392: {  	_ = 	snop  }
0x393: {  	[spmem:s2] =	stream.indirect.scatter.add.f32 [tilespmem:s16], [sflag:$0x1], $0x20, s28, s8, $0xb8;
	[tilespmem:$0x19A00] =	vst v63  }
0x394: {  	_ = 	snop  }
0x395: {  	[spmem:s2] =	stream.indirect.scatter.add.f32 [tilespmem:s17], [sflag:$0x1], $0x20, s29, s8, $0xb8;
	[tilespmem:$0x19A00] =	vst v63  }
0x396: {  	_ = 	snop  }
0x397: {  	[spmem:s2] =	stream.indirect.scatter.add.f32 [tilespmem:s18], [sflag:$0x1], $0x20, s30, s8, $0xb8;
	[tilespmem:$0x19A00] =	vst v63  }
0x398: {  	_ =	swait.ge [sflag:s9], $0x1000  }
0x399: {  	[sflag:s9] =	ssyncset.done $0x0  }
0x39a: {  	[sflag:s9] =	ssyncadd.s32 $0xFFFFF000  }
0x39b: {  	_ =	swait.ge [sflag:s9], $0x1000  }
0x39c: {  	[sflag:s9] =	ssyncset.done $0x0  }
0x39d: {  	[sflag:s9] =	ssyncadd.s32 $0xFFFFF000  }
0x39e: {  	_ =	swait.ge [sflag:s9], $0x1000  }
0x39f: {  	[sflag:s9] =	ssyncset.done $0x0  }
0x3a0: {  	[sflag:s9] =	ssyncadd.s32 $0xFFFFF000  }
0x3a1: {  	_ =	swait.ge [sflag:s9], $0x1000  }
0x3a2: {  	[sflag:s9] =	ssyncset.done $0x0  }
0x3a3: {  	[sflag:s9] =	ssyncadd.s32 $0xFFFFF000  }
0x3a4: {  	_ =	swait.ge [sflag:s9], $0x1000  }
0x3a5: {  	[sflag:s9] =	ssyncset.done $0x0  }
0x3a6: {  	[sflag:s9] =	ssyncadd.s32 $0xFFFFF000  }
0x3a7: {  	_ =	swait.ge [sflag:s10], $0x5000  }
0x3a8: {  	[sflag:s10] =	ssyncset.done $0x0  }
0x3a9: {  	[sflag:s10] =	ssyncadd.s32 $0xFFFFB000  }
0x3aa: {  	[spmem:s2] =	stream.indirect.scatter.add.f32 [tilespmem:s7], [sflag:$0x1], $0x20, s20, s8, $0xb8;
	[tilespmem:$0x19A00] =	vst v63  }
0x3ab: {  	_ = 	snop  }
0x3ac: {  	[spmem:s2] =	stream.indirect.scatter.add.f32 [tilespmem:s11], [sflag:$0x1], $0x20, s21, s8, $0xb8;
	[tilespmem:$0x19A00] =	vst v63  }
0x3ad: {  	_ = 	snop  }
0x3ae: {  	[spmem:s2] =	stream.indirect.scatter.add.f32 [tilespmem:s12], [sflag:$0x1], $0x20, s22, s8, $0xb8;
	[tilespmem:$0x19A00] =	vst v63  }
0x3af: {  	_ = 	snop  }
0x3b0: {  	[spmem:s2] =	stream.indirect.scatter.add.f32 [tilespmem:s13], [sflag:$0x1], $0x20, s23, s8, $0xb8;
	[tilespmem:$0x19A00] =	vst v63  }
0x3b1: {  	s30 =	simm.s32 $0xB880  }
0x3b2: {  	[spmem:s2] =	stream.indirect.scatter.add.f32 [tilespmem:s14], [sflag:$0x1], $0x20, s30, s8, $0xb8;
	[tilespmem:$0x19A00] =	vst v63  }
0x3b3: {  	_ =	swait.ge [sflag:s9], $0x1000  }
0x3b4: {  	[sflag:s9] =	ssyncset.done $0x0  }
0x3b5: {  	[sflag:s9] =	ssyncadd.s32 $0xFFFFF000  }
0x3b6: {  	_ =	swait.ge [sflag:s9], $0x1000  }
0x3b7: {  	[sflag:s9] =	ssyncset.done $0x0  }
0x3b8: {  	[sflag:s9] =	ssyncadd.s32 $0xFFFFF000  }
0x3b9: {  	_ =	swait.ge [sflag:s9], $0x1000  }
0x3ba: {  	[sflag:s9] =	ssyncset.done $0x0  }
0x3bb: {  	[sflag:s9] =	ssyncadd.s32 $0xFFFFF000  }
0x3bc: {  	_ =	swait.ge [sflag:s9], $0x1000  }
0x3bd: {  	[sflag:s9] =	ssyncset.done $0x0  }
0x3be: {  	[sflag:s9] =	ssyncadd.s32 $0xFFFFF000  }
0x3bf: {  	_ =	swait.ge [sflag:s9], $0x1000  }
0x3c0: {  	[sflag:s9] =	ssyncset.done $0x0  }
0x3c1: {  	[sflag:s9] =	ssyncadd.s32 $0xFFFFF000  }
0x3c2: {  	[bflag:$0x0] =	sbarrier.arrive $0xFFFF  }
0x3c3: {  	s31 =	rddreg [dreg:$0x10]  }
0x3c4: {  	[hbm:s31], [sflag:s4] =	dma.local [spmem:s5], $0x1C20  }
0x3c5: {  	_ =	swait.ge [sflag:s6], $0x1C20  }
0x3c6: {  	[sflag:s6] =	ssyncset.done $0x0  }
0x3c7: {  	[sflag:s6] =	ssyncadd.s32 $0xFFFFE3E0  }
0x3c8: {  	_ =	sfence.sel $0x180000  }
0x3c9: {  	[bflag:$0x0] =	sbarrier.arrive $0xFFFF  }
0x3ca: {  	_ =	strace $0x9000004A  }
0x3cb: {  	[bflag:$0x2] =	sbarrier.arrive $0xFFFF  }
0x3cc: {  	p0 =	sne.s32 s19, $0x0;
	s0 =	rddreg [dreg:$0x3]  }
0x3cd: {  	s0 =	sadd.s32 @!p0 $0x100000, s0  }
0x3ce: {  	[sflag:s0] =	ssyncadd.tile.s32 @!p0 $0x1;
	_ =	shalt  }
.LBB2_1:
.Ltmp3:
0x3cf: {  	(pc) =	sbr.rel .LBB2_6-.Ltmp3, $4  }
0x3d0: {  	s24 =	simm.s32 $0xB380  }
0x3d1: {  	s30 =	simm.s32 $0xB600;
	s29 =	simm.s32 $0xB580;
	s28 =	simm.s32 $0xB500  }
0x3d2: {  	s26 =	simm.s32 $0xB480;
	s25 =	simm.s32 $0xB400;
	s23 =	simm.s32 $0xB800  }
0x3d3: {  	s22 =	simm.s32 $0xB780;
	s21 =	simm.s32 $0xB700;
	s20 =	simm.s32 $0xB680  }
.LBB2_3:
.Ltmp4:
0x3d4: {  	(pc) =	sbr.rel .LBB2_6-.Ltmp4, $4  }
0x3d5: {  	s24 =	simm.s32 $0xB380;
	s30 =	simm.s32 $0xB600  }
0x3d6: {  	s29 =	simm.s32 $0xB580;
	s28 =	simm.s32 $0xB500;
	s26 =	simm.s32 $0xB480  }
0x3d7: {  	s25 =	simm.s32 $0xB400;
	s23 =	simm.s32 $0xB800;
	s22 =	simm.s32 $0xB780  }
0x3d8: {  	s21 =	simm.s32 $0xB700;
	s20 =	simm.s32 $0xB680;
	s19 =	stileid.u32  }
.Lfunc_end2:
_tile_overlayer_lowered:
.L_overlay_start_2:
0x3d9: {  	(tag) =	ssettag $0x2  }
0x3da: {  	s0 =	rddreg [dreg:$0x0];
	s2 =	stileid.u32  }
0x3db: {  	s1 =	rddreg [dreg:$0x1];
	p0 =	sne.s32 s2, $0x0  }
0x3dc: {  	s3 =	rddreg [dreg:$0x2];
	[bflag:$0x3] =	sbarrier.arrive $0xFFFF;
	s2 =	simm.s32 @!p0 $0x1C03  }
0x3dd: {  	[timem:s3], [sflag:s2] =	dma.local @!p0 [hbm:s0], s1  }
0x3de: {  	s0 =	simm.s32 @!p0 $0x3  }
0x3df: {  	_ =	swait.ge @!p0 [sflag:s0], s1  }
0x3e0: {  	s1 =	ssub.s32 @!p0 $0x0, s1;
	[sflag:s0] =	ssyncset.done @!p0 $0x0  }
0x3e1: {  	[sflag:s0] =	ssyncadd.s32 @!p0 s1  }
0x3e2: {  	[bflag:$0x3] =	sbarrier.arrive $0xFFFF  }
0x3e3: {  	_ =	shalt  }

</sc_bundles>
